<compile_context>
chip_gen: v7x
topology: tpu7x:2x2x1
jax: 0.10.2.dev20260603
libtpu: 0.0.44.dev20260713+nightly
codegen_flags: <defaults>
</compile_context>

<pallas_src>
import functools

import jax
import jax.numpy as jnp
from jax import lax
from jax.experimental import pallas as pl
from jax.experimental.pallas import tpu as pltpu
from jax.experimental.pallas import tpu_sc as plsc

_N = 10000
_E = 320000
_CHUNK = 125
_NROWS = _E // _CHUNK
_NW = 32
_RPW = _NROWS // _NW
_NSLICE = _N // 16

_mesh = plsc.VectorSubcoreMesh(core_axis_name="c", subcore_axis_name="s",
                               num_cores=2, num_subcores=16)


_H = _RPW // 2


def _agg_body(width, row_hbm, col_hbm, table_hbm, out_hbm,
              idx_r, idx_c, rows_v, acc, sg0, sg1, ss0, ss1):
    c = lax.axis_index("c")
    s = lax.axis_index("s")
    sg = (sg0, sg1)
    ss = (ss0, ss1)

    def zrow(r, _):
        for w in range(width // 16):
            rows_v[0, r, pl.ds(w * 16, 16)] = jnp.zeros((16,), jnp.float32)
        return 0
    lax.fori_loop(0, _CHUNK, zrow, 0)
    for k in range(_NSLICE // _CHUNK):
        pltpu.sync_copy(rows_v.at[0],
                        acc.at[pl.ds(s * _NSLICE + k * _CHUNK, _CHUNK), :])
    plsc.subcore_barrier()

    def g_start(j, b):
        pltpu.async_copy(table_hbm.at[idx_r.at[j]], rows_v.at[b], sg[b])

    def g_wait(j, b):
        pltpu.make_async_copy(table_hbm.at[idx_r.at[j]], rows_v.at[b],
                              sg[b]).wait()

    def s_start(j, b):
        pltpu.async_copy(rows_v.at[b], acc.at[idx_c.at[j]], ss[b], add=True)

    def s_wait(j, b):
        pltpu.make_async_copy(rows_v.at[b], acc.at[idx_c.at[j]],
                              ss[b]).wait()

    for h in range(2):
        base = (c * 16 + s) * _RPW + h * _H
        pltpu.sync_copy(row_hbm.at[pl.ds(base, _H), :], idx_r)
        pltpu.sync_copy(col_hbm.at[pl.ds(base, _H), :], idx_c)

        g_start(0, 0)
        g_wait(0, 0)
        s_start(0, 0)
        g_start(1, 1)

        @pl.loop(1, _H - 1, step=2)
        def _pipe(j):
            g_wait(j, 1)
            s_start(j, 1)
            s_wait(j - 1, 0)
            g_start(j + 1, 0)
            g_wait(j + 1, 0)
            s_start(j + 1, 0)
            s_wait(j, 1)
            g_start(j + 2, 1)

        g_wait(_H - 1, 1)
        s_start(_H - 1, 1)
        s_wait(_H - 2, 0)
        s_wait(_H - 1, 1)

    plsc.subcore_barrier()
    pltpu.sync_copy(acc.at[pl.ds(s * _NSLICE, _NSLICE), :], out_hbm.at[c, s])


def _make_agg(width, interpret=False, tc_tiling=True):
    return pl.kernel(
        functools.partial(_agg_body, width),
        out_type=jax.ShapeDtypeStruct((2, 16, _NSLICE, width), jnp.float32),
        mesh=_mesh,
        interpret=interpret,
        compiler_params=pltpu.CompilerParams(use_tc_tiling_on_sc=tc_tiling),
        scratch_types=[
            pltpu.VMEM((_H, _CHUNK), jnp.int32),
            pltpu.VMEM((_H, _CHUNK), jnp.int32),
            pltpu.VMEM((2, _CHUNK, width), jnp.float32),
            pltpu.VMEM_SHARED((_N, width), jnp.float32),
            pltpu.SemaphoreType.DMA,
            pltpu.SemaphoreType.DMA,
            pltpu.SemaphoreType.DMA,
            pltpu.SemaphoreType.DMA,
        ],
    )


def _deg_body(col_hbm, out_hbm, idx_c, ones_v, acc, sem):
    c = lax.axis_index("c")
    s = lax.axis_index("s")

    def zrow(r, _):
        ones_v[r, pl.ds(0, 16)] = jnp.zeros((16,), jnp.float32)
        return 0
    lax.fori_loop(0, _CHUNK, zrow, 0)
    for k in range(_NSLICE // 25):
        pltpu.async_copy(ones_v.at[pl.ds(0, 25), :],
                         acc.at[pl.ds(s * _NSLICE + k * 25, 25), :], sem)
    for k in range(_NSLICE // 25):
        pltpu.make_async_copy(ones_v.at[pl.ds(0, 25), :],
                              acc.at[pl.ds(s * _NSLICE + k * 25, 25), :],
                              sem).wait()

    def orow(r, _):
        ones_v[r, pl.ds(0, 16)] = jnp.ones((16,), jnp.float32)
        return 0
    lax.fori_loop(0, _CHUNK, orow, 0)

    base = (c * 16 + s) * _RPW
    pltpu.sync_copy(col_hbm.at[pl.ds(base, _RPW), :], idx_c)
    plsc.subcore_barrier()

    _G = 8

    def group(g, _):
        for t in range(_G):
            pltpu.async_copy(ones_v, acc.at[idx_c.at[g * _G + t]], sem,
                             add=True)
        for t in range(_G):
            pltpu.make_async_copy(ones_v, acc.at[idx_c.at[g * _G + t]],
                                  sem).wait()
        return 0
    lax.fori_loop(0, _RPW // _G, group, 0)

    plsc.subcore_barrier()
    pltpu.sync_copy(acc.at[pl.ds(s * _NSLICE, _NSLICE), :], out_hbm.at[c, s])


def _make_deg(interpret=False):
    return pl.kernel(
        _deg_body,
        out_type=jax.ShapeDtypeStruct((2, 16, _NSLICE, 16), jnp.float32),
        mesh=_mesh,
        interpret=interpret,
        compiler_params=pltpu.CompilerParams(use_tc_tiling_on_sc=False),
        scratch_types=[
            pltpu.VMEM((_RPW, _CHUNK), jnp.int32),
            pltpu.VMEM((_CHUNK, 16), jnp.float32),
            pltpu.VMEM_SHARED((_N, 16), jnp.float32),
            pltpu.SemaphoreType.DMA,
        ],
    )


_deg_kernel = _make_deg()
_agg_kernel = _make_agg(128)



_BR = 1000


def _dis_from_cnt(cnt_blk):
    return lax.rsqrt(cnt_blk[0, :, 0] + cnt_blk[1, :, 0] + 1.0)


def _xs_body(x_ref, w_ref, cnt_ref, o_ref):
    dis = _dis_from_cnt(cnt_ref)
    xw = jnp.dot(x_ref[...], w_ref[...], preferred_element_type=jnp.float32)
    o_ref[...] = xw * dis[:, None]


def _xs(x, W_enc, cnt):
    return pl.pallas_call(
        _xs_body,
        grid=(_N // _BR,),
        in_specs=[pl.BlockSpec((_BR, 128), lambda i: (i, 0)),
                  pl.BlockSpec((128, 128), lambda i: (0, 0)),
                  pl.BlockSpec((2, _BR, 16), lambda i: (0, i, 0))],
        out_specs=pl.BlockSpec((_BR, 128), lambda i: (i, 0)),
        out_shape=jax.ShapeDtypeStruct((_N, 128), jnp.float32),
    )(x, W_enc, cnt)


def _hs_body(p_ref, xs_ref, cnt_ref, b_ref, o_ref):
    dis = _dis_from_cnt(cnt_ref)
    t = dis[:, None] * (p_ref[0] + p_ref[1] + xs_ref[...]) + b_ref[...]
    o_ref[...] = jnp.maximum(t, 0.0) * dis[:, None]


def _hs(part1, xs, cnt, b_enc):
    return pl.pallas_call(
        _hs_body,
        grid=(_N // _BR,),
        in_specs=[pl.BlockSpec((2, _BR, 128), lambda i: (0, i, 0)),
                  pl.BlockSpec((_BR, 128), lambda i: (i, 0)),
                  pl.BlockSpec((2, _BR, 16), lambda i: (0, i, 0)),
                  pl.BlockSpec((1, 128), lambda i: (0, 0))],
        out_specs=pl.BlockSpec((_BR, 128), lambda i: (i, 0)),
        out_shape=jax.ShapeDtypeStruct((_N, 128), jnp.float32),
    )(part1, xs, cnt, b_enc)


def _ml_body(p_ref, hs_ref, cnt_ref, w_ref, b_ref,
             mu_ref, lv_ref, mupad_ref):
    dis = _dis_from_cnt(cnt_ref)
    hagg = dis[:, None] * (p_ref[0] + p_ref[1] + hs_ref[...])
    ml = jnp.dot(hagg, w_ref[...], preferred_element_type=jnp.float32) \
        + b_ref[...]
    mu_ref[...] = ml[:, :64]
    lv_ref[...] = ml[:, 64:]
    lane = lax.broadcasted_iota(jnp.int32, ml.shape, 1)
    mupad_ref[...] = jnp.where(lane < 64, ml, 0.0)


def _ml(part2, hs, cnt, Wml, bml):
    return pl.pallas_call(
        _ml_body,
        grid=(_N // _BR,),
        in_specs=[pl.BlockSpec((2, _BR, 128), lambda i: (0, i, 0)),
                  pl.BlockSpec((_BR, 128), lambda i: (i, 0)),
                  pl.BlockSpec((2, _BR, 16), lambda i: (0, i, 0)),
                  pl.BlockSpec((128, 128), lambda i: (0, 0)),
                  pl.BlockSpec((1, 128), lambda i: (0, 0))],
        out_specs=[pl.BlockSpec((_BR, 64), lambda i: (i, 0)),
                   pl.BlockSpec((_BR, 64), lambda i: (i, 0)),
                   pl.BlockSpec((_BR, 128), lambda i: (i, 0))],
        out_shape=[jax.ShapeDtypeStruct((_N, 64), jnp.float32),
                   jax.ShapeDtypeStruct((_N, 64), jnp.float32),
                   jax.ShapeDtypeStruct((_N, 128), jnp.float32)],
    )(part2, hs, cnt, Wml, bml)


_BA = 400


def _adj_body(a_ref, b_ref, o_ref):
    o_ref[...] = lax.dot_general(
        a_ref[...], b_ref[...], (((1,), (1,)), ((), ())),
        preferred_element_type=jnp.float32)


def _adj_matmul(mupad):
    return pl.pallas_call(
        _adj_body,
        grid=(_N // _BA,),
        in_specs=[pl.BlockSpec((_BA, 128), lambda i: (i, 0)),
                  pl.BlockSpec((_N, 128), lambda i: (0, 0))],
        out_specs=pl.BlockSpec((_BA, _N), lambda i: (i, 0)),
        out_shape=jax.ShapeDtypeStruct((_N, _N), jnp.float32),
    )(mupad, mupad)


def kernel(x, edge_index, W_enc, b_enc, W1, b1, W2, b2):
    row2d = edge_index[0].reshape(_NROWS, _CHUNK)
    col2d = edge_index[1].reshape(_NROWS, _CHUNK)

    cnt = _deg_kernel(col2d).reshape(2, _N, 16)
    xs = _xs(x, W_enc, cnt)

    part1 = _agg_kernel(row2d, col2d, xs).reshape(2, _N, 128)
    hs = _hs(part1, xs, cnt, b_enc.reshape(1, 128))

    part2 = _agg_kernel(row2d, col2d, hs).reshape(2, _N, 128)
    Wml = jnp.concatenate([W1, W2], axis=1)
    bml = jnp.concatenate([b1, b2], axis=0).reshape(1, 128)
    mu, logvar, mupad = _ml(part2, hs, cnt, Wml, bml)

    Adj = _adj_matmul(mupad)
    return (Adj, mu, logvar)

# --- scband reference (transcript-rebuilt; emitter-appended) ---
"""Pipeline reference for scband-vgae-66383014527469 (READ-ONLY COPY).

The authoritative reference and input builder live on the scoring server;
editing this copy changes nothing except your own understanding.
"""

import jax, jax.numpy as jnp
import numpy as np

N = 10000
E = 320000
D = 128
H = 128
H2 = 64

def gcn_conv(x, edge_index, W, b):
    n = x.shape[0]
    loop = jnp.arange(n, dtype=edge_index.dtype)
    row = jnp.concatenate([edge_index[0], loop])
    col = jnp.concatenate([edge_index[1], loop])
    deg = jnp.zeros((n,), dtype=x.dtype).at[col].add(1.0)
    dis = deg ** -0.5
    norm = dis[row] * dis[col]
    xw = x @ W
    msg = xw[row] * norm[:, None]
    out = jnp.zeros((n, W.shape[1]), dtype=x.dtype).at[col].add(msg)
    return out + b

def setup_inputs(seed: int = 0):
    key = jax.random.key(seed)
    ks = jax.random.split(key, 8)
    x = jax.random.normal(ks[0], (N, D), dtype=jnp.float32)
    edge_index = jax.random.randint(ks[1], (2, E), 0, N, dtype=jnp.int32)
    W_enc = jax.random.normal(ks[2], (D, H), dtype=jnp.float32) * 0.05
    b_enc = jnp.zeros((H,), dtype=jnp.float32)
    W1 = jax.random.normal(ks[3], (H, H2), dtype=jnp.float32) * 0.05
    b1 = jnp.zeros((H2,), dtype=jnp.float32)
    W2 = jax.random.normal(ks[4], (H, H2), dtype=jnp.float32) * 0.05
    b2 = jnp.zeros((H2,), dtype=jnp.float32)
    return {"x": x, "edge_index": edge_index, "W_enc": W_enc, "b_enc": b_enc, "W1": W1, "b1": b1, "W2": W2, "b2": b2}

def reference(x, edge_index, W_enc, b_enc, W1, b1, W2, b2):
    # eval-mode VGAE: dropout is identity, z = mu (no reparameterization noise)
    h = jax.nn.relu(gcn_conv(x, edge_index, W_enc, b_enc))
    mu = gcn_conv(h, edge_index, W1, b1)
    logvar = gcn_conv(h, edge_index, W2, b2)
    z = mu
    Adj = z @ z.T
    return (Adj, mu, logvar)

if __name__ == "__main__":
    import jax
    _d = setup_inputs()
    print(jax.jit(kernel)(*tuple(_d.values())))

</pallas_src>

<mosaic_0001>
#map = affine_map<(d0, d1) -> (0, 0)>
#map1 = affine_map<(d0, d1) -> (0, 0, 0, 0)>
module attributes {stable_mosaic.version = 14 : i64} {
  func.func @_deg_body(%arg0: i32, %arg1: i32, %arg2: memref<2560x125xi32, #tpu.memory_space<hbm>>, %arg3: memref<2x16x625x16xf32, #tpu.memory_space<hbm>>, %arg4: memref<80x125xi32, #tpu.memory_space<vmem>>, %arg5: memref<125x16xf32, #tpu.memory_space<vmem>>, %arg6: memref<10000x16xf32, #tpu.memory_space<vmem_shared>>, %arg7: memref<!tpu.dma_semaphore, #tpu.memory_space<semaphore_mem>>) attributes {dimension_semantics = [#tpu.dimension_semantics<core_parallel>, #tpu.dimension_semantics<subcore_parallel>], iteration_bounds = array<i64: 2, 16>, scalar_prefetch = 0 : i64, scratch_operands = 4 : i64, tpu.core_type = #tpu.core_type<sc_vector_subcore>, window_params = [{transform_indices = #map}, {transform_indices = #map1}]} {
    %scan3A = arith.constant 0 : i32
    %scan3A_0 = arith.constant 0 : i32
    %scan3A_1 = arith.constant 125 : i32
    %scan3A_2 = arith.addi %scan3A_0, %scan3A_1 : i32
    %scan3A_3 = arith.constant 1 : i32
    %scan3A_4 = scf.for %scan3A_724 = %scan3A_0 to %scan3A_2 step %scan3A_3 iter_args(%scan3A_725 = %scan3A) -> (i32)  : i32 {
      %broadcast_in_dim3A = arith.constant 0.000000e+00 : f32
      %broadcast_in_dim3A_726 = vector.broadcast %broadcast_in_dim3A : f32 to vector<16xf32>
      %swap3A = arith.index_cast %scan3A_724 : i32 to index
      %swap3A_727 = arith.constant 0 : index
      %swap3A_728 = tpu.vector_load %arg5[%swap3A, %swap3A_727] {strides = array<i32>} : memref<125x16xf32, #tpu.memory_space<vmem>>, vector<1x16xf32>,
      %swap3A_729 = vector.shape_cast %swap3A_728 : vector<1x16xf32> to vector<16xf32>
      %swap3A_730 = vector.shape_cast %broadcast_in_dim3A_726 : vector<16xf32> to vector<1x16xf32>
      tpu.vector_store %arg5[%swap3A, %swap3A_727], %swap3A_730 {strides = array<i32>} : memref<125x16xf32, #tpu.memory_space<vmem>>, vector<1x16xf32>,
      %scan3A_731 = arith.constant 0 : i32
      scf.yield %scan3A_731 : i32
    }
    %scan3A_5 = arith.constant 125 : i32
    %mul3A = arith.constant 625 : i32
    %mul3A_6 = arith.muli %arg1, %mul3A : i32
    %add3A = arith.constant 0 : i32
    %add3A_7 = arith.addi %mul3A_6, %add3A : i32
    %dma_start3A = arith.constant 0 : i32
    %dma_start3A_8 = arith.constant 0 : i32
    %dma_start3A_9 = tpu.memref_slice %arg5[%dma_start3A, %dma_start3A_8] : memref<125x16xf32, #tpu.memory_space<vmem>> -> memref<25x16xf32, #tpu.memory_space<vmem>>
    %dma_start3A_10 = arith.constant 0 : i32
    %dma_start3A_11 = tpu.memref_slice %arg6[%add3A_7, %dma_start3A_10] : memref<10000x16xf32, #tpu.memory_space<vmem_shared>> -> memref<25x16xf32, #tpu.memory_space<vmem_shared>>
    %dma_start3A_12 = arith.constant 0 : i32
    %dma_start3A_13 = tpu.memref_slice %arg6[%add3A_7, %dma_start3A_12] : memref<10000x16xf32, #tpu.memory_space<vmem_shared>> -> memref<25x16xf32, #tpu.memory_space<vmem_shared>>
    %dma_start3A_14 = arith.constant 0 : i32
    %dma_start3A_15 = arith.constant 0 : i32
    %dma_start3A_16 = tpu.memref_slice %arg5[%dma_start3A_14, %dma_start3A_15] : memref<125x16xf32, #tpu.memory_space<vmem>> -> memref<25x16xf32, #tpu.memory_space<vmem>>
    tpu.enqueue_dma source(%dma_start3A_16 : memref<25x16xf32, #tpu.memory_space<vmem>>) target(%dma_start3A_13 : memref<25x16xf32, #tpu.memory_space<vmem_shared>>) target_semaphore(%arg7 : memref<!tpu.dma_semaphore, #tpu.memory_space<semaphore_mem>>)
    %mul3A_17 = arith.constant 625 : i32
    %mul3A_18 = arith.muli %arg1, %mul3A_17 : i32
    %add3A_19 = arith.constant 25 : i32
    %add3A_20 = arith.addi %mul3A_18, %add3A_19 : i32
    %dma_start3A_21 = arith.constant 0 : i32
    %dma_start3A_22 = arith.constant 0 : i32
    %dma_start3A_23 = tpu.memref_slice %arg5[%dma_start3A_21, %dma_start3A_22] : memref<125x16xf32, #tpu.memory_space<vmem>> -> memref<25x16xf32, #tpu.memory_space<vmem>>
    %dma_start3A_24 = arith.constant 0 : i32
    %dma_start3A_25 = tpu.memref_slice %arg6[%add3A_20, %dma_start3A_24] : memref<10000x16xf32, #tpu.memory_space<vmem_shared>> -> memref<25x16xf32, #tpu.memory_space<vmem_shared>>
    %dma_start3A_26 = arith.constant 0 : i32
    %dma_start3A_27 = tpu.memref_slice %arg6[%add3A_20, %dma_start3A_26] : memref<10000x16xf32, #tpu.memory_space<vmem_shared>> -> memref<25x16xf32, #tpu.memory_space<vmem_shared>>
    %dma_start3A_28 = arith.constant 0 : i32
    %dma_start3A_29 = arith.constant 0 : i32
    %dma_start3A_30 = tpu.memref_slice %arg5[%dma_start3A_28, %dma_start3A_29] : memref<125x16xf32, #tpu.memory_space<vmem>> -> memref<25x16xf32, #tpu.memory_space<vmem>>
    tpu.enqueue_dma source(%dma_start3A_30 : memref<25x16xf32, #tpu.memory_space<vmem>>) target(%dma_start3A_27 : memref<25x16xf32, #tpu.memory_space<vmem_shared>>) target_semaphore(%arg7 : memref<!tpu.dma_semaphore, #tpu.memory_space<semaphore_mem>>)
    %mul3A_31 = arith.constant 625 : i32
    %mul3A_32 = arith.muli %arg1, %mul3A_31 : i32
    %add3A_33 = arith.constant 50 : i32
    %add3A_34 = arith.addi %mul3A_32, %add3A_33 : i32
    %dma_start3A_35 = arith.constant 0 : i32
    %dma_start3A_36 = arith.constant 0 : i32
    %dma_start3A_37 = tpu.memref_slice %arg5[%dma_start3A_35, %dma_start3A_36] : memref<125x16xf32, #tpu.memory_space<vmem>> -> memref<25x16xf32, #tpu.memory_space<vmem>>
    %dma_start3A_38 = arith.constant 0 : i32
    %dma_start3A_39 = tpu.memref_slice %arg6[%add3A_34, %dma_start3A_38] : memref<10000x16xf32, #tpu.memory_space<vmem_shared>> -> memref<25x16xf32, #tpu.memory_space<vmem_shared>>
    %dma_start3A_40 = arith.constant 0 : i32
    %dma_start3A_41 = tpu.memref_slice %arg6[%add3A_34, %dma_start3A_40] : memref<10000x16xf32, #tpu.memory_space<vmem_shared>> -> memref<25x16xf32, #tpu.memory_space<vmem_shared>>
    %dma_start3A_42 = arith.constant 0 : i32
    %dma_start3A_43 = arith.constant 0 : i32
    %dma_start3A_44 = tpu.memref_slice %arg5[%dma_start3A_42, %dma_start3A_43] : memref<125x16xf32, #tpu.memory_space<vmem>> -> memref<25x16xf32, #tpu.memory_space<vmem>>
    tpu.enqueue_dma source(%dma_start3A_44 : memref<25x16xf32, #tpu.memory_space<vmem>>) target(%dma_start3A_41 : memref<25x16xf32, #tpu.memory_space<vmem_shared>>) target_semaphore(%arg7 : memref<!tpu.dma_semaphore, #tpu.memory_space<semaphore_mem>>)
    %mul3A_45 = arith.constant 625 : i32
    %mul3A_46 = arith.muli %arg1, %mul3A_45 : i32
    %add3A_47 = arith.constant 75 : i32
    %add3A_48 = arith.addi %mul3A_46, %add3A_47 : i32
    %dma_start3A_49 = arith.constant 0 : i32
    %dma_start3A_50 = arith.constant 0 : i32
    %dma_start3A_51 = tpu.memref_slice %arg5[%dma_start3A_49, %dma_start3A_50] : memref<125x16xf32, #tpu.memory_space<vmem>> -> memref<25x16xf32, #tpu.memory_space<vmem>>
    %dma_start3A_52 = arith.constant 0 : i32
    %dma_start3A_53 = tpu.memref_slice %arg6[%add3A_48, %dma_start3A_52] : memref<10000x16xf32, #tpu.memory_space<vmem_shared>> -> memref<25x16xf32, #tpu.memory_space<vmem_shared>>
    %dma_start3A_54 = arith.constant 0 : i32
    %dma_start3A_55 = tpu.memref_slice %arg6[%add3A_48, %dma_start3A_54] : memref<10000x16xf32, #tpu.memory_space<vmem_shared>> -> memref<25x16xf32, #tpu.memory_space<vmem_shared>>
    %dma_start3A_56 = arith.constant 0 : i32
    %dma_start3A_57 = arith.constant 0 : i32
    %dma_start3A_58 = tpu.memref_slice %arg5[%dma_start3A_56, %dma_start3A_57] : memref<125x16xf32, #tpu.memory_space<vmem>> -> memref<25x16xf32, #tpu.memory_space<vmem>>
    tpu.enqueue_dma source(%dma_start3A_58 : memref<25x16xf32, #tpu.memory_space<vmem>>) target(%dma_start3A_55 : memref<25x16xf32, #tpu.memory_space<vmem_shared>>) target_semaphore(%arg7 : memref<!tpu.dma_semaphore, #tpu.memory_space<semaphore_mem>>)
    %mul3A_59 = arith.constant 625 : i32
    %mul3A_60 = arith.muli %arg1, %mul3A_59 : i32
    %add3A_61 = arith.constant 100 : i32
    %add3A_62 = arith.addi %mul3A_60, %add3A_61 : i32
    %dma_start3A_63 = arith.constant 0 : i32
    %dma_start3A_64 = arith.constant 0 : i32
    %dma_start3A_65 = tpu.memref_slice %arg5[%dma_start3A_63, %dma_start3A_64] : memref<125x16xf32, #tpu.memory_space<vmem>> -> memref<25x16xf32, #tpu.memory_space<vmem>>
    %dma_start3A_66 = arith.constant 0 : i32
    %dma_start3A_67 = tpu.memref_slice %arg6[%add3A_62, %dma_start3A_66] : memref<10000x16xf32, #tpu.memory_space<vmem_shared>> -> memref<25x16xf32, #tpu.memory_space<vmem_shared>>
    %dma_start3A_68 = arith.constant 0 : i32
    %dma_start3A_69 = tpu.memref_slice %arg6[%add3A_62, %dma_start3A_68] : memref<10000x16xf32, #tpu.memory_space<vmem_shared>> -> memref<25x16xf32, #tpu.memory_space<vmem_shared>>
    %dma_start3A_70 = arith.constant 0 : i32
    %dma_start3A_71 = arith.constant 0 : i32
    %dma_start3A_72 = tpu.memref_slice %arg5[%dma_start3A_70, %dma_start3A_71] : memref<125x16xf32, #tpu.memory_space<vmem>> -> memref<25x16xf32, #tpu.memory_space<vmem>>
    tpu.enqueue_dma source(%dma_start3A_72 : memref<25x16xf32, #tpu.memory_space<vmem>>) target(%dma_start3A_69 : memref<25x16xf32, #tpu.memory_space<vmem_shared>>) target_semaphore(%arg7 : memref<!tpu.dma_semaphore, #tpu.memory_space<semaphore_mem>>)
    %mul3A_73 = arith.constant 625 : i32
    %mul3A_74 = arith.muli %arg1, %mul3A_73 : i32
    %add3A_75 = arith.constant 125 : i32
    %add3A_76 = arith.addi %mul3A_74, %add3A_75 : i32
    %dma_start3A_77 = arith.constant 0 : i32
    %dma_start3A_78 = arith.constant 0 : i32
    %dma_start3A_79 = tpu.memref_slice %arg5[%dma_start3A_77, %dma_start3A_78] : memref<125x16xf32, #tpu.memory_space<vmem>> -> memref<25x16xf32, #tpu.memory_space<vmem>>
    %dma_start3A_80 = arith.constant 0 : i32
    %dma_start3A_81 = tpu.memref_slice %arg6[%add3A_76, %dma_start3A_80] : memref<10000x16xf32, #tpu.memory_space<vmem_shared>> -> memref<25x16xf32, #tpu.memory_space<vmem_shared>>
    %dma_start3A_82 = arith.constant 0 : i32
    %dma_start3A_83 = tpu.memref_slice %arg6[%add3A_76, %dma_start3A_82] : memref<10000x16xf32, #tpu.memory_space<vmem_shared>> -> memref<25x16xf32, #tpu.memory_space<vmem_shared>>
    %dma_start3A_84 = arith.constant 0 : i32
    %dma_start3A_85 = arith.constant 0 : i32
    %dma_start3A_86 = tpu.memref_slice %arg5[%dma_start3A_84, %dma_start3A_85] : memref<125x16xf32, #tpu.memory_space<vmem>> -> memref<25x16xf32, #tpu.memory_space<vmem>>
    tpu.enqueue_dma source(%dma_start3A_86 : memref<25x16xf32, #tpu.memory_space<vmem>>) target(%dma_start3A_83 : memref<25x16xf32, #tpu.memory_space<vmem_shared>>) target_semaphore(%arg7 : memref<!tpu.dma_semaphore, #tpu.memory_space<semaphore_mem>>)
    %mul3A_87 = arith.constant 625 : i32
    %mul3A_88 = arith.muli %arg1, %mul3A_87 : i32
    %add3A_89 = arith.constant 150 : i32
    %add3A_90 = arith.addi %mul3A_88, %add3A_89 : i32
    %dma_start3A_91 = arith.constant 0 : i32
    %dma_start3A_92 = arith.constant 0 : i32
    %dma_start3A_93 = tpu.memref_slice %arg5[%dma_start3A_91, %dma_start3A_92] : memref<125x16xf32, #tpu.memory_space<vmem>> -> memref<25x16xf32, #tpu.memory_space<vmem>>
    %dma_start3A_94 = arith.constant 0 : i32
    %dma_start3A_95 = tpu.memref_slice %arg6[%add3A_90, %dma_start3A_94] : memref<10000x16xf32, #tpu.memory_space<vmem_shared>> -> memref<25x16xf32, #tpu.memory_space<vmem_shared>>
    %dma_start3A_96 = arith.constant 0 : i32
    %dma_start3A_97 = tpu.memref_slice %arg6[%add3A_90, %dma_start3A_96] : memref<10000x16xf32, #tpu.memory_space<vmem_shared>> -> memref<25x16xf32, #tpu.memory_space<vmem_shared>>
    %dma_start3A_98 = arith.constant 0 : i32
    %dma_start3A_99 = arith.constant 0 : i32
    %dma_start3A_100 = tpu.memref_slice %arg5[%dma_start3A_98, %dma_start3A_99] : memref<125x16xf32, #tpu.memory_space<vmem>> -> memref<25x16xf32, #tpu.memory_space<vmem>>
    tpu.enqueue_dma source(%dma_start3A_100 : memref<25x16xf32, #tpu.memory_space<vmem>>) target(%dma_start3A_97 : memref<25x16xf32, #tpu.memory_space<vmem_shared>>) target_semaphore(%arg7 : memref<!tpu.dma_semaphore, #tpu.memory_space<semaphore_mem>>)
    %mul3A_101 = arith.constant 625 : i32
    %mul3A_102 = arith.muli %arg1, %mul3A_101 : i32
    %add3A_103 = arith.constant 175 : i32
    %add3A_104 = arith.addi %mul3A_102, %add3A_103 : i32
    %dma_start3A_105 = arith.constant 0 : i32
    %dma_start3A_106 = arith.constant 0 : i32
    %dma_start3A_107 = tpu.memref_slice %arg5[%dma_start3A_105, %dma_start3A_106] : memref<125x16xf32, #tpu.memory_space<vmem>> -> memref<25x16xf32, #tpu.memory_space<vmem>>
    %dma_start3A_108 = arith.constant 0 : i32
    %dma_start3A_109 = tpu.memref_slice %arg6[%add3A_104, %dma_start3A_108] : memref<10000x16xf32, #tpu.memory_space<vmem_shared>> -> memref<25x16xf32, #tpu.memory_space<vmem_shared>>
    %dma_start3A_110 = arith.constant 0 : i32
    %dma_start3A_111 = tpu.memref_slice %arg6[%add3A_104, %dma_start3A_110] : memref<10000x16xf32, #tpu.memory_space<vmem_shared>> -> memref<25x16xf32, #tpu.memory_space<vmem_shared>>
    %dma_start3A_112 = arith.constant 0 : i32
    %dma_start3A_113 = arith.constant 0 : i32
    %dma_start3A_114 = tpu.memref_slice %arg5[%dma_start3A_112, %dma_start3A_113] : memref<125x16xf32, #tpu.memory_space<vmem>> -> memref<25x16xf32, #tpu.memory_space<vmem>>
    tpu.enqueue_dma source(%dma_start3A_114 : memref<25x16xf32, #tpu.memory_space<vmem>>) target(%dma_start3A_111 : memref<25x16xf32, #tpu.memory_space<vmem_shared>>) target_semaphore(%arg7 : memref<!tpu.dma_semaphore, #tpu.memory_space<semaphore_mem>>)
    %mul3A_115 = arith.constant 625 : i32
    %mul3A_116 = arith.muli %arg1, %mul3A_115 : i32
    %add3A_117 = arith.constant 200 : i32
    %add3A_118 = arith.addi %mul3A_116, %add3A_117 : i32
    %dma_start3A_119 = arith.constant 0 : i32
    %dma_start3A_120 = arith.constant 0 : i32
    %dma_start3A_121 = tpu.memref_slice %arg5[%dma_start3A_119, %dma_start3A_120] : memref<125x16xf32, #tpu.memory_space<vmem>> -> memref<25x16xf32, #tpu.memory_space<vmem>>
    %dma_start3A_122 = arith.constant 0 : i32
    %dma_start3A_123 = tpu.memref_slice %arg6[%add3A_118, %dma_start3A_122] : memref<10000x16xf32, #tpu.memory_space<vmem_shared>> -> memref<25x16xf32, #tpu.memory_space<vmem_shared>>
    %dma_start3A_124 = arith.constant 0 : i32
    %dma_start3A_125 = tpu.memref_slice %arg6[%add3A_118, %dma_start3A_124] : memref<10000x16xf32, #tpu.memory_space<vmem_shared>> -> memref<25x16xf32, #tpu.memory_space<vmem_shared>>
    %dma_start3A_126 = arith.constant 0 : i32
    %dma_start3A_127 = arith.constant 0 : i32
    %dma_start3A_128 = tpu.memref_slice %arg5[%dma_start3A_126, %dma_start3A_127] : memref<125x16xf32, #tpu.memory_space<vmem>> -> memref<25x16xf32, #tpu.memory_space<vmem>>
    tpu.enqueue_dma source(%dma_start3A_128 : memref<25x16xf32, #tpu.memory_space<vmem>>) target(%dma_start3A_125 : memref<25x16xf32, #tpu.memory_space<vmem_shared>>) target_semaphore(%arg7 : memref<!tpu.dma_semaphore, #tpu.memory_space<semaphore_mem>>)
    %mul3A_129 = arith.constant 625 : i32
    %mul3A_130 = arith.muli %arg1, %mul3A_129 : i32
    %add3A_131 = arith.constant 225 : i32
    %add3A_132 = arith.addi %mul3A_130, %add3A_131 : i32
    %dma_start3A_133 = arith.constant 0 : i32
    %dma_start3A_134 = arith.constant 0 : i32
    %dma_start3A_135 = tpu.memref_slice %arg5[%dma_start3A_133, %dma_start3A_134] : memref<125x16xf32, #tpu.memory_space<vmem>> -> memref<25x16xf32, #tpu.memory_space<vmem>>
    %dma_start3A_136 = arith.constant 0 : i32
    %dma_start3A_137 = tpu.memref_slice %arg6[%add3A_132, %dma_start3A_136] : memref<10000x16xf32, #tpu.memory_space<vmem_shared>> -> memref<25x16xf32, #tpu.memory_space<vmem_shared>>
    %dma_start3A_138 = arith.constant 0 : i32
    %dma_start3A_139 = tpu.memref_slice %arg6[%add3A_132, %dma_start3A_138] : memref<10000x16xf32, #tpu.memory_space<vmem_shared>> -> memref<25x16xf32, #tpu.memory_space<vmem_shared>>
    %dma_start3A_140 = arith.constant 0 : i32
    %dma_start3A_141 = arith.constant 0 : i32
    %dma_start3A_142 = tpu.memref_slice %arg5[%dma_start3A_140, %dma_start3A_141] : memref<125x16xf32, #tpu.memory_space<vmem>> -> memref<25x16xf32, #tpu.memory_space<vmem>>
    tpu.enqueue_dma source(%dma_start3A_142 : memref<25x16xf32, #tpu.memory_space<vmem>>) target(%dma_start3A_139 : memref<25x16xf32, #tpu.memory_space<vmem_shared>>) target_semaphore(%arg7 : memref<!tpu.dma_semaphore, #tpu.memory_space<semaphore_mem>>)
    %mul3A_143 = arith.constant 625 : i32
    %mul3A_144 = arith.muli %arg1, %mul3A_143 : i32
    %add3A_145 = arith.constant 250 : i32
    %add3A_146 = arith.addi %mul3A_144, %add3A_145 : i32
    %dma_start3A_147 = arith.constant 0 : i32
    %dma_start3A_148 = arith.constant 0 : i32
    %dma_start3A_149 = tpu.memref_slice %arg5[%dma_start3A_147, %dma_start3A_148] : memref<125x16xf32, #tpu.memory_space<vmem>> -> memref<25x16xf32, #tpu.memory_space<vmem>>
    %dma_start3A_150 = arith.constant 0 : i32
    %dma_start3A_151 = tpu.memref_slice %arg6[%add3A_146, %dma_start3A_150] : memref<10000x16xf32, #tpu.memory_space<vmem_shared>> -> memref<25x16xf32, #tpu.memory_space<vmem_shared>>
    %dma_start3A_152 = arith.constant 0 : i32
    %dma_start3A_153 = tpu.memref_slice %arg6[%add3A_146, %dma_start3A_152] : memref<10000x16xf32, #tpu.memory_space<vmem_shared>> -> memref<25x16xf32, #tpu.memory_space<vmem_shared>>
    %dma_start3A_154 = arith.constant 0 : i32
    %dma_start3A_155 = arith.constant 0 : i32
    %dma_start3A_156 = tpu.memref_slice %arg5[%dma_start3A_154, %dma_start3A_155] : memref<125x16xf32, #tpu.memory_space<vmem>> -> memref<25x16xf32, #tpu.memory_space<vmem>>
    tpu.enqueue_dma source(%dma_start3A_156 : memref<25x16xf32, #tpu.memory_space<vmem>>) target(%dma_start3A_153 : memref<25x16xf32, #tpu.memory_space<vmem_shared>>) target_semaphore(%arg7 : memref<!tpu.dma_semaphore, #tpu.memory_space<semaphore_mem>>)
    %mul3A_157 = arith.constant 625 : i32
    %mul3A_158 = arith.muli %arg1, %mul3A_157 : i32
    %add3A_159 = arith.constant 275 : i32
    %add3A_160 = arith.addi %mul3A_158, %add3A_159 : i32
    %dma_start3A_161 = arith.constant 0 : i32
    %dma_start3A_162 = arith.constant 0 : i32
    %dma_start3A_163 = tpu.memref_slice %arg5[%dma_start3A_161, %dma_start3A_162] : memref<125x16xf32, #tpu.memory_space<vmem>> -> memref<25x16xf32, #tpu.memory_space<vmem>>
    %dma_start3A_164 = arith.constant 0 : i32
    %dma_start3A_165 = tpu.memref_slice %arg6[%add3A_160, %dma_start3A_164] : memref<10000x16xf32, #tpu.memory_space<vmem_shared>> -> memref<25x16xf32, #tpu.memory_space<vmem_shared>>
    %dma_start3A_166 = arith.constant 0 : i32
    %dma_start3A_167 = tpu.memref_slice %arg6[%add3A_160, %dma_start3A_166] : memref<10000x16xf32, #tpu.memory_space<vmem_shared>> -> memref<25x16xf32, #tpu.memory_space<vmem_shared>>
    %dma_start3A_168 = arith.constant 0 : i32
    %dma_start3A_169 = arith.constant 0 : i32
    %dma_start3A_170 = tpu.memref_slice %arg5[%dma_start3A_168, %dma_start3A_169] : memref<125x16xf32, #tpu.memory_space<vmem>> -> memref<25x16xf32, #tpu.memory_space<vmem>>
    tpu.enqueue_dma source(%dma_start3A_170 : memref<25x16xf32, #tpu.memory_space<vmem>>) target(%dma_start3A_167 : memref<25x16xf32, #tpu.memory_space<vmem_shared>>) target_semaphore(%arg7 : memref<!tpu.dma_semaphore, #tpu.memory_space<semaphore_mem>>)
    %mul3A_171 = arith.constant 625 : i32
    %mul3A_172 = arith.muli %arg1, %mul3A_171 : i32
    %add3A_173 = arith.constant 300 : i32
    %add3A_174 = arith.addi %mul3A_172, %add3A_173 : i32
    %dma_start3A_175 = arith.constant 0 : i32
    %dma_start3A_176 = arith.constant 0 : i32
    %dma_start3A_177 = tpu.memref_slice %arg5[%dma_start3A_175, %dma_start3A_176] : memref<125x16xf32, #tpu.memory_space<vmem>> -> memref<25x16xf32, #tpu.memory_space<vmem>>
    %dma_start3A_178 = arith.constant 0 : i32
    %dma_start3A_179 = tpu.memref_slice %arg6[%add3A_174, %dma_start3A_178] : memref<10000x16xf32, #tpu.memory_space<vmem_shared>> -> memref<25x16xf32, #tpu.memory_space<vmem_shared>>
    %dma_start3A_180 = arith.constant 0 : i32
    %dma_start3A_181 = tpu.memref_slice %arg6[%add3A_174, %dma_start3A_180] : memref<10000x16xf32, #tpu.memory_space<vmem_shared>> -> memref<25x16xf32, #tpu.memory_space<vmem_shared>>
    %dma_start3A_182 = arith.constant 0 : i32
    %dma_start3A_183 = arith.constant 0 : i32
    %dma_start3A_184 = tpu.memref_slice %arg5[%dma_start3A_182, %dma_start3A_183] : memref<125x16xf32, #tpu.memory_space<vmem>> -> memref<25x16xf32, #tpu.memory_space<vmem>>
    tpu.enqueue_dma source(%dma_start3A_184 : memref<25x16xf32, #tpu.memory_space<vmem>>) target(%dma_start3A_181 : memref<25x16xf32, #tpu.memory_space<vmem_shared>>) target_semaphore(%arg7 : memref<!tpu.dma_semaphore, #tpu.memory_space<semaphore_mem>>)
    %mul3A_185 = arith.constant 625 : i32
    %mul3A_186 = arith.muli %arg1, %mul3A_185 : i32
    %add3A_187 = arith.constant 325 : i32
    %add3A_188 = arith.addi %mul3A_186, %add3A_187 : i32
    %dma_start3A_189 = arith.constant 0 : i32
    %dma_start3A_190 = arith.constant 0 : i32
    %dma_start3A_191 = tpu.memref_slice %arg5[%dma_start3A_189, %dma_start3A_190] : memref<125x16xf32, #tpu.memory_space<vmem>> -> memref<25x16xf32, #tpu.memory_space<vmem>>
    %dma_start3A_192 = arith.constant 0 : i32
    %dma_start3A_193 = tpu.memref_slice %arg6[%add3A_188, %dma_start3A_192] : memref<10000x16xf32, #tpu.memory_space<vmem_shared>> -> memref<25x16xf32, #tpu.memory_space<vmem_shared>>
    %dma_start3A_194 = arith.constant 0 : i32
    %dma_start3A_195 = tpu.memref_slice %arg6[%add3A_188, %dma_start3A_194] : memref<10000x16xf32, #tpu.memory_space<vmem_shared>> -> memref<25x16xf32, #tpu.memory_space<vmem_shared>>
    %dma_start3A_196 = arith.constant 0 : i32
    %dma_start3A_197 = arith.constant 0 : i32
    %dma_start3A_198 = tpu.memref_slice %arg5[%dma_start3A_196, %dma_start3A_197] : memref<125x16xf32, #tpu.memory_space<vmem>> -> memref<25x16xf32, #tpu.memory_space<vmem>>
    tpu.enqueue_dma source(%dma_start3A_198 : memref<25x16xf32, #tpu.memory_space<vmem>>) target(%dma_start3A_195 : memref<25x16xf32, #tpu.memory_space<vmem_shared>>) target_semaphore(%arg7 : memref<!tpu.dma_semaphore, #tpu.memory_space<semaphore_mem>>)
    %mul3A_199 = arith.constant 625 : i32
    %mul3A_200 = arith.muli %arg1, %mul3A_199 : i32
    %add3A_201 = arith.constant 350 : i32
    %add3A_202 = arith.addi %mul3A_200, %add3A_201 : i32
    %dma_start3A_203 = arith.constant 0 : i32
    %dma_start3A_204 = arith.constant 0 : i32
    %dma_start3A_205 = tpu.memref_slice %arg5[%dma_start3A_203, %dma_start3A_204] : memref<125x16xf32, #tpu.memory_space<vmem>> -> memref<25x16xf32, #tpu.memory_space<vmem>>
    %dma_start3A_206 = arith.constant 0 : i32
    %dma_start3A_207 = tpu.memref_slice %arg6[%add3A_202, %dma_start3A_206] : memref<10000x16xf32, #tpu.memory_space<vmem_shared>> -> memref<25x16xf32, #tpu.memory_space<vmem_shared>>
    %dma_start3A_208 = arith.constant 0 : i32
    %dma_start3A_209 = tpu.memref_slice %arg6[%add3A_202, %dma_start3A_208] : memref<10000x16xf32, #tpu.memory_space<vmem_shared>> -> memref<25x16xf32, #tpu.memory_space<vmem_shared>>
    %dma_start3A_210 = arith.constant 0 : i32
    %dma_start3A_211 = arith.constant 0 : i32
    %dma_start3A_212 = tpu.memref_slice %arg5[%dma_start3A_210, %dma_start3A_211] : memref<125x16xf32, #tpu.memory_space<vmem>> -> memref<25x16xf32, #tpu.memory_space<vmem>>
    tpu.enqueue_dma source(%dma_start3A_212 : memref<25x16xf32, #tpu.memory_space<vmem>>) target(%dma_start3A_209 : memref<25x16xf32, #tpu.memory_space<vmem_shared>>) target_semaphore(%arg7 : memref<!tpu.dma_semaphore, #tpu.memory_space<semaphore_mem>>)
    %mul3A_213 = arith.constant 625 : i32
    %mul3A_214 = arith.muli %arg1, %mul3A_213 : i32
    %add3A_215 = arith.constant 375 : i32
    %add3A_216 = arith.addi %mul3A_214, %add3A_215 : i32
    %dma_start3A_217 = arith.constant 0 : i32
    %dma_start3A_218 = arith.constant 0 : i32
    %dma_start3A_219 = tpu.memref_slice %arg5[%dma_start3A_217, %dma_start3A_218] : memref<125x16xf32, #tpu.memory_space<vmem>> -> memref<25x16xf32, #tpu.memory_space<vmem>>
    %dma_start3A_220 = arith.constant 0 : i32
    %dma_start3A_221 = tpu.memref_slice %arg6[%add3A_216, %dma_start3A_220] : memref<10000x16xf32, #tpu.memory_space<vmem_shared>> -> memref<25x16xf32, #tpu.memory_space<vmem_shared>>
    %dma_start3A_222 = arith.constant 0 : i32
    %dma_start3A_223 = tpu.memref_slice %arg6[%add3A_216, %dma_start3A_222] : memref<10000x16xf32, #tpu.memory_space<vmem_shared>> -> memref<25x16xf32, #tpu.memory_space<vmem_shared>>
    %dma_start3A_224 = arith.constant 0 : i32
    %dma_start3A_225 = arith.constant 0 : i32
    %dma_start3A_226 = tpu.memref_slice %arg5[%dma_start3A_224, %dma_start3A_225] : memref<125x16xf32, #tpu.memory_space<vmem>> -> memref<25x16xf32, #tpu.memory_space<vmem>>
    tpu.enqueue_dma source(%dma_start3A_226 : memref<25x16xf32, #tpu.memory_space<vmem>>) target(%dma_start3A_223 : memref<25x16xf32, #tpu.memory_space<vmem_shared>>) target_semaphore(%arg7 : memref<!tpu.dma_semaphore, #tpu.memory_space<semaphore_mem>>)
    %mul3A_227 = arith.constant 625 : i32
    %mul3A_228 = arith.muli %arg1, %mul3A_227 : i32
    %add3A_229 = arith.constant 400 : i32
    %add3A_230 = arith.addi %mul3A_228, %add3A_229 : i32
    %dma_start3A_231 = arith.constant 0 : i32
    %dma_start3A_232 = arith.constant 0 : i32
    %dma_start3A_233 = tpu.memref_slice %arg5[%dma_start3A_231, %dma_start3A_232] : memref<125x16xf32, #tpu.memory_space<vmem>> -> memref<25x16xf32, #tpu.memory_space<vmem>>
    %dma_start3A_234 = arith.constant 0 : i32
    %dma_start3A_235 = tpu.memref_slice %arg6[%add3A_230, %dma_start3A_234] : memref<10000x16xf32, #tpu.memory_space<vmem_shared>> -> memref<25x16xf32, #tpu.memory_space<vmem_shared>>
    %dma_start3A_236 = arith.constant 0 : i32
    %dma_start3A_237 = tpu.memref_slice %arg6[%add3A_230, %dma_start3A_236] : memref<10000x16xf32, #tpu.memory_space<vmem_shared>> -> memref<25x16xf32, #tpu.memory_space<vmem_shared>>
    %dma_start3A_238 = arith.constant 0 : i32
    %dma_start3A_239 = arith.constant 0 : i32
    %dma_start3A_240 = tpu.memref_slice %arg5[%dma_start3A_238, %dma_start3A_239] : memref<125x16xf32, #tpu.memory_space<vmem>> -> memref<25x16xf32, #tpu.memory_space<vmem>>
    tpu.enqueue_dma source(%dma_start3A_240 : memref<25x16xf32, #tpu.memory_space<vmem>>) target(%dma_start3A_237 : memref<25x16xf32, #tpu.memory_space<vmem_shared>>) target_semaphore(%arg7 : memref<!tpu.dma_semaphore, #tpu.memory_space<semaphore_mem>>)
    %mul3A_241 = arith.constant 625 : i32
    %mul3A_242 = arith.muli %arg1, %mul3A_241 : i32
    %add3A_243 = arith.constant 425 : i32
    %add3A_244 = arith.addi %mul3A_242, %add3A_243 : i32
    %dma_start3A_245 = arith.constant 0 : i32
    %dma_start3A_246 = arith.constant 0 : i32
    %dma_start3A_247 = tpu.memref_slice %arg5[%dma_start3A_245, %dma_start3A_246] : memref<125x16xf32, #tpu.memory_space<vmem>> -> memref<25x16xf32, #tpu.memory_space<vmem>>
    %dma_start3A_248 = arith.constant 0 : i32
    %dma_start3A_249 = tpu.memref_slice %arg6[%add3A_244, %dma_start3A_248] : memref<10000x16xf32, #tpu.memory_space<vmem_shared>> -> memref<25x16xf32, #tpu.memory_space<vmem_shared>>
    %dma_start3A_250 = arith.constant 0 : i32
    %dma_start3A_251 = tpu.memref_slice %arg6[%add3A_244, %dma_start3A_250] : memref<10000x16xf32, #tpu.memory_space<vmem_shared>> -> memref<25x16xf32, #tpu.memory_space<vmem_shared>>
    %dma_start3A_252 = arith.constant 0 : i32
    %dma_start3A_253 = arith.constant 0 : i32
    %dma_start3A_254 = tpu.memref_slice %arg5[%dma_start3A_252, %dma_start3A_253] : memref<125x16xf32, #tpu.memory_space<vmem>> -> memref<25x16xf32, #tpu.memory_space<vmem>>
    tpu.enqueue_dma source(%dma_start3A_254 : memref<25x16xf32, #tpu.memory_space<vmem>>) target(%dma_start3A_251 : memref<25x16xf32, #tpu.memory_space<vmem_shared>>) target_semaphore(%arg7 : memref<!tpu.dma_semaphore, #tpu.memory_space<semaphore_mem>>)
    %mul3A_255 = arith.constant 625 : i32
    %mul3A_256 = arith.muli %arg1, %mul3A_255 : i32
    %add3A_257 = arith.constant 450 : i32
    %add3A_258 = arith.addi %mul3A_256, %add3A_257 : i32
    %dma_start3A_259 = arith.constant 0 : i32
    %dma_start3A_260 = arith.constant 0 : i32
    %dma_start3A_261 = tpu.memref_slice %arg5[%dma_start3A_259, %dma_start3A_260] : memref<125x16xf32, #tpu.memory_space<vmem>> -> memref<25x16xf32, #tpu.memory_space<vmem>>
    %dma_start3A_262 = arith.constant 0 : i32
    %dma_start3A_263 = tpu.memref_slice %arg6[%add3A_258, %dma_start3A_262] : memref<10000x16xf32, #tpu.memory_space<vmem_shared>> -> memref<25x16xf32, #tpu.memory_space<vmem_shared>>
    %dma_start3A_264 = arith.constant 0 : i32
    %dma_start3A_265 = tpu.memref_slice %arg6[%add3A_258, %dma_start3A_264] : memref<10000x16xf32, #tpu.memory_space<vmem_shared>> -> memref<25x16xf32, #tpu.memory_space<vmem_shared>>
    %dma_start3A_266 = arith.constant 0 : i32
    %dma_start3A_267 = arith.constant 0 : i32
    %dma_start3A_268 = tpu.memref_slice %arg5[%dma_start3A_266, %dma_start3A_267] : memref<125x16xf32, #tpu.memory_space<vmem>> -> memref<25x16xf32, #tpu.memory_space<vmem>>
    tpu.enqueue_dma source(%dma_start3A_268 : memref<25x16xf32, #tpu.memory_space<vmem>>) target(%dma_start3A_265 : memref<25x16xf32, #tpu.memory_space<vmem_shared>>) target_semaphore(%arg7 : memref<!tpu.dma_semaphore, #tpu.memory_space<semaphore_mem>>)
    %mul3A_269 = arith.constant 625 : i32
    %mul3A_270 = arith.muli %arg1, %mul3A_269 : i32
    %add3A_271 = arith.constant 475 : i32
    %add3A_272 = arith.addi %mul3A_270, %add3A_271 : i32
    %dma_start3A_273 = arith.constant 0 : i32
    %dma_start3A_274 = arith.constant 0 : i32
    %dma_start3A_275 = tpu.memref_slice %arg5[%dma_start3A_273, %dma_start3A_274] : memref<125x16xf32, #tpu.memory_space<vmem>> -> memref<25x16xf32, #tpu.memory_space<vmem>>
    %dma_start3A_276 = arith.constant 0 : i32
    %dma_start3A_277 = tpu.memref_slice %arg6[%add3A_272, %dma_start3A_276] : memref<10000x16xf32, #tpu.memory_space<vmem_shared>> -> memref<25x16xf32, #tpu.memory_space<vmem_shared>>
    %dma_start3A_278 = arith.constant 0 : i32
    %dma_start3A_279 = tpu.memref_slice %arg6[%add3A_272, %dma_start3A_278] : memref<10000x16xf32, #tpu.memory_space<vmem_shared>> -> memref<25x16xf32, #tpu.memory_space<vmem_shared>>
    %dma_start3A_280 = arith.constant 0 : i32
    %dma_start3A_281 = arith.constant 0 : i32
    %dma_start3A_282 = tpu.memref_slice %arg5[%dma_start3A_280, %dma_start3A_281] : memref<125x16xf32, #tpu.memory_space<vmem>> -> memref<25x16xf32, #tpu.memory_space<vmem>>
    tpu.enqueue_dma source(%dma_start3A_282 : memref<25x16xf32, #tpu.memory_space<vmem>>) target(%dma_start3A_279 : memref<25x16xf32, #tpu.memory_space<vmem_shared>>) target_semaphore(%arg7 : memref<!tpu.dma_semaphore, #tpu.memory_space<semaphore_mem>>)
    %mul3A_283 = arith.constant 625 : i32
    %mul3A_284 = arith.muli %arg1, %mul3A_283 : i32
    %add3A_285 = arith.constant 500 : i32
    %add3A_286 = arith.addi %mul3A_284, %add3A_285 : i32
    %dma_start3A_287 = arith.constant 0 : i32
    %dma_start3A_288 = arith.constant 0 : i32
    %dma_start3A_289 = tpu.memref_slice %arg5[%dma_start3A_287, %dma_start3A_288] : memref<125x16xf32, #tpu.memory_space<vmem>> -> memref<25x16xf32, #tpu.memory_space<vmem>>
    %dma_start3A_290 = arith.constant 0 : i32
    %dma_start3A_291 = tpu.memref_slice %arg6[%add3A_286, %dma_start3A_290] : memref<10000x16xf32, #tpu.memory_space<vmem_shared>> -> memref<25x16xf32, #tpu.memory_space<vmem_shared>>
    %dma_start3A_292 = arith.constant 0 : i32
    %dma_start3A_293 = tpu.memref_slice %arg6[%add3A_286, %dma_start3A_292] : memref<10000x16xf32, #tpu.memory_space<vmem_shared>> -> memref<25x16xf32, #tpu.memory_space<vmem_shared>>
    %dma_start3A_294 = arith.constant 0 : i32
    %dma_start3A_295 = arith.constant 0 : i32
    %dma_start3A_296 = tpu.memref_slice %arg5[%dma_start3A_294, %dma_start3A_295] : memref<125x16xf32, #tpu.memory_space<vmem>> -> memref<25x16xf32, #tpu.memory_space<vmem>>
    tpu.enqueue_dma source(%dma_start3A_296 : memref<25x16xf32, #tpu.memory_space<vmem>>) target(%dma_start3A_293 : memref<25x16xf32, #tpu.memory_space<vmem_shared>>) target_semaphore(%arg7 : memref<!tpu.dma_semaphore, #tpu.memory_space<semaphore_mem>>)
    %mul3A_297 = arith.constant 625 : i32
    %mul3A_298 = arith.muli %arg1, %mul3A_297 : i32
    %add3A_299 = arith.constant 525 : i32
    %add3A_300 = arith.addi %mul3A_298, %add3A_299 : i32
    %dma_start3A_301 = arith.constant 0 : i32
    %dma_start3A_302 = arith.constant 0 : i32
    %dma_start3A_303 = tpu.memref_slice %arg5[%dma_start3A_301, %dma_start3A_302] : memref<125x16xf32, #tpu.memory_space<vmem>> -> memref<25x16xf32, #tpu.memory_space<vmem>>
    %dma_start3A_304 = arith.constant 0 : i32
    %dma_start3A_305 = tpu.memref_slice %arg6[%add3A_300, %dma_start3A_304] : memref<10000x16xf32, #tpu.memory_space<vmem_shared>> -> memref<25x16xf32, #tpu.memory_space<vmem_shared>>
    %dma_start3A_306 = arith.constant 0 : i32
    %dma_start3A_307 = tpu.memref_slice %arg6[%add3A_300, %dma_start3A_306] : memref<10000x16xf32, #tpu.memory_space<vmem_shared>> -> memref<25x16xf32, #tpu.memory_space<vmem_shared>>
    %dma_start3A_308 = arith.constant 0 : i32
    %dma_start3A_309 = arith.constant 0 : i32
    %dma_start3A_310 = tpu.memref_slice %arg5[%dma_start3A_308, %dma_start3A_309] : memref<125x16xf32, #tpu.memory_space<vmem>> -> memref<25x16xf32, #tpu.memory_space<vmem>>
    tpu.enqueue_dma source(%dma_start3A_310 : memref<25x16xf32, #tpu.memory_space<vmem>>) target(%dma_start3A_307 : memref<25x16xf32, #tpu.memory_space<vmem_shared>>) target_semaphore(%arg7 : memref<!tpu.dma_semaphore, #tpu.memory_space<semaphore_mem>>)
    %mul3A_311 = arith.constant 625 : i32
    %mul3A_312 = arith.muli %arg1, %mul3A_311 : i32
    %add3A_313 = arith.constant 550 : i32
    %add3A_314 = arith.addi %mul3A_312, %add3A_313 : i32
    %dma_start3A_315 = arith.constant 0 : i32
    %dma_start3A_316 = arith.constant 0 : i32
    %dma_start3A_317 = tpu.memref_slice %arg5[%dma_start3A_315, %dma_start3A_316] : memref<125x16xf32, #tpu.memory_space<vmem>> -> memref<25x16xf32, #tpu.memory_space<vmem>>
    %dma_start3A_318 = arith.constant 0 : i32
    %dma_start3A_319 = tpu.memref_slice %arg6[%add3A_314, %dma_start3A_318] : memref<10000x16xf32, #tpu.memory_space<vmem_shared>> -> memref<25x16xf32, #tpu.memory_space<vmem_shared>>
    %dma_start3A_320 = arith.constant 0 : i32
    %dma_start3A_321 = tpu.memref_slice %arg6[%add3A_314, %dma_start3A_320] : memref<10000x16xf32, #tpu.memory_space<vmem_shared>> -> memref<25x16xf32, #tpu.memory_space<vmem_shared>>
    %dma_start3A_322 = arith.constant 0 : i32
    %dma_start3A_323 = arith.constant 0 : i32
    %dma_start3A_324 = tpu.memref_slice %arg5[%dma_start3A_322, %dma_start3A_323] : memref<125x16xf32, #tpu.memory_space<vmem>> -> memref<25x16xf32, #tpu.memory_space<vmem>>
    tpu.enqueue_dma source(%dma_start3A_324 : memref<25x16xf32, #tpu.memory_space<vmem>>) target(%dma_start3A_321 : memref<25x16xf32, #tpu.memory_space<vmem_shared>>) target_semaphore(%arg7 : memref<!tpu.dma_semaphore, #tpu.memory_space<semaphore_mem>>)
    %mul3A_325 = arith.constant 625 : i32
    %mul3A_326 = arith.muli %arg1, %mul3A_325 : i32
    %add3A_327 = arith.constant 575 : i32
    %add3A_328 = arith.addi %mul3A_326, %add3A_327 : i32
    %dma_start3A_329 = arith.constant 0 : i32
    %dma_start3A_330 = arith.constant 0 : i32
    %dma_start3A_331 = tpu.memref_slice %arg5[%dma_start3A_329, %dma_start3A_330] : memref<125x16xf32, #tpu.memory_space<vmem>> -> memref<25x16xf32, #tpu.memory_space<vmem>>
    %dma_start3A_332 = arith.constant 0 : i32
    %dma_start3A_333 = tpu.memref_slice %arg6[%add3A_328, %dma_start3A_332] : memref<10000x16xf32, #tpu.memory_space<vmem_shared>> -> memref<25x16xf32, #tpu.memory_space<vmem_shared>>
    %dma_start3A_334 = arith.constant 0 : i32
    %dma_start3A_335 = tpu.memref_slice %arg6[%add3A_328, %dma_start3A_334] : memref<10000x16xf32, #tpu.memory_space<vmem_shared>> -> memref<25x16xf32, #tpu.memory_space<vmem_shared>>
    %dma_start3A_336 = arith.constant 0 : i32
    %dma_start3A_337 = arith.constant 0 : i32
    %dma_start3A_338 = tpu.memref_slice %arg5[%dma_start3A_336, %dma_start3A_337] : memref<125x16xf32, #tpu.memory_space<vmem>> -> memref<25x16xf32, #tpu.memory_space<vmem>>
    tpu.enqueue_dma source(%dma_start3A_338 : memref<25x16xf32, #tpu.memory_space<vmem>>) target(%dma_start3A_335 : memref<25x16xf32, #tpu.memory_space<vmem_shared>>) target_semaphore(%arg7 : memref<!tpu.dma_semaphore, #tpu.memory_space<semaphore_mem>>)
    %mul3A_339 = arith.constant 625 : i32
    %mul3A_340 = arith.muli %arg1, %mul3A_339 : i32
    %add3A_341 = arith.constant 600 : i32
    %add3A_342 = arith.addi %mul3A_340, %add3A_341 : i32
    %dma_start3A_343 = arith.constant 0 : i32
    %dma_start3A_344 = arith.constant 0 : i32
    %dma_start3A_345 = tpu.memref_slice %arg5[%dma_start3A_343, %dma_start3A_344] : memref<125x16xf32, #tpu.memory_space<vmem>> -> memref<25x16xf32, #tpu.memory_space<vmem>>
    %dma_start3A_346 = arith.constant 0 : i32
    %dma_start3A_347 = tpu.memref_slice %arg6[%add3A_342, %dma_start3A_346] : memref<10000x16xf32, #tpu.memory_space<vmem_shared>> -> memref<25x16xf32, #tpu.memory_space<vmem_shared>>
    %dma_start3A_348 = arith.constant 0 : i32
    %dma_start3A_349 = tpu.memref_slice %arg6[%add3A_342, %dma_start3A_348] : memref<10000x16xf32, #tpu.memory_space<vmem_shared>> -> memref<25x16xf32, #tpu.memory_space<vmem_shared>>
    %dma_start3A_350 = arith.constant 0 : i32
    %dma_start3A_351 = arith.constant 0 : i32
    %dma_start3A_352 = tpu.memref_slice %arg5[%dma_start3A_350, %dma_start3A_351] : memref<125x16xf32, #tpu.memory_space<vmem>> -> memref<25x16xf32, #tpu.memory_space<vmem>>
    tpu.enqueue_dma source(%dma_start3A_352 : memref<25x16xf32, #tpu.memory_space<vmem>>) target(%dma_start3A_349 : memref<25x16xf32, #tpu.memory_space<vmem_shared>>) target_semaphore(%arg7 : memref<!tpu.dma_semaphore, #tpu.memory_space<semaphore_mem>>)
    %mul3A_353 = arith.constant 625 : i32
    %mul3A_354 = arith.muli %arg1, %mul3A_353 : i32
    %add3A_355 = arith.constant 0 : i32
    %add3A_356 = arith.addi %mul3A_354, %add3A_355 : i32
    %dma_wait3A = arith.constant 0 : i32
    %dma_wait3A_357 = arith.constant 0 : i32
    %dma_wait3A_358 = tpu.memref_slice %arg5[%dma_wait3A, %dma_wait3A_357] : memref<125x16xf32, #tpu.memory_space<vmem>> -> memref<25x16xf32, #tpu.memory_space<vmem>>
    %dma_wait3A_359 = arith.constant 0 : i32
    %dma_wait3A_360 = tpu.memref_slice %arg6[%add3A_356, %dma_wait3A_359] : memref<10000x16xf32, #tpu.memory_space<vmem_shared>> -> memref<25x16xf32, #tpu.memory_space<vmem_shared>>
    %dma_wait3A_361 = arith.constant 0 : i32
    %dma_wait3A_362 = tpu.memref_slice %arg6[%add3A_356, %dma_wait3A_361] : memref<10000x16xf32, #tpu.memory_space<vmem_shared>> -> memref<25x16xf32, #tpu.memory_space<vmem_shared>>
    %dma_wait3A_363 = arith.constant 0 : i32
    %dma_wait3A_364 = arith.constant 0 : i32
    %dma_wait3A_365 = tpu.memref_slice %arg5[%dma_wait3A_363, %dma_wait3A_364] : memref<125x16xf32, #tpu.memory_space<vmem>> -> memref<25x16xf32, #tpu.memory_space<vmem>>
    tpu.wait_dma2 semaphore(%arg7 : memref<!tpu.dma_semaphore, #tpu.memory_space<semaphore_mem>>) src(%dma_wait3A_365 : memref<25x16xf32, #tpu.memory_space<vmem>>) dst(%dma_wait3A_362 : memref<25x16xf32, #tpu.memory_space<vmem_shared>>)
    %mul3A_366 = arith.constant 625 : i32
    %mul3A_367 = arith.muli %arg1, %mul3A_366 : i32
    %add3A_368 = arith.constant 25 : i32
    %add3A_369 = arith.addi %mul3A_367, %add3A_368 : i32
    %dma_wait3A_370 = arith.constant 0 : i32
    %dma_wait3A_371 = arith.constant 0 : i32
    %dma_wait3A_372 = tpu.memref_slice %arg5[%dma_wait3A_370, %dma_wait3A_371] : memref<125x16xf32, #tpu.memory_space<vmem>> -> memref<25x16xf32, #tpu.memory_space<vmem>>
    %dma_wait3A_373 = arith.constant 0 : i32
    %dma_wait3A_374 = tpu.memref_slice %arg6[%add3A_369, %dma_wait3A_373] : memref<10000x16xf32, #tpu.memory_space<vmem_shared>> -> memref<25x16xf32, #tpu.memory_space<vmem_shared>>
    %dma_wait3A_375 = arith.constant 0 : i32
    %dma_wait3A_376 = tpu.memref_slice %arg6[%add3A_369, %dma_wait3A_375] : memref<10000x16xf32, #tpu.memory_space<vmem_shared>> -> memref<25x16xf32, #tpu.memory_space<vmem_shared>>
    %dma_wait3A_377 = arith.constant 0 : i32
    %dma_wait3A_378 = arith.constant 0 : i32
    %dma_wait3A_379 = tpu.memref_slice %arg5[%dma_wait3A_377, %dma_wait3A_378] : memref<125x16xf32, #tpu.memory_space<vmem>> -> memref<25x16xf32, #tpu.memory_space<vmem>>
    tpu.wait_dma2 semaphore(%arg7 : memref<!tpu.dma_semaphore, #tpu.memory_space<semaphore_mem>>) src(%dma_wait3A_379 : memref<25x16xf32, #tpu.memory_space<vmem>>) dst(%dma_wait3A_376 : memref<25x16xf32, #tpu.memory_space<vmem_shared>>)
    %mul3A_380 = arith.constant 625 : i32
    %mul3A_381 = arith.muli %arg1, %mul3A_380 : i32
    %add3A_382 = arith.constant 50 : i32
    %add3A_383 = arith.addi %mul3A_381, %add3A_382 : i32
    %dma_wait3A_384 = arith.constant 0 : i32
    %dma_wait3A_385 = arith.constant 0 : i32
    %dma_wait3A_386 = tpu.memref_slice %arg5[%dma_wait3A_384, %dma_wait3A_385] : memref<125x16xf32, #tpu.memory_space<vmem>> -> memref<25x16xf32, #tpu.memory_space<vmem>>
    %dma_wait3A_387 = arith.constant 0 : i32
    %dma_wait3A_388 = tpu.memref_slice %arg6[%add3A_383, %dma_wait3A_387] : memref<10000x16xf32, #tpu.memory_space<vmem_shared>> -> memref<25x16xf32, #tpu.memory_space<vmem_shared>>
    %dma_wait3A_389 = arith.constant 0 : i32
    %dma_wait3A_390 = tpu.memref_slice %arg6[%add3A_383, %dma_wait3A_389] : memref<10000x16xf32, #tpu.memory_space<vmem_shared>> -> memref<25x16xf32, #tpu.memory_space<vmem_shared>>
    %dma_wait3A_391 = arith.constant 0 : i32
    %dma_wait3A_392 = arith.constant 0 : i32
    %dma_wait3A_393 = tpu.memref_slice %arg5[%dma_wait3A_391, %dma_wait3A_392] : memref<125x16xf32, #tpu.memory_space<vmem>> -> memref<25x16xf32, #tpu.memory_space<vmem>>
    tpu.wait_dma2 semaphore(%arg7 : memref<!tpu.dma_semaphore, #tpu.memory_space<semaphore_mem>>) src(%dma_wait3A_393 : memref<25x16xf32, #tpu.memory_space<vmem>>) dst(%dma_wait3A_390 : memref<25x16xf32, #tpu.memory_space<vmem_shared>>)
    %mul3A_394 = arith.constant 625 : i32
    %mul3A_395 = arith.muli %arg1, %mul3A_394 : i32
    %add3A_396 = arith.constant 75 : i32
    %add3A_397 = arith.addi %mul3A_395, %add3A_396 : i32
    %dma_wait3A_398 = arith.constant 0 : i32
    %dma_wait3A_399 = arith.constant 0 : i32
    %dma_wait3A_400 = tpu.memref_slice %arg5[%dma_wait3A_398, %dma_wait3A_399] : memref<125x16xf32, #tpu.memory_space<vmem>> -> memref<25x16xf32, #tpu.memory_space<vmem>>
    %dma_wait3A_401 = arith.constant 0 : i32
    %dma_wait3A_402 = tpu.memref_slice %arg6[%add3A_397, %dma_wait3A_401] : memref<10000x16xf32, #tpu.memory_space<vmem_shared>> -> memref<25x16xf32, #tpu.memory_space<vmem_shared>>
    %dma_wait3A_403 = arith.constant 0 : i32
    %dma_wait3A_404 = tpu.memref_slice %arg6[%add3A_397, %dma_wait3A_403] : memref<10000x16xf32, #tpu.memory_space<vmem_shared>> -> memref<25x16xf32, #tpu.memory_space<vmem_shared>>
    %dma_wait3A_405 = arith.constant 0 : i32
    %dma_wait3A_406 = arith.constant 0 : i32
    %dma_wait3A_407 = tpu.memref_slice %arg5[%dma_wait3A_405, %dma_wait3A_406] : memref<125x16xf32, #tpu.memory_space<vmem>> -> memref<25x16xf32, #tpu.memory_space<vmem>>
    tpu.wait_dma2 semaphore(%arg7 : memref<!tpu.dma_semaphore, #tpu.memory_space<semaphore_mem>>) src(%dma_wait3A_407 : memref<25x16xf32, #tpu.memory_space<vmem>>) dst(%dma_wait3A_404 : memref<25x16xf32, #tpu.memory_space<vmem_shared>>)
    %mul3A_408 = arith.constant 625 : i32
    %mul3A_409 = arith.muli %arg1, %mul3A_408 : i32
    %add3A_410 = arith.constant 100 : i32
    %add3A_411 = arith.addi %mul3A_409, %add3A_410 : i32
    %dma_wait3A_412 = arith.constant 0 : i32
    %dma_wait3A_413 = arith.constant 0 : i32
    %dma_wait3A_414 = tpu.memref_slice %arg5[%dma_wait3A_412, %dma_wait3A_413] : memref<125x16xf32, #tpu.memory_space<vmem>> -> memref<25x16xf32, #tpu.memory_space<vmem>>
    %dma_wait3A_415 = arith.constant 0 : i32
    %dma_wait3A_416 = tpu.memref_slice %arg6[%add3A_411, %dma_wait3A_415] : memref<10000x16xf32, #tpu.memory_space<vmem_shared>> -> memref<25x16xf32, #tpu.memory_space<vmem_shared>>
    %dma_wait3A_417 = arith.constant 0 : i32
    %dma_wait3A_418 = tpu.memref_slice %arg6[%add3A_411, %dma_wait3A_417] : memref<10000x16xf32, #tpu.memory_space<vmem_shared>> -> memref<25x16xf32, #tpu.memory_space<vmem_shared>>
    %dma_wait3A_419 = arith.constant 0 : i32
    %dma_wait3A_420 = arith.constant 0 : i32
    %dma_wait3A_421 = tpu.memref_slice %arg5[%dma_wait3A_419, %dma_wait3A_420] : memref<125x16xf32, #tpu.memory_space<vmem>> -> memref<25x16xf32, #tpu.memory_space<vmem>>
    tpu.wait_dma2 semaphore(%arg7 : memref<!tpu.dma_semaphore, #tpu.memory_space<semaphore_mem>>) src(%dma_wait3A_421 : memref<25x16xf32, #tpu.memory_space<vmem>>) dst(%dma_wait3A_418 : memref<25x16xf32, #tpu.memory_space<vmem_shared>>)
    %mul3A_422 = arith.constant 625 : i32
    %mul3A_423 = arith.muli %arg1, %mul3A_422 : i32
    %add3A_424 = arith.constant 125 : i32
    %add3A_425 = arith.addi %mul3A_423, %add3A_424 : i32
    %dma_wait3A_426 = arith.constant 0 : i32
    %dma_wait3A_427 = arith.constant 0 : i32
    %dma_wait3A_428 = tpu.memref_slice %arg5[%dma_wait3A_426, %dma_wait3A_427] : memref<125x16xf32, #tpu.memory_space<vmem>> -> memref<25x16xf32, #tpu.memory_space<vmem>>
    %dma_wait3A_429 = arith.constant 0 : i32
    %dma_wait3A_430 = tpu.memref_slice %arg6[%add3A_425, %dma_wait3A_429] : memref<10000x16xf32, #tpu.memory_space<vmem_shared>> -> memref<25x16xf32, #tpu.memory_space<vmem_shared>>
    %dma_wait3A_431 = arith.constant 0 : i32
    %dma_wait3A_432 = tpu.memref_slice %arg6[%add3A_425, %dma_wait3A_431] : memref<10000x16xf32, #tpu.memory_space<vmem_shared>> -> memref<25x16xf32, #tpu.memory_space<vmem_shared>>
    %dma_wait3A_433 = arith.constant 0 : i32
    %dma_wait3A_434 = arith.constant 0 : i32
    %dma_wait3A_435 = tpu.memref_slice %arg5[%dma_wait3A_433, %dma_wait3A_434] : memref<125x16xf32, #tpu.memory_space<vmem>> -> memref<25x16xf32, #tpu.memory_space<vmem>>
    tpu.wait_dma2 semaphore(%arg7 : memref<!tpu.dma_semaphore, #tpu.memory_space<semaphore_mem>>) src(%dma_wait3A_435 : memref<25x16xf32, #tpu.memory_space<vmem>>) dst(%dma_wait3A_432 : memref<25x16xf32, #tpu.memory_space<vmem_shared>>)
    %mul3A_436 = arith.constant 625 : i32
    %mul3A_437 = arith.muli %arg1, %mul3A_436 : i32
    %add3A_438 = arith.constant 150 : i32
    %add3A_439 = arith.addi %mul3A_437, %add3A_438 : i32
    %dma_wait3A_440 = arith.constant 0 : i32
    %dma_wait3A_441 = arith.constant 0 : i32
    %dma_wait3A_442 = tpu.memref_slice %arg5[%dma_wait3A_440, %dma_wait3A_441] : memref<125x16xf32, #tpu.memory_space<vmem>> -> memref<25x16xf32, #tpu.memory_space<vmem>>
    %dma_wait3A_443 = arith.constant 0 : i32
    %dma_wait3A_444 = tpu.memref_slice %arg6[%add3A_439, %dma_wait3A_443] : memref<10000x16xf32, #tpu.memory_space<vmem_shared>> -> memref<25x16xf32, #tpu.memory_space<vmem_shared>>
    %dma_wait3A_445 = arith.constant 0 : i32
    %dma_wait3A_446 = tpu.memref_slice %arg6[%add3A_439, %dma_wait3A_445] : memref<10000x16xf32, #tpu.memory_space<vmem_shared>> -> memref<25x16xf32, #tpu.memory_space<vmem_shared>>
    %dma_wait3A_447 = arith.constant 0 : i32
    %dma_wait3A_448 = arith.constant 0 : i32
    %dma_wait3A_449 = tpu.memref_slice %arg5[%dma_wait3A_447, %dma_wait3A_448] : memref<125x16xf32, #tpu.memory_space<vmem>> -> memref<25x16xf32, #tpu.memory_space<vmem>>
    tpu.wait_dma2 semaphore(%arg7 : memref<!tpu.dma_semaphore, #tpu.memory_space<semaphore_mem>>) src(%dma_wait3A_449 : memref<25x16xf32, #tpu.memory_space<vmem>>) dst(%dma_wait3A_446 : memref<25x16xf32, #tpu.memory_space<vmem_shared>>)
    %mul3A_450 = arith.constant 625 : i32
    %mul3A_451 = arith.muli %arg1, %mul3A_450 : i32
    %add3A_452 = arith.constant 175 : i32
    %add3A_453 = arith.addi %mul3A_451, %add3A_452 : i32
    %dma_wait3A_454 = arith.constant 0 : i32
    %dma_wait3A_455 = arith.constant 0 : i32
    %dma_wait3A_456 = tpu.memref_slice %arg5[%dma_wait3A_454, %dma_wait3A_455] : memref<125x16xf32, #tpu.memory_space<vmem>> -> memref<25x16xf32, #tpu.memory_space<vmem>>
    %dma_wait3A_457 = arith.constant 0 : i32
    %dma_wait3A_458 = tpu.memref_slice %arg6[%add3A_453, %dma_wait3A_457] : memref<10000x16xf32, #tpu.memory_space<vmem_shared>> -> memref<25x16xf32, #tpu.memory_space<vmem_shared>>
    %dma_wait3A_459 = arith.constant 0 : i32
    %dma_wait3A_460 = tpu.memref_slice %arg6[%add3A_453, %dma_wait3A_459] : memref<10000x16xf32, #tpu.memory_space<vmem_shared>> -> memref<25x16xf32, #tpu.memory_space<vmem_shared>>
    %dma_wait3A_461 = arith.constant 0 : i32
    %dma_wait3A_462 = arith.constant 0 : i32
    %dma_wait3A_463 = tpu.memref_slice %arg5[%dma_wait3A_461, %dma_wait3A_462] : memref<125x16xf32, #tpu.memory_space<vmem>> -> memref<25x16xf32, #tpu.memory_space<vmem>>
    tpu.wait_dma2 semaphore(%arg7 : memref<!tpu.dma_semaphore, #tpu.memory_space<semaphore_mem>>) src(%dma_wait3A_463 : memref<25x16xf32, #tpu.memory_space<vmem>>) dst(%dma_wait3A_460 : memref<25x16xf32, #tpu.memory_space<vmem_shared>>)
    %mul3A_464 = arith.constant 625 : i32
    %mul3A_465 = arith.muli %arg1, %mul3A_464 : i32
    %add3A_466 = arith.constant 200 : i32
    %add3A_467 = arith.addi %mul3A_465, %add3A_466 : i32
    %dma_wait3A_468 = arith.constant 0 : i32
    %dma_wait3A_469 = arith.constant 0 : i32
    %dma_wait3A_470 = tpu.memref_slice %arg5[%dma_wait3A_468, %dma_wait3A_469] : memref<125x16xf32, #tpu.memory_space<vmem>> -> memref<25x16xf32, #tpu.memory_space<vmem>>
    %dma_wait3A_471 = arith.constant 0 : i32
    %dma_wait3A_472 = tpu.memref_slice %arg6[%add3A_467, %dma_wait3A_471] : memref<10000x16xf32, #tpu.memory_space<vmem_shared>> -> memref<25x16xf32, #tpu.memory_space<vmem_shared>>
    %dma_wait3A_473 = arith.constant 0 : i32
    %dma_wait3A_474 = tpu.memref_slice %arg6[%add3A_467, %dma_wait3A_473] : memref<10000x16xf32, #tpu.memory_space<vmem_shared>> -> memref<25x16xf32, #tpu.memory_space<vmem_shared>>
    %dma_wait3A_475 = arith.constant 0 : i32
    %dma_wait3A_476 = arith.constant 0 : i32
    %dma_wait3A_477 = tpu.memref_slice %arg5[%dma_wait3A_475, %dma_wait3A_476] : memref<125x16xf32, #tpu.memory_space<vmem>> -> memref<25x16xf32, #tpu.memory_space<vmem>>
    tpu.wait_dma2 semaphore(%arg7 : memref<!tpu.dma_semaphore, #tpu.memory_space<semaphore_mem>>) src(%dma_wait3A_477 : memref<25x16xf32, #tpu.memory_space<vmem>>) dst(%dma_wait3A_474 : memref<25x16xf32, #tpu.memory_space<vmem_shared>>)
    %mul3A_478 = arith.constant 625 : i32
    %mul3A_479 = arith.muli %arg1, %mul3A_478 : i32
    %add3A_480 = arith.constant 225 : i32
    %add3A_481 = arith.addi %mul3A_479, %add3A_480 : i32
    %dma_wait3A_482 = arith.constant 0 : i32
    %dma_wait3A_483 = arith.constant 0 : i32
    %dma_wait3A_484 = tpu.memref_slice %arg5[%dma_wait3A_482, %dma_wait3A_483] : memref<125x16xf32, #tpu.memory_space<vmem>> -> memref<25x16xf32, #tpu.memory_space<vmem>>
    %dma_wait3A_485 = arith.constant 0 : i32
    %dma_wait3A_486 = tpu.memref_slice %arg6[%add3A_481, %dma_wait3A_485] : memref<10000x16xf32, #tpu.memory_space<vmem_shared>> -> memref<25x16xf32, #tpu.memory_space<vmem_shared>>
    %dma_wait3A_487 = arith.constant 0 : i32
    %dma_wait3A_488 = tpu.memref_slice %arg6[%add3A_481, %dma_wait3A_487] : memref<10000x16xf32, #tpu.memory_space<vmem_shared>> -> memref<25x16xf32, #tpu.memory_space<vmem_shared>>
    %dma_wait3A_489 = arith.constant 0 : i32
    %dma_wait3A_490 = arith.constant 0 : i32
    %dma_wait3A_491 = tpu.memref_slice %arg5[%dma_wait3A_489, %dma_wait3A_490] : memref<125x16xf32, #tpu.memory_space<vmem>> -> memref<25x16xf32, #tpu.memory_space<vmem>>
    tpu.wait_dma2 semaphore(%arg7 : memref<!tpu.dma_semaphore, #tpu.memory_space<semaphore_mem>>) src(%dma_wait3A_491 : memref<25x16xf32, #tpu.memory_space<vmem>>) dst(%dma_wait3A_488 : memref<25x16xf32, #tpu.memory_space<vmem_shared>>)
    %mul3A_492 = arith.constant 625 : i32
    %mul3A_493 = arith.muli %arg1, %mul3A_492 : i32
    %add3A_494 = arith.constant 250 : i32
    %add3A_495 = arith.addi %mul3A_493, %add3A_494 : i32
    %dma_wait3A_496 = arith.constant 0 : i32
    %dma_wait3A_497 = arith.constant 0 : i32
    %dma_wait3A_498 = tpu.memref_slice %arg5[%dma_wait3A_496, %dma_wait3A_497] : memref<125x16xf32, #tpu.memory_space<vmem>> -> memref<25x16xf32, #tpu.memory_space<vmem>>
    %dma_wait3A_499 = arith.constant 0 : i32
    %dma_wait3A_500 = tpu.memref_slice %arg6[%add3A_495, %dma_wait3A_499] : memref<10000x16xf32, #tpu.memory_space<vmem_shared>> -> memref<25x16xf32, #tpu.memory_space<vmem_shared>>
    %dma_wait3A_501 = arith.constant 0 : i32
    %dma_wait3A_502 = tpu.memref_slice %arg6[%add3A_495, %dma_wait3A_501] : memref<10000x16xf32, #tpu.memory_space<vmem_shared>> -> memref<25x16xf32, #tpu.memory_space<vmem_shared>>
    %dma_wait3A_503 = arith.constant 0 : i32
    %dma_wait3A_504 = arith.constant 0 : i32
    %dma_wait3A_505 = tpu.memref_slice %arg5[%dma_wait3A_503, %dma_wait3A_504] : memref<125x16xf32, #tpu.memory_space<vmem>> -> memref<25x16xf32, #tpu.memory_space<vmem>>
    tpu.wait_dma2 semaphore(%arg7 : memref<!tpu.dma_semaphore, #tpu.memory_space<semaphore_mem>>) src(%dma_wait3A_505 : memref<25x16xf32, #tpu.memory_space<vmem>>) dst(%dma_wait3A_502 : memref<25x16xf32, #tpu.memory_space<vmem_shared>>)
    %mul3A_506 = arith.constant 625 : i32
    %mul3A_507 = arith.muli %arg1, %mul3A_506 : i32
    %add3A_508 = arith.constant 275 : i32
    %add3A_509 = arith.addi %mul3A_507, %add3A_508 : i32
    %dma_wait3A_510 = arith.constant 0 : i32
    %dma_wait3A_511 = arith.constant 0 : i32
    %dma_wait3A_512 = tpu.memref_slice %arg5[%dma_wait3A_510, %dma_wait3A_511] : memref<125x16xf32, #tpu.memory_space<vmem>> -> memref<25x16xf32, #tpu.memory_space<vmem>>
    %dma_wait3A_513 = arith.constant 0 : i32
    %dma_wait3A_514 = tpu.memref_slice %arg6[%add3A_509, %dma_wait3A_513] : memref<10000x16xf32, #tpu.memory_space<vmem_shared>> -> memref<25x16xf32, #tpu.memory_space<vmem_shared>>
    %dma_wait3A_515 = arith.constant 0 : i32
    %dma_wait3A_516 = tpu.memref_slice %arg6[%add3A_509, %dma_wait3A_515] : memref<10000x16xf32, #tpu.memory_space<vmem_shared>> -> memref<25x16xf32, #tpu.memory_space<vmem_shared>>
    %dma_wait3A_517 = arith.constant 0 : i32
    %dma_wait3A_518 = arith.constant 0 : i32
    %dma_wait3A_519 = tpu.memref_slice %arg5[%dma_wait3A_517, %dma_wait3A_518] : memref<125x16xf32, #tpu.memory_space<vmem>> -> memref<25x16xf32, #tpu.memory_space<vmem>>
    tpu.wait_dma2 semaphore(%arg7 : memref<!tpu.dma_semaphore, #tpu.memory_space<semaphore_mem>>) src(%dma_wait3A_519 : memref<25x16xf32, #tpu.memory_space<vmem>>) dst(%dma_wait3A_516 : memref<25x16xf32, #tpu.memory_space<vmem_shared>>)
    %mul3A_520 = arith.constant 625 : i32
    %mul3A_521 = arith.muli %arg1, %mul3A_520 : i32
    %add3A_522 = arith.constant 300 : i32
    %add3A_523 = arith.addi %mul3A_521, %add3A_522 : i32
    %dma_wait3A_524 = arith.constant 0 : i32
    %dma_wait3A_525 = arith.constant 0 : i32
    %dma_wait3A_526 = tpu.memref_slice %arg5[%dma_wait3A_524, %dma_wait3A_525] : memref<125x16xf32, #tpu.memory_space<vmem>> -> memref<25x16xf32, #tpu.memory_space<vmem>>
    %dma_wait3A_527 = arith.constant 0 : i32
    %dma_wait3A_528 = tpu.memref_slice %arg6[%add3A_523, %dma_wait3A_527] : memref<10000x16xf32, #tpu.memory_space<vmem_shared>> -> memref<25x16xf32, #tpu.memory_space<vmem_shared>>
    %dma_wait3A_529 = arith.constant 0 : i32
    %dma_wait3A_530 = tpu.memref_slice %arg6[%add3A_523, %dma_wait3A_529] : memref<10000x16xf32, #tpu.memory_space<vmem_shared>> -> memref<25x16xf32, #tpu.memory_space<vmem_shared>>
    %dma_wait3A_531 = arith.constant 0 : i32
    %dma_wait3A_532 = arith.constant 0 : i32
    %dma_wait3A_533 = tpu.memref_slice %arg5[%dma_wait3A_531, %dma_wait3A_532] : memref<125x16xf32, #tpu.memory_space<vmem>> -> memref<25x16xf32, #tpu.memory_space<vmem>>
    tpu.wait_dma2 semaphore(%arg7 : memref<!tpu.dma_semaphore, #tpu.memory_space<semaphore_mem>>) src(%dma_wait3A_533 : memref<25x16xf32, #tpu.memory_space<vmem>>) dst(%dma_wait3A_530 : memref<25x16xf32, #tpu.memory_space<vmem_shared>>)
    %mul3A_534 = arith.constant 625 : i32
    %mul3A_535 = arith.muli %arg1, %mul3A_534 : i32
    %add3A_536 = arith.constant 325 : i32
    %add3A_537 = arith.addi %mul3A_535, %add3A_536 : i32
    %dma_wait3A_538 = arith.constant 0 : i32
    %dma_wait3A_539 = arith.constant 0 : i32
    %dma_wait3A_540 = tpu.memref_slice %arg5[%dma_wait3A_538, %dma_wait3A_539] : memref<125x16xf32, #tpu.memory_space<vmem>> -> memref<25x16xf32, #tpu.memory_space<vmem>>
    %dma_wait3A_541 = arith.constant 0 : i32
    %dma_wait3A_542 = tpu.memref_slice %arg6[%add3A_537, %dma_wait3A_541] : memref<10000x16xf32, #tpu.memory_space<vmem_shared>> -> memref<25x16xf32, #tpu.memory_space<vmem_shared>>
    %dma_wait3A_543 = arith.constant 0 : i32
    %dma_wait3A_544 = tpu.memref_slice %arg6[%add3A_537, %dma_wait3A_543] : memref<10000x16xf32, #tpu.memory_space<vmem_shared>> -> memref<25x16xf32, #tpu.memory_space<vmem_shared>>
    %dma_wait3A_545 = arith.constant 0 : i32
    %dma_wait3A_546 = arith.constant 0 : i32
    %dma_wait3A_547 = tpu.memref_slice %arg5[%dma_wait3A_545, %dma_wait3A_546] : memref<125x16xf32, #tpu.memory_space<vmem>> -> memref<25x16xf32, #tpu.memory_space<vmem>>
    tpu.wait_dma2 semaphore(%arg7 : memref<!tpu.dma_semaphore, #tpu.memory_space<semaphore_mem>>) src(%dma_wait3A_547 : memref<25x16xf32, #tpu.memory_space<vmem>>) dst(%dma_wait3A_544 : memref<25x16xf32, #tpu.memory_space<vmem_shared>>)
    %mul3A_548 = arith.constant 625 : i32
    %mul3A_549 = arith.muli %arg1, %mul3A_548 : i32
    %add3A_550 = arith.constant 350 : i32
    %add3A_551 = arith.addi %mul3A_549, %add3A_550 : i32
    %dma_wait3A_552 = arith.constant 0 : i32
    %dma_wait3A_553 = arith.constant 0 : i32
    %dma_wait3A_554 = tpu.memref_slice %arg5[%dma_wait3A_552, %dma_wait3A_553] : memref<125x16xf32, #tpu.memory_space<vmem>> -> memref<25x16xf32, #tpu.memory_space<vmem>>
    %dma_wait3A_555 = arith.constant 0 : i32
    %dma_wait3A_556 = tpu.memref_slice %arg6[%add3A_551, %dma_wait3A_555] : memref<10000x16xf32, #tpu.memory_space<vmem_shared>> -> memref<25x16xf32, #tpu.memory_space<vmem_shared>>
    %dma_wait3A_557 = arith.constant 0 : i32
    %dma_wait3A_558 = tpu.memref_slice %arg6[%add3A_551, %dma_wait3A_557] : memref<10000x16xf32, #tpu.memory_space<vmem_shared>> -> memref<25x16xf32, #tpu.memory_space<vmem_shared>>
    %dma_wait3A_559 = arith.constant 0 : i32
    %dma_wait3A_560 = arith.constant 0 : i32
    %dma_wait3A_561 = tpu.memref_slice %arg5[%dma_wait3A_559, %dma_wait3A_560] : memref<125x16xf32, #tpu.memory_space<vmem>> -> memref<25x16xf32, #tpu.memory_space<vmem>>
    tpu.wait_dma2 semaphore(%arg7 : memref<!tpu.dma_semaphore, #tpu.memory_space<semaphore_mem>>) src(%dma_wait3A_561 : memref<25x16xf32, #tpu.memory_space<vmem>>) dst(%dma_wait3A_558 : memref<25x16xf32, #tpu.memory_space<vmem_shared>>)
    %mul3A_562 = arith.constant 625 : i32
    %mul3A_563 = arith.muli %arg1, %mul3A_562 : i32
    %add3A_564 = arith.constant 375 : i32
    %add3A_565 = arith.addi %mul3A_563, %add3A_564 : i32
    %dma_wait3A_566 = arith.constant 0 : i32
    %dma_wait3A_567 = arith.constant 0 : i32
    %dma_wait3A_568 = tpu.memref_slice %arg5[%dma_wait3A_566, %dma_wait3A_567] : memref<125x16xf32, #tpu.memory_space<vmem>> -> memref<25x16xf32, #tpu.memory_space<vmem>>
    %dma_wait3A_569 = arith.constant 0 : i32
    %dma_wait3A_570 = tpu.memref_slice %arg6[%add3A_565, %dma_wait3A_569] : memref<10000x16xf32, #tpu.memory_space<vmem_shared>> -> memref<25x16xf32, #tpu.memory_space<vmem_shared>>
    %dma_wait3A_571 = arith.constant 0 : i32
    %dma_wait3A_572 = tpu.memref_slice %arg6[%add3A_565, %dma_wait3A_571] : memref<10000x16xf32, #tpu.memory_space<vmem_shared>> -> memref<25x16xf32, #tpu.memory_space<vmem_shared>>
    %dma_wait3A_573 = arith.constant 0 : i32
    %dma_wait3A_574 = arith.constant 0 : i32
    %dma_wait3A_575 = tpu.memref_slice %arg5[%dma_wait3A_573, %dma_wait3A_574] : memref<125x16xf32, #tpu.memory_space<vmem>> -> memref<25x16xf32, #tpu.memory_space<vmem>>
    tpu.wait_dma2 semaphore(%arg7 : memref<!tpu.dma_semaphore, #tpu.memory_space<semaphore_mem>>) src(%dma_wait3A_575 : memref<25x16xf32, #tpu.memory_space<vmem>>) dst(%dma_wait3A_572 : memref<25x16xf32, #tpu.memory_space<vmem_shared>>)
    %mul3A_576 = arith.constant 625 : i32
    %mul3A_577 = arith.muli %arg1, %mul3A_576 : i32
    %add3A_578 = arith.constant 400 : i32
    %add3A_579 = arith.addi %mul3A_577, %add3A_578 : i32
    %dma_wait3A_580 = arith.constant 0 : i32
    %dma_wait3A_581 = arith.constant 0 : i32
    %dma_wait3A_582 = tpu.memref_slice %arg5[%dma_wait3A_580, %dma_wait3A_581] : memref<125x16xf32, #tpu.memory_space<vmem>> -> memref<25x16xf32, #tpu.memory_space<vmem>>
    %dma_wait3A_583 = arith.constant 0 : i32
    %dma_wait3A_584 = tpu.memref_slice %arg6[%add3A_579, %dma_wait3A_583] : memref<10000x16xf32, #tpu.memory_space<vmem_shared>> -> memref<25x16xf32, #tpu.memory_space<vmem_shared>>
    %dma_wait3A_585 = arith.constant 0 : i32
    %dma_wait3A_586 = tpu.memref_slice %arg6[%add3A_579, %dma_wait3A_585] : memref<10000x16xf32, #tpu.memory_space<vmem_shared>> -> memref<25x16xf32, #tpu.memory_space<vmem_shared>>
    %dma_wait3A_587 = arith.constant 0 : i32
    %dma_wait3A_588 = arith.constant 0 : i32
    %dma_wait3A_589 = tpu.memref_slice %arg5[%dma_wait3A_587, %dma_wait3A_588] : memref<125x16xf32, #tpu.memory_space<vmem>> -> memref<25x16xf32, #tpu.memory_space<vmem>>
    tpu.wait_dma2 semaphore(%arg7 : memref<!tpu.dma_semaphore, #tpu.memory_space<semaphore_mem>>) src(%dma_wait3A_589 : memref<25x16xf32, #tpu.memory_space<vmem>>) dst(%dma_wait3A_586 : memref<25x16xf32, #tpu.memory_space<vmem_shared>>)
    %mul3A_590 = arith.constant 625 : i32
    %mul3A_591 = arith.muli %arg1, %mul3A_590 : i32
    %add3A_592 = arith.constant 425 : i32
    %add3A_593 = arith.addi %mul3A_591, %add3A_592 : i32
    %dma_wait3A_594 = arith.constant 0 : i32
    %dma_wait3A_595 = arith.constant 0 : i32
    %dma_wait3A_596 = tpu.memref_slice %arg5[%dma_wait3A_594, %dma_wait3A_595] : memref<125x16xf32, #tpu.memory_space<vmem>> -> memref<25x16xf32, #tpu.memory_space<vmem>>
    %dma_wait3A_597 = arith.constant 0 : i32
    %dma_wait3A_598 = tpu.memref_slice %arg6[%add3A_593, %dma_wait3A_597] : memref<10000x16xf32, #tpu.memory_space<vmem_shared>> -> memref<25x16xf32, #tpu.memory_space<vmem_shared>>
    %dma_wait3A_599 = arith.constant 0 : i32
    %dma_wait3A_600 = tpu.memref_slice %arg6[%add3A_593, %dma_wait3A_599] : memref<10000x16xf32, #tpu.memory_space<vmem_shared>> -> memref<25x16xf32, #tpu.memory_space<vmem_shared>>
    %dma_wait3A_601 = arith.constant 0 : i32
    %dma_wait3A_602 = arith.constant 0 : i32
    %dma_wait3A_603 = tpu.memref_slice %arg5[%dma_wait3A_601, %dma_wait3A_602] : memref<125x16xf32, #tpu.memory_space<vmem>> -> memref<25x16xf32, #tpu.memory_space<vmem>>
    tpu.wait_dma2 semaphore(%arg7 : memref<!tpu.dma_semaphore, #tpu.memory_space<semaphore_mem>>) src(%dma_wait3A_603 : memref<25x16xf32, #tpu.memory_space<vmem>>) dst(%dma_wait3A_600 : memref<25x16xf32, #tpu.memory_space<vmem_shared>>)
    %mul3A_604 = arith.constant 625 : i32
    %mul3A_605 = arith.muli %arg1, %mul3A_604 : i32
    %add3A_606 = arith.constant 450 : i32
    %add3A_607 = arith.addi %mul3A_605, %add3A_606 : i32
    %dma_wait3A_608 = arith.constant 0 : i32
    %dma_wait3A_609 = arith.constant 0 : i32
    %dma_wait3A_610 = tpu.memref_slice %arg5[%dma_wait3A_608, %dma_wait3A_609] : memref<125x16xf32, #tpu.memory_space<vmem>> -> memref<25x16xf32, #tpu.memory_space<vmem>>
    %dma_wait3A_611 = arith.constant 0 : i32
    %dma_wait3A_612 = tpu.memref_slice %arg6[%add3A_607, %dma_wait3A_611] : memref<10000x16xf32, #tpu.memory_space<vmem_shared>> -> memref<25x16xf32, #tpu.memory_space<vmem_shared>>
    %dma_wait3A_613 = arith.constant 0 : i32
    %dma_wait3A_614 = tpu.memref_slice %arg6[%add3A_607, %dma_wait3A_613] : memref<10000x16xf32, #tpu.memory_space<vmem_shared>> -> memref<25x16xf32, #tpu.memory_space<vmem_shared>>
    %dma_wait3A_615 = arith.constant 0 : i32
    %dma_wait3A_616 = arith.constant 0 : i32
    %dma_wait3A_617 = tpu.memref_slice %arg5[%dma_wait3A_615, %dma_wait3A_616] : memref<125x16xf32, #tpu.memory_space<vmem>> -> memref<25x16xf32, #tpu.memory_space<vmem>>
    tpu.wait_dma2 semaphore(%arg7 : memref<!tpu.dma_semaphore, #tpu.memory_space<semaphore_mem>>) src(%dma_wait3A_617 : memref<25x16xf32, #tpu.memory_space<vmem>>) dst(%dma_wait3A_614 : memref<25x16xf32, #tpu.memory_space<vmem_shared>>)
    %mul3A_618 = arith.constant 625 : i32
    %mul3A_619 = arith.muli %arg1, %mul3A_618 : i32
    %add3A_620 = arith.constant 475 : i32
    %add3A_621 = arith.addi %mul3A_619, %add3A_620 : i32
    %dma_wait3A_622 = arith.constant 0 : i32
    %dma_wait3A_623 = arith.constant 0 : i32
    %dma_wait3A_624 = tpu.memref_slice %arg5[%dma_wait3A_622, %dma_wait3A_623] : memref<125x16xf32, #tpu.memory_space<vmem>> -> memref<25x16xf32, #tpu.memory_space<vmem>>
    %dma_wait3A_625 = arith.constant 0 : i32
    %dma_wait3A_626 = tpu.memref_slice %arg6[%add3A_621, %dma_wait3A_625] : memref<10000x16xf32, #tpu.memory_space<vmem_shared>> -> memref<25x16xf32, #tpu.memory_space<vmem_shared>>
    %dma_wait3A_627 = arith.constant 0 : i32
    %dma_wait3A_628 = tpu.memref_slice %arg6[%add3A_621, %dma_wait3A_627] : memref<10000x16xf32, #tpu.memory_space<vmem_shared>> -> memref<25x16xf32, #tpu.memory_space<vmem_shared>>
    %dma_wait3A_629 = arith.constant 0 : i32
    %dma_wait3A_630 = arith.constant 0 : i32
    %dma_wait3A_631 = tpu.memref_slice %arg5[%dma_wait3A_629, %dma_wait3A_630] : memref<125x16xf32, #tpu.memory_space<vmem>> -> memref<25x16xf32, #tpu.memory_space<vmem>>
    tpu.wait_dma2 semaphore(%arg7 : memref<!tpu.dma_semaphore, #tpu.memory_space<semaphore_mem>>) src(%dma_wait3A_631 : memref<25x16xf32, #tpu.memory_space<vmem>>) dst(%dma_wait3A_628 : memref<25x16xf32, #tpu.memory_space<vmem_shared>>)
    %mul3A_632 = arith.constant 625 : i32
    %mul3A_633 = arith.muli %arg1, %mul3A_632 : i32
    %add3A_634 = arith.constant 500 : i32
    %add3A_635 = arith.addi %mul3A_633, %add3A_634 : i32
    %dma_wait3A_636 = arith.constant 0 : i32
    %dma_wait3A_637 = arith.constant 0 : i32
    %dma_wait3A_638 = tpu.memref_slice %arg5[%dma_wait3A_636, %dma_wait3A_637] : memref<125x16xf32, #tpu.memory_space<vmem>> -> memref<25x16xf32, #tpu.memory_space<vmem>>
    %dma_wait3A_639 = arith.constant 0 : i32
    %dma_wait3A_640 = tpu.memref_slice %arg6[%add3A_635, %dma_wait3A_639] : memref<10000x16xf32, #tpu.memory_space<vmem_shared>> -> memref<25x16xf32, #tpu.memory_space<vmem_shared>>
    %dma_wait3A_641 = arith.constant 0 : i32
    %dma_wait3A_642 = tpu.memref_slice %arg6[%add3A_635, %dma_wait3A_641] : memref<10000x16xf32, #tpu.memory_space<vmem_shared>> -> memref<25x16xf32, #tpu.memory_space<vmem_shared>>
    %dma_wait3A_643 = arith.constant 0 : i32
    %dma_wait3A_644 = arith.constant 0 : i32
    %dma_wait3A_645 = tpu.memref_slice %arg5[%dma_wait3A_643, %dma_wait3A_644] : memref<125x16xf32, #tpu.memory_space<vmem>> -> memref<25x16xf32, #tpu.memory_space<vmem>>
    tpu.wait_dma2 semaphore(%arg7 : memref<!tpu.dma_semaphore, #tpu.memory_space<semaphore_mem>>) src(%dma_wait3A_645 : memref<25x16xf32, #tpu.memory_space<vmem>>) dst(%dma_wait3A_642 : memref<25x16xf32, #tpu.memory_space<vmem_shared>>)
    %mul3A_646 = arith.constant 625 : i32
    %mul3A_647 = arith.muli %arg1, %mul3A_646 : i32
    %add3A_648 = arith.constant 525 : i32
    %add3A_649 = arith.addi %mul3A_647, %add3A_648 : i32
    %dma_wait3A_650 = arith.constant 0 : i32
    %dma_wait3A_651 = arith.constant 0 : i32
    %dma_wait3A_652 = tpu.memref_slice %arg5[%dma_wait3A_650, %dma_wait3A_651] : memref<125x16xf32, #tpu.memory_space<vmem>> -> memref<25x16xf32, #tpu.memory_space<vmem>>
    %dma_wait3A_653 = arith.constant 0 : i32
    %dma_wait3A_654 = tpu.memref_slice %arg6[%add3A_649, %dma_wait3A_653] : memref<10000x16xf32, #tpu.memory_space<vmem_shared>> -> memref<25x16xf32, #tpu.memory_space<vmem_shared>>
    %dma_wait3A_655 = arith.constant 0 : i32
    %dma_wait3A_656 = tpu.memref_slice %arg6[%add3A_649, %dma_wait3A_655] : memref<10000x16xf32, #tpu.memory_space<vmem_shared>> -> memref<25x16xf32, #tpu.memory_space<vmem_shared>>
    %dma_wait3A_657 = arith.constant 0 : i32
    %dma_wait3A_658 = arith.constant 0 : i32
    %dma_wait3A_659 = tpu.memref_slice %arg5[%dma_wait3A_657, %dma_wait3A_658] : memref<125x16xf32, #tpu.memory_space<vmem>> -> memref<25x16xf32, #tpu.memory_space<vmem>>
    tpu.wait_dma2 semaphore(%arg7 : memref<!tpu.dma_semaphore, #tpu.memory_space<semaphore_mem>>) src(%dma_wait3A_659 : memref<25x16xf32, #tpu.memory_space<vmem>>) dst(%dma_wait3A_656 : memref<25x16xf32, #tpu.memory_space<vmem_shared>>)
    %mul3A_660 = arith.constant 625 : i32
    %mul3A_661 = arith.muli %arg1, %mul3A_660 : i32
    %add3A_662 = arith.constant 550 : i32
    %add3A_663 = arith.addi %mul3A_661, %add3A_662 : i32
    %dma_wait3A_664 = arith.constant 0 : i32
    %dma_wait3A_665 = arith.constant 0 : i32
    %dma_wait3A_666 = tpu.memref_slice %arg5[%dma_wait3A_664, %dma_wait3A_665] : memref<125x16xf32, #tpu.memory_space<vmem>> -> memref<25x16xf32, #tpu.memory_space<vmem>>
    %dma_wait3A_667 = arith.constant 0 : i32
    %dma_wait3A_668 = tpu.memref_slice %arg6[%add3A_663, %dma_wait3A_667] : memref<10000x16xf32, #tpu.memory_space<vmem_shared>> -> memref<25x16xf32, #tpu.memory_space<vmem_shared>>
    %dma_wait3A_669 = arith.constant 0 : i32
    %dma_wait3A_670 = tpu.memref_slice %arg6[%add3A_663, %dma_wait3A_669] : memref<10000x16xf32, #tpu.memory_space<vmem_shared>> -> memref<25x16xf32, #tpu.memory_space<vmem_shared>>
    %dma_wait3A_671 = arith.constant 0 : i32
    %dma_wait3A_672 = arith.constant 0 : i32
    %dma_wait3A_673 = tpu.memref_slice %arg5[%dma_wait3A_671, %dma_wait3A_672] : memref<125x16xf32, #tpu.memory_space<vmem>> -> memref<25x16xf32, #tpu.memory_space<vmem>>
    tpu.wait_dma2 semaphore(%arg7 : memref<!tpu.dma_semaphore, #tpu.memory_space<semaphore_mem>>) src(%dma_wait3A_673 : memref<25x16xf32, #tpu.memory_space<vmem>>) dst(%dma_wait3A_670 : memref<25x16xf32, #tpu.memory_space<vmem_shared>>)
    %mul3A_674 = arith.constant 625 : i32
    %mul3A_675 = arith.muli %arg1, %mul3A_674 : i32
    %add3A_676 = arith.constant 575 : i32
    %add3A_677 = arith.addi %mul3A_675, %add3A_676 : i32
    %dma_wait3A_678 = arith.constant 0 : i32
    %dma_wait3A_679 = arith.constant 0 : i32
    %dma_wait3A_680 = tpu.memref_slice %arg5[%dma_wait3A_678, %dma_wait3A_679] : memref<125x16xf32, #tpu.memory_space<vmem>> -> memref<25x16xf32, #tpu.memory_space<vmem>>
    %dma_wait3A_681 = arith.constant 0 : i32
    %dma_wait3A_682 = tpu.memref_slice %arg6[%add3A_677, %dma_wait3A_681] : memref<10000x16xf32, #tpu.memory_space<vmem_shared>> -> memref<25x16xf32, #tpu.memory_space<vmem_shared>>
    %dma_wait3A_683 = arith.constant 0 : i32
    %dma_wait3A_684 = tpu.memref_slice %arg6[%add3A_677, %dma_wait3A_683] : memref<10000x16xf32, #tpu.memory_space<vmem_shared>> -> memref<25x16xf32, #tpu.memory_space<vmem_shared>>
    %dma_wait3A_685 = arith.constant 0 : i32
    %dma_wait3A_686 = arith.constant 0 : i32
    %dma_wait3A_687 = tpu.memref_slice %arg5[%dma_wait3A_685, %dma_wait3A_686] : memref<125x16xf32, #tpu.memory_space<vmem>> -> memref<25x16xf32, #tpu.memory_space<vmem>>
    tpu.wait_dma2 semaphore(%arg7 : memref<!tpu.dma_semaphore, #tpu.memory_space<semaphore_mem>>) src(%dma_wait3A_687 : memref<25x16xf32, #tpu.memory_space<vmem>>) dst(%dma_wait3A_684 : memref<25x16xf32, #tpu.memory_space<vmem_shared>>)
    %mul3A_688 = arith.constant 625 : i32
    %mul3A_689 = arith.muli %arg1, %mul3A_688 : i32
    %add3A_690 = arith.constant 600 : i32
    %add3A_691 = arith.addi %mul3A_689, %add3A_690 : i32
    %dma_wait3A_692 = arith.constant 0 : i32
    %dma_wait3A_693 = arith.constant 0 : i32
    %dma_wait3A_694 = tpu.memref_slice %arg5[%dma_wait3A_692, %dma_wait3A_693] : memref<125x16xf32, #tpu.memory_space<vmem>> -> memref<25x16xf32, #tpu.memory_space<vmem>>
    %dma_wait3A_695 = arith.constant 0 : i32
    %dma_wait3A_696 = tpu.memref_slice %arg6[%add3A_691, %dma_wait3A_695] : memref<10000x16xf32, #tpu.memory_space<vmem_shared>> -> memref<25x16xf32, #tpu.memory_space<vmem_shared>>
    %dma_wait3A_697 = arith.constant 0 : i32
    %dma_wait3A_698 = tpu.memref_slice %arg6[%add3A_691, %dma_wait3A_697] : memref<10000x16xf32, #tpu.memory_space<vmem_shared>> -> memref<25x16xf32, #tpu.memory_space<vmem_shared>>
    %dma_wait3A_699 = arith.constant 0 : i32
    %dma_wait3A_700 = arith.constant 0 : i32
    %dma_wait3A_701 = tpu.memref_slice %arg5[%dma_wait3A_699, %dma_wait3A_700] : memref<125x16xf32, #tpu.memory_space<vmem>> -> memref<25x16xf32, #tpu.memory_space<vmem>>
    tpu.wait_dma2 semaphore(%arg7 : memref<!tpu.dma_semaphore, #tpu.memory_space<semaphore_mem>>) src(%dma_wait3A_701 : memref<25x16xf32, #tpu.memory_space<vmem>>) dst(%dma_wait3A_698 : memref<25x16xf32, #tpu.memory_space<vmem_shared>>)
    %scan3A_702 = arith.constant 0 : i32
    %scan3A_703 = arith.constant 0 : i32
    %scan3A_704 = arith.constant 125 : i32
    %scan3A_705 = arith.addi %scan3A_703, %scan3A_704 : i32
    %scan3A_706 = arith.constant 1 : i32
    %scan3A_707 = scf.for %scan3A_724 = %scan3A_703 to %scan3A_705 step %scan3A_706 iter_args(%scan3A_725 = %scan3A_702) -> (i32)  : i32 {
      %broadcast_in_dim3A = arith.constant 1.000000e+00 : f32
      %broadcast_in_dim3A_726 = vector.broadcast %broadcast_in_dim3A : f32 to vector<16xf32>
      %swap3A = arith.index_cast %scan3A_724 : i32 to index
      %swap3A_727 = arith.constant 0 : index
      %swap3A_728 = tpu.vector_load %arg5[%swap3A, %swap3A_727] {strides = array<i32>} : memref<125x16xf32, #tpu.memory_space<vmem>>, vector<1x16xf32>,
      %swap3A_729 = vector.shape_cast %swap3A_728 : vector<1x16xf32> to vector<16xf32>
      %swap3A_730 = vector.shape_cast %broadcast_in_dim3A_726 : vector<16xf32> to vector<1x16xf32>
      tpu.vector_store %arg5[%swap3A, %swap3A_727], %swap3A_730 {strides = array<i32>} : memref<125x16xf32, #tpu.memory_space<vmem>>, vector<1x16xf32>,
      %scan3A_731 = arith.constant 0 : i32
      scf.yield %scan3A_731 : i32
    }
    %scan3A_708 = arith.constant 125 : i32
    %mul3A_709 = arith.constant 16 : i32
    %mul3A_710 = arith.muli %arg0, %mul3A_709 : i32
    %add3A_711 = arith.addi %mul3A_710, %arg1 : i32
    %mul3A_712 = arith.constant 80 : i32
    %mul3A_713 = arith.muli %add3A_711, %mul3A_712 : i32
    "tpu.region"() ({
      %run_scoped3A = tpu.sem_alloc : memref<!tpu.dma_semaphore, #tpu.memory_space<semaphore_mem>>
      %dma_start3A_724 = arith.constant 0 : i32
      %dma_start3A_725 = tpu.memref_slice %arg2[%mul3A_713, %dma_start3A_724] : memref<2560x125xi32, #tpu.memory_space<hbm>> -> memref<80x125xi32, #tpu.memory_space<hbm>>
      %dma_start3A_726 = arith.constant 0 : i32
      %dma_start3A_727 = tpu.memref_slice %arg2[%mul3A_713, %dma_start3A_726] : memref<2560x125xi32, #tpu.memory_space<hbm>> -> memref<80x125xi32, #tpu.memory_space<hbm>>
      tpu.enqueue_dma source(%dma_start3A_727 : memref<80x125xi32, #tpu.memory_space<hbm>>) target(%arg4 : memref<80x125xi32, #tpu.memory_space<vmem>>) target_semaphore(%run_scoped3A : memref<!tpu.dma_semaphore, #tpu.memory_space<semaphore_mem>>)
      %dma_wait3A_728 = arith.constant 0 : i32
      %dma_wait3A_729 = tpu.memref_slice %arg2[%mul3A_713, %dma_wait3A_728] : memref<2560x125xi32, #tpu.memory_space<hbm>> -> memref<80x125xi32, #tpu.memory_space<hbm>>
      %dma_wait3A_730 = arith.constant 0 : i32
      %dma_wait3A_731 = tpu.memref_slice %arg2[%mul3A_713, %dma_wait3A_730] : memref<2560x125xi32, #tpu.memory_space<hbm>> -> memref<80x125xi32, #tpu.memory_space<hbm>>
      tpu.wait_dma2 semaphore(%run_scoped3A : memref<!tpu.dma_semaphore, #tpu.memory_space<semaphore_mem>>) src(%dma_wait3A_731 : memref<80x125xi32, #tpu.memory_space<hbm>>) dst(%arg4 : memref<80x125xi32, #tpu.memory_space<vmem>>)
      tpu.yield
    }) : () -> ()
    %barrier3A = arith.constant 0 : index
    tpu.barrier barrier_id(%barrier3A)
    %scan3A_714 = arith.constant 0 : i32
    %scan3A_715 = arith.constant 0 : i32
    %scan3A_716 = arith.constant 10 : i32
    %scan3A_717 = arith.addi %scan3A_715, %scan3A_716 : i32
    %scan3A_718 = arith.constant 1 : i32
    %scan3A_719 = scf.for %scan3A_724 = %scan3A_715 to %scan3A_717 step %scan3A_718 iter_args(%scan3A_725 = %scan3A_714) -> (i32)  : i32 {
      %mul3A_726 = arith.constant 8 : i32
      %mul3A_727 = arith.muli %scan3A_724, %mul3A_726 : i32
      %add3A_728 = arith.constant 0 : i32
      %add3A_729 = arith.addi %mul3A_727, %add3A_728 : i32
      %dma_start3A_730 = arith.constant 0 : i32
      %dma_start3A_731 = tpu.memref_slice %arg4[%add3A_729, %dma_start3A_730] : memref<80x125xi32, #tpu.memory_space<vmem>> -> memref<1x125xi32, #tpu.memory_space<vmem>>
      %dma_start3A_732 = tpu.memref_squeeze %dma_start3A_731 : memref<1x125xi32, #tpu.memory_space<vmem>> -> memref<125xi32, #tpu.memory_space<vmem>>
      %dma_start3A_733 = arith.constant 0 : i32
      %dma_start3A_734 = arith.constant 0 : i32
      %dma_start3A_735 = tpu.memref_slice %arg6[%dma_start3A_733, %dma_start3A_734] : memref<10000x16xf32, #tpu.memory_space<vmem_shared>> -> memref<10000x16xf32, #tpu.memory_space<vmem_shared>>
      tpu.enqueue_indirect_dma source(%arg5 : memref<125x16xf32, #tpu.memory_space<vmem>>) target(%dma_start3A_735 : memref<10000x16xf32, #tpu.memory_space<vmem_shared>>) offsets(%dma_start3A_732 : memref<125xi32, #tpu.memory_space<vmem>>) semaphore(%arg7 : memref<!tpu.dma_semaphore, #tpu.memory_space<semaphore_mem>>) {add = true}
      %mul3A_736 = arith.constant 8 : i32
      %mul3A_737 = arith.muli %scan3A_724, %mul3A_736 : i32
      %add3A_738 = arith.constant 1 : i32
      %add3A_739 = arith.addi %mul3A_737, %add3A_738 : i32
      %dma_start3A_740 = arith.constant 0 : i32
      %dma_start3A_741 = tpu.memref_slice %arg4[%add3A_739, %dma_start3A_740] : memref<80x125xi32, #tpu.memory_space<vmem>> -> memref<1x125xi32, #tpu.memory_space<vmem>>
      %dma_start3A_742 = tpu.memref_squeeze %dma_start3A_741 : memref<1x125xi32, #tpu.memory_space<vmem>> -> memref<125xi32, #tpu.memory_space<vmem>>
      %dma_start3A_743 = arith.constant 0 : i32
      %dma_start3A_744 = arith.constant 0 : i32
      %dma_start3A_745 = tpu.memref_slice %arg6[%dma_start3A_743, %dma_start3A_744] : memref<10000x16xf32, #tpu.memory_space<vmem_shared>> -> memref<10000x16xf32, #tpu.memory_space<vmem_shared>>
      tpu.enqueue_indirect_dma source(%arg5 : memref<125x16xf32, #tpu.memory_space<vmem>>) target(%dma_start3A_745 : memref<10000x16xf32, #tpu.memory_space<vmem_shared>>) offsets(%dma_start3A_742 : memref<125xi32, #tpu.memory_space<vmem>>) semaphore(%arg7 : memref<!tpu.dma_semaphore, #tpu.memory_space<semaphore_mem>>) {add = true}
      %mul3A_746 = arith.constant 8 : i32
      %mul3A_747 = arith.muli %scan3A_724, %mul3A_746 : i32
      %add3A_748 = arith.constant 2 : i32
      %add3A_749 = arith.addi %mul3A_747, %add3A_748 : i32
      %dma_start3A_750 = arith.constant 0 : i32
      %dma_start3A_751 = tpu.memref_slice %arg4[%add3A_749, %dma_start3A_750] : memref<80x125xi32, #tpu.memory_space<vmem>> -> memref<1x125xi32, #tpu.memory_space<vmem>>
      %dma_start3A_752 = tpu.memref_squeeze %dma_start3A_751 : memref<1x125xi32, #tpu.memory_space<vmem>> -> memref<125xi32, #tpu.memory_space<vmem>>
      %dma_start3A_753 = arith.constant 0 : i32
      %dma_start3A_754 = arith.constant 0 : i32
      %dma_start3A_755 = tpu.memref_slice %arg6[%dma_start3A_753, %dma_start3A_754] : memref<10000x16xf32, #tpu.memory_space<vmem_shared>> -> memref<10000x16xf32, #tpu.memory_space<vmem_shared>>
      tpu.enqueue_indirect_dma source(%arg5 : memref<125x16xf32, #tpu.memory_space<vmem>>) target(%dma_start3A_755 : memref<10000x16xf32, #tpu.memory_space<vmem_shared>>) offsets(%dma_start3A_752 : memref<125xi32, #tpu.memory_space<vmem>>) semaphore(%arg7 : memref<!tpu.dma_semaphore, #tpu.memory_space<semaphore_mem>>) {add = true}
      %mul3A_756 = arith.constant 8 : i32
      %mul3A_757 = arith.muli %scan3A_724, %mul3A_756 : i32
      %add3A_758 = arith.constant 3 : i32
      %add3A_759 = arith.addi %mul3A_757, %add3A_758 : i32
      %dma_start3A_760 = arith.constant 0 : i32
      %dma_start3A_761 = tpu.memref_slice %arg4[%add3A_759, %dma_start3A_760] : memref<80x125xi32, #tpu.memory_space<vmem>> -> memref<1x125xi32, #tpu.memory_space<vmem>>
      %dma_start3A_762 = tpu.memref_squeeze %dma_start3A_761 : memref<1x125xi32, #tpu.memory_space<vmem>> -> memref<125xi32, #tpu.memory_space<vmem>>
      %dma_start3A_763 = arith.constant 0 : i32
      %dma_start3A_764 = arith.constant 0 : i32
      %dma_start3A_765 = tpu.memref_slice %arg6[%dma_start3A_763, %dma_start3A_764] : memref<10000x16xf32, #tpu.memory_space<vmem_shared>> -> memref<10000x16xf32, #tpu.memory_space<vmem_shared>>
      tpu.enqueue_indirect_dma source(%arg5 : memref<125x16xf32, #tpu.memory_space<vmem>>) target(%dma_start3A_765 : memref<10000x16xf32, #tpu.memory_space<vmem_shared>>) offsets(%dma_start3A_762 : memref<125xi32, #tpu.memory_space<vmem>>) semaphore(%arg7 : memref<!tpu.dma_semaphore, #tpu.memory_space<semaphore_mem>>) {add = true}
      %mul3A_766 = arith.constant 8 : i32
      %mul3A_767 = arith.muli %scan3A_724, %mul3A_766 : i32
      %add3A_768 = arith.constant 4 : i32
      %add3A_769 = arith.addi %mul3A_767, %add3A_768 : i32
      %dma_start3A_770 = arith.constant 0 : i32
      %dma_start3A_771 = tpu.memref_slice %arg4[%add3A_769, %dma_start3A_770] : memref<80x125xi32, #tpu.memory_space<vmem>> -> memref<1x125xi32, #tpu.memory_space<vmem>>
      %dma_start3A_772 = tpu.memref_squeeze %dma_start3A_771 : memref<1x125xi32, #tpu.memory_space<vmem>> -> memref<125xi32, #tpu.memory_space<vmem>>
      %dma_start3A_773 = arith.constant 0 : i32
      %dma_start3A_774 = arith.constant 0 : i32
      %dma_start3A_775 = tpu.memref_slice %arg6[%dma_start3A_773, %dma_start3A_774] : memref<10000x16xf32, #tpu.memory_space<vmem_shared>> -> memref<10000x16xf32, #tpu.memory_space<vmem_shared>>
      tpu.enqueue_indirect_dma source(%arg5 : memref<125x16xf32, #tpu.memory_space<vmem>>) target(%dma_start3A_775 : memref<10000x16xf32, #tpu.memory_space<vmem_shared>>) offsets(%dma_start3A_772 : memref<125xi32, #tpu.memory_space<vmem>>) semaphore(%arg7 : memref<!tpu.dma_semaphore, #tpu.memory_space<semaphore_mem>>) {add = true}
      %mul3A_776 = arith.constant 8 : i32
      %mul3A_777 = arith.muli %scan3A_724, %mul3A_776 : i32
      %add3A_778 = arith.constant 5 : i32
      %add3A_779 = arith.addi %mul3A_777, %add3A_778 : i32
      %dma_start3A_780 = arith.constant 0 : i32
      %dma_start3A_781 = tpu.memref_slice %arg4[%add3A_779, %dma_start3A_780] : memref<80x125xi32, #tpu.memory_space<vmem>> -> memref<1x125xi32, #tpu.memory_space<vmem>>
      %dma_start3A_782 = tpu.memref_squeeze %dma_start3A_781 : memref<1x125xi32, #tpu.memory_space<vmem>> -> memref<125xi32, #tpu.memory_space<vmem>>
      %dma_start3A_783 = arith.constant 0 : i32
      %dma_start3A_784 = arith.constant 0 : i32
      %dma_start3A_785 = tpu.memref_slice %arg6[%dma_start3A_783, %dma_start3A_784] : memref<10000x16xf32, #tpu.memory_space<vmem_shared>> -> memref<10000x16xf32, #tpu.memory_space<vmem_shared>>
      tpu.enqueue_indirect_dma source(%arg5 : memref<125x16xf32, #tpu.memory_space<vmem>>) target(%dma_start3A_785 : memref<10000x16xf32, #tpu.memory_space<vmem_shared>>) offsets(%dma_start3A_782 : memref<125xi32, #tpu.memory_space<vmem>>) semaphore(%arg7 : memref<!tpu.dma_semaphore, #tpu.memory_space<semaphore_mem>>) {add = true}
      %mul3A_786 = arith.constant 8 : i32
      %mul3A_787 = arith.muli %scan3A_724, %mul3A_786 : i32
      %add3A_788 = arith.constant 6 : i32
      %add3A_789 = arith.addi %mul3A_787, %add3A_788 : i32
      %dma_start3A_790 = arith.constant 0 : i32
      %dma_start3A_791 = tpu.memref_slice %arg4[%add3A_789, %dma_start3A_790] : memref<80x125xi32, #tpu.memory_space<vmem>> -> memref<1x125xi32, #tpu.memory_space<vmem>>
      %dma_start3A_792 = tpu.memref_squeeze %dma_start3A_791 : memref<1x125xi32, #tpu.memory_space<vmem>> -> memref<125xi32, #tpu.memory_space<vmem>>
      %dma_start3A_793 = arith.constant 0 : i32
      %dma_start3A_794 = arith.constant 0 : i32
      %dma_start3A_795 = tpu.memref_slice %arg6[%dma_start3A_793, %dma_start3A_794] : memref<10000x16xf32, #tpu.memory_space<vmem_shared>> -> memref<10000x16xf32, #tpu.memory_space<vmem_shared>>
      tpu.enqueue_indirect_dma source(%arg5 : memref<125x16xf32, #tpu.memory_space<vmem>>) target(%dma_start3A_795 : memref<10000x16xf32, #tpu.memory_space<vmem_shared>>) offsets(%dma_start3A_792 : memref<125xi32, #tpu.memory_space<vmem>>) semaphore(%arg7 : memref<!tpu.dma_semaphore, #tpu.memory_space<semaphore_mem>>) {add = true}
      %mul3A_796 = arith.constant 8 : i32
      %mul3A_797 = arith.muli %scan3A_724, %mul3A_796 : i32
      %add3A_798 = arith.constant 7 : i32
      %add3A_799 = arith.addi %mul3A_797, %add3A_798 : i32
      %dma_start3A_800 = arith.constant 0 : i32
      %dma_start3A_801 = tpu.memref_slice %arg4[%add3A_799, %dma_start3A_800] : memref<80x125xi32, #tpu.memory_space<vmem>> -> memref<1x125xi32, #tpu.memory_space<vmem>>
      %dma_start3A_802 = tpu.memref_squeeze %dma_start3A_801 : memref<1x125xi32, #tpu.memory_space<vmem>> -> memref<125xi32, #tpu.memory_space<vmem>>
      %dma_start3A_803 = arith.constant 0 : i32
      %dma_start3A_804 = arith.constant 0 : i32
      %dma_start3A_805 = tpu.memref_slice %arg6[%dma_start3A_803, %dma_start3A_804] : memref<10000x16xf32, #tpu.memory_space<vmem_shared>> -> memref<10000x16xf32, #tpu.memory_space<vmem_shared>>
      tpu.enqueue_indirect_dma source(%arg5 : memref<125x16xf32, #tpu.memory_space<vmem>>) target(%dma_start3A_805 : memref<10000x16xf32, #tpu.memory_space<vmem_shared>>) offsets(%dma_start3A_802 : memref<125xi32, #tpu.memory_space<vmem>>) semaphore(%arg7 : memref<!tpu.dma_semaphore, #tpu.memory_space<semaphore_mem>>) {add = true}
      %mul3A_806 = arith.constant 8 : i32
      %mul3A_807 = arith.muli %scan3A_724, %mul3A_806 : i32
      %add3A_808 = arith.constant 0 : i32
      %add3A_809 = arith.addi %mul3A_807, %add3A_808 : i32
      %dma_wait3A_810 = arith.constant 0 : i32
      %dma_wait3A_811 = tpu.memref_slice %arg4[%add3A_809, %dma_wait3A_810] : memref<80x125xi32, #tpu.memory_space<vmem>> -> memref<1x125xi32, #tpu.memory_space<vmem>>
      %dma_wait3A_812 = tpu.memref_squeeze %dma_wait3A_811 : memref<1x125xi32, #tpu.memory_space<vmem>> -> memref<125xi32, #tpu.memory_space<vmem>>
      %dma_wait3A_813 = arith.constant 0 : i32
      %dma_wait3A_814 = arith.constant 0 : i32
      %dma_wait3A_815 = tpu.memref_slice %arg6[%dma_wait3A_813, %dma_wait3A_814] : memref<10000x16xf32, #tpu.memory_space<vmem_shared>> -> memref<10000x16xf32, #tpu.memory_space<vmem_shared>>
      tpu.wait_indirect_dma semaphore(%arg7 : memref<!tpu.dma_semaphore, #tpu.memory_space<semaphore_mem>>) src(%arg5 : memref<125x16xf32, #tpu.memory_space<vmem>>) dst(%dma_wait3A_815 : memref<10000x16xf32, #tpu.memory_space<vmem_shared>>)
      %mul3A_816 = arith.constant 8 : i32
      %mul3A_817 = arith.muli %scan3A_724, %mul3A_816 : i32
      %add3A_818 = arith.constant 1 : i32
      %add3A_819 = arith.addi %mul3A_817, %add3A_818 : i32
      %dma_wait3A_820 = arith.constant 0 : i32
      %dma_wait3A_821 = tpu.memref_slice %arg4[%add3A_819, %dma_wait3A_820] : memref<80x125xi32, #tpu.memory_space<vmem>> -> memref<1x125xi32, #tpu.memory_space<vmem>>
      %dma_wait3A_822 = tpu.memref_squeeze %dma_wait3A_821 : memref<1x125xi32, #tpu.memory_space<vmem>> -> memref<125xi32, #tpu.memory_space<vmem>>
      %dma_wait3A_823 = arith.constant 0 : i32
      %dma_wait3A_824 = arith.constant 0 : i32
      %dma_wait3A_825 = tpu.memref_slice %arg6[%dma_wait3A_823, %dma_wait3A_824] : memref<10000x16xf32, #tpu.memory_space<vmem_shared>> -> memref<10000x16xf32, #tpu.memory_space<vmem_shared>>
      tpu.wait_indirect_dma semaphore(%arg7 : memref<!tpu.dma_semaphore, #tpu.memory_space<semaphore_mem>>) src(%arg5 : memref<125x16xf32, #tpu.memory_space<vmem>>) dst(%dma_wait3A_825 : memref<10000x16xf32, #tpu.memory_space<vmem_shared>>)
      %mul3A_826 = arith.constant 8 : i32
      %mul3A_827 = arith.muli %scan3A_724, %mul3A_826 : i32
      %add3A_828 = arith.constant 2 : i32
      %add3A_829 = arith.addi %mul3A_827, %add3A_828 : i32
      %dma_wait3A_830 = arith.constant 0 : i32
      %dma_wait3A_831 = tpu.memref_slice %arg4[%add3A_829, %dma_wait3A_830] : memref<80x125xi32, #tpu.memory_space<vmem>> -> memref<1x125xi32, #tpu.memory_space<vmem>>
      %dma_wait3A_832 = tpu.memref_squeeze %dma_wait3A_831 : memref<1x125xi32, #tpu.memory_space<vmem>> -> memref<125xi32, #tpu.memory_space<vmem>>
      %dma_wait3A_833 = arith.constant 0 : i32
      %dma_wait3A_834 = arith.constant 0 : i32
      %dma_wait3A_835 = tpu.memref_slice %arg6[%dma_wait3A_833, %dma_wait3A_834] : memref<10000x16xf32, #tpu.memory_space<vmem_shared>> -> memref<10000x16xf32, #tpu.memory_space<vmem_shared>>
      tpu.wait_indirect_dma semaphore(%arg7 : memref<!tpu.dma_semaphore, #tpu.memory_space<semaphore_mem>>) src(%arg5 : memref<125x16xf32, #tpu.memory_space<vmem>>) dst(%dma_wait3A_835 : memref<10000x16xf32, #tpu.memory_space<vmem_shared>>)
      %mul3A_836 = arith.constant 8 : i32
      %mul3A_837 = arith.muli %scan3A_724, %mul3A_836 : i32
      %add3A_838 = arith.constant 3 : i32
      %add3A_839 = arith.addi %mul3A_837, %add3A_838 : i32
      %dma_wait3A_840 = arith.constant 0 : i32
      %dma_wait3A_841 = tpu.memref_slice %arg4[%add3A_839, %dma_wait3A_840] : memref<80x125xi32, #tpu.memory_space<vmem>> -> memref<1x125xi32, #tpu.memory_space<vmem>>
      %dma_wait3A_842 = tpu.memref_squeeze %dma_wait3A_841 : memref<1x125xi32, #tpu.memory_space<vmem>> -> memref<125xi32, #tpu.memory_space<vmem>>
      %dma_wait3A_843 = arith.constant 0 : i32
      %dma_wait3A_844 = arith.constant 0 : i32
      %dma_wait3A_845 = tpu.memref_slice %arg6[%dma_wait3A_843, %dma_wait3A_844] : memref<10000x16xf32, #tpu.memory_space<vmem_shared>> -> memref<10000x16xf32, #tpu.memory_space<vmem_shared>>
      tpu.wait_indirect_dma semaphore(%arg7 : memref<!tpu.dma_semaphore, #tpu.memory_space<semaphore_mem>>) src(%arg5 : memref<125x16xf32, #tpu.memory_space<vmem>>) dst(%dma_wait3A_845 : memref<10000x16xf32, #tpu.memory_space<vmem_shared>>)
      %mul3A_846 = arith.constant 8 : i32
      %mul3A_847 = arith.muli %scan3A_724, %mul3A_846 : i32
      %add3A_848 = arith.constant 4 : i32
      %add3A_849 = arith.addi %mul3A_847, %add3A_848 : i32
      %dma_wait3A_850 = arith.constant 0 : i32
      %dma_wait3A_851 = tpu.memref_slice %arg4[%add3A_849, %dma_wait3A_850] : memref<80x125xi32, #tpu.memory_space<vmem>> -> memref<1x125xi32, #tpu.memory_space<vmem>>
      %dma_wait3A_852 = tpu.memref_squeeze %dma_wait3A_851 : memref<1x125xi32, #tpu.memory_space<vmem>> -> memref<125xi32, #tpu.memory_space<vmem>>
      %dma_wait3A_853 = arith.constant 0 : i32
      %dma_wait3A_854 = arith.constant 0 : i32
      %dma_wait3A_855 = tpu.memref_slice %arg6[%dma_wait3A_853, %dma_wait3A_854] : memref<10000x16xf32, #tpu.memory_space<vmem_shared>> -> memref<10000x16xf32, #tpu.memory_space<vmem_shared>>
      tpu.wait_indirect_dma semaphore(%arg7 : memref<!tpu.dma_semaphore, #tpu.memory_space<semaphore_mem>>) src(%arg5 : memref<125x16xf32, #tpu.memory_space<vmem>>) dst(%dma_wait3A_855 : memref<10000x16xf32, #tpu.memory_space<vmem_shared>>)
      %mul3A_856 = arith.constant 8 : i32
      %mul3A_857 = arith.muli %scan3A_724, %mul3A_856 : i32
      %add3A_858 = arith.constant 5 : i32
      %add3A_859 = arith.addi %mul3A_857, %add3A_858 : i32
      %dma_wait3A_860 = arith.constant 0 : i32
      %dma_wait3A_861 = tpu.memref_slice %arg4[%add3A_859, %dma_wait3A_860] : memref<80x125xi32, #tpu.memory_space<vmem>> -> memref<1x125xi32, #tpu.memory_space<vmem>>
      %dma_wait3A_862 = tpu.memref_squeeze %dma_wait3A_861 : memref<1x125xi32, #tpu.memory_space<vmem>> -> memref<125xi32, #tpu.memory_space<vmem>>
      %dma_wait3A_863 = arith.constant 0 : i32
      %dma_wait3A_864 = arith.constant 0 : i32
      %dma_wait3A_865 = tpu.memref_slice %arg6[%dma_wait3A_863, %dma_wait3A_864] : memref<10000x16xf32, #tpu.memory_space<vmem_shared>> -> memref<10000x16xf32, #tpu.memory_space<vmem_shared>>
      tpu.wait_indirect_dma semaphore(%arg7 : memref<!tpu.dma_semaphore, #tpu.memory_space<semaphore_mem>>) src(%arg5 : memref<125x16xf32, #tpu.memory_space<vmem>>) dst(%dma_wait3A_865 : memref<10000x16xf32, #tpu.memory_space<vmem_shared>>)
      %mul3A_866 = arith.constant 8 : i32
      %mul3A_867 = arith.muli %scan3A_724, %mul3A_866 : i32
      %add3A_868 = arith.constant 6 : i32
      %add3A_869 = arith.addi %mul3A_867, %add3A_868 : i32
      %dma_wait3A_870 = arith.constant 0 : i32
      %dma_wait3A_871 = tpu.memref_slice %arg4[%add3A_869, %dma_wait3A_870] : memref<80x125xi32, #tpu.memory_space<vmem>> -> memref<1x125xi32, #tpu.memory_space<vmem>>
      %dma_wait3A_872 = tpu.memref_squeeze %dma_wait3A_871 : memref<1x125xi32, #tpu.memory_space<vmem>> -> memref<125xi32, #tpu.memory_space<vmem>>
      %dma_wait3A_873 = arith.constant 0 : i32
      %dma_wait3A_874 = arith.constant 0 : i32
      %dma_wait3A_875 = tpu.memref_slice %arg6[%dma_wait3A_873, %dma_wait3A_874] : memref<10000x16xf32, #tpu.memory_space<vmem_shared>> -> memref<10000x16xf32, #tpu.memory_space<vmem_shared>>
      tpu.wait_indirect_dma semaphore(%arg7 : memref<!tpu.dma_semaphore, #tpu.memory_space<semaphore_mem>>) src(%arg5 : memref<125x16xf32, #tpu.memory_space<vmem>>) dst(%dma_wait3A_875 : memref<10000x16xf32, #tpu.memory_space<vmem_shared>>)
      %mul3A_876 = arith.constant 8 : i32
      %mul3A_877 = arith.muli %scan3A_724, %mul3A_876 : i32
      %add3A_878 = arith.constant 7 : i32
      %add3A_879 = arith.addi %mul3A_877, %add3A_878 : i32
      %dma_wait3A_880 = arith.constant 0 : i32
      %dma_wait3A_881 = tpu.memref_slice %arg4[%add3A_879, %dma_wait3A_880] : memref<80x125xi32, #tpu.memory_space<vmem>> -> memref<1x125xi32, #tpu.memory_space<vmem>>
      %dma_wait3A_882 = tpu.memref_squeeze %dma_wait3A_881 : memref<1x125xi32, #tpu.memory_space<vmem>> -> memref<125xi32, #tpu.memory_space<vmem>>
      %dma_wait3A_883 = arith.constant 0 : i32
      %dma_wait3A_884 = arith.constant 0 : i32
      %dma_wait3A_885 = tpu.memref_slice %arg6[%dma_wait3A_883, %dma_wait3A_884] : memref<10000x16xf32, #tpu.memory_space<vmem_shared>> -> memref<10000x16xf32, #tpu.memory_space<vmem_shared>>
      tpu.wait_indirect_dma semaphore(%arg7 : memref<!tpu.dma_semaphore, #tpu.memory_space<semaphore_mem>>) src(%arg5 : memref<125x16xf32, #tpu.memory_space<vmem>>) dst(%dma_wait3A_885 : memref<10000x16xf32, #tpu.memory_space<vmem_shared>>)
      %scan3A_886 = arith.constant 0 : i32
      scf.yield %scan3A_886 : i32
    }
    %scan3A_720 = arith.constant 10 : i32
    %barrier3A_721 = arith.constant 0 : index
    tpu.barrier barrier_id(%barrier3A_721)
    %mul3A_722 = arith.constant 625 : i32
    %mul3A_723 = arith.muli %arg1, %mul3A_722 : i32
    "tpu.region"() ({
      %run_scoped3A = tpu.sem_alloc : memref<!tpu.dma_semaphore, #tpu.memory_space<semaphore_mem>>
      %dma_start3A_724 = arith.constant 0 : i32
      %dma_start3A_725 = arith.constant 0 : i32
      %dma_start3A_726 = tpu.memref_slice %arg3[%arg0, %arg1, %dma_start3A_724, %dma_start3A_725] : memref<2x16x625x16xf32, #tpu.memory_space<hbm>> -> memref<1x1x625x16xf32, #tpu.memory_space<hbm>>
      %dma_start3A_727 = tpu.memref_squeeze %dma_start3A_726 : memref<1x1x625x16xf32, #tpu.memory_space<hbm>> -> memref<625x16xf32, #tpu.memory_space<hbm>>
      %dma_start3A_728 = arith.constant 0 : i32
      %dma_start3A_729 = tpu.memref_slice %arg6[%mul3A_723, %dma_start3A_728] : memref<10000x16xf32, #tpu.memory_space<vmem_shared>> -> memref<625x16xf32, #tpu.memory_space<vmem_shared>>
      tpu.enqueue_dma source(%dma_start3A_729 : memref<625x16xf32, #tpu.memory_space<vmem_shared>>) target(%dma_start3A_727 : memref<625x16xf32, #tpu.memory_space<hbm>>) target_semaphore(%run_scoped3A : memref<!tpu.dma_semaphore, #tpu.memory_space<semaphore_mem>>)
      %dma_wait3A_730 = arith.constant 0 : i32
      %dma_wait3A_731 = arith.constant 0 : i32
      %dma_wait3A_732 = tpu.memref_slice %arg3[%arg0, %arg1, %dma_wait3A_730, %dma_wait3A_731] : memref<2x16x625x16xf32, #tpu.memory_space<hbm>> -> memref<1x1x625x16xf32, #tpu.memory_space<hbm>>
      %dma_wait3A_733 = tpu.memref_squeeze %dma_wait3A_732 : memref<1x1x625x16xf32, #tpu.memory_space<hbm>> -> memref<625x16xf32, #tpu.memory_space<hbm>>
      %dma_wait3A_734 = arith.constant 0 : i32
      %dma_wait3A_735 = tpu.memref_slice %arg6[%mul3A_723, %dma_wait3A_734] : memref<10000x16xf32, #tpu.memory_space<vmem_shared>> -> memref<625x16xf32, #tpu.memory_space<vmem_shared>>
      tpu.wait_dma2 semaphore(%run_scoped3A : memref<!tpu.dma_semaphore, #tpu.memory_space<semaphore_mem>>) src(%dma_wait3A_735 : memref<625x16xf32, #tpu.memory_space<vmem_shared>>) dst(%dma_wait3A_733 : memref<625x16xf32, #tpu.memory_space<hbm>>)
      tpu.yield
    }) : () -> ()
    return
  }
}

#map = affine_map<(d0, d1) -> (0, 0)>
#map1 = affine_map<(d0, d1) -> (0, 0, 0, 0)>
module attributes {stable_mosaic.version = 14 : i64} {
  func.func @_agg_body(%arg0: i32, %arg1: i32, %arg2: memref<2560x125xi32, #tpu.memory_space<hbm>>, %arg3: memref<2560x125xi32, #tpu.memory_space<hbm>>, %arg4: memref<10000x128xf32, #tpu.memory_space<hbm>>, %arg5: memref<2x16x625x128xf32, #tpu.memory_space<hbm>>, %arg6: memref<40x125xi32, #tpu.memory_space<vmem>>, %arg7: memref<40x125xi32, #tpu.memory_space<vmem>>, %arg8: memref<2x125x128xf32, #tpu.memory_space<vmem>>, %arg9: memref<10000x128xf32, #tpu.memory_space<vmem_shared>>, %arg10: memref<!tpu.dma_semaphore, #tpu.memory_space<semaphore_mem>>, %arg11: memref<!tpu.dma_semaphore, #tpu.memory_space<semaphore_mem>>, %arg12: memref<!tpu.dma_semaphore, #tpu.memory_space<semaphore_mem>>, %arg13: memref<!tpu.dma_semaphore, #tpu.memory_space<semaphore_mem>>) attributes {dimension_semantics = [#tpu.dimension_semantics<core_parallel>, #tpu.dimension_semantics<subcore_parallel>], iteration_bounds = array<i64: 2, 16>, scalar_prefetch = 0 : i64, scratch_operands = 8 : i64, tpu.core_type = #tpu.core_type<sc_vector_subcore>, window_params = [{transform_indices = #map}, {transform_indices = #map}, {transform_indices = #map}, {transform_indices = #map1}]} {
    %scan3A = arith.constant 0 : i32
    %scan3A_0 = arith.constant 0 : i32
    %scan3A_1 = arith.constant 125 : i32
    %scan3A_2 = arith.addi %scan3A_0, %scan3A_1 : i32
    %scan3A_3 = arith.constant 1 : i32
    %scan3A_4 = scf.for %scan3A_245 = %scan3A_0 to %scan3A_2 step %scan3A_3 iter_args(%scan3A_246 = %scan3A) -> (i32)  : i32 {
      %broadcast_in_dim3A = arith.constant 0.000000e+00 : f32
      %broadcast_in_dim3A_247 = vector.broadcast %broadcast_in_dim3A : f32 to vector<16xf32>
      %swap3A = arith.constant 0 : i32
      %swap3A_248 = arith.index_cast %swap3A : i32 to index
      %swap3A_249 = arith.index_cast %scan3A_245 : i32 to index
      %swap3A_250 = arith.constant 0 : index
      %swap3A_251 = tpu.vector_load %arg8[%swap3A_248, %swap3A_249, %swap3A_250] {strides = array<i32>} : memref<2x125x128xf32, #tpu.memory_space<vmem>>, vector<1x1x16xf32>,
      %swap3A_252 = vector.shape_cast %swap3A_251 : vector<1x1x16xf32> to vector<16xf32>
      %swap3A_253 = vector.shape_cast %broadcast_in_dim3A_247 : vector<16xf32> to vector<1x1x16xf32>
      tpu.vector_store %arg8[%swap3A_248, %swap3A_249, %swap3A_250], %swap3A_253 {strides = array<i32>} : memref<2x125x128xf32, #tpu.memory_space<vmem>>, vector<1x1x16xf32>,
      %broadcast_in_dim3A_254 = arith.constant 0.000000e+00 : f32
      %broadcast_in_dim3A_255 = vector.broadcast %broadcast_in_dim3A_254 : f32 to vector<16xf32>
      %swap3A_256 = arith.constant 0 : i32
      %swap3A_257 = arith.index_cast %swap3A_256 : i32 to index
      %swap3A_258 = arith.index_cast %scan3A_245 : i32 to index
      %swap3A_259 = arith.constant 16 : index
      %swap3A_260 = tpu.vector_load %arg8[%swap3A_257, %swap3A_258, %swap3A_259] {strides = array<i32>} : memref<2x125x128xf32, #tpu.memory_space<vmem>>, vector<1x1x16xf32>,
      %swap3A_261 = vector.shape_cast %swap3A_260 : vector<1x1x16xf32> to vector<16xf32>
      %swap3A_262 = vector.shape_cast %broadcast_in_dim3A_255 : vector<16xf32> to vector<1x1x16xf32>
      tpu.vector_store %arg8[%swap3A_257, %swap3A_258, %swap3A_259], %swap3A_262 {strides = array<i32>} : memref<2x125x128xf32, #tpu.memory_space<vmem>>, vector<1x1x16xf32>,
      %broadcast_in_dim3A_263 = arith.constant 0.000000e+00 : f32
      %broadcast_in_dim3A_264 = vector.broadcast %broadcast_in_dim3A_263 : f32 to vector<16xf32>
      %swap3A_265 = arith.constant 0 : i32
      %swap3A_266 = arith.index_cast %swap3A_265 : i32 to index
      %swap3A_267 = arith.index_cast %scan3A_245 : i32 to index
      %swap3A_268 = arith.constant 32 : index
      %swap3A_269 = tpu.vector_load %arg8[%swap3A_266, %swap3A_267, %swap3A_268] {strides = array<i32>} : memref<2x125x128xf32, #tpu.memory_space<vmem>>, vector<1x1x16xf32>,
      %swap3A_270 = vector.shape_cast %swap3A_269 : vector<1x1x16xf32> to vector<16xf32>
      %swap3A_271 = vector.shape_cast %broadcast_in_dim3A_264 : vector<16xf32> to vector<1x1x16xf32>
      tpu.vector_store %arg8[%swap3A_266, %swap3A_267, %swap3A_268], %swap3A_271 {strides = array<i32>} : memref<2x125x128xf32, #tpu.memory_space<vmem>>, vector<1x1x16xf32>,
      %broadcast_in_dim3A_272 = arith.constant 0.000000e+00 : f32
      %broadcast_in_dim3A_273 = vector.broadcast %broadcast_in_dim3A_272 : f32 to vector<16xf32>
      %swap3A_274 = arith.constant 0 : i32
      %swap3A_275 = arith.index_cast %swap3A_274 : i32 to index
      %swap3A_276 = arith.index_cast %scan3A_245 : i32 to index
      %swap3A_277 = arith.constant 48 : index
      %swap3A_278 = tpu.vector_load %arg8[%swap3A_275, %swap3A_276, %swap3A_277] {strides = array<i32>} : memref<2x125x128xf32, #tpu.memory_space<vmem>>, vector<1x1x16xf32>,
      %swap3A_279 = vector.shape_cast %swap3A_278 : vector<1x1x16xf32> to vector<16xf32>
      %swap3A_280 = vector.shape_cast %broadcast_in_dim3A_273 : vector<16xf32> to vector<1x1x16xf32>
      tpu.vector_store %arg8[%swap3A_275, %swap3A_276, %swap3A_277], %swap3A_280 {strides = array<i32>} : memref<2x125x128xf32, #tpu.memory_space<vmem>>, vector<1x1x16xf32>,
      %broadcast_in_dim3A_281 = arith.constant 0.000000e+00 : f32
      %broadcast_in_dim3A_282 = vector.broadcast %broadcast_in_dim3A_281 : f32 to vector<16xf32>
      %swap3A_283 = arith.constant 0 : i32
      %swap3A_284 = arith.index_cast %swap3A_283 : i32 to index
      %swap3A_285 = arith.index_cast %scan3A_245 : i32 to index
      %swap3A_286 = arith.constant 64 : index
      %swap3A_287 = tpu.vector_load %arg8[%swap3A_284, %swap3A_285, %swap3A_286] {strides = array<i32>} : memref<2x125x128xf32, #tpu.memory_space<vmem>>, vector<1x1x16xf32>,
      %swap3A_288 = vector.shape_cast %swap3A_287 : vector<1x1x16xf32> to vector<16xf32>
      %swap3A_289 = vector.shape_cast %broadcast_in_dim3A_282 : vector<16xf32> to vector<1x1x16xf32>
      tpu.vector_store %arg8[%swap3A_284, %swap3A_285, %swap3A_286], %swap3A_289 {strides = array<i32>} : memref<2x125x128xf32, #tpu.memory_space<vmem>>, vector<1x1x16xf32>,
      %broadcast_in_dim3A_290 = arith.constant 0.000000e+00 : f32
      %broadcast_in_dim3A_291 = vector.broadcast %broadcast_in_dim3A_290 : f32 to vector<16xf32>
      %swap3A_292 = arith.constant 0 : i32
      %swap3A_293 = arith.index_cast %swap3A_292 : i32 to index
      %swap3A_294 = arith.index_cast %scan3A_245 : i32 to index
      %swap3A_295 = arith.constant 80 : index
      %swap3A_296 = tpu.vector_load %arg8[%swap3A_293, %swap3A_294, %swap3A_295] {strides = array<i32>} : memref<2x125x128xf32, #tpu.memory_space<vmem>>, vector<1x1x16xf32>,
      %swap3A_297 = vector.shape_cast %swap3A_296 : vector<1x1x16xf32> to vector<16xf32>
      %swap3A_298 = vector.shape_cast %broadcast_in_dim3A_291 : vector<16xf32> to vector<1x1x16xf32>
      tpu.vector_store %arg8[%swap3A_293, %swap3A_294, %swap3A_295], %swap3A_298 {strides = array<i32>} : memref<2x125x128xf32, #tpu.memory_space<vmem>>, vector<1x1x16xf32>,
      %broadcast_in_dim3A_299 = arith.constant 0.000000e+00 : f32
      %broadcast_in_dim3A_300 = vector.broadcast %broadcast_in_dim3A_299 : f32 to vector<16xf32>
      %swap3A_301 = arith.constant 0 : i32
      %swap3A_302 = arith.index_cast %swap3A_301 : i32 to index
      %swap3A_303 = arith.index_cast %scan3A_245 : i32 to index
      %swap3A_304 = arith.constant 96 : index
      %swap3A_305 = tpu.vector_load %arg8[%swap3A_302, %swap3A_303, %swap3A_304] {strides = array<i32>} : memref<2x125x128xf32, #tpu.memory_space<vmem>>, vector<1x1x16xf32>,
      %swap3A_306 = vector.shape_cast %swap3A_305 : vector<1x1x16xf32> to vector<16xf32>
      %swap3A_307 = vector.shape_cast %broadcast_in_dim3A_300 : vector<16xf32> to vector<1x1x16xf32>
      tpu.vector_store %arg8[%swap3A_302, %swap3A_303, %swap3A_304], %swap3A_307 {strides = array<i32>} : memref<2x125x128xf32, #tpu.memory_space<vmem>>, vector<1x1x16xf32>,
      %broadcast_in_dim3A_308 = arith.constant 0.000000e+00 : f32
      %broadcast_in_dim3A_309 = vector.broadcast %broadcast_in_dim3A_308 : f32 to vector<16xf32>
      %swap3A_310 = arith.constant 0 : i32
      %swap3A_311 = arith.index_cast %swap3A_310 : i32 to index
      %swap3A_312 = arith.index_cast %scan3A_245 : i32 to index
      %swap3A_313 = arith.constant 112 : index
      %swap3A_314 = tpu.vector_load %arg8[%swap3A_311, %swap3A_312, %swap3A_313] {strides = array<i32>} : memref<2x125x128xf32, #tpu.memory_space<vmem>>, vector<1x1x16xf32>,
      %swap3A_315 = vector.shape_cast %swap3A_314 : vector<1x1x16xf32> to vector<16xf32>
      %swap3A_316 = vector.shape_cast %broadcast_in_dim3A_309 : vector<16xf32> to vector<1x1x16xf32>
      tpu.vector_store %arg8[%swap3A_311, %swap3A_312, %swap3A_313], %swap3A_316 {strides = array<i32>} : memref<2x125x128xf32, #tpu.memory_space<vmem>>, vector<1x1x16xf32>,
      %scan3A_317 = arith.constant 0 : i32
      scf.yield %scan3A_317 : i32
    }
    %scan3A_5 = arith.constant 125 : i32
    %mul3A = arith.constant 625 : i32
    %mul3A_6 = arith.muli %arg1, %mul3A : i32
    %add3A = arith.constant 0 : i32
    %add3A_7 = arith.addi %mul3A_6, %add3A : i32
    %run_scoped3A = arith.constant 0 : i32
    "tpu.region"() ({
      %run_scoped3A_245 = tpu.sem_alloc : memref<!tpu.dma_semaphore, #tpu.memory_space<semaphore_mem>>
      %dma_start3A_246 = arith.constant 0 : i32
      %dma_start3A_247 = arith.constant 0 : i32
      %dma_start3A_248 = tpu.memref_slice %arg8[%run_scoped3A, %dma_start3A_246, %dma_start3A_247] : memref<2x125x128xf32, #tpu.memory_space<vmem>> -> memref<1x125x128xf32, #tpu.memory_space<vmem>>
      %dma_start3A_249 = tpu.memref_squeeze %dma_start3A_248 : memref<1x125x128xf32, #tpu.memory_space<vmem>> -> memref<125x128xf32, #tpu.memory_space<vmem>>
      %dma_start3A_250 = arith.constant 0 : i32
      %dma_start3A_251 = tpu.memref_slice %arg9[%add3A_7, %dma_start3A_250] : memref<10000x128xf32, #tpu.memory_space<vmem_shared>> -> memref<125x128xf32, #tpu.memory_space<vmem_shared>>
      %dma_start3A_252 = arith.constant 0 : i32
      %dma_start3A_253 = tpu.memref_slice %arg9[%add3A_7, %dma_start3A_252] : memref<10000x128xf32, #tpu.memory_space<vmem_shared>> -> memref<125x128xf32, #tpu.memory_space<vmem_shared>>
      %dma_start3A_254 = arith.constant 0 : i32
      %dma_start3A_255 = arith.constant 0 : i32
      %dma_start3A_256 = tpu.memref_slice %arg8[%run_scoped3A, %dma_start3A_254, %dma_start3A_255] : memref<2x125x128xf32, #tpu.memory_space<vmem>> -> memref<1x125x128xf32, #tpu.memory_space<vmem>>
      %dma_start3A_257 = tpu.memref_squeeze %dma_start3A_256 : memref<1x125x128xf32, #tpu.memory_space<vmem>> -> memref<125x128xf32, #tpu.memory_space<vmem>>
      tpu.enqueue_dma source(%dma_start3A_257 : memref<125x128xf32, #tpu.memory_space<vmem>>) target(%dma_start3A_253 : memref<125x128xf32, #tpu.memory_space<vmem_shared>>) target_semaphore(%run_scoped3A_245 : memref<!tpu.dma_semaphore, #tpu.memory_space<semaphore_mem>>)
      %dma_wait3A_258 = arith.constant 0 : i32
      %dma_wait3A_259 = arith.constant 0 : i32
      %dma_wait3A_260 = tpu.memref_slice %arg8[%run_scoped3A, %dma_wait3A_258, %dma_wait3A_259] : memref<2x125x128xf32, #tpu.memory_space<vmem>> -> memref<1x125x128xf32, #tpu.memory_space<vmem>>
      %dma_wait3A_261 = tpu.memref_squeeze %dma_wait3A_260 : memref<1x125x128xf32, #tpu.memory_space<vmem>> -> memref<125x128xf32, #tpu.memory_space<vmem>>
      %dma_wait3A_262 = arith.constant 0 : i32
      %dma_wait3A_263 = tpu.memref_slice %arg9[%add3A_7, %dma_wait3A_262] : memref<10000x128xf32, #tpu.memory_space<vmem_shared>> -> memref<125x128xf32, #tpu.memory_space<vmem_shared>>
      %dma_wait3A_264 = arith.constant 0 : i32
      %dma_wait3A_265 = tpu.memref_slice %arg9[%add3A_7, %dma_wait3A_264] : memref<10000x128xf32, #tpu.memory_space<vmem_shared>> -> memref<125x128xf32, #tpu.memory_space<vmem_shared>>
      %dma_wait3A_266 = arith.constant 0 : i32
      %dma_wait3A_267 = arith.constant 0 : i32
      %dma_wait3A_268 = tpu.memref_slice %arg8[%run_scoped3A, %dma_wait3A_266, %dma_wait3A_267] : memref<2x125x128xf32, #tpu.memory_space<vmem>> -> memref<1x125x128xf32, #tpu.memory_space<vmem>>
      %dma_wait3A_269 = tpu.memref_squeeze %dma_wait3A_268 : memref<1x125x128xf32, #tpu.memory_space<vmem>> -> memref<125x128xf32, #tpu.memory_space<vmem>>
      tpu.wait_dma2 semaphore(%run_scoped3A_245 : memref<!tpu.dma_semaphore, #tpu.memory_space<semaphore_mem>>) src(%dma_wait3A_269 : memref<125x128xf32, #tpu.memory_space<vmem>>) dst(%dma_wait3A_265 : memref<125x128xf32, #tpu.memory_space<vmem_shared>>)
      tpu.yield
    }) : () -> ()
    %mul3A_8 = arith.constant 625 : i32
    %mul3A_9 = arith.muli %arg1, %mul3A_8 : i32
    %add3A_10 = arith.constant 125 : i32
    %add3A_11 = arith.addi %mul3A_9, %add3A_10 : i32
    %run_scoped3A_12 = arith.constant 0 : i32
    "tpu.region"() ({
      %run_scoped3A_245 = tpu.sem_alloc : memref<!tpu.dma_semaphore, #tpu.memory_space<semaphore_mem>>
      %dma_start3A_246 = arith.constant 0 : i32
      %dma_start3A_247 = arith.constant 0 : i32
      %dma_start3A_248 = tpu.memref_slice %arg8[%run_scoped3A_12, %dma_start3A_246, %dma_start3A_247] : memref<2x125x128xf32, #tpu.memory_space<vmem>> -> memref<1x125x128xf32, #tpu.memory_space<vmem>>
      %dma_start3A_249 = tpu.memref_squeeze %dma_start3A_248 : memref<1x125x128xf32, #tpu.memory_space<vmem>> -> memref<125x128xf32, #tpu.memory_space<vmem>>
      %dma_start3A_250 = arith.constant 0 : i32
      %dma_start3A_251 = tpu.memref_slice %arg9[%add3A_11, %dma_start3A_250] : memref<10000x128xf32, #tpu.memory_space<vmem_shared>> -> memref<125x128xf32, #tpu.memory_space<vmem_shared>>
      %dma_start3A_252 = arith.constant 0 : i32
      %dma_start3A_253 = tpu.memref_slice %arg9[%add3A_11, %dma_start3A_252] : memref<10000x128xf32, #tpu.memory_space<vmem_shared>> -> memref<125x128xf32, #tpu.memory_space<vmem_shared>>
      %dma_start3A_254 = arith.constant 0 : i32
      %dma_start3A_255 = arith.constant 0 : i32
      %dma_start3A_256 = tpu.memref_slice %arg8[%run_scoped3A_12, %dma_start3A_254, %dma_start3A_255] : memref<2x125x128xf32, #tpu.memory_space<vmem>> -> memref<1x125x128xf32, #tpu.memory_space<vmem>>
      %dma_start3A_257 = tpu.memref_squeeze %dma_start3A_256 : memref<1x125x128xf32, #tpu.memory_space<vmem>> -> memref<125x128xf32, #tpu.memory_space<vmem>>
      tpu.enqueue_dma source(%dma_start3A_257 : memref<125x128xf32, #tpu.memory_space<vmem>>) target(%dma_start3A_253 : memref<125x128xf32, #tpu.memory_space<vmem_shared>>) target_semaphore(%run_scoped3A_245 : memref<!tpu.dma_semaphore, #tpu.memory_space<semaphore_mem>>)
      %dma_wait3A_258 = arith.constant 0 : i32
      %dma_wait3A_259 = arith.constant 0 : i32
      %dma_wait3A_260 = tpu.memref_slice %arg8[%run_scoped3A_12, %dma_wait3A_258, %dma_wait3A_259] : memref<2x125x128xf32, #tpu.memory_space<vmem>> -> memref<1x125x128xf32, #tpu.memory_space<vmem>>
      %dma_wait3A_261 = tpu.memref_squeeze %dma_wait3A_260 : memref<1x125x128xf32, #tpu.memory_space<vmem>> -> memref<125x128xf32, #tpu.memory_space<vmem>>
      %dma_wait3A_262 = arith.constant 0 : i32
      %dma_wait3A_263 = tpu.memref_slice %arg9[%add3A_11, %dma_wait3A_262] : memref<10000x128xf32, #tpu.memory_space<vmem_shared>> -> memref<125x128xf32, #tpu.memory_space<vmem_shared>>
      %dma_wait3A_264 = arith.constant 0 : i32
      %dma_wait3A_265 = tpu.memref_slice %arg9[%add3A_11, %dma_wait3A_264] : memref<10000x128xf32, #tpu.memory_space<vmem_shared>> -> memref<125x128xf32, #tpu.memory_space<vmem_shared>>
      %dma_wait3A_266 = arith.constant 0 : i32
      %dma_wait3A_267 = arith.constant 0 : i32
      %dma_wait3A_268 = tpu.memref_slice %arg8[%run_scoped3A_12, %dma_wait3A_266, %dma_wait3A_267] : memref<2x125x128xf32, #tpu.memory_space<vmem>> -> memref<1x125x128xf32, #tpu.memory_space<vmem>>
      %dma_wait3A_269 = tpu.memref_squeeze %dma_wait3A_268 : memref<1x125x128xf32, #tpu.memory_space<vmem>> -> memref<125x128xf32, #tpu.memory_space<vmem>>
      tpu.wait_dma2 semaphore(%run_scoped3A_245 : memref<!tpu.dma_semaphore, #tpu.memory_space<semaphore_mem>>) src(%dma_wait3A_269 : memref<125x128xf32, #tpu.memory_space<vmem>>) dst(%dma_wait3A_265 : memref<125x128xf32, #tpu.memory_space<vmem_shared>>)
      tpu.yield
    }) : () -> ()
    %mul3A_13 = arith.constant 625 : i32
    %mul3A_14 = arith.muli %arg1, %mul3A_13 : i32
    %add3A_15 = arith.constant 250 : i32
    %add3A_16 = arith.addi %mul3A_14, %add3A_15 : i32
    %run_scoped3A_17 = arith.constant 0 : i32
    "tpu.region"() ({
      %run_scoped3A_245 = tpu.sem_alloc : memref<!tpu.dma_semaphore, #tpu.memory_space<semaphore_mem>>
      %dma_start3A_246 = arith.constant 0 : i32
      %dma_start3A_247 = arith.constant 0 : i32
      %dma_start3A_248 = tpu.memref_slice %arg8[%run_scoped3A_17, %dma_start3A_246, %dma_start3A_247] : memref<2x125x128xf32, #tpu.memory_space<vmem>> -> memref<1x125x128xf32, #tpu.memory_space<vmem>>
      %dma_start3A_249 = tpu.memref_squeeze %dma_start3A_248 : memref<1x125x128xf32, #tpu.memory_space<vmem>> -> memref<125x128xf32, #tpu.memory_space<vmem>>
      %dma_start3A_250 = arith.constant 0 : i32
      %dma_start3A_251 = tpu.memref_slice %arg9[%add3A_16, %dma_start3A_250] : memref<10000x128xf32, #tpu.memory_space<vmem_shared>> -> memref<125x128xf32, #tpu.memory_space<vmem_shared>>
      %dma_start3A_252 = arith.constant 0 : i32
      %dma_start3A_253 = tpu.memref_slice %arg9[%add3A_16, %dma_start3A_252] : memref<10000x128xf32, #tpu.memory_space<vmem_shared>> -> memref<125x128xf32, #tpu.memory_space<vmem_shared>>
      %dma_start3A_254 = arith.constant 0 : i32
      %dma_start3A_255 = arith.constant 0 : i32
      %dma_start3A_256 = tpu.memref_slice %arg8[%run_scoped3A_17, %dma_start3A_254, %dma_start3A_255] : memref<2x125x128xf32, #tpu.memory_space<vmem>> -> memref<1x125x128xf32, #tpu.memory_space<vmem>>
      %dma_start3A_257 = tpu.memref_squeeze %dma_start3A_256 : memref<1x125x128xf32, #tpu.memory_space<vmem>> -> memref<125x128xf32, #tpu.memory_space<vmem>>
      tpu.enqueue_dma source(%dma_start3A_257 : memref<125x128xf32, #tpu.memory_space<vmem>>) target(%dma_start3A_253 : memref<125x128xf32, #tpu.memory_space<vmem_shared>>) target_semaphore(%run_scoped3A_245 : memref<!tpu.dma_semaphore, #tpu.memory_space<semaphore_mem>>)
      %dma_wait3A_258 = arith.constant 0 : i32
      %dma_wait3A_259 = arith.constant 0 : i32
      %dma_wait3A_260 = tpu.memref_slice %arg8[%run_scoped3A_17, %dma_wait3A_258, %dma_wait3A_259] : memref<2x125x128xf32, #tpu.memory_space<vmem>> -> memref<1x125x128xf32, #tpu.memory_space<vmem>>
      %dma_wait3A_261 = tpu.memref_squeeze %dma_wait3A_260 : memref<1x125x128xf32, #tpu.memory_space<vmem>> -> memref<125x128xf32, #tpu.memory_space<vmem>>
      %dma_wait3A_262 = arith.constant 0 : i32
      %dma_wait3A_263 = tpu.memref_slice %arg9[%add3A_16, %dma_wait3A_262] : memref<10000x128xf32, #tpu.memory_space<vmem_shared>> -> memref<125x128xf32, #tpu.memory_space<vmem_shared>>
      %dma_wait3A_264 = arith.constant 0 : i32
      %dma_wait3A_265 = tpu.memref_slice %arg9[%add3A_16, %dma_wait3A_264] : memref<10000x128xf32, #tpu.memory_space<vmem_shared>> -> memref<125x128xf32, #tpu.memory_space<vmem_shared>>
      %dma_wait3A_266 = arith.constant 0 : i32
      %dma_wait3A_267 = arith.constant 0 : i32
      %dma_wait3A_268 = tpu.memref_slice %arg8[%run_scoped3A_17, %dma_wait3A_266, %dma_wait3A_267] : memref<2x125x128xf32, #tpu.memory_space<vmem>> -> memref<1x125x128xf32, #tpu.memory_space<vmem>>
      %dma_wait3A_269 = tpu.memref_squeeze %dma_wait3A_268 : memref<1x125x128xf32, #tpu.memory_space<vmem>> -> memref<125x128xf32, #tpu.memory_space<vmem>>
      tpu.wait_dma2 semaphore(%run_scoped3A_245 : memref<!tpu.dma_semaphore, #tpu.memory_space<semaphore_mem>>) src(%dma_wait3A_269 : memref<125x128xf32, #tpu.memory_space<vmem>>) dst(%dma_wait3A_265 : memref<125x128xf32, #tpu.memory_space<vmem_shared>>)
      tpu.yield
    }) : () -> ()
    %mul3A_18 = arith.constant 625 : i32
    %mul3A_19 = arith.muli %arg1, %mul3A_18 : i32
    %add3A_20 = arith.constant 375 : i32
    %add3A_21 = arith.addi %mul3A_19, %add3A_20 : i32
    %run_scoped3A_22 = arith.constant 0 : i32
    "tpu.region"() ({
      %run_scoped3A_245 = tpu.sem_alloc : memref<!tpu.dma_semaphore, #tpu.memory_space<semaphore_mem>>
      %dma_start3A_246 = arith.constant 0 : i32
      %dma_start3A_247 = arith.constant 0 : i32
      %dma_start3A_248 = tpu.memref_slice %arg8[%run_scoped3A_22, %dma_start3A_246, %dma_start3A_247] : memref<2x125x128xf32, #tpu.memory_space<vmem>> -> memref<1x125x128xf32, #tpu.memory_space<vmem>>
      %dma_start3A_249 = tpu.memref_squeeze %dma_start3A_248 : memref<1x125x128xf32, #tpu.memory_space<vmem>> -> memref<125x128xf32, #tpu.memory_space<vmem>>
      %dma_start3A_250 = arith.constant 0 : i32
      %dma_start3A_251 = tpu.memref_slice %arg9[%add3A_21, %dma_start3A_250] : memref<10000x128xf32, #tpu.memory_space<vmem_shared>> -> memref<125x128xf32, #tpu.memory_space<vmem_shared>>
      %dma_start3A_252 = arith.constant 0 : i32
      %dma_start3A_253 = tpu.memref_slice %arg9[%add3A_21, %dma_start3A_252] : memref<10000x128xf32, #tpu.memory_space<vmem_shared>> -> memref<125x128xf32, #tpu.memory_space<vmem_shared>>
      %dma_start3A_254 = arith.constant 0 : i32
      %dma_start3A_255 = arith.constant 0 : i32
      %dma_start3A_256 = tpu.memref_slice %arg8[%run_scoped3A_22, %dma_start3A_254, %dma_start3A_255] : memref<2x125x128xf32, #tpu.memory_space<vmem>> -> memref<1x125x128xf32, #tpu.memory_space<vmem>>
      %dma_start3A_257 = tpu.memref_squeeze %dma_start3A_256 : memref<1x125x128xf32, #tpu.memory_space<vmem>> -> memref<125x128xf32, #tpu.memory_space<vmem>>
      tpu.enqueue_dma source(%dma_start3A_257 : memref<125x128xf32, #tpu.memory_space<vmem>>) target(%dma_start3A_253 : memref<125x128xf32, #tpu.memory_space<vmem_shared>>) target_semaphore(%run_scoped3A_245 : memref<!tpu.dma_semaphore, #tpu.memory_space<semaphore_mem>>)
      %dma_wait3A_258 = arith.constant 0 : i32
      %dma_wait3A_259 = arith.constant 0 : i32
      %dma_wait3A_260 = tpu.memref_slice %arg8[%run_scoped3A_22, %dma_wait3A_258, %dma_wait3A_259] : memref<2x125x128xf32, #tpu.memory_space<vmem>> -> memref<1x125x128xf32, #tpu.memory_space<vmem>>
      %dma_wait3A_261 = tpu.memref_squeeze %dma_wait3A_260 : memref<1x125x128xf32, #tpu.memory_space<vmem>> -> memref<125x128xf32, #tpu.memory_space<vmem>>
      %dma_wait3A_262 = arith.constant 0 : i32
      %dma_wait3A_263 = tpu.memref_slice %arg9[%add3A_21, %dma_wait3A_262] : memref<10000x128xf32, #tpu.memory_space<vmem_shared>> -> memref<125x128xf32, #tpu.memory_space<vmem_shared>>
      %dma_wait3A_264 = arith.constant 0 : i32
      %dma_wait3A_265 = tpu.memref_slice %arg9[%add3A_21, %dma_wait3A_264] : memref<10000x128xf32, #tpu.memory_space<vmem_shared>> -> memref<125x128xf32, #tpu.memory_space<vmem_shared>>
      %dma_wait3A_266 = arith.constant 0 : i32
      %dma_wait3A_267 = arith.constant 0 : i32
      %dma_wait3A_268 = tpu.memref_slice %arg8[%run_scoped3A_22, %dma_wait3A_266, %dma_wait3A_267] : memref<2x125x128xf32, #tpu.memory_space<vmem>> -> memref<1x125x128xf32, #tpu.memory_space<vmem>>
      %dma_wait3A_269 = tpu.memref_squeeze %dma_wait3A_268 : memref<1x125x128xf32, #tpu.memory_space<vmem>> -> memref<125x128xf32, #tpu.memory_space<vmem>>
      tpu.wait_dma2 semaphore(%run_scoped3A_245 : memref<!tpu.dma_semaphore, #tpu.memory_space<semaphore_mem>>) src(%dma_wait3A_269 : memref<125x128xf32, #tpu.memory_space<vmem>>) dst(%dma_wait3A_265 : memref<125x128xf32, #tpu.memory_space<vmem_shared>>)
      tpu.yield
    }) : () -> ()
    %mul3A_23 = arith.constant 625 : i32
    %mul3A_24 = arith.muli %arg1, %mul3A_23 : i32
    %add3A_25 = arith.constant 500 : i32
    %add3A_26 = arith.addi %mul3A_24, %add3A_25 : i32
    %run_scoped3A_27 = arith.constant 0 : i32
    "tpu.region"() ({
      %run_scoped3A_245 = tpu.sem_alloc : memref<!tpu.dma_semaphore, #tpu.memory_space<semaphore_mem>>
      %dma_start3A_246 = arith.constant 0 : i32
      %dma_start3A_247 = arith.constant 0 : i32
      %dma_start3A_248 = tpu.memref_slice %arg8[%run_scoped3A_27, %dma_start3A_246, %dma_start3A_247] : memref<2x125x128xf32, #tpu.memory_space<vmem>> -> memref<1x125x128xf32, #tpu.memory_space<vmem>>
      %dma_start3A_249 = tpu.memref_squeeze %dma_start3A_248 : memref<1x125x128xf32, #tpu.memory_space<vmem>> -> memref<125x128xf32, #tpu.memory_space<vmem>>
      %dma_start3A_250 = arith.constant 0 : i32
      %dma_start3A_251 = tpu.memref_slice %arg9[%add3A_26, %dma_start3A_250] : memref<10000x128xf32, #tpu.memory_space<vmem_shared>> -> memref<125x128xf32, #tpu.memory_space<vmem_shared>>
      %dma_start3A_252 = arith.constant 0 : i32
      %dma_start3A_253 = tpu.memref_slice %arg9[%add3A_26, %dma_start3A_252] : memref<10000x128xf32, #tpu.memory_space<vmem_shared>> -> memref<125x128xf32, #tpu.memory_space<vmem_shared>>
      %dma_start3A_254 = arith.constant 0 : i32
      %dma_start3A_255 = arith.constant 0 : i32
      %dma_start3A_256 = tpu.memref_slice %arg8[%run_scoped3A_27, %dma_start3A_254, %dma_start3A_255] : memref<2x125x128xf32, #tpu.memory_space<vmem>> -> memref<1x125x128xf32, #tpu.memory_space<vmem>>
      %dma_start3A_257 = tpu.memref_squeeze %dma_start3A_256 : memref<1x125x128xf32, #tpu.memory_space<vmem>> -> memref<125x128xf32, #tpu.memory_space<vmem>>
      tpu.enqueue_dma source(%dma_start3A_257 : memref<125x128xf32, #tpu.memory_space<vmem>>) target(%dma_start3A_253 : memref<125x128xf32, #tpu.memory_space<vmem_shared>>) target_semaphore(%run_scoped3A_245 : memref<!tpu.dma_semaphore, #tpu.memory_space<semaphore_mem>>)
      %dma_wait3A_258 = arith.constant 0 : i32
      %dma_wait3A_259 = arith.constant 0 : i32
      %dma_wait3A_260 = tpu.memref_slice %arg8[%run_scoped3A_27, %dma_wait3A_258, %dma_wait3A_259] : memref<2x125x128xf32, #tpu.memory_space<vmem>> -> memref<1x125x128xf32, #tpu.memory_space<vmem>>
      %dma_wait3A_261 = tpu.memref_squeeze %dma_wait3A_260 : memref<1x125x128xf32, #tpu.memory_space<vmem>> -> memref<125x128xf32, #tpu.memory_space<vmem>>
      %dma_wait3A_262 = arith.constant 0 : i32
      %dma_wait3A_263 = tpu.memref_slice %arg9[%add3A_26, %dma_wait3A_262] : memref<10000x128xf32, #tpu.memory_space<vmem_shared>> -> memref<125x128xf32, #tpu.memory_space<vmem_shared>>
      %dma_wait3A_264 = arith.constant 0 : i32
      %dma_wait3A_265 = tpu.memref_slice %arg9[%add3A_26, %dma_wait3A_264] : memref<10000x128xf32, #tpu.memory_space<vmem_shared>> -> memref<125x128xf32, #tpu.memory_space<vmem_shared>>
      %dma_wait3A_266 = arith.constant 0 : i32
      %dma_wait3A_267 = arith.constant 0 : i32
      %dma_wait3A_268 = tpu.memref_slice %arg8[%run_scoped3A_27, %dma_wait3A_266, %dma_wait3A_267] : memref<2x125x128xf32, #tpu.memory_space<vmem>> -> memref<1x125x128xf32, #tpu.memory_space<vmem>>
      %dma_wait3A_269 = tpu.memref_squeeze %dma_wait3A_268 : memref<1x125x128xf32, #tpu.memory_space<vmem>> -> memref<125x128xf32, #tpu.memory_space<vmem>>
      tpu.wait_dma2 semaphore(%run_scoped3A_245 : memref<!tpu.dma_semaphore, #tpu.memory_space<semaphore_mem>>) src(%dma_wait3A_269 : memref<125x128xf32, #tpu.memory_space<vmem>>) dst(%dma_wait3A_265 : memref<125x128xf32, #tpu.memory_space<vmem_shared>>)
      tpu.yield
    }) : () -> ()
    %barrier3A = arith.constant 0 : index
    tpu.barrier barrier_id(%barrier3A)
    %mul3A_28 = arith.constant 16 : i32
    %mul3A_29 = arith.muli %arg0, %mul3A_28 : i32
    %add3A_30 = arith.addi %mul3A_29, %arg1 : i32
    %mul3A_31 = arith.constant 80 : i32
    %mul3A_32 = arith.muli %add3A_30, %mul3A_31 : i32
    %add3A_33 = arith.constant 0 : i32
    %add3A_34 = arith.addi %mul3A_32, %add3A_33 : i32
    "tpu.region"() ({
      %run_scoped3A_245 = tpu.sem_alloc : memref<!tpu.dma_semaphore, #tpu.memory_space<semaphore_mem>>
      %dma_start3A_246 = arith.constant 0 : i32
      %dma_start3A_247 = tpu.memref_slice %arg2[%add3A_34, %dma_start3A_246] : memref<2560x125xi32, #tpu.memory_space<hbm>> -> memref<40x125xi32, #tpu.memory_space<hbm>>
      %dma_start3A_248 = arith.constant 0 : i32
      %dma_start3A_249 = tpu.memref_slice %arg2[%add3A_34, %dma_start3A_248] : memref<2560x125xi32, #tpu.memory_space<hbm>> -> memref<40x125xi32, #tpu.memory_space<hbm>>
      tpu.enqueue_dma source(%dma_start3A_249 : memref<40x125xi32, #tpu.memory_space<hbm>>) target(%arg6 : memref<40x125xi32, #tpu.memory_space<vmem>>) target_semaphore(%run_scoped3A_245 : memref<!tpu.dma_semaphore, #tpu.memory_space<semaphore_mem>>)
      %dma_wait3A_250 = arith.constant 0 : i32
      %dma_wait3A_251 = tpu.memref_slice %arg2[%add3A_34, %dma_wait3A_250] : memref<2560x125xi32, #tpu.memory_space<hbm>> -> memref<40x125xi32, #tpu.memory_space<hbm>>
      %dma_wait3A_252 = arith.constant 0 : i32
      %dma_wait3A_253 = tpu.memref_slice %arg2[%add3A_34, %dma_wait3A_252] : memref<2560x125xi32, #tpu.memory_space<hbm>> -> memref<40x125xi32, #tpu.memory_space<hbm>>
      tpu.wait_dma2 semaphore(%run_scoped3A_245 : memref<!tpu.dma_semaphore, #tpu.memory_space<semaphore_mem>>) src(%dma_wait3A_253 : memref<40x125xi32, #tpu.memory_space<hbm>>) dst(%arg6 : memref<40x125xi32, #tpu.memory_space<vmem>>)
      tpu.yield
    }) : () -> ()
    "tpu.region"() ({
      %run_scoped3A_245 = tpu.sem_alloc : memref<!tpu.dma_semaphore, #tpu.memory_space<semaphore_mem>>
      %dma_start3A_246 = arith.constant 0 : i32
      %dma_start3A_247 = tpu.memref_slice %arg3[%add3A_34, %dma_start3A_246] : memref<2560x125xi32, #tpu.memory_space<hbm>> -> memref<40x125xi32, #tpu.memory_space<hbm>>
      %dma_start3A_248 = arith.constant 0 : i32
      %dma_start3A_249 = tpu.memref_slice %arg3[%add3A_34, %dma_start3A_248] : memref<2560x125xi32, #tpu.memory_space<hbm>> -> memref<40x125xi32, #tpu.memory_space<hbm>>
      tpu.enqueue_dma source(%dma_start3A_249 : memref<40x125xi32, #tpu.memory_space<hbm>>) target(%arg7 : memref<40x125xi32, #tpu.memory_space<vmem>>) target_semaphore(%run_scoped3A_245 : memref<!tpu.dma_semaphore, #tpu.memory_space<semaphore_mem>>)
      %dma_wait3A_250 = arith.constant 0 : i32
      %dma_wait3A_251 = tpu.memref_slice %arg3[%add3A_34, %dma_wait3A_250] : memref<2560x125xi32, #tpu.memory_space<hbm>> -> memref<40x125xi32, #tpu.memory_space<hbm>>
      %dma_wait3A_252 = arith.constant 0 : i32
      %dma_wait3A_253 = tpu.memref_slice %arg3[%add3A_34, %dma_wait3A_252] : memref<2560x125xi32, #tpu.memory_space<hbm>> -> memref<40x125xi32, #tpu.memory_space<hbm>>
      tpu.wait_dma2 semaphore(%run_scoped3A_245 : memref<!tpu.dma_semaphore, #tpu.memory_space<semaphore_mem>>) src(%dma_wait3A_253 : memref<40x125xi32, #tpu.memory_space<hbm>>) dst(%arg7 : memref<40x125xi32, #tpu.memory_space<vmem>>)
      tpu.yield
    }) : () -> ()
    %dma_start3A = arith.constant 0 : i32
    %dma_start3A_35 = arith.constant 0 : i32
    %dma_start3A_36 = arith.constant 0 : i32
    %dma_start3A_37 = arith.constant 0 : i32
    %dma_start3A_38 = tpu.memref_slice %arg8[%dma_start3A_35, %dma_start3A_36, %dma_start3A_37] : memref<2x125x128xf32, #tpu.memory_space<vmem>> -> memref<1x125x128xf32, #tpu.memory_space<vmem>>
    %dma_start3A_39 = tpu.memref_squeeze %dma_start3A_38 : memref<1x125x128xf32, #tpu.memory_space<vmem>> -> memref<125x128xf32, #tpu.memory_space<vmem>>
    %dma_start3A_40 = arith.constant 0 : i32
    %dma_start3A_41 = tpu.memref_slice %arg6[%dma_start3A, %dma_start3A_40] : memref<40x125xi32, #tpu.memory_space<vmem>> -> memref<1x125xi32, #tpu.memory_space<vmem>>
    %dma_start3A_42 = tpu.memref_squeeze %dma_start3A_41 : memref<1x125xi32, #tpu.memory_space<vmem>> -> memref<125xi32, #tpu.memory_space<vmem>>
    %dma_start3A_43 = arith.constant 0 : i32
    %dma_start3A_44 = arith.constant 0 : i32
    %dma_start3A_45 = tpu.memref_slice %arg4[%dma_start3A_43, %dma_start3A_44] : memref<10000x128xf32, #tpu.memory_space<hbm>> -> memref<10000x128xf32, #tpu.memory_space<hbm>>
    tpu.enqueue_indirect_dma source(%dma_start3A_45 : memref<10000x128xf32, #tpu.memory_space<hbm>>) target(%dma_start3A_39 : memref<125x128xf32, #tpu.memory_space<vmem>>) offsets(%dma_start3A_42 : memref<125xi32, #tpu.memory_space<vmem>>) semaphore(%arg10 : memref<!tpu.dma_semaphore, #tpu.memory_space<semaphore_mem>>)
    %dma_wait3A = arith.constant 0 : i32
    %dma_wait3A_46 = arith.constant 0 : i32
    %dma_wait3A_47 = arith.constant 0 : i32
    %dma_wait3A_48 = arith.constant 0 : i32
    %dma_wait3A_49 = tpu.memref_slice %arg8[%dma_wait3A_46, %dma_wait3A_47, %dma_wait3A_48] : memref<2x125x128xf32, #tpu.memory_space<vmem>> -> memref<1x125x128xf32, #tpu.memory_space<vmem>>
    %dma_wait3A_50 = tpu.memref_squeeze %dma_wait3A_49 : memref<1x125x128xf32, #tpu.memory_space<vmem>> -> memref<125x128xf32, #tpu.memory_space<vmem>>
    %dma_wait3A_51 = arith.constant 0 : i32
    %dma_wait3A_52 = tpu.memref_slice %arg6[%dma_wait3A, %dma_wait3A_51] : memref<40x125xi32, #tpu.memory_space<vmem>> -> memref<1x125xi32, #tpu.memory_space<vmem>>
    %dma_wait3A_53 = tpu.memref_squeeze %dma_wait3A_52 : memref<1x125xi32, #tpu.memory_space<vmem>> -> memref<125xi32, #tpu.memory_space<vmem>>
    %dma_wait3A_54 = arith.constant 0 : i32
    %dma_wait3A_55 = arith.constant 0 : i32
    %dma_wait3A_56 = tpu.memref_slice %arg4[%dma_wait3A_54, %dma_wait3A_55] : memref<10000x128xf32, #tpu.memory_space<hbm>> -> memref<10000x128xf32, #tpu.memory_space<hbm>>
    tpu.wait_indirect_dma semaphore(%arg10 : memref<!tpu.dma_semaphore, #tpu.memory_space<semaphore_mem>>) src(%dma_wait3A_56 : memref<10000x128xf32, #tpu.memory_space<hbm>>) dst(%dma_wait3A_50 : memref<125x128xf32, #tpu.memory_space<vmem>>)
    %dma_start3A_57 = arith.constant 0 : i32
    %dma_start3A_58 = arith.constant 0 : i32
    %dma_start3A_59 = arith.constant 0 : i32
    %dma_start3A_60 = arith.constant 0 : i32
    %dma_start3A_61 = tpu.memref_slice %arg8[%dma_start3A_57, %dma_start3A_59, %dma_start3A_60] : memref<2x125x128xf32, #tpu.memory_space<vmem>> -> memref<1x125x128xf32, #tpu.memory_space<vmem>>
    %dma_start3A_62 = tpu.memref_squeeze %dma_start3A_61 : memref<1x125x128xf32, #tpu.memory_space<vmem>> -> memref<125x128xf32, #tpu.memory_space<vmem>>
    %dma_start3A_63 = arith.constant 0 : i32
    %dma_start3A_64 = tpu.memref_slice %arg7[%dma_start3A_58, %dma_start3A_63] : memref<40x125xi32, #tpu.memory_space<vmem>> -> memref<1x125xi32, #tpu.memory_space<vmem>>
    %dma_start3A_65 = tpu.memref_squeeze %dma_start3A_64 : memref<1x125xi32, #tpu.memory_space<vmem>> -> memref<125xi32, #tpu.memory_space<vmem>>
    %dma_start3A_66 = arith.constant 0 : i32
    %dma_start3A_67 = arith.constant 0 : i32
    %dma_start3A_68 = tpu.memref_slice %arg9[%dma_start3A_66, %dma_start3A_67] : memref<10000x128xf32, #tpu.memory_space<vmem_shared>> -> memref<10000x128xf32, #tpu.memory_space<vmem_shared>>
    tpu.enqueue_indirect_dma source(%dma_start3A_62 : memref<125x128xf32, #tpu.memory_space<vmem>>) target(%dma_start3A_68 : memref<10000x128xf32, #tpu.memory_space<vmem_shared>>) offsets(%dma_start3A_65 : memref<125xi32, #tpu.memory_space<vmem>>) semaphore(%arg12 : memref<!tpu.dma_semaphore, #tpu.memory_space<semaphore_mem>>) {add = true}
    %dma_start3A_69 = arith.constant 1 : i32
    %dma_start3A_70 = arith.constant 1 : i32
    %dma_start3A_71 = arith.constant 0 : i32
    %dma_start3A_72 = arith.constant 0 : i32
    %dma_start3A_73 = tpu.memref_slice %arg8[%dma_start3A_70, %dma_start3A_71, %dma_start3A_72] : memref<2x125x128xf32, #tpu.memory_space<vmem>> -> memref<1x125x128xf32, #tpu.memory_space<vmem>>
    %dma_start3A_74 = tpu.memref_squeeze %dma_start3A_73 : memref<1x125x128xf32, #tpu.memory_space<vmem>> -> memref<125x128xf32, #tpu.memory_space<vmem>>
    %dma_start3A_75 = arith.constant 0 : i32
    %dma_start3A_76 = tpu.memref_slice %arg6[%dma_start3A_69, %dma_start3A_75] : memref<40x125xi32, #tpu.memory_space<vmem>> -> memref<1x125xi32, #tpu.memory_space<vmem>>
    %dma_start3A_77 = tpu.memref_squeeze %dma_start3A_76 : memref<1x125xi32, #tpu.memory_space<vmem>> -> memref<125xi32, #tpu.memory_space<vmem>>
    %dma_start3A_78 = arith.constant 0 : i32
    %dma_start3A_79 = arith.constant 0 : i32
    %dma_start3A_80 = tpu.memref_slice %arg4[%dma_start3A_78, %dma_start3A_79] : memref<10000x128xf32, #tpu.memory_space<hbm>> -> memref<10000x128xf32, #tpu.memory_space<hbm>>
    tpu.enqueue_indirect_dma source(%dma_start3A_80 : memref<10000x128xf32, #tpu.memory_space<hbm>>) target(%dma_start3A_74 : memref<125x128xf32, #tpu.memory_space<vmem>>) offsets(%dma_start3A_77 : memref<125xi32, #tpu.memory_space<vmem>>) semaphore(%arg11 : memref<!tpu.dma_semaphore, #tpu.memory_space<semaphore_mem>>)
    %scan3A_81 = arith.constant 0 : i32
    %scan3A_82 = arith.constant 19 : i32
    %scan3A_83 = arith.addi %scan3A_81, %scan3A_82 : i32
    %scan3A_84 = arith.constant 1 : i32
    scf.for %scan3A_245 = %scan3A_81 to %scan3A_83 step %scan3A_84  : i32 {
      %mul3A_246 = arith.constant 2 : i32
      %mul3A_247 = arith.muli %scan3A_245, %mul3A_246 : i32
      %add3A_248 = arith.constant 1 : i32
      %add3A_249 = arith.addi %add3A_248, %mul3A_247 : i32
      %dma_wait3A_250 = arith.constant 1 : i32
      %dma_wait3A_251 = arith.constant 0 : i32
      %dma_wait3A_252 = arith.constant 0 : i32
      %dma_wait3A_253 = tpu.memref_slice %arg8[%dma_wait3A_250, %dma_wait3A_251, %dma_wait3A_252] : memref<2x125x128xf32, #tpu.memory_space<vmem>> -> memref<1x125x128xf32, #tpu.memory_space<vmem>>
      %dma_wait3A_254 = tpu.memref_squeeze %dma_wait3A_253 : memref<1x125x128xf32, #tpu.memory_space<vmem>> -> memref<125x128xf32, #tpu.memory_space<vmem>>
      %dma_wait3A_255 = arith.constant 0 : i32
      %dma_wait3A_256 = tpu.memref_slice %arg6[%add3A_249, %dma_wait3A_255] : memref<40x125xi32, #tpu.memory_space<vmem>> -> memref<1x125xi32, #tpu.memory_space<vmem>>
      %dma_wait3A_257 = tpu.memref_squeeze %dma_wait3A_256 : memref<1x125xi32, #tpu.memory_space<vmem>> -> memref<125xi32, #tpu.memory_space<vmem>>
      %dma_wait3A_258 = arith.constant 0 : i32
      %dma_wait3A_259 = arith.constant 0 : i32
      %dma_wait3A_260 = tpu.memref_slice %arg4[%dma_wait3A_258, %dma_wait3A_259] : memref<10000x128xf32, #tpu.memory_space<hbm>> -> memref<10000x128xf32, #tpu.memory_space<hbm>>
      tpu.wait_indirect_dma semaphore(%arg11 : memref<!tpu.dma_semaphore, #tpu.memory_space<semaphore_mem>>) src(%dma_wait3A_260 : memref<10000x128xf32, #tpu.memory_space<hbm>>) dst(%dma_wait3A_254 : memref<125x128xf32, #tpu.memory_space<vmem>>)
      %dma_start3A_261 = arith.constant 1 : i32
      %dma_start3A_262 = arith.constant 0 : i32
      %dma_start3A_263 = arith.constant 0 : i32
      %dma_start3A_264 = tpu.memref_slice %arg8[%dma_start3A_261, %dma_start3A_262, %dma_start3A_263] : memref<2x125x128xf32, #tpu.memory_space<vmem>> -> memref<1x125x128xf32, #tpu.memory_space<vmem>>
      %dma_start3A_265 = tpu.memref_squeeze %dma_start3A_264 : memref<1x125x128xf32, #tpu.memory_space<vmem>> -> memref<125x128xf32, #tpu.memory_space<vmem>>
      %dma_start3A_266 = arith.constant 0 : i32
      %dma_start3A_267 = tpu.memref_slice %arg7[%add3A_249, %dma_start3A_266] : memref<40x125xi32, #tpu.memory_space<vmem>> -> memref<1x125xi32, #tpu.memory_space<vmem>>
      %dma_start3A_268 = tpu.memref_squeeze %dma_start3A_267 : memref<1x125xi32, #tpu.memory_space<vmem>> -> memref<125xi32, #tpu.memory_space<vmem>>
      %dma_start3A_269 = arith.constant 0 : i32
      %dma_start3A_270 = arith.constant 0 : i32
      %dma_start3A_271 = tpu.memref_slice %arg9[%dma_start3A_269, %dma_start3A_270] : memref<10000x128xf32, #tpu.memory_space<vmem_shared>> -> memref<10000x128xf32, #tpu.memory_space<vmem_shared>>
      tpu.enqueue_indirect_dma source(%dma_start3A_265 : memref<125x128xf32, #tpu.memory_space<vmem>>) target(%dma_start3A_271 : memref<10000x128xf32, #tpu.memory_space<vmem_shared>>) offsets(%dma_start3A_268 : memref<125xi32, #tpu.memory_space<vmem>>) semaphore(%arg13 : memref<!tpu.dma_semaphore, #tpu.memory_space<semaphore_mem>>) {add = true}
      %sub3A = arith.constant 1 : i32
      %sub3A_272 = arith.subi %add3A_249, %sub3A : i32
      %dma_wait3A_273 = arith.constant 0 : i32
      %dma_wait3A_274 = arith.constant 0 : i32
      %dma_wait3A_275 = arith.constant 0 : i32
      %dma_wait3A_276 = tpu.memref_slice %arg8[%dma_wait3A_273, %dma_wait3A_274, %dma_wait3A_275] : memref<2x125x128xf32, #tpu.memory_space<vmem>> -> memref<1x125x128xf32, #tpu.memory_space<vmem>>
      %dma_wait3A_277 = tpu.memref_squeeze %dma_wait3A_276 : memref<1x125x128xf32, #tpu.memory_space<vmem>> -> memref<125x128xf32, #tpu.memory_space<vmem>>
      %dma_wait3A_278 = arith.constant 0 : i32
      %dma_wait3A_279 = tpu.memref_slice %arg7[%sub3A_272, %dma_wait3A_278] : memref<40x125xi32, #tpu.memory_space<vmem>> -> memref<1x125xi32, #tpu.memory_space<vmem>>
      %dma_wait3A_280 = tpu.memref_squeeze %dma_wait3A_279 : memref<1x125xi32, #tpu.memory_space<vmem>> -> memref<125xi32, #tpu.memory_space<vmem>>
      %dma_wait3A_281 = arith.constant 0 : i32
      %dma_wait3A_282 = arith.constant 0 : i32
      %dma_wait3A_283 = tpu.memref_slice %arg9[%dma_wait3A_281, %dma_wait3A_282] : memref<10000x128xf32, #tpu.memory_space<vmem_shared>> -> memref<10000x128xf32, #tpu.memory_space<vmem_shared>>
      tpu.wait_indirect_dma semaphore(%arg12 : memref<!tpu.dma_semaphore, #tpu.memory_space<semaphore_mem>>) src(%dma_wait3A_277 : memref<125x128xf32, #tpu.memory_space<vmem>>) dst(%dma_wait3A_283 : memref<10000x128xf32, #tpu.memory_space<vmem_shared>>)
      %add3A_284 = arith.constant 1 : i32
      %add3A_285 = arith.addi %add3A_249, %add3A_284 : i32
      %dma_start3A_286 = arith.constant 0 : i32
      %dma_start3A_287 = arith.constant 0 : i32
      %dma_start3A_288 = arith.constant 0 : i32
      %dma_start3A_289 = tpu.memref_slice %arg8[%dma_start3A_286, %dma_start3A_287, %dma_start3A_288] : memref<2x125x128xf32, #tpu.memory_space<vmem>> -> memref<1x125x128xf32, #tpu.memory_space<vmem>>
      %dma_start3A_290 = tpu.memref_squeeze %dma_start3A_289 : memref<1x125x128xf32, #tpu.memory_space<vmem>> -> memref<125x128xf32, #tpu.memory_space<vmem>>
      %dma_start3A_291 = arith.constant 0 : i32
      %dma_start3A_292 = tpu.memref_slice %arg6[%add3A_285, %dma_start3A_291] : memref<40x125xi32, #tpu.memory_space<vmem>> -> memref<1x125xi32, #tpu.memory_space<vmem>>
      %dma_start3A_293 = tpu.memref_squeeze %dma_start3A_292 : memref<1x125xi32, #tpu.memory_space<vmem>> -> memref<125xi32, #tpu.memory_space<vmem>>
      %dma_start3A_294 = arith.constant 0 : i32
      %dma_start3A_295 = arith.constant 0 : i32
      %dma_start3A_296 = tpu.memref_slice %arg4[%dma_start3A_294, %dma_start3A_295] : memref<10000x128xf32, #tpu.memory_space<hbm>> -> memref<10000x128xf32, #tpu.memory_space<hbm>>
      tpu.enqueue_indirect_dma source(%dma_start3A_296 : memref<10000x128xf32, #tpu.memory_space<hbm>>) target(%dma_start3A_290 : memref<125x128xf32, #tpu.memory_space<vmem>>) offsets(%dma_start3A_293 : memref<125xi32, #tpu.memory_space<vmem>>) semaphore(%arg10 : memref<!tpu.dma_semaphore, #tpu.memory_space<semaphore_mem>>)
      %add3A_297 = arith.constant 1 : i32
      %add3A_298 = arith.addi %add3A_249, %add3A_297 : i32
      %dma_wait3A_299 = arith.constant 0 : i32
      %dma_wait3A_300 = arith.constant 0 : i32
      %dma_wait3A_301 = arith.constant 0 : i32
      %dma_wait3A_302 = tpu.memref_slice %arg8[%dma_wait3A_299, %dma_wait3A_300, %dma_wait3A_301] : memref<2x125x128xf32, #tpu.memory_space<vmem>> -> memref<1x125x128xf32, #tpu.memory_space<vmem>>
      %dma_wait3A_303 = tpu.memref_squeeze %dma_wait3A_302 : memref<1x125x128xf32, #tpu.memory_space<vmem>> -> memref<125x128xf32, #tpu.memory_space<vmem>>
      %dma_wait3A_304 = arith.constant 0 : i32
      %dma_wait3A_305 = tpu.memref_slice %arg6[%add3A_298, %dma_wait3A_304] : memref<40x125xi32, #tpu.memory_space<vmem>> -> memref<1x125xi32, #tpu.memory_space<vmem>>
      %dma_wait3A_306 = tpu.memref_squeeze %dma_wait3A_305 : memref<1x125xi32, #tpu.memory_space<vmem>> -> memref<125xi32, #tpu.memory_space<vmem>>
      %dma_wait3A_307 = arith.constant 0 : i32
      %dma_wait3A_308 = arith.constant 0 : i32
      %dma_wait3A_309 = tpu.memref_slice %arg4[%dma_wait3A_307, %dma_wait3A_308] : memref<10000x128xf32, #tpu.memory_space<hbm>> -> memref<10000x128xf32, #tpu.memory_space<hbm>>
      tpu.wait_indirect_dma semaphore(%arg10 : memref<!tpu.dma_semaphore, #tpu.memory_space<semaphore_mem>>) src(%dma_wait3A_309 : memref<10000x128xf32, #tpu.memory_space<hbm>>) dst(%dma_wait3A_303 : memref<125x128xf32, #tpu.memory_space<vmem>>)
      %add3A_310 = arith.constant 1 : i32
      %add3A_311 = arith.addi %add3A_249, %add3A_310 : i32
      %dma_start3A_312 = arith.constant 0 : i32
      %dma_start3A_313 = arith.constant 0 : i32
      %dma_start3A_314 = arith.constant 0 : i32
      %dma_start3A_315 = tpu.memref_slice %arg8[%dma_start3A_312, %dma_start3A_313, %dma_start3A_314] : memref<2x125x128xf32, #tpu.memory_space<vmem>> -> memref<1x125x128xf32, #tpu.memory_space<vmem>>
      %dma_start3A_316 = tpu.memref_squeeze %dma_start3A_315 : memref<1x125x128xf32, #tpu.memory_space<vmem>> -> memref<125x128xf32, #tpu.memory_space<vmem>>
      %dma_start3A_317 = arith.constant 0 : i32
      %dma_start3A_318 = tpu.memref_slice %arg7[%add3A_311, %dma_start3A_317] : memref<40x125xi32, #tpu.memory_space<vmem>> -> memref<1x125xi32, #tpu.memory_space<vmem>>
      %dma_start3A_319 = tpu.memref_squeeze %dma_start3A_318 : memref<1x125xi32, #tpu.memory_space<vmem>> -> memref<125xi32, #tpu.memory_space<vmem>>
      %dma_start3A_320 = arith.constant 0 : i32
      %dma_start3A_321 = arith.constant 0 : i32
      %dma_start3A_322 = tpu.memref_slice %arg9[%dma_start3A_320, %dma_start3A_321] : memref<10000x128xf32, #tpu.memory_space<vmem_shared>> -> memref<10000x128xf32, #tpu.memory_space<vmem_shared>>
      tpu.enqueue_indirect_dma source(%dma_start3A_316 : memref<125x128xf32, #tpu.memory_space<vmem>>) target(%dma_start3A_322 : memref<10000x128xf32, #tpu.memory_space<vmem_shared>>) offsets(%dma_start3A_319 : memref<125xi32, #tpu.memory_space<vmem>>) semaphore(%arg12 : memref<!tpu.dma_semaphore, #tpu.memory_space<semaphore_mem>>) {add = true}
      %dma_wait3A_323 = arith.constant 1 : i32
      %dma_wait3A_324 = arith.constant 0 : i32
      %dma_wait3A_325 = arith.constant 0 : i32
      %dma_wait3A_326 = tpu.memref_slice %arg8[%dma_wait3A_323, %dma_wait3A_324, %dma_wait3A_325] : memref<2x125x128xf32, #tpu.memory_space<vmem>> -> memref<1x125x128xf32, #tpu.memory_space<vmem>>
      %dma_wait3A_327 = tpu.memref_squeeze %dma_wait3A_326 : memref<1x125x128xf32, #tpu.memory_space<vmem>> -> memref<125x128xf32, #tpu.memory_space<vmem>>
      %dma_wait3A_328 = arith.constant 0 : i32
      %dma_wait3A_329 = tpu.memref_slice %arg7[%add3A_249, %dma_wait3A_328] : memref<40x125xi32, #tpu.memory_space<vmem>> -> memref<1x125xi32, #tpu.memory_space<vmem>>
      %dma_wait3A_330 = tpu.memref_squeeze %dma_wait3A_329 : memref<1x125xi32, #tpu.memory_space<vmem>> -> memref<125xi32, #tpu.memory_space<vmem>>
      %dma_wait3A_331 = arith.constant 0 : i32
      %dma_wait3A_332 = arith.constant 0 : i32
      %dma_wait3A_333 = tpu.memref_slice %arg9[%dma_wait3A_331, %dma_wait3A_332] : memref<10000x128xf32, #tpu.memory_space<vmem_shared>> -> memref<10000x128xf32, #tpu.memory_space<vmem_shared>>
      tpu.wait_indirect_dma semaphore(%arg13 : memref<!tpu.dma_semaphore, #tpu.memory_space<semaphore_mem>>) src(%dma_wait3A_327 : memref<125x128xf32, #tpu.memory_space<vmem>>) dst(%dma_wait3A_333 : memref<10000x128xf32, #tpu.memory_space<vmem_shared>>)
      %add3A_334 = arith.constant 2 : i32
      %add3A_335 = arith.addi %add3A_249, %add3A_334 : i32
      %dma_start3A_336 = arith.constant 1 : i32
      %dma_start3A_337 = arith.constant 0 : i32
      %dma_start3A_338 = arith.constant 0 : i32
      %dma_start3A_339 = tpu.memref_slice %arg8[%dma_start3A_336, %dma_start3A_337, %dma_start3A_338] : memref<2x125x128xf32, #tpu.memory_space<vmem>> -> memref<1x125x128xf32, #tpu.memory_space<vmem>>
      %dma_start3A_340 = tpu.memref_squeeze %dma_start3A_339 : memref<1x125x128xf32, #tpu.memory_space<vmem>> -> memref<125x128xf32, #tpu.memory_space<vmem>>
      %dma_start3A_341 = arith.constant 0 : i32
      %dma_start3A_342 = tpu.memref_slice %arg6[%add3A_335, %dma_start3A_341] : memref<40x125xi32, #tpu.memory_space<vmem>> -> memref<1x125xi32, #tpu.memory_space<vmem>>
      %dma_start3A_343 = tpu.memref_squeeze %dma_start3A_342 : memref<1x125xi32, #tpu.memory_space<vmem>> -> memref<125xi32, #tpu.memory_space<vmem>>
      %dma_start3A_344 = arith.constant 0 : i32
      %dma_start3A_345 = arith.constant 0 : i32
      %dma_start3A_346 = tpu.memref_slice %arg4[%dma_start3A_344, %dma_start3A_345] : memref<10000x128xf32, #tpu.memory_space<hbm>> -> memref<10000x128xf32, #tpu.memory_space<hbm>>
      tpu.enqueue_indirect_dma source(%dma_start3A_346 : memref<10000x128xf32, #tpu.memory_space<hbm>>) target(%dma_start3A_340 : memref<125x128xf32, #tpu.memory_space<vmem>>) offsets(%dma_start3A_343 : memref<125xi32, #tpu.memory_space<vmem>>) semaphore(%arg11 : memref<!tpu.dma_semaphore, #tpu.memory_space<semaphore_mem>>)
    }
    %scan3A_85 = arith.constant 19 : i32
    %dma_wait3A_86 = arith.constant 39 : i32
    %dma_wait3A_87 = arith.constant 1 : i32
    %dma_wait3A_88 = arith.constant 0 : i32
    %dma_wait3A_89 = arith.constant 0 : i32
    %dma_wait3A_90 = tpu.memref_slice %arg8[%dma_wait3A_87, %dma_wait3A_88, %dma_wait3A_89] : memref<2x125x128xf32, #tpu.memory_space<vmem>> -> memref<1x125x128xf32, #tpu.memory_space<vmem>>
    %dma_wait3A_91 = tpu.memref_squeeze %dma_wait3A_90 : memref<1x125x128xf32, #tpu.memory_space<vmem>> -> memref<125x128xf32, #tpu.memory_space<vmem>>
    %dma_wait3A_92 = arith.constant 0 : i32
    %dma_wait3A_93 = tpu.memref_slice %arg6[%dma_wait3A_86, %dma_wait3A_92] : memref<40x125xi32, #tpu.memory_space<vmem>> -> memref<1x125xi32, #tpu.memory_space<vmem>>
    %dma_wait3A_94 = tpu.memref_squeeze %dma_wait3A_93 : memref<1x125xi32, #tpu.memory_space<vmem>> -> memref<125xi32, #tpu.memory_space<vmem>>
    %dma_wait3A_95 = arith.constant 0 : i32
    %dma_wait3A_96 = arith.constant 0 : i32
    %dma_wait3A_97 = tpu.memref_slice %arg4[%dma_wait3A_95, %dma_wait3A_96] : memref<10000x128xf32, #tpu.memory_space<hbm>> -> memref<10000x128xf32, #tpu.memory_space<hbm>>
    tpu.wait_indirect_dma semaphore(%arg11 : memref<!tpu.dma_semaphore, #tpu.memory_space<semaphore_mem>>) src(%dma_wait3A_97 : memref<10000x128xf32, #tpu.memory_space<hbm>>) dst(%dma_wait3A_91 : memref<125x128xf32, #tpu.memory_space<vmem>>)
    %dma_start3A_98 = arith.constant 1 : i32
    %dma_start3A_99 = arith.constant 39 : i32
    %dma_start3A_100 = arith.constant 0 : i32
    %dma_start3A_101 = arith.constant 0 : i32
    %dma_start3A_102 = tpu.memref_slice %arg8[%dma_start3A_98, %dma_start3A_100, %dma_start3A_101] : memref<2x125x128xf32, #tpu.memory_space<vmem>> -> memref<1x125x128xf32, #tpu.memory_space<vmem>>
    %dma_start3A_103 = tpu.memref_squeeze %dma_start3A_102 : memref<1x125x128xf32, #tpu.memory_space<vmem>> -> memref<125x128xf32, #tpu.memory_space<vmem>>
    %dma_start3A_104 = arith.constant 0 : i32
    %dma_start3A_105 = tpu.memref_slice %arg7[%dma_start3A_99, %dma_start3A_104] : memref<40x125xi32, #tpu.memory_space<vmem>> -> memref<1x125xi32, #tpu.memory_space<vmem>>
    %dma_start3A_106 = tpu.memref_squeeze %dma_start3A_105 : memref<1x125xi32, #tpu.memory_space<vmem>> -> memref<125xi32, #tpu.memory_space<vmem>>
    %dma_start3A_107 = arith.constant 0 : i32
    %dma_start3A_108 = arith.constant 0 : i32
    %dma_start3A_109 = tpu.memref_slice %arg9[%dma_start3A_107, %dma_start3A_108] : memref<10000x128xf32, #tpu.memory_space<vmem_shared>> -> memref<10000x128xf32, #tpu.memory_space<vmem_shared>>
    tpu.enqueue_indirect_dma source(%dma_start3A_103 : memref<125x128xf32, #tpu.memory_space<vmem>>) target(%dma_start3A_109 : memref<10000x128xf32, #tpu.memory_space<vmem_shared>>) offsets(%dma_start3A_106 : memref<125xi32, #tpu.memory_space<vmem>>) semaphore(%arg13 : memref<!tpu.dma_semaphore, #tpu.memory_space<semaphore_mem>>) {add = true}
    %dma_wait3A_110 = arith.constant 0 : i32
    %dma_wait3A_111 = arith.constant 38 : i32
    %dma_wait3A_112 = arith.constant 0 : i32
    %dma_wait3A_113 = arith.constant 0 : i32
    %dma_wait3A_114 = tpu.memref_slice %arg8[%dma_wait3A_110, %dma_wait3A_112, %dma_wait3A_113] : memref<2x125x128xf32, #tpu.memory_space<vmem>> -> memref<1x125x128xf32, #tpu.memory_space<vmem>>
    %dma_wait3A_115 = tpu.memref_squeeze %dma_wait3A_114 : memref<1x125x128xf32, #tpu.memory_space<vmem>> -> memref<125x128xf32, #tpu.memory_space<vmem>>
    %dma_wait3A_116 = arith.constant 0 : i32
    %dma_wait3A_117 = tpu.memref_slice %arg7[%dma_wait3A_111, %dma_wait3A_116] : memref<40x125xi32, #tpu.memory_space<vmem>> -> memref<1x125xi32, #tpu.memory_space<vmem>>
    %dma_wait3A_118 = tpu.memref_squeeze %dma_wait3A_117 : memref<1x125xi32, #tpu.memory_space<vmem>> -> memref<125xi32, #tpu.memory_space<vmem>>
    %dma_wait3A_119 = arith.constant 0 : i32
    %dma_wait3A_120 = arith.constant 0 : i32
    %dma_wait3A_121 = tpu.memref_slice %arg9[%dma_wait3A_119, %dma_wait3A_120] : memref<10000x128xf32, #tpu.memory_space<vmem_shared>> -> memref<10000x128xf32, #tpu.memory_space<vmem_shared>>
    tpu.wait_indirect_dma semaphore(%arg12 : memref<!tpu.dma_semaphore, #tpu.memory_space<semaphore_mem>>) src(%dma_wait3A_115 : memref<125x128xf32, #tpu.memory_space<vmem>>) dst(%dma_wait3A_121 : memref<10000x128xf32, #tpu.memory_space<vmem_shared>>)
    %dma_wait3A_122 = arith.constant 1 : i32
    %dma_wait3A_123 = arith.constant 39 : i32
    %dma_wait3A_124 = arith.constant 0 : i32
    %dma_wait3A_125 = arith.constant 0 : i32
    %dma_wait3A_126 = tpu.memref_slice %arg8[%dma_wait3A_122, %dma_wait3A_124, %dma_wait3A_125] : memref<2x125x128xf32, #tpu.memory_space<vmem>> -> memref<1x125x128xf32, #tpu.memory_space<vmem>>
    %dma_wait3A_127 = tpu.memref_squeeze %dma_wait3A_126 : memref<1x125x128xf32, #tpu.memory_space<vmem>> -> memref<125x128xf32, #tpu.memory_space<vmem>>
    %dma_wait3A_128 = arith.constant 0 : i32
    %dma_wait3A_129 = tpu.memref_slice %arg7[%dma_wait3A_123, %dma_wait3A_128] : memref<40x125xi32, #tpu.memory_space<vmem>> -> memref<1x125xi32, #tpu.memory_space<vmem>>
    %dma_wait3A_130 = tpu.memref_squeeze %dma_wait3A_129 : memref<1x125xi32, #tpu.memory_space<vmem>> -> memref<125xi32, #tpu.memory_space<vmem>>
    %dma_wait3A_131 = arith.constant 0 : i32
    %dma_wait3A_132 = arith.constant 0 : i32
    %dma_wait3A_133 = tpu.memref_slice %arg9[%dma_wait3A_131, %dma_wait3A_132] : memref<10000x128xf32, #tpu.memory_space<vmem_shared>> -> memref<10000x128xf32, #tpu.memory_space<vmem_shared>>
    tpu.wait_indirect_dma semaphore(%arg13 : memref<!tpu.dma_semaphore, #tpu.memory_space<semaphore_mem>>) src(%dma_wait3A_127 : memref<125x128xf32, #tpu.memory_space<vmem>>) dst(%dma_wait3A_133 : memref<10000x128xf32, #tpu.memory_space<vmem_shared>>)
    %mul3A_134 = arith.constant 16 : i32
    %mul3A_135 = arith.muli %arg0, %mul3A_134 : i32
    %add3A_136 = arith.addi %mul3A_135, %arg1 : i32
    %mul3A_137 = arith.constant 80 : i32
    %mul3A_138 = arith.muli %add3A_136, %mul3A_137 : i32
    %add3A_139 = arith.constant 40 : i32
    %add3A_140 = arith.addi %mul3A_138, %add3A_139 : i32
    "tpu.region"() ({
      %run_scoped3A_245 = tpu.sem_alloc : memref<!tpu.dma_semaphore, #tpu.memory_space<semaphore_mem>>
      %dma_start3A_246 = arith.constant 0 : i32
      %dma_start3A_247 = tpu.memref_slice %arg2[%add3A_140, %dma_start3A_246] : memref<2560x125xi32, #tpu.memory_space<hbm>> -> memref<40x125xi32, #tpu.memory_space<hbm>>
      %dma_start3A_248 = arith.constant 0 : i32
      %dma_start3A_249 = tpu.memref_slice %arg2[%add3A_140, %dma_start3A_248] : memref<2560x125xi32, #tpu.memory_space<hbm>> -> memref<40x125xi32, #tpu.memory_space<hbm>>
      tpu.enqueue_dma source(%dma_start3A_249 : memref<40x125xi32, #tpu.memory_space<hbm>>) target(%arg6 : memref<40x125xi32, #tpu.memory_space<vmem>>) target_semaphore(%run_scoped3A_245 : memref<!tpu.dma_semaphore, #tpu.memory_space<semaphore_mem>>)
      %dma_wait3A_250 = arith.constant 0 : i32
      %dma_wait3A_251 = tpu.memref_slice %arg2[%add3A_140, %dma_wait3A_250] : memref<2560x125xi32, #tpu.memory_space<hbm>> -> memref<40x125xi32, #tpu.memory_space<hbm>>
      %dma_wait3A_252 = arith.constant 0 : i32
      %dma_wait3A_253 = tpu.memref_slice %arg2[%add3A_140, %dma_wait3A_252] : memref<2560x125xi32, #tpu.memory_space<hbm>> -> memref<40x125xi32, #tpu.memory_space<hbm>>
      tpu.wait_dma2 semaphore(%run_scoped3A_245 : memref<!tpu.dma_semaphore, #tpu.memory_space<semaphore_mem>>) src(%dma_wait3A_253 : memref<40x125xi32, #tpu.memory_space<hbm>>) dst(%arg6 : memref<40x125xi32, #tpu.memory_space<vmem>>)
      tpu.yield
    }) : () -> ()
    "tpu.region"() ({
      %run_scoped3A_245 = tpu.sem_alloc : memref<!tpu.dma_semaphore, #tpu.memory_space<semaphore_mem>>
      %dma_start3A_246 = arith.constant 0 : i32
      %dma_start3A_247 = tpu.memref_slice %arg3[%add3A_140, %dma_start3A_246] : memref<2560x125xi32, #tpu.memory_space<hbm>> -> memref<40x125xi32, #tpu.memory_space<hbm>>
      %dma_start3A_248 = arith.constant 0 : i32
      %dma_start3A_249 = tpu.memref_slice %arg3[%add3A_140, %dma_start3A_248] : memref<2560x125xi32, #tpu.memory_space<hbm>> -> memref<40x125xi32, #tpu.memory_space<hbm>>
      tpu.enqueue_dma source(%dma_start3A_249 : memref<40x125xi32, #tpu.memory_space<hbm>>) target(%arg7 : memref<40x125xi32, #tpu.memory_space<vmem>>) target_semaphore(%run_scoped3A_245 : memref<!tpu.dma_semaphore, #tpu.memory_space<semaphore_mem>>)
      %dma_wait3A_250 = arith.constant 0 : i32
      %dma_wait3A_251 = tpu.memref_slice %arg3[%add3A_140, %dma_wait3A_250] : memref<2560x125xi32, #tpu.memory_space<hbm>> -> memref<40x125xi32, #tpu.memory_space<hbm>>
      %dma_wait3A_252 = arith.constant 0 : i32
      %dma_wait3A_253 = tpu.memref_slice %arg3[%add3A_140, %dma_wait3A_252] : memref<2560x125xi32, #tpu.memory_space<hbm>> -> memref<40x125xi32, #tpu.memory_space<hbm>>
      tpu.wait_dma2 semaphore(%run_scoped3A_245 : memref<!tpu.dma_semaphore, #tpu.memory_space<semaphore_mem>>) src(%dma_wait3A_253 : memref<40x125xi32, #tpu.memory_space<hbm>>) dst(%arg7 : memref<40x125xi32, #tpu.memory_space<vmem>>)
      tpu.yield
    }) : () -> ()
    %dma_start3A_141 = arith.constant 0 : i32
    %dma_start3A_142 = arith.constant 0 : i32
    %dma_start3A_143 = arith.constant 0 : i32
    %dma_start3A_144 = arith.constant 0 : i32
    %dma_start3A_145 = tpu.memref_slice %arg8[%dma_start3A_142, %dma_start3A_143, %dma_start3A_144] : memref<2x125x128xf32, #tpu.memory_space<vmem>> -> memref<1x125x128xf32, #tpu.memory_space<vmem>>
    %dma_start3A_146 = tpu.memref_squeeze %dma_start3A_145 : memref<1x125x128xf32, #tpu.memory_space<vmem>> -> memref<125x128xf32, #tpu.memory_space<vmem>>
    %dma_start3A_147 = arith.constant 0 : i32
    %dma_start3A_148 = tpu.memref_slice %arg6[%dma_start3A_141, %dma_start3A_147] : memref<40x125xi32, #tpu.memory_space<vmem>> -> memref<1x125xi32, #tpu.memory_space<vmem>>
    %dma_start3A_149 = tpu.memref_squeeze %dma_start3A_148 : memref<1x125xi32, #tpu.memory_space<vmem>> -> memref<125xi32, #tpu.memory_space<vmem>>
    %dma_start3A_150 = arith.constant 0 : i32
    %dma_start3A_151 = arith.constant 0 : i32
    %dma_start3A_152 = tpu.memref_slice %arg4[%dma_start3A_150, %dma_start3A_151] : memref<10000x128xf32, #tpu.memory_space<hbm>> -> memref<10000x128xf32, #tpu.memory_space<hbm>>
    tpu.enqueue_indirect_dma source(%dma_start3A_152 : memref<10000x128xf32, #tpu.memory_space<hbm>>) target(%dma_start3A_146 : memref<125x128xf32, #tpu.memory_space<vmem>>) offsets(%dma_start3A_149 : memref<125xi32, #tpu.memory_space<vmem>>) semaphore(%arg10 : memref<!tpu.dma_semaphore, #tpu.memory_space<semaphore_mem>>)
    %dma_wait3A_153 = arith.constant 0 : i32
    %dma_wait3A_154 = arith.constant 0 : i32
    %dma_wait3A_155 = arith.constant 0 : i32
    %dma_wait3A_156 = arith.constant 0 : i32
    %dma_wait3A_157 = tpu.memref_slice %arg8[%dma_wait3A_154, %dma_wait3A_155, %dma_wait3A_156] : memref<2x125x128xf32, #tpu.memory_space<vmem>> -> memref<1x125x128xf32, #tpu.memory_space<vmem>>
    %dma_wait3A_158 = tpu.memref_squeeze %dma_wait3A_157 : memref<1x125x128xf32, #tpu.memory_space<vmem>> -> memref<125x128xf32, #tpu.memory_space<vmem>>
    %dma_wait3A_159 = arith.constant 0 : i32
    %dma_wait3A_160 = tpu.memref_slice %arg6[%dma_wait3A_153, %dma_wait3A_159] : memref<40x125xi32, #tpu.memory_space<vmem>> -> memref<1x125xi32, #tpu.memory_space<vmem>>
    %dma_wait3A_161 = tpu.memref_squeeze %dma_wait3A_160 : memref<1x125xi32, #tpu.memory_space<vmem>> -> memref<125xi32, #tpu.memory_space<vmem>>
    %dma_wait3A_162 = arith.constant 0 : i32
    %dma_wait3A_163 = arith.constant 0 : i32
    %dma_wait3A_164 = tpu.memref_slice %arg4[%dma_wait3A_162, %dma_wait3A_163] : memref<10000x128xf32, #tpu.memory_space<hbm>> -> memref<10000x128xf32, #tpu.memory_space<hbm>>
    tpu.wait_indirect_dma semaphore(%arg10 : memref<!tpu.dma_semaphore, #tpu.memory_space<semaphore_mem>>) src(%dma_wait3A_164 : memref<10000x128xf32, #tpu.memory_space<hbm>>) dst(%dma_wait3A_158 : memref<125x128xf32, #tpu.memory_space<vmem>>)
    %dma_start3A_165 = arith.constant 0 : i32
    %dma_start3A_166 = arith.constant 0 : i32
    %dma_start3A_167 = arith.constant 0 : i32
    %dma_start3A_168 = arith.constant 0 : i32
    %dma_start3A_169 = tpu.memref_slice %arg8[%dma_start3A_165, %dma_start3A_167, %dma_start3A_168] : memref<2x125x128xf32, #tpu.memory_space<vmem>> -> memref<1x125x128xf32, #tpu.memory_space<vmem>>
    %dma_start3A_170 = tpu.memref_squeeze %dma_start3A_169 : memref<1x125x128xf32, #tpu.memory_space<vmem>> -> memref<125x128xf32, #tpu.memory_space<vmem>>
    %dma_start3A_171 = arith.constant 0 : i32
    %dma_start3A_172 = tpu.memref_slice %arg7[%dma_start3A_166, %dma_start3A_171] : memref<40x125xi32, #tpu.memory_space<vmem>> -> memref<1x125xi32, #tpu.memory_space<vmem>>
    %dma_start3A_173 = tpu.memref_squeeze %dma_start3A_172 : memref<1x125xi32, #tpu.memory_space<vmem>> -> memref<125xi32, #tpu.memory_space<vmem>>
    %dma_start3A_174 = arith.constant 0 : i32
    %dma_start3A_175 = arith.constant 0 : i32
    %dma_start3A_176 = tpu.memref_slice %arg9[%dma_start3A_174, %dma_start3A_175] : memref<10000x128xf32, #tpu.memory_space<vmem_shared>> -> memref<10000x128xf32, #tpu.memory_space<vmem_shared>>
    tpu.enqueue_indirect_dma source(%dma_start3A_170 : memref<125x128xf32, #tpu.memory_space<vmem>>) target(%dma_start3A_176 : memref<10000x128xf32, #tpu.memory_space<vmem_shared>>) offsets(%dma_start3A_173 : memref<125xi32, #tpu.memory_space<vmem>>) semaphore(%arg12 : memref<!tpu.dma_semaphore, #tpu.memory_space<semaphore_mem>>) {add = true}
    %dma_start3A_177 = arith.constant 1 : i32
    %dma_start3A_178 = arith.constant 1 : i32
    %dma_start3A_179 = arith.constant 0 : i32
    %dma_start3A_180 = arith.constant 0 : i32
    %dma_start3A_181 = tpu.memref_slice %arg8[%dma_start3A_178, %dma_start3A_179, %dma_start3A_180] : memref<2x125x128xf32, #tpu.memory_space<vmem>> -> memref<1x125x128xf32, #tpu.memory_space<vmem>>
    %dma_start3A_182 = tpu.memref_squeeze %dma_start3A_181 : memref<1x125x128xf32, #tpu.memory_space<vmem>> -> memref<125x128xf32, #tpu.memory_space<vmem>>
    %dma_start3A_183 = arith.constant 0 : i32
    %dma_start3A_184 = tpu.memref_slice %arg6[%dma_start3A_177, %dma_start3A_183] : memref<40x125xi32, #tpu.memory_space<vmem>> -> memref<1x125xi32, #tpu.memory_space<vmem>>
    %dma_start3A_185 = tpu.memref_squeeze %dma_start3A_184 : memref<1x125xi32, #tpu.memory_space<vmem>> -> memref<125xi32, #tpu.memory_space<vmem>>
    %dma_start3A_186 = arith.constant 0 : i32
    %dma_start3A_187 = arith.constant 0 : i32
    %dma_start3A_188 = tpu.memref_slice %arg4[%dma_start3A_186, %dma_start3A_187] : memref<10000x128xf32, #tpu.memory_space<hbm>> -> memref<10000x128xf32, #tpu.memory_space<hbm>>
    tpu.enqueue_indirect_dma source(%dma_start3A_188 : memref<10000x128xf32, #tpu.memory_space<hbm>>) target(%dma_start3A_182 : memref<125x128xf32, #tpu.memory_space<vmem>>) offsets(%dma_start3A_185 : memref<125xi32, #tpu.memory_space<vmem>>) semaphore(%arg11 : memref<!tpu.dma_semaphore, #tpu.memory_space<semaphore_mem>>)
    %scan3A_189 = arith.constant 0 : i32
    %scan3A_190 = arith.constant 19 : i32
    %scan3A_191 = arith.addi %scan3A_189, %scan3A_190 : i32
    %scan3A_192 = arith.constant 1 : i32
    scf.for %scan3A_245 = %scan3A_189 to %scan3A_191 step %scan3A_192  : i32 {
      %mul3A_246 = arith.constant 2 : i32
      %mul3A_247 = arith.muli %scan3A_245, %mul3A_246 : i32
      %add3A_248 = arith.constant 1 : i32
      %add3A_249 = arith.addi %add3A_248, %mul3A_247 : i32
      %dma_wait3A_250 = arith.constant 1 : i32
      %dma_wait3A_251 = arith.constant 0 : i32
      %dma_wait3A_252 = arith.constant 0 : i32
      %dma_wait3A_253 = tpu.memref_slice %arg8[%dma_wait3A_250, %dma_wait3A_251, %dma_wait3A_252] : memref<2x125x128xf32, #tpu.memory_space<vmem>> -> memref<1x125x128xf32, #tpu.memory_space<vmem>>
      %dma_wait3A_254 = tpu.memref_squeeze %dma_wait3A_253 : memref<1x125x128xf32, #tpu.memory_space<vmem>> -> memref<125x128xf32, #tpu.memory_space<vmem>>
      %dma_wait3A_255 = arith.constant 0 : i32
      %dma_wait3A_256 = tpu.memref_slice %arg6[%add3A_249, %dma_wait3A_255] : memref<40x125xi32, #tpu.memory_space<vmem>> -> memref<1x125xi32, #tpu.memory_space<vmem>>
      %dma_wait3A_257 = tpu.memref_squeeze %dma_wait3A_256 : memref<1x125xi32, #tpu.memory_space<vmem>> -> memref<125xi32, #tpu.memory_space<vmem>>
      %dma_wait3A_258 = arith.constant 0 : i32
      %dma_wait3A_259 = arith.constant 0 : i32
      %dma_wait3A_260 = tpu.memref_slice %arg4[%dma_wait3A_258, %dma_wait3A_259] : memref<10000x128xf32, #tpu.memory_space<hbm>> -> memref<10000x128xf32, #tpu.memory_space<hbm>>
      tpu.wait_indirect_dma semaphore(%arg11 : memref<!tpu.dma_semaphore, #tpu.memory_space<semaphore_mem>>) src(%dma_wait3A_260 : memref<10000x128xf32, #tpu.memory_space<hbm>>) dst(%dma_wait3A_254 : memref<125x128xf32, #tpu.memory_space<vmem>>)
      %dma_start3A_261 = arith.constant 1 : i32
      %dma_start3A_262 = arith.constant 0 : i32
      %dma_start3A_263 = arith.constant 0 : i32
      %dma_start3A_264 = tpu.memref_slice %arg8[%dma_start3A_261, %dma_start3A_262, %dma_start3A_263] : memref<2x125x128xf32, #tpu.memory_space<vmem>> -> memref<1x125x128xf32, #tpu.memory_space<vmem>>
      %dma_start3A_265 = tpu.memref_squeeze %dma_start3A_264 : memref<1x125x128xf32, #tpu.memory_space<vmem>> -> memref<125x128xf32, #tpu.memory_space<vmem>>
      %dma_start3A_266 = arith.constant 0 : i32
      %dma_start3A_267 = tpu.memref_slice %arg7[%add3A_249, %dma_start3A_266] : memref<40x125xi32, #tpu.memory_space<vmem>> -> memref<1x125xi32, #tpu.memory_space<vmem>>
      %dma_start3A_268 = tpu.memref_squeeze %dma_start3A_267 : memref<1x125xi32, #tpu.memory_space<vmem>> -> memref<125xi32, #tpu.memory_space<vmem>>
      %dma_start3A_269 = arith.constant 0 : i32
      %dma_start3A_270 = arith.constant 0 : i32
      %dma_start3A_271 = tpu.memref_slice %arg9[%dma_start3A_269, %dma_start3A_270] : memref<10000x128xf32, #tpu.memory_space<vmem_shared>> -> memref<10000x128xf32, #tpu.memory_space<vmem_shared>>
      tpu.enqueue_indirect_dma source(%dma_start3A_265 : memref<125x128xf32, #tpu.memory_space<vmem>>) target(%dma_start3A_271 : memref<10000x128xf32, #tpu.memory_space<vmem_shared>>) offsets(%dma_start3A_268 : memref<125xi32, #tpu.memory_space<vmem>>) semaphore(%arg13 : memref<!tpu.dma_semaphore, #tpu.memory_space<semaphore_mem>>) {add = true}
      %sub3A = arith.constant 1 : i32
      %sub3A_272 = arith.subi %add3A_249, %sub3A : i32
      %dma_wait3A_273 = arith.constant 0 : i32
      %dma_wait3A_274 = arith.constant 0 : i32
      %dma_wait3A_275 = arith.constant 0 : i32
      %dma_wait3A_276 = tpu.memref_slice %arg8[%dma_wait3A_273, %dma_wait3A_274, %dma_wait3A_275] : memref<2x125x128xf32, #tpu.memory_space<vmem>> -> memref<1x125x128xf32, #tpu.memory_space<vmem>>
      %dma_wait3A_277 = tpu.memref_squeeze %dma_wait3A_276 : memref<1x125x128xf32, #tpu.memory_space<vmem>> -> memref<125x128xf32, #tpu.memory_space<vmem>>
      %dma_wait3A_278 = arith.constant 0 : i32
      %dma_wait3A_279 = tpu.memref_slice %arg7[%sub3A_272, %dma_wait3A_278] : memref<40x125xi32, #tpu.memory_space<vmem>> -> memref<1x125xi32, #tpu.memory_space<vmem>>
      %dma_wait3A_280 = tpu.memref_squeeze %dma_wait3A_279 : memref<1x125xi32, #tpu.memory_space<vmem>> -> memref<125xi32, #tpu.memory_space<vmem>>
      %dma_wait3A_281 = arith.constant 0 : i32
      %dma_wait3A_282 = arith.constant 0 : i32
      %dma_wait3A_283 = tpu.memref_slice %arg9[%dma_wait3A_281, %dma_wait3A_282] : memref<10000x128xf32, #tpu.memory_space<vmem_shared>> -> memref<10000x128xf32, #tpu.memory_space<vmem_shared>>
      tpu.wait_indirect_dma semaphore(%arg12 : memref<!tpu.dma_semaphore, #tpu.memory_space<semaphore_mem>>) src(%dma_wait3A_277 : memref<125x128xf32, #tpu.memory_space<vmem>>) dst(%dma_wait3A_283 : memref<10000x128xf32, #tpu.memory_space<vmem_shared>>)
      %add3A_284 = arith.constant 1 : i32
      %add3A_285 = arith.addi %add3A_249, %add3A_284 : i32
      %dma_start3A_286 = arith.constant 0 : i32
      %dma_start3A_287 = arith.constant 0 : i32
      %dma_start3A_288 = arith.constant 0 : i32
      %dma_start3A_289 = tpu.memref_slice %arg8[%dma_start3A_286, %dma_start3A_287, %dma_start3A_288] : memref<2x125x128xf32, #tpu.memory_space<vmem>> -> memref<1x125x128xf32, #tpu.memory_space<vmem>>
      %dma_start3A_290 = tpu.memref_squeeze %dma_start3A_289 : memref<1x125x128xf32, #tpu.memory_space<vmem>> -> memref<125x128xf32, #tpu.memory_space<vmem>>
      %dma_start3A_291 = arith.constant 0 : i32
      %dma_start3A_292 = tpu.memref_slice %arg6[%add3A_285, %dma_start3A_291] : memref<40x125xi32, #tpu.memory_space<vmem>> -> memref<1x125xi32, #tpu.memory_space<vmem>>
      %dma_start3A_293 = tpu.memref_squeeze %dma_start3A_292 : memref<1x125xi32, #tpu.memory_space<vmem>> -> memref<125xi32, #tpu.memory_space<vmem>>
      %dma_start3A_294 = arith.constant 0 : i32
      %dma_start3A_295 = arith.constant 0 : i32
      %dma_start3A_296 = tpu.memref_slice %arg4[%dma_start3A_294, %dma_start3A_295] : memref<10000x128xf32, #tpu.memory_space<hbm>> -> memref<10000x128xf32, #tpu.memory_space<hbm>>
      tpu.enqueue_indirect_dma source(%dma_start3A_296 : memref<10000x128xf32, #tpu.memory_space<hbm>>) target(%dma_start3A_290 : memref<125x128xf32, #tpu.memory_space<vmem>>) offsets(%dma_start3A_293 : memref<125xi32, #tpu.memory_space<vmem>>) semaphore(%arg10 : memref<!tpu.dma_semaphore, #tpu.memory_space<semaphore_mem>>)
      %add3A_297 = arith.constant 1 : i32
      %add3A_298 = arith.addi %add3A_249, %add3A_297 : i32
      %dma_wait3A_299 = arith.constant 0 : i32
      %dma_wait3A_300 = arith.constant 0 : i32
      %dma_wait3A_301 = arith.constant 0 : i32
      %dma_wait3A_302 = tpu.memref_slice %arg8[%dma_wait3A_299, %dma_wait3A_300, %dma_wait3A_301] : memref<2x125x128xf32, #tpu.memory_space<vmem>> -> memref<1x125x128xf32, #tpu.memory_space<vmem>>
      %dma_wait3A_303 = tpu.memref_squeeze %dma_wait3A_302 : memref<1x125x128xf32, #tpu.memory_space<vmem>> -> memref<125x128xf32, #tpu.memory_space<vmem>>
      %dma_wait3A_304 = arith.constant 0 : i32
      %dma_wait3A_305 = tpu.memref_slice %arg6[%add3A_298, %dma_wait3A_304] : memref<40x125xi32, #tpu.memory_space<vmem>> -> memref<1x125xi32, #tpu.memory_space<vmem>>
      %dma_wait3A_306 = tpu.memref_squeeze %dma_wait3A_305 : memref<1x125xi32, #tpu.memory_space<vmem>> -> memref<125xi32, #tpu.memory_space<vmem>>
      %dma_wait3A_307 = arith.constant 0 : i32
      %dma_wait3A_308 = arith.constant 0 : i32
      %dma_wait3A_309 = tpu.memref_slice %arg4[%dma_wait3A_307, %dma_wait3A_308] : memref<10000x128xf32, #tpu.memory_space<hbm>> -> memref<10000x128xf32, #tpu.memory_space<hbm>>
      tpu.wait_indirect_dma semaphore(%arg10 : memref<!tpu.dma_semaphore, #tpu.memory_space<semaphore_mem>>) src(%dma_wait3A_309 : memref<10000x128xf32, #tpu.memory_space<hbm>>) dst(%dma_wait3A_303 : memref<125x128xf32, #tpu.memory_space<vmem>>)
      %add3A_310 = arith.constant 1 : i32
      %add3A_311 = arith.addi %add3A_249, %add3A_310 : i32
      %dma_start3A_312 = arith.constant 0 : i32
      %dma_start3A_313 = arith.constant 0 : i32
      %dma_start3A_314 = arith.constant 0 : i32
      %dma_start3A_315 = tpu.memref_slice %arg8[%dma_start3A_312, %dma_start3A_313, %dma_start3A_314] : memref<2x125x128xf32, #tpu.memory_space<vmem>> -> memref<1x125x128xf32, #tpu.memory_space<vmem>>
      %dma_start3A_316 = tpu.memref_squeeze %dma_start3A_315 : memref<1x125x128xf32, #tpu.memory_space<vmem>> -> memref<125x128xf32, #tpu.memory_space<vmem>>
      %dma_start3A_317 = arith.constant 0 : i32
      %dma_start3A_318 = tpu.memref_slice %arg7[%add3A_311, %dma_start3A_317] : memref<40x125xi32, #tpu.memory_space<vmem>> -> memref<1x125xi32, #tpu.memory_space<vmem>>
      %dma_start3A_319 = tpu.memref_squeeze %dma_start3A_318 : memref<1x125xi32, #tpu.memory_space<vmem>> -> memref<125xi32, #tpu.memory_space<vmem>>
      %dma_start3A_320 = arith.constant 0 : i32
      %dma_start3A_321 = arith.constant 0 : i32
      %dma_start3A_322 = tpu.memref_slice %arg9[%dma_start3A_320, %dma_start3A_321] : memref<10000x128xf32, #tpu.memory_space<vmem_shared>> -> memref<10000x128xf32, #tpu.memory_space<vmem_shared>>
      tpu.enqueue_indirect_dma source(%dma_start3A_316 : memref<125x128xf32, #tpu.memory_space<vmem>>) target(%dma_start3A_322 : memref<10000x128xf32, #tpu.memory_space<vmem_shared>>) offsets(%dma_start3A_319 : memref<125xi32, #tpu.memory_space<vmem>>) semaphore(%arg12 : memref<!tpu.dma_semaphore, #tpu.memory_space<semaphore_mem>>) {add = true}
      %dma_wait3A_323 = arith.constant 1 : i32
      %dma_wait3A_324 = arith.constant 0 : i32
      %dma_wait3A_325 = arith.constant 0 : i32
      %dma_wait3A_326 = tpu.memref_slice %arg8[%dma_wait3A_323, %dma_wait3A_324, %dma_wait3A_325] : memref<2x125x128xf32, #tpu.memory_space<vmem>> -> memref<1x125x128xf32, #tpu.memory_space<vmem>>
      %dma_wait3A_327 = tpu.memref_squeeze %dma_wait3A_326 : memref<1x125x128xf32, #tpu.memory_space<vmem>> -> memref<125x128xf32, #tpu.memory_space<vmem>>
      %dma_wait3A_328 = arith.constant 0 : i32
      %dma_wait3A_329 = tpu.memref_slice %arg7[%add3A_249, %dma_wait3A_328] : memref<40x125xi32, #tpu.memory_space<vmem>> -> memref<1x125xi32, #tpu.memory_space<vmem>>
      %dma_wait3A_330 = tpu.memref_squeeze %dma_wait3A_329 : memref<1x125xi32, #tpu.memory_space<vmem>> -> memref<125xi32, #tpu.memory_space<vmem>>
      %dma_wait3A_331 = arith.constant 0 : i32
      %dma_wait3A_332 = arith.constant 0 : i32
      %dma_wait3A_333 = tpu.memref_slice %arg9[%dma_wait3A_331, %dma_wait3A_332] : memref<10000x128xf32, #tpu.memory_space<vmem_shared>> -> memref<10000x128xf32, #tpu.memory_space<vmem_shared>>
      tpu.wait_indirect_dma semaphore(%arg13 : memref<!tpu.dma_semaphore, #tpu.memory_space<semaphore_mem>>) src(%dma_wait3A_327 : memref<125x128xf32, #tpu.memory_space<vmem>>) dst(%dma_wait3A_333 : memref<10000x128xf32, #tpu.memory_space<vmem_shared>>)
      %add3A_334 = arith.constant 2 : i32
      %add3A_335 = arith.addi %add3A_249, %add3A_334 : i32
      %dma_start3A_336 = arith.constant 1 : i32
      %dma_start3A_337 = arith.constant 0 : i32
      %dma_start3A_338 = arith.constant 0 : i32
      %dma_start3A_339 = tpu.memref_slice %arg8[%dma_start3A_336, %dma_start3A_337, %dma_start3A_338] : memref<2x125x128xf32, #tpu.memory_space<vmem>> -> memref<1x125x128xf32, #tpu.memory_space<vmem>>
      %dma_start3A_340 = tpu.memref_squeeze %dma_start3A_339 : memref<1x125x128xf32, #tpu.memory_space<vmem>> -> memref<125x128xf32, #tpu.memory_space<vmem>>
      %dma_start3A_341 = arith.constant 0 : i32
      %dma_start3A_342 = tpu.memref_slice %arg6[%add3A_335, %dma_start3A_341] : memref<40x125xi32, #tpu.memory_space<vmem>> -> memref<1x125xi32, #tpu.memory_space<vmem>>
      %dma_start3A_343 = tpu.memref_squeeze %dma_start3A_342 : memref<1x125xi32, #tpu.memory_space<vmem>> -> memref<125xi32, #tpu.memory_space<vmem>>
      %dma_start3A_344 = arith.constant 0 : i32
      %dma_start3A_345 = arith.constant 0 : i32
      %dma_start3A_346 = tpu.memref_slice %arg4[%dma_start3A_344, %dma_start3A_345] : memref<10000x128xf32, #tpu.memory_space<hbm>> -> memref<10000x128xf32, #tpu.memory_space<hbm>>
      tpu.enqueue_indirect_dma source(%dma_start3A_346 : memref<10000x128xf32, #tpu.memory_space<hbm>>) target(%dma_start3A_340 : memref<125x128xf32, #tpu.memory_space<vmem>>) offsets(%dma_start3A_343 : memref<125xi32, #tpu.memory_space<vmem>>) semaphore(%arg11 : memref<!tpu.dma_semaphore, #tpu.memory_space<semaphore_mem>>)
    }
    %scan3A_193 = arith.constant 19 : i32
    %dma_wait3A_194 = arith.constant 39 : i32
    %dma_wait3A_195 = arith.constant 1 : i32
    %dma_wait3A_196 = arith.constant 0 : i32
    %dma_wait3A_197 = arith.constant 0 : i32
    %dma_wait3A_198 = tpu.memref_slice %arg8[%dma_wait3A_195, %dma_wait3A_196, %dma_wait3A_197] : memref<2x125x128xf32, #tpu.memory_space<vmem>> -> memref<1x125x128xf32, #tpu.memory_space<vmem>>
    %dma_wait3A_199 = tpu.memref_squeeze %dma_wait3A_198 : memref<1x125x128xf32, #tpu.memory_space<vmem>> -> memref<125x128xf32, #tpu.memory_space<vmem>>
    %dma_wait3A_200 = arith.constant 0 : i32
    %dma_wait3A_201 = tpu.memref_slice %arg6[%dma_wait3A_194, %dma_wait3A_200] : memref<40x125xi32, #tpu.memory_space<vmem>> -> memref<1x125xi32, #tpu.memory_space<vmem>>
    %dma_wait3A_202 = tpu.memref_squeeze %dma_wait3A_201 : memref<1x125xi32, #tpu.memory_space<vmem>> -> memref<125xi32, #tpu.memory_space<vmem>>
    %dma_wait3A_203 = arith.constant 0 : i32
    %dma_wait3A_204 = arith.constant 0 : i32
    %dma_wait3A_205 = tpu.memref_slice %arg4[%dma_wait3A_203, %dma_wait3A_204] : memref<10000x128xf32, #tpu.memory_space<hbm>> -> memref<10000x128xf32, #tpu.memory_space<hbm>>
    tpu.wait_indirect_dma semaphore(%arg11 : memref<!tpu.dma_semaphore, #tpu.memory_space<semaphore_mem>>) src(%dma_wait3A_205 : memref<10000x128xf32, #tpu.memory_space<hbm>>) dst(%dma_wait3A_199 : memref<125x128xf32, #tpu.memory_space<vmem>>)
    %dma_start3A_206 = arith.constant 1 : i32
    %dma_start3A_207 = arith.constant 39 : i32
    %dma_start3A_208 = arith.constant 0 : i32
    %dma_start3A_209 = arith.constant 0 : i32
    %dma_start3A_210 = tpu.memref_slice %arg8[%dma_start3A_206, %dma_start3A_208, %dma_start3A_209] : memref<2x125x128xf32, #tpu.memory_space<vmem>> -> memref<1x125x128xf32, #tpu.memory_space<vmem>>
    %dma_start3A_211 = tpu.memref_squeeze %dma_start3A_210 : memref<1x125x128xf32, #tpu.memory_space<vmem>> -> memref<125x128xf32, #tpu.memory_space<vmem>>
    %dma_start3A_212 = arith.constant 0 : i32
    %dma_start3A_213 = tpu.memref_slice %arg7[%dma_start3A_207, %dma_start3A_212] : memref<40x125xi32, #tpu.memory_space<vmem>> -> memref<1x125xi32, #tpu.memory_space<vmem>>
    %dma_start3A_214 = tpu.memref_squeeze %dma_start3A_213 : memref<1x125xi32, #tpu.memory_space<vmem>> -> memref<125xi32, #tpu.memory_space<vmem>>
    %dma_start3A_215 = arith.constant 0 : i32
    %dma_start3A_216 = arith.constant 0 : i32
    %dma_start3A_217 = tpu.memref_slice %arg9[%dma_start3A_215, %dma_start3A_216] : memref<10000x128xf32, #tpu.memory_space<vmem_shared>> -> memref<10000x128xf32, #tpu.memory_space<vmem_shared>>
    tpu.enqueue_indirect_dma source(%dma_start3A_211 : memref<125x128xf32, #tpu.memory_space<vmem>>) target(%dma_start3A_217 : memref<10000x128xf32, #tpu.memory_space<vmem_shared>>) offsets(%dma_start3A_214 : memref<125xi32, #tpu.memory_space<vmem>>) semaphore(%arg13 : memref<!tpu.dma_semaphore, #tpu.memory_space<semaphore_mem>>) {add = true}
    %dma_wait3A_218 = arith.constant 0 : i32
    %dma_wait3A_219 = arith.constant 38 : i32
    %dma_wait3A_220 = arith.constant 0 : i32
    %dma_wait3A_221 = arith.constant 0 : i32
    %dma_wait3A_222 = tpu.memref_slice %arg8[%dma_wait3A_218, %dma_wait3A_220, %dma_wait3A_221] : memref<2x125x128xf32, #tpu.memory_space<vmem>> -> memref<1x125x128xf32, #tpu.memory_space<vmem>>
    %dma_wait3A_223 = tpu.memref_squeeze %dma_wait3A_222 : memref<1x125x128xf32, #tpu.memory_space<vmem>> -> memref<125x128xf32, #tpu.memory_space<vmem>>
    %dma_wait3A_224 = arith.constant 0 : i32
    %dma_wait3A_225 = tpu.memref_slice %arg7[%dma_wait3A_219, %dma_wait3A_224] : memref<40x125xi32, #tpu.memory_space<vmem>> -> memref<1x125xi32, #tpu.memory_space<vmem>>
    %dma_wait3A_226 = tpu.memref_squeeze %dma_wait3A_225 : memref<1x125xi32, #tpu.memory_space<vmem>> -> memref<125xi32, #tpu.memory_space<vmem>>
    %dma_wait3A_227 = arith.constant 0 : i32
    %dma_wait3A_228 = arith.constant 0 : i32
    %dma_wait3A_229 = tpu.memref_slice %arg9[%dma_wait3A_227, %dma_wait3A_228] : memref<10000x128xf32, #tpu.memory_space<vmem_shared>> -> memref<10000x128xf32, #tpu.memory_space<vmem_shared>>
    tpu.wait_indirect_dma semaphore(%arg12 : memref<!tpu.dma_semaphore, #tpu.memory_space<semaphore_mem>>) src(%dma_wait3A_223 : memref<125x128xf32, #tpu.memory_space<vmem>>) dst(%dma_wait3A_229 : memref<10000x128xf32, #tpu.memory_space<vmem_shared>>)
    %dma_wait3A_230 = arith.constant 1 : i32
    %dma_wait3A_231 = arith.constant 39 : i32
    %dma_wait3A_232 = arith.constant 0 : i32
    %dma_wait3A_233 = arith.constant 0 : i32
    %dma_wait3A_234 = tpu.memref_slice %arg8[%dma_wait3A_230, %dma_wait3A_232, %dma_wait3A_233] : memref<2x125x128xf32, #tpu.memory_space<vmem>> -> memref<1x125x128xf32, #tpu.memory_space<vmem>>
    %dma_wait3A_235 = tpu.memref_squeeze %dma_wait3A_234 : memref<1x125x128xf32, #tpu.memory_space<vmem>> -> memref<125x128xf32, #tpu.memory_space<vmem>>
    %dma_wait3A_236 = arith.constant 0 : i32
    %dma_wait3A_237 = tpu.memref_slice %arg7[%dma_wait3A_231, %dma_wait3A_236] : memref<40x125xi32, #tpu.memory_space<vmem>> -> memref<1x125xi32, #tpu.memory_space<vmem>>
    %dma_wait3A_238 = tpu.memref_squeeze %dma_wait3A_237 : memref<1x125xi32, #tpu.memory_space<vmem>> -> memref<125xi32, #tpu.memory_space<vmem>>
    %dma_wait3A_239 = arith.constant 0 : i32
    %dma_wait3A_240 = arith.constant 0 : i32
    %dma_wait3A_241 = tpu.memref_slice %arg9[%dma_wait3A_239, %dma_wait3A_240] : memref<10000x128xf32, #tpu.memory_space<vmem_shared>> -> memref<10000x128xf32, #tpu.memory_space<vmem_shared>>
    tpu.wait_indirect_dma semaphore(%arg13 : memref<!tpu.dma_semaphore, #tpu.memory_space<semaphore_mem>>) src(%dma_wait3A_235 : memref<125x128xf32, #tpu.memory_space<vmem>>) dst(%dma_wait3A_241 : memref<10000x128xf32, #tpu.memory_space<vmem_shared>>)
    %barrier3A_242 = arith.constant 0 : index
    tpu.barrier barrier_id(%barrier3A_242)
    %mul3A_243 = arith.constant 625 : i32
    %mul3A_244 = arith.muli %arg1, %mul3A_243 : i32
    "tpu.region"() ({
      %run_scoped3A_245 = tpu.sem_alloc : memref<!tpu.dma_semaphore, #tpu.memory_space<semaphore_mem>>
      %dma_start3A_246 = arith.constant 0 : i32
      %dma_start3A_247 = arith.constant 0 : i32
      %dma_start3A_248 = tpu.memref_slice %arg5[%arg0, %arg1, %dma_start3A_246, %dma_start3A_247] : memref<2x16x625x128xf32, #tpu.memory_space<hbm>> -> memref<1x1x625x128xf32, #tpu.memory_space<hbm>>
      %dma_start3A_249 = tpu.memref_squeeze %dma_start3A_248 : memref<1x1x625x128xf32, #tpu.memory_space<hbm>> -> memref<625x128xf32, #tpu.memory_space<hbm>>
      %dma_start3A_250 = arith.constant 0 : i32
      %dma_start3A_251 = tpu.memref_slice %arg9[%mul3A_244, %dma_start3A_250] : memref<10000x128xf32, #tpu.memory_space<vmem_shared>> -> memref<625x128xf32, #tpu.memory_space<vmem_shared>>
      tpu.enqueue_dma source(%dma_start3A_251 : memref<625x128xf32, #tpu.memory_space<vmem_shared>>) target(%dma_start3A_249 : memref<625x128xf32, #tpu.memory_space<hbm>>) target_semaphore(%run_scoped3A_245 : memref<!tpu.dma_semaphore, #tpu.memory_space<semaphore_mem>>)
      %dma_wait3A_252 = arith.constant 0 : i32
      %dma_wait3A_253 = arith.constant 0 : i32
      %dma_wait3A_254 = tpu.memref_slice %arg5[%arg0, %arg1, %dma_wait3A_252, %dma_wait3A_253] : memref<2x16x625x128xf32, #tpu.memory_space<hbm>> -> memref<1x1x625x128xf32, #tpu.memory_space<hbm>>
      %dma_wait3A_255 = tpu.memref_squeeze %dma_wait3A_254 : memref<1x1x625x128xf32, #tpu.memory_space<hbm>> -> memref<625x128xf32, #tpu.memory_space<hbm>>
      %dma_wait3A_256 = arith.constant 0 : i32
      %dma_wait3A_257 = tpu.memref_slice %arg9[%mul3A_244, %dma_wait3A_256] : memref<10000x128xf32, #tpu.memory_space<vmem_shared>> -> memref<625x128xf32, #tpu.memory_space<vmem_shared>>
      tpu.wait_dma2 semaphore(%run_scoped3A_245 : memref<!tpu.dma_semaphore, #tpu.memory_space<semaphore_mem>>) src(%dma_wait3A_257 : memref<625x128xf32, #tpu.memory_space<vmem_shared>>) dst(%dma_wait3A_255 : memref<625x128xf32, #tpu.memory_space<hbm>>)
      tpu.yield
    }) : () -> ()
    return
  }
}

#map = affine_map<(d0, d1) -> (0, 0)>
#map1 = affine_map<(d0, d1) -> (0, 0, 0, 0)>
module attributes {stable_mosaic.version = 14 : i64} {
  func.func @_agg_body(%arg0: i32, %arg1: i32, %arg2: memref<2560x125xi32, #tpu.memory_space<hbm>>, %arg3: memref<2560x125xi32, #tpu.memory_space<hbm>>, %arg4: memref<10000x128xf32, #tpu.memory_space<hbm>>, %arg5: memref<2x16x625x128xf32, #tpu.memory_space<hbm>>, %arg6: memref<40x125xi32, #tpu.memory_space<vmem>>, %arg7: memref<40x125xi32, #tpu.memory_space<vmem>>, %arg8: memref<2x125x128xf32, #tpu.memory_space<vmem>>, %arg9: memref<10000x128xf32, #tpu.memory_space<vmem_shared>>, %arg10: memref<!tpu.dma_semaphore, #tpu.memory_space<semaphore_mem>>, %arg11: memref<!tpu.dma_semaphore, #tpu.memory_space<semaphore_mem>>, %arg12: memref<!tpu.dma_semaphore, #tpu.memory_space<semaphore_mem>>, %arg13: memref<!tpu.dma_semaphore, #tpu.memory_space<semaphore_mem>>) attributes {dimension_semantics = [#tpu.dimension_semantics<core_parallel>, #tpu.dimension_semantics<subcore_parallel>], iteration_bounds = array<i64: 2, 16>, scalar_prefetch = 0 : i64, scratch_operands = 8 : i64, tpu.core_type = #tpu.core_type<sc_vector_subcore>, window_params = [{transform_indices = #map}, {transform_indices = #map}, {transform_indices = #map}, {transform_indices = #map1}]} {
    %scan3A = arith.constant 0 : i32
    %scan3A_0 = arith.constant 0 : i32
    %scan3A_1 = arith.constant 125 : i32
    %scan3A_2 = arith.addi %scan3A_0, %scan3A_1 : i32
    %scan3A_3 = arith.constant 1 : i32
    %scan3A_4 = scf.for %scan3A_245 = %scan3A_0 to %scan3A_2 step %scan3A_3 iter_args(%scan3A_246 = %scan3A) -> (i32)  : i32 {
      %broadcast_in_dim3A = arith.constant 0.000000e+00 : f32
      %broadcast_in_dim3A_247 = vector.broadcast %broadcast_in_dim3A : f32 to vector<16xf32>
      %swap3A = arith.constant 0 : i32
      %swap3A_248 = arith.index_cast %swap3A : i32 to index
      %swap3A_249 = arith.index_cast %scan3A_245 : i32 to index
      %swap3A_250 = arith.constant 0 : index
      %swap3A_251 = tpu.vector_load %arg8[%swap3A_248, %swap3A_249, %swap3A_250] {strides = array<i32>} : memref<2x125x128xf32, #tpu.memory_space<vmem>>, vector<1x1x16xf32>,
      %swap3A_252 = vector.shape_cast %swap3A_251 : vector<1x1x16xf32> to vector<16xf32>
      %swap3A_253 = vector.shape_cast %broadcast_in_dim3A_247 : vector<16xf32> to vector<1x1x16xf32>
      tpu.vector_store %arg8[%swap3A_248, %swap3A_249, %swap3A_250], %swap3A_253 {strides = array<i32>} : memref<2x125x128xf32, #tpu.memory_space<vmem>>, vector<1x1x16xf32>,
      %broadcast_in_dim3A_254 = arith.constant 0.000000e+00 : f32
      %broadcast_in_dim3A_255 = vector.broadcast %broadcast_in_dim3A_254 : f32 to vector<16xf32>
      %swap3A_256 = arith.constant 0 : i32
      %swap3A_257 = arith.index_cast %swap3A_256 : i32 to index
      %swap3A_258 = arith.index_cast %scan3A_245 : i32 to index
      %swap3A_259 = arith.constant 16 : index
      %swap3A_260 = tpu.vector_load %arg8[%swap3A_257, %swap3A_258, %swap3A_259] {strides = array<i32>} : memref<2x125x128xf32, #tpu.memory_space<vmem>>, vector<1x1x16xf32>,
      %swap3A_261 = vector.shape_cast %swap3A_260 : vector<1x1x16xf32> to vector<16xf32>
      %swap3A_262 = vector.shape_cast %broadcast_in_dim3A_255 : vector<16xf32> to vector<1x1x16xf32>
      tpu.vector_store %arg8[%swap3A_257, %swap3A_258, %swap3A_259], %swap3A_262 {strides = array<i32>} : memref<2x125x128xf32, #tpu.memory_space<vmem>>, vector<1x1x16xf32>,
      %broadcast_in_dim3A_263 = arith.constant 0.000000e+00 : f32
      %broadcast_in_dim3A_264 = vector.broadcast %broadcast_in_dim3A_263 : f32 to vector<16xf32>
      %swap3A_265 = arith.constant 0 : i32
      %swap3A_266 = arith.index_cast %swap3A_265 : i32 to index
      %swap3A_267 = arith.index_cast %scan3A_245 : i32 to index
      %swap3A_268 = arith.constant 32 : index
      %swap3A_269 = tpu.vector_load %arg8[%swap3A_266, %swap3A_267, %swap3A_268] {strides = array<i32>} : memref<2x125x128xf32, #tpu.memory_space<vmem>>, vector<1x1x16xf32>,
      %swap3A_270 = vector.shape_cast %swap3A_269 : vector<1x1x16xf32> to vector<16xf32>
      %swap3A_271 = vector.shape_cast %broadcast_in_dim3A_264 : vector<16xf32> to vector<1x1x16xf32>
      tpu.vector_store %arg8[%swap3A_266, %swap3A_267, %swap3A_268], %swap3A_271 {strides = array<i32>} : memref<2x125x128xf32, #tpu.memory_space<vmem>>, vector<1x1x16xf32>,
      %broadcast_in_dim3A_272 = arith.constant 0.000000e+00 : f32
      %broadcast_in_dim3A_273 = vector.broadcast %broadcast_in_dim3A_272 : f32 to vector<16xf32>
      %swap3A_274 = arith.constant 0 : i32
      %swap3A_275 = arith.index_cast %swap3A_274 : i32 to index
      %swap3A_276 = arith.index_cast %scan3A_245 : i32 to index
      %swap3A_277 = arith.constant 48 : index
      %swap3A_278 = tpu.vector_load %arg8[%swap3A_275, %swap3A_276, %swap3A_277] {strides = array<i32>} : memref<2x125x128xf32, #tpu.memory_space<vmem>>, vector<1x1x16xf32>,
      %swap3A_279 = vector.shape_cast %swap3A_278 : vector<1x1x16xf32> to vector<16xf32>
      %swap3A_280 = vector.shape_cast %broadcast_in_dim3A_273 : vector<16xf32> to vector<1x1x16xf32>
      tpu.vector_store %arg8[%swap3A_275, %swap3A_276, %swap3A_277], %swap3A_280 {strides = array<i32>} : memref<2x125x128xf32, #tpu.memory_space<vmem>>, vector<1x1x16xf32>,
      %broadcast_in_dim3A_281 = arith.constant 0.000000e+00 : f32
      %broadcast_in_dim3A_282 = vector.broadcast %broadcast_in_dim3A_281 : f32 to vector<16xf32>
      %swap3A_283 = arith.constant 0 : i32
      %swap3A_284 = arith.index_cast %swap3A_283 : i32 to index
      %swap3A_285 = arith.index_cast %scan3A_245 : i32 to index
      %swap3A_286 = arith.constant 64 : index
      %swap3A_287 = tpu.vector_load %arg8[%swap3A_284, %swap3A_285, %swap3A_286] {strides = array<i32>} : memref<2x125x128xf32, #tpu.memory_space<vmem>>, vector<1x1x16xf32>,
      %swap3A_288 = vector.shape_cast %swap3A_287 : vector<1x1x16xf32> to vector<16xf32>
      %swap3A_289 = vector.shape_cast %broadcast_in_dim3A_282 : vector<16xf32> to vector<1x1x16xf32>
      tpu.vector_store %arg8[%swap3A_284, %swap3A_285, %swap3A_286], %swap3A_289 {strides = array<i32>} : memref<2x125x128xf32, #tpu.memory_space<vmem>>, vector<1x1x16xf32>,
      %broadcast_in_dim3A_290 = arith.constant 0.000000e+00 : f32
      %broadcast_in_dim3A_291 = vector.broadcast %broadcast_in_dim3A_290 : f32 to vector<16xf32>
      %swap3A_292 = arith.constant 0 : i32
      %swap3A_293 = arith.index_cast %swap3A_292 : i32 to index
      %swap3A_294 = arith.index_cast %scan3A_245 : i32 to index
      %swap3A_295 = arith.constant 80 : index
      %swap3A_296 = tpu.vector_load %arg8[%swap3A_293, %swap3A_294, %swap3A_295] {strides = array<i32>} : memref<2x125x128xf32, #tpu.memory_space<vmem>>, vector<1x1x16xf32>,
      %swap3A_297 = vector.shape_cast %swap3A_296 : vector<1x1x16xf32> to vector<16xf32>
      %swap3A_298 = vector.shape_cast %broadcast_in_dim3A_291 : vector<16xf32> to vector<1x1x16xf32>
      tpu.vector_store %arg8[%swap3A_293, %swap3A_294, %swap3A_295], %swap3A_298 {strides = array<i32>} : memref<2x125x128xf32, #tpu.memory_space<vmem>>, vector<1x1x16xf32>,
      %broadcast_in_dim3A_299 = arith.constant 0.000000e+00 : f32
      %broadcast_in_dim3A_300 = vector.broadcast %broadcast_in_dim3A_299 : f32 to vector<16xf32>
      %swap3A_301 = arith.constant 0 : i32
      %swap3A_302 = arith.index_cast %swap3A_301 : i32 to index
      %swap3A_303 = arith.index_cast %scan3A_245 : i32 to index
      %swap3A_304 = arith.constant 96 : index
      %swap3A_305 = tpu.vector_load %arg8[%swap3A_302, %swap3A_303, %swap3A_304] {strides = array<i32>} : memref<2x125x128xf32, #tpu.memory_space<vmem>>, vector<1x1x16xf32>,
      %swap3A_306 = vector.shape_cast %swap3A_305 : vector<1x1x16xf32> to vector<16xf32>
      %swap3A_307 = vector.shape_cast %broadcast_in_dim3A_300 : vector<16xf32> to vector<1x1x16xf32>
      tpu.vector_store %arg8[%swap3A_302, %swap3A_303, %swap3A_304], %swap3A_307 {strides = array<i32>} : memref<2x125x128xf32, #tpu.memory_space<vmem>>, vector<1x1x16xf32>,
      %broadcast_in_dim3A_308 = arith.constant 0.000000e+00 : f32
      %broadcast_in_dim3A_309 = vector.broadcast %broadcast_in_dim3A_308 : f32 to vector<16xf32>
      %swap3A_310 = arith.constant 0 : i32
      %swap3A_311 = arith.index_cast %swap3A_310 : i32 to index
      %swap3A_312 = arith.index_cast %scan3A_245 : i32 to index
      %swap3A_313 = arith.constant 112 : index
      %swap3A_314 = tpu.vector_load %arg8[%swap3A_311, %swap3A_312, %swap3A_313] {strides = array<i32>} : memref<2x125x128xf32, #tpu.memory_space<vmem>>, vector<1x1x16xf32>,
      %swap3A_315 = vector.shape_cast %swap3A_314 : vector<1x1x16xf32> to vector<16xf32>
      %swap3A_316 = vector.shape_cast %broadcast_in_dim3A_309 : vector<16xf32> to vector<1x1x16xf32>
      tpu.vector_store %arg8[%swap3A_311, %swap3A_312, %swap3A_313], %swap3A_316 {strides = array<i32>} : memref<2x125x128xf32, #tpu.memory_space<vmem>>, vector<1x1x16xf32>,
      %scan3A_317 = arith.constant 0 : i32
      scf.yield %scan3A_317 : i32
    }
    %scan3A_5 = arith.constant 125 : i32
    %mul3A = arith.constant 625 : i32
    %mul3A_6 = arith.muli %arg1, %mul3A : i32
    %add3A = arith.constant 0 : i32
    %add3A_7 = arith.addi %mul3A_6, %add3A : i32
    %run_scoped3A = arith.constant 0 : i32
    "tpu.region"() ({
      %run_scoped3A_245 = tpu.sem_alloc : memref<!tpu.dma_semaphore, #tpu.memory_space<semaphore_mem>>
      %dma_start3A_246 = arith.constant 0 : i32
      %dma_start3A_247 = arith.constant 0 : i32
      %dma_start3A_248 = tpu.memref_slice %arg8[%run_scoped3A, %dma_start3A_246, %dma_start3A_247] : memref<2x125x128xf32, #tpu.memory_space<vmem>> -> memref<1x125x128xf32, #tpu.memory_space<vmem>>
      %dma_start3A_249 = tpu.memref_squeeze %dma_start3A_248 : memref<1x125x128xf32, #tpu.memory_space<vmem>> -> memref<125x128xf32, #tpu.memory_space<vmem>>
      %dma_start3A_250 = arith.constant 0 : i32
      %dma_start3A_251 = tpu.memref_slice %arg9[%add3A_7, %dma_start3A_250] : memref<10000x128xf32, #tpu.memory_space<vmem_shared>> -> memref<125x128xf32, #tpu.memory_space<vmem_shared>>
      %dma_start3A_252 = arith.constant 0 : i32
      %dma_start3A_253 = tpu.memref_slice %arg9[%add3A_7, %dma_start3A_252] : memref<10000x128xf32, #tpu.memory_space<vmem_shared>> -> memref<125x128xf32, #tpu.memory_space<vmem_shared>>
      %dma_start3A_254 = arith.constant 0 : i32
      %dma_start3A_255 = arith.constant 0 : i32
      %dma_start3A_256 = tpu.memref_slice %arg8[%run_scoped3A, %dma_start3A_254, %dma_start3A_255] : memref<2x125x128xf32, #tpu.memory_space<vmem>> -> memref<1x125x128xf32, #tpu.memory_space<vmem>>
      %dma_start3A_257 = tpu.memref_squeeze %dma_start3A_256 : memref<1x125x128xf32, #tpu.memory_space<vmem>> -> memref<125x128xf32, #tpu.memory_space<vmem>>
      tpu.enqueue_dma source(%dma_start3A_257 : memref<125x128xf32, #tpu.memory_space<vmem>>) target(%dma_start3A_253 : memref<125x128xf32, #tpu.memory_space<vmem_shared>>) target_semaphore(%run_scoped3A_245 : memref<!tpu.dma_semaphore, #tpu.memory_space<semaphore_mem>>)
      %dma_wait3A_258 = arith.constant 0 : i32
      %dma_wait3A_259 = arith.constant 0 : i32
      %dma_wait3A_260 = tpu.memref_slice %arg8[%run_scoped3A, %dma_wait3A_258, %dma_wait3A_259] : memref<2x125x128xf32, #tpu.memory_space<vmem>> -> memref<1x125x128xf32, #tpu.memory_space<vmem>>
      %dma_wait3A_261 = tpu.memref_squeeze %dma_wait3A_260 : memref<1x125x128xf32, #tpu.memory_space<vmem>> -> memref<125x128xf32, #tpu.memory_space<vmem>>
      %dma_wait3A_262 = arith.constant 0 : i32
      %dma_wait3A_263 = tpu.memref_slice %arg9[%add3A_7, %dma_wait3A_262] : memref<10000x128xf32, #tpu.memory_space<vmem_shared>> -> memref<125x128xf32, #tpu.memory_space<vmem_shared>>
      %dma_wait3A_264 = arith.constant 0 : i32
      %dma_wait3A_265 = tpu.memref_slice %arg9[%add3A_7, %dma_wait3A_264] : memref<10000x128xf32, #tpu.memory_space<vmem_shared>> -> memref<125x128xf32, #tpu.memory_space<vmem_shared>>
      %dma_wait3A_266 = arith.constant 0 : i32
      %dma_wait3A_267 = arith.constant 0 : i32
      %dma_wait3A_268 = tpu.memref_slice %arg8[%run_scoped3A, %dma_wait3A_266, %dma_wait3A_267] : memref<2x125x128xf32, #tpu.memory_space<vmem>> -> memref<1x125x128xf32, #tpu.memory_space<vmem>>
      %dma_wait3A_269 = tpu.memref_squeeze %dma_wait3A_268 : memref<1x125x128xf32, #tpu.memory_space<vmem>> -> memref<125x128xf32, #tpu.memory_space<vmem>>
      tpu.wait_dma2 semaphore(%run_scoped3A_245 : memref<!tpu.dma_semaphore, #tpu.memory_space<semaphore_mem>>) src(%dma_wait3A_269 : memref<125x128xf32, #tpu.memory_space<vmem>>) dst(%dma_wait3A_265 : memref<125x128xf32, #tpu.memory_space<vmem_shared>>)
      tpu.yield
    }) : () -> ()
    %mul3A_8 = arith.constant 625 : i32
    %mul3A_9 = arith.muli %arg1, %mul3A_8 : i32
    %add3A_10 = arith.constant 125 : i32
    %add3A_11 = arith.addi %mul3A_9, %add3A_10 : i32
    %run_scoped3A_12 = arith.constant 0 : i32
    "tpu.region"() ({
      %run_scoped3A_245 = tpu.sem_alloc : memref<!tpu.dma_semaphore, #tpu.memory_space<semaphore_mem>>
      %dma_start3A_246 = arith.constant 0 : i32
      %dma_start3A_247 = arith.constant 0 : i32
      %dma_start3A_248 = tpu.memref_slice %arg8[%run_scoped3A_12, %dma_start3A_246, %dma_start3A_247] : memref<2x125x128xf32, #tpu.memory_space<vmem>> -> memref<1x125x128xf32, #tpu.memory_space<vmem>>
      %dma_start3A_249 = tpu.memref_squeeze %dma_start3A_248 : memref<1x125x128xf32, #tpu.memory_space<vmem>> -> memref<125x128xf32, #tpu.memory_space<vmem>>
      %dma_start3A_250 = arith.constant 0 : i32
      %dma_start3A_251 = tpu.memref_slice %arg9[%add3A_11, %dma_start3A_250] : memref<10000x128xf32, #tpu.memory_space<vmem_shared>> -> memref<125x128xf32, #tpu.memory_space<vmem_shared>>
      %dma_start3A_252 = arith.constant 0 : i32
      %dma_start3A_253 = tpu.memref_slice %arg9[%add3A_11, %dma_start3A_252] : memref<10000x128xf32, #tpu.memory_space<vmem_shared>> -> memref<125x128xf32, #tpu.memory_space<vmem_shared>>
      %dma_start3A_254 = arith.constant 0 : i32
      %dma_start3A_255 = arith.constant 0 : i32
      %dma_start3A_256 = tpu.memref_slice %arg8[%run_scoped3A_12, %dma_start3A_254, %dma_start3A_255] : memref<2x125x128xf32, #tpu.memory_space<vmem>> -> memref<1x125x128xf32, #tpu.memory_space<vmem>>
      %dma_start3A_257 = tpu.memref_squeeze %dma_start3A_256 : memref<1x125x128xf32, #tpu.memory_space<vmem>> -> memref<125x128xf32, #tpu.memory_space<vmem>>
      tpu.enqueue_dma source(%dma_start3A_257 : memref<125x128xf32, #tpu.memory_space<vmem>>) target(%dma_start3A_253 : memref<125x128xf32, #tpu.memory_space<vmem_shared>>) target_semaphore(%run_scoped3A_245 : memref<!tpu.dma_semaphore, #tpu.memory_space<semaphore_mem>>)
      %dma_wait3A_258 = arith.constant 0 : i32
      %dma_wait3A_259 = arith.constant 0 : i32
      %dma_wait3A_260 = tpu.memref_slice %arg8[%run_scoped3A_12, %dma_wait3A_258, %dma_wait3A_259] : memref<2x125x128xf32, #tpu.memory_space<vmem>> -> memref<1x125x128xf32, #tpu.memory_space<vmem>>
      %dma_wait3A_261 = tpu.memref_squeeze %dma_wait3A_260 : memref<1x125x128xf32, #tpu.memory_space<vmem>> -> memref<125x128xf32, #tpu.memory_space<vmem>>
      %dma_wait3A_262 = arith.constant 0 : i32
      %dma_wait3A_263 = tpu.memref_slice %arg9[%add3A_11, %dma_wait3A_262] : memref<10000x128xf32, #tpu.memory_space<vmem_shared>> -> memref<125x128xf32, #tpu.memory_space<vmem_shared>>
      %dma_wait3A_264 = arith.constant 0 : i32
      %dma_wait3A_265 = tpu.memref_slice %arg9[%add3A_11, %dma_wait3A_264] : memref<10000x128xf32, #tpu.memory_space<vmem_shared>> -> memref<125x128xf32, #tpu.memory_space<vmem_shared>>
      %dma_wait3A_266 = arith.constant 0 : i32
      %dma_wait3A_267 = arith.constant 0 : i32
      %dma_wait3A_268 = tpu.memref_slice %arg8[%run_scoped3A_12, %dma_wait3A_266, %dma_wait3A_267] : memref<2x125x128xf32, #tpu.memory_space<vmem>> -> memref<1x125x128xf32, #tpu.memory_space<vmem>>
      %dma_wait3A_269 = tpu.memref_squeeze %dma_wait3A_268 : memref<1x125x128xf32, #tpu.memory_space<vmem>> -> memref<125x128xf32, #tpu.memory_space<vmem>>
      tpu.wait_dma2 semaphore(%run_scoped3A_245 : memref<!tpu.dma_semaphore, #tpu.memory_space<semaphore_mem>>) src(%dma_wait3A_269 : memref<125x128xf32, #tpu.memory_space<vmem>>) dst(%dma_wait3A_265 : memref<125x128xf32, #tpu.memory_space<vmem_shared>>)
      tpu.yield
    }) : () -> ()
    %mul3A_13 = arith.constant 625 : i32
    %mul3A_14 = arith.muli %arg1, %mul3A_13 : i32
    %add3A_15 = arith.constant 250 : i32
    %add3A_16 = arith.addi %mul3A_14, %add3A_15 : i32
    %run_scoped3A_17 = arith.constant 0 : i32
    "tpu.region"() ({
      %run_scoped3A_245 = tpu.sem_alloc : memref<!tpu.dma_semaphore, #tpu.memory_space<semaphore_mem>>
      %dma_start3A_246 = arith.constant 0 : i32
      %dma_start3A_247 = arith.constant 0 : i32
      %dma_start3A_248 = tpu.memref_slice %arg8[%run_scoped3A_17, %dma_start3A_246, %dma_start3A_247] : memref<2x125x128xf32, #tpu.memory_space<vmem>> -> memref<1x125x128xf32, #tpu.memory_space<vmem>>
      %dma_start3A_249 = tpu.memref_squeeze %dma_start3A_248 : memref<1x125x128xf32, #tpu.memory_space<vmem>> -> memref<125x128xf32, #tpu.memory_space<vmem>>
      %dma_start3A_250 = arith.constant 0 : i32
      %dma_start3A_251 = tpu.memref_slice %arg9[%add3A_16, %dma_start3A_250] : memref<10000x128xf32, #tpu.memory_space<vmem_shared>> -> memref<125x128xf32, #tpu.memory_space<vmem_shared>>
      %dma_start3A_252 = arith.constant 0 : i32
      %dma_start3A_253 = tpu.memref_slice %arg9[%add3A_16, %dma_start3A_252] : memref<10000x128xf32, #tpu.memory_space<vmem_shared>> -> memref<125x128xf32, #tpu.memory_space<vmem_shared>>
      %dma_start3A_254 = arith.constant 0 : i32
      %dma_start3A_255 = arith.constant 0 : i32
      %dma_start3A_256 = tpu.memref_slice %arg8[%run_scoped3A_17, %dma_start3A_254, %dma_start3A_255] : memref<2x125x128xf32, #tpu.memory_space<vmem>> -> memref<1x125x128xf32, #tpu.memory_space<vmem>>
      %dma_start3A_257 = tpu.memref_squeeze %dma_start3A_256 : memref<1x125x128xf32, #tpu.memory_space<vmem>> -> memref<125x128xf32, #tpu.memory_space<vmem>>
      tpu.enqueue_dma source(%dma_start3A_257 : memref<125x128xf32, #tpu.memory_space<vmem>>) target(%dma_start3A_253 : memref<125x128xf32, #tpu.memory_space<vmem_shared>>) target_semaphore(%run_scoped3A_245 : memref<!tpu.dma_semaphore, #tpu.memory_space<semaphore_mem>>)
      %dma_wait3A_258 = arith.constant 0 : i32
      %dma_wait3A_259 = arith.constant 0 : i32
      %dma_wait3A_260 = tpu.memref_slice %arg8[%run_scoped3A_17, %dma_wait3A_258, %dma_wait3A_259] : memref<2x125x128xf32, #tpu.memory_space<vmem>> -> memref<1x125x128xf32, #tpu.memory_space<vmem>>
      %dma_wait3A_261 = tpu.memref_squeeze %dma_wait3A_260 : memref<1x125x128xf32, #tpu.memory_space<vmem>> -> memref<125x128xf32, #tpu.memory_space<vmem>>
      %dma_wait3A_262 = arith.constant 0 : i32
      %dma_wait3A_263 = tpu.memref_slice %arg9[%add3A_16, %dma_wait3A_262] : memref<10000x128xf32, #tpu.memory_space<vmem_shared>> -> memref<125x128xf32, #tpu.memory_space<vmem_shared>>
      %dma_wait3A_264 = arith.constant 0 : i32
      %dma_wait3A_265 = tpu.memref_slice %arg9[%add3A_16, %dma_wait3A_264] : memref<10000x128xf32, #tpu.memory_space<vmem_shared>> -> memref<125x128xf32, #tpu.memory_space<vmem_shared>>
      %dma_wait3A_266 = arith.constant 0 : i32
      %dma_wait3A_267 = arith.constant 0 : i32
      %dma_wait3A_268 = tpu.memref_slice %arg8[%run_scoped3A_17, %dma_wait3A_266, %dma_wait3A_267] : memref<2x125x128xf32, #tpu.memory_space<vmem>> -> memref<1x125x128xf32, #tpu.memory_space<vmem>>
      %dma_wait3A_269 = tpu.memref_squeeze %dma_wait3A_268 : memref<1x125x128xf32, #tpu.memory_space<vmem>> -> memref<125x128xf32, #tpu.memory_space<vmem>>
      tpu.wait_dma2 semaphore(%run_scoped3A_245 : memref<!tpu.dma_semaphore, #tpu.memory_space<semaphore_mem>>) src(%dma_wait3A_269 : memref<125x128xf32, #tpu.memory_space<vmem>>) dst(%dma_wait3A_265 : memref<125x128xf32, #tpu.memory_space<vmem_shared>>)
      tpu.yield
    }) : () -> ()
    %mul3A_18 = arith.constant 625 : i32
    %mul3A_19 = arith.muli %arg1, %mul3A_18 : i32
    %add3A_20 = arith.constant 375 : i32
    %add3A_21 = arith.addi %mul3A_19, %add3A_20 : i32
    %run_scoped3A_22 = arith.constant 0 : i32
    "tpu.region"() ({
      %run_scoped3A_245 = tpu.sem_alloc : memref<!tpu.dma_semaphore, #tpu.memory_space<semaphore_mem>>
      %dma_start3A_246 = arith.constant 0 : i32
      %dma_start3A_247 = arith.constant 0 : i32
      %dma_start3A_248 = tpu.memref_slice %arg8[%run_scoped3A_22, %dma_start3A_246, %dma_start3A_247] : memref<2x125x128xf32, #tpu.memory_space<vmem>> -> memref<1x125x128xf32, #tpu.memory_space<vmem>>
      %dma_start3A_249 = tpu.memref_squeeze %dma_start3A_248 : memref<1x125x128xf32, #tpu.memory_space<vmem>> -> memref<125x128xf32, #tpu.memory_space<vmem>>
      %dma_start3A_250 = arith.constant 0 : i32
      %dma_start3A_251 = tpu.memref_slice %arg9[%add3A_21, %dma_start3A_250] : memref<10000x128xf32, #tpu.memory_space<vmem_shared>> -> memref<125x128xf32, #tpu.memory_space<vmem_shared>>
      %dma_start3A_252 = arith.constant 0 : i32
      %dma_start3A_253 = tpu.memref_slice %arg9[%add3A_21, %dma_start3A_252] : memref<10000x128xf32, #tpu.memory_space<vmem_shared>> -> memref<125x128xf32, #tpu.memory_space<vmem_shared>>
      %dma_start3A_254 = arith.constant 0 : i32
      %dma_start3A_255 = arith.constant 0 : i32
      %dma_start3A_256 = tpu.memref_slice %arg8[%run_scoped3A_22, %dma_start3A_254, %dma_start3A_255] : memref<2x125x128xf32, #tpu.memory_space<vmem>> -> memref<1x125x128xf32, #tpu.memory_space<vmem>>
      %dma_start3A_257 = tpu.memref_squeeze %dma_start3A_256 : memref<1x125x128xf32, #tpu.memory_space<vmem>> -> memref<125x128xf32, #tpu.memory_space<vmem>>
      tpu.enqueue_dma source(%dma_start3A_257 : memref<125x128xf32, #tpu.memory_space<vmem>>) target(%dma_start3A_253 : memref<125x128xf32, #tpu.memory_space<vmem_shared>>) target_semaphore(%run_scoped3A_245 : memref<!tpu.dma_semaphore, #tpu.memory_space<semaphore_mem>>)
      %dma_wait3A_258 = arith.constant 0 : i32
      %dma_wait3A_259 = arith.constant 0 : i32
      %dma_wait3A_260 = tpu.memref_slice %arg8[%run_scoped3A_22, %dma_wait3A_258, %dma_wait3A_259] : memref<2x125x128xf32, #tpu.memory_space<vmem>> -> memref<1x125x128xf32, #tpu.memory_space<vmem>>
      %dma_wait3A_261 = tpu.memref_squeeze %dma_wait3A_260 : memref<1x125x128xf32, #tpu.memory_space<vmem>> -> memref<125x128xf32, #tpu.memory_space<vmem>>
      %dma_wait3A_262 = arith.constant 0 : i32
      %dma_wait3A_263 = tpu.memref_slice %arg9[%add3A_21, %dma_wait3A_262] : memref<10000x128xf32, #tpu.memory_space<vmem_shared>> -> memref<125x128xf32, #tpu.memory_space<vmem_shared>>
      %dma_wait3A_264 = arith.constant 0 : i32
      %dma_wait3A_265 = tpu.memref_slice %arg9[%add3A_21, %dma_wait3A_264] : memref<10000x128xf32, #tpu.memory_space<vmem_shared>> -> memref<125x128xf32, #tpu.memory_space<vmem_shared>>
      %dma_wait3A_266 = arith.constant 0 : i32
      %dma_wait3A_267 = arith.constant 0 : i32
      %dma_wait3A_268 = tpu.memref_slice %arg8[%run_scoped3A_22, %dma_wait3A_266, %dma_wait3A_267] : memref<2x125x128xf32, #tpu.memory_space<vmem>> -> memref<1x125x128xf32, #tpu.memory_space<vmem>>
      %dma_wait3A_269 = tpu.memref_squeeze %dma_wait3A_268 : memref<1x125x128xf32, #tpu.memory_space<vmem>> -> memref<125x128xf32, #tpu.memory_space<vmem>>
      tpu.wait_dma2 semaphore(%run_scoped3A_245 : memref<!tpu.dma_semaphore, #tpu.memory_space<semaphore_mem>>) src(%dma_wait3A_269 : memref<125x128xf32, #tpu.memory_space<vmem>>) dst(%dma_wait3A_265 : memref<125x128xf32, #tpu.memory_space<vmem_shared>>)
      tpu.yield
    }) : () -> ()
    %mul3A_23 = arith.constant 625 : i32
    %mul3A_24 = arith.muli %arg1, %mul3A_23 : i32
    %add3A_25 = arith.constant 500 : i32
    %add3A_26 = arith.addi %mul3A_24, %add3A_25 : i32
    %run_scoped3A_27 = arith.constant 0 : i32
    "tpu.region"() ({
      %run_scoped3A_245 = tpu.sem_alloc : memref<!tpu.dma_semaphore, #tpu.memory_space<semaphore_mem>>
      %dma_start3A_246 = arith.constant 0 : i32
      %dma_start3A_247 = arith.constant 0 : i32
      %dma_start3A_248 = tpu.memref_slice %arg8[%run_scoped3A_27, %dma_start3A_246, %dma_start3A_247] : memref<2x125x128xf32, #tpu.memory_space<vmem>> -> memref<1x125x128xf32, #tpu.memory_space<vmem>>
      %dma_start3A_249 = tpu.memref_squeeze %dma_start3A_248 : memref<1x125x128xf32, #tpu.memory_space<vmem>> -> memref<125x128xf32, #tpu.memory_space<vmem>>
      %dma_start3A_250 = arith.constant 0 : i32
      %dma_start3A_251 = tpu.memref_slice %arg9[%add3A_26, %dma_start3A_250] : memref<10000x128xf32, #tpu.memory_space<vmem_shared>> -> memref<125x128xf32, #tpu.memory_space<vmem_shared>>
      %dma_start3A_252 = arith.constant 0 : i32
      %dma_start3A_253 = tpu.memref_slice %arg9[%add3A_26, %dma_start3A_252] : memref<10000x128xf32, #tpu.memory_space<vmem_shared>> -> memref<125x128xf32, #tpu.memory_space<vmem_shared>>
      %dma_start3A_254 = arith.constant 0 : i32
      %dma_start3A_255 = arith.constant 0 : i32
      %dma_start3A_256 = tpu.memref_slice %arg8[%run_scoped3A_27, %dma_start3A_254, %dma_start3A_255] : memref<2x125x128xf32, #tpu.memory_space<vmem>> -> memref<1x125x128xf32, #tpu.memory_space<vmem>>
      %dma_start3A_257 = tpu.memref_squeeze %dma_start3A_256 : memref<1x125x128xf32, #tpu.memory_space<vmem>> -> memref<125x128xf32, #tpu.memory_space<vmem>>
      tpu.enqueue_dma source(%dma_start3A_257 : memref<125x128xf32, #tpu.memory_space<vmem>>) target(%dma_start3A_253 : memref<125x128xf32, #tpu.memory_space<vmem_shared>>) target_semaphore(%run_scoped3A_245 : memref<!tpu.dma_semaphore, #tpu.memory_space<semaphore_mem>>)
      %dma_wait3A_258 = arith.constant 0 : i32
      %dma_wait3A_259 = arith.constant 0 : i32
      %dma_wait3A_260 = tpu.memref_slice %arg8[%run_scoped3A_27, %dma_wait3A_258, %dma_wait3A_259] : memref<2x125x128xf32, #tpu.memory_space<vmem>> -> memref<1x125x128xf32, #tpu.memory_space<vmem>>
      %dma_wait3A_261 = tpu.memref_squeeze %dma_wait3A_260 : memref<1x125x128xf32, #tpu.memory_space<vmem>> -> memref<125x128xf32, #tpu.memory_space<vmem>>
      %dma_wait3A_262 = arith.constant 0 : i32
      %dma_wait3A_263 = tpu.memref_slice %arg9[%add3A_26, %dma_wait3A_262] : memref<10000x128xf32, #tpu.memory_space<vmem_shared>> -> memref<125x128xf32, #tpu.memory_space<vmem_shared>>
      %dma_wait3A_264 = arith.constant 0 : i32
      %dma_wait3A_265 = tpu.memref_slice %arg9[%add3A_26, %dma_wait3A_264] : memref<10000x128xf32, #tpu.memory_space<vmem_shared>> -> memref<125x128xf32, #tpu.memory_space<vmem_shared>>
      %dma_wait3A_266 = arith.constant 0 : i32
      %dma_wait3A_267 = arith.constant 0 : i32
      %dma_wait3A_268 = tpu.memref_slice %arg8[%run_scoped3A_27, %dma_wait3A_266, %dma_wait3A_267] : memref<2x125x128xf32, #tpu.memory_space<vmem>> -> memref<1x125x128xf32, #tpu.memory_space<vmem>>
      %dma_wait3A_269 = tpu.memref_squeeze %dma_wait3A_268 : memref<1x125x128xf32, #tpu.memory_space<vmem>> -> memref<125x128xf32, #tpu.memory_space<vmem>>
      tpu.wait_dma2 semaphore(%run_scoped3A_245 : memref<!tpu.dma_semaphore, #tpu.memory_space<semaphore_mem>>) src(%dma_wait3A_269 : memref<125x128xf32, #tpu.memory_space<vmem>>) dst(%dma_wait3A_265 : memref<125x128xf32, #tpu.memory_space<vmem_shared>>)
      tpu.yield
    }) : () -> ()
    %barrier3A = arith.constant 0 : index
    tpu.barrier barrier_id(%barrier3A)
    %mul3A_28 = arith.constant 16 : i32
    %mul3A_29 = arith.muli %arg0, %mul3A_28 : i32
    %add3A_30 = arith.addi %mul3A_29, %arg1 : i32
    %mul3A_31 = arith.constant 80 : i32
    %mul3A_32 = arith.muli %add3A_30, %mul3A_31 : i32
    %add3A_33 = arith.constant 0 : i32
    %add3A_34 = arith.addi %mul3A_32, %add3A_33 : i32
    "tpu.region"() ({
      %run_scoped3A_245 = tpu.sem_alloc : memref<!tpu.dma_semaphore, #tpu.memory_space<semaphore_mem>>
      %dma_start3A_246 = arith.constant 0 : i32
      %dma_start3A_247 = tpu.memref_slice %arg2[%add3A_34, %dma_start3A_246] : memref<2560x125xi32, #tpu.memory_space<hbm>> -> memref<40x125xi32, #tpu.memory_space<hbm>>
      %dma_start3A_248 = arith.constant 0 : i32
      %dma_start3A_249 = tpu.memref_slice %arg2[%add3A_34, %dma_start3A_248] : memref<2560x125xi32, #tpu.memory_space<hbm>> -> memref<40x125xi32, #tpu.memory_space<hbm>>
      tpu.enqueue_dma source(%dma_start3A_249 : memref<40x125xi32, #tpu.memory_space<hbm>>) target(%arg6 : memref<40x125xi32, #tpu.memory_space<vmem>>) target_semaphore(%run_scoped3A_245 : memref<!tpu.dma_semaphore, #tpu.memory_space<semaphore_mem>>)
      %dma_wait3A_250 = arith.constant 0 : i32
      %dma_wait3A_251 = tpu.memref_slice %arg2[%add3A_34, %dma_wait3A_250] : memref<2560x125xi32, #tpu.memory_space<hbm>> -> memref<40x125xi32, #tpu.memory_space<hbm>>
      %dma_wait3A_252 = arith.constant 0 : i32
      %dma_wait3A_253 = tpu.memref_slice %arg2[%add3A_34, %dma_wait3A_252] : memref<2560x125xi32, #tpu.memory_space<hbm>> -> memref<40x125xi32, #tpu.memory_space<hbm>>
      tpu.wait_dma2 semaphore(%run_scoped3A_245 : memref<!tpu.dma_semaphore, #tpu.memory_space<semaphore_mem>>) src(%dma_wait3A_253 : memref<40x125xi32, #tpu.memory_space<hbm>>) dst(%arg6 : memref<40x125xi32, #tpu.memory_space<vmem>>)
      tpu.yield
    }) : () -> ()
    "tpu.region"() ({
      %run_scoped3A_245 = tpu.sem_alloc : memref<!tpu.dma_semaphore, #tpu.memory_space<semaphore_mem>>
      %dma_start3A_246 = arith.constant 0 : i32
      %dma_start3A_247 = tpu.memref_slice %arg3[%add3A_34, %dma_start3A_246] : memref<2560x125xi32, #tpu.memory_space<hbm>> -> memref<40x125xi32, #tpu.memory_space<hbm>>
      %dma_start3A_248 = arith.constant 0 : i32
      %dma_start3A_249 = tpu.memref_slice %arg3[%add3A_34, %dma_start3A_248] : memref<2560x125xi32, #tpu.memory_space<hbm>> -> memref<40x125xi32, #tpu.memory_space<hbm>>
      tpu.enqueue_dma source(%dma_start3A_249 : memref<40x125xi32, #tpu.memory_space<hbm>>) target(%arg7 : memref<40x125xi32, #tpu.memory_space<vmem>>) target_semaphore(%run_scoped3A_245 : memref<!tpu.dma_semaphore, #tpu.memory_space<semaphore_mem>>)
      %dma_wait3A_250 = arith.constant 0 : i32
      %dma_wait3A_251 = tpu.memref_slice %arg3[%add3A_34, %dma_wait3A_250] : memref<2560x125xi32, #tpu.memory_space<hbm>> -> memref<40x125xi32, #tpu.memory_space<hbm>>
      %dma_wait3A_252 = arith.constant 0 : i32
      %dma_wait3A_253 = tpu.memref_slice %arg3[%add3A_34, %dma_wait3A_252] : memref<2560x125xi32, #tpu.memory_space<hbm>> -> memref<40x125xi32, #tpu.memory_space<hbm>>
      tpu.wait_dma2 semaphore(%run_scoped3A_245 : memref<!tpu.dma_semaphore, #tpu.memory_space<semaphore_mem>>) src(%dma_wait3A_253 : memref<40x125xi32, #tpu.memory_space<hbm>>) dst(%arg7 : memref<40x125xi32, #tpu.memory_space<vmem>>)
      tpu.yield
    }) : () -> ()
    %dma_start3A = arith.constant 0 : i32
    %dma_start3A_35 = arith.constant 0 : i32
    %dma_start3A_36 = arith.constant 0 : i32
    %dma_start3A_37 = arith.constant 0 : i32
    %dma_start3A_38 = tpu.memref_slice %arg8[%dma_start3A_35, %dma_start3A_36, %dma_start3A_37] : memref<2x125x128xf32, #tpu.memory_space<vmem>> -> memref<1x125x128xf32, #tpu.memory_space<vmem>>
    %dma_start3A_39 = tpu.memref_squeeze %dma_start3A_38 : memref<1x125x128xf32, #tpu.memory_space<vmem>> -> memref<125x128xf32, #tpu.memory_space<vmem>>
    %dma_start3A_40 = arith.constant 0 : i32
    %dma_start3A_41 = tpu.memref_slice %arg6[%dma_start3A, %dma_start3A_40] : memref<40x125xi32, #tpu.memory_space<vmem>> -> memref<1x125xi32, #tpu.memory_space<vmem>>
    %dma_start3A_42 = tpu.memref_squeeze %dma_start3A_41 : memref<1x125xi32, #tpu.memory_space<vmem>> -> memref<125xi32, #tpu.memory_space<vmem>>
    %dma_start3A_43 = arith.constant 0 : i32
    %dma_start3A_44 = arith.constant 0 : i32
    %dma_start3A_45 = tpu.memref_slice %arg4[%dma_start3A_43, %dma_start3A_44] : memref<10000x128xf32, #tpu.memory_space<hbm>> -> memref<10000x128xf32, #tpu.memory_space<hbm>>
    tpu.enqueue_indirect_dma source(%dma_start3A_45 : memref<10000x128xf32, #tpu.memory_space<hbm>>) target(%dma_start3A_39 : memref<125x128xf32, #tpu.memory_space<vmem>>) offsets(%dma_start3A_42 : memref<125xi32, #tpu.memory_space<vmem>>) semaphore(%arg10 : memref<!tpu.dma_semaphore, #tpu.memory_space<semaphore_mem>>)
    %dma_wait3A = arith.constant 0 : i32
    %dma_wait3A_46 = arith.constant 0 : i32
    %dma_wait3A_47 = arith.constant 0 : i32
    %dma_wait3A_48 = arith.constant 0 : i32
    %dma_wait3A_49 = tpu.memref_slice %arg8[%dma_wait3A_46, %dma_wait3A_47, %dma_wait3A_48] : memref<2x125x128xf32, #tpu.memory_space<vmem>> -> memref<1x125x128xf32, #tpu.memory_space<vmem>>
    %dma_wait3A_50 = tpu.memref_squeeze %dma_wait3A_49 : memref<1x125x128xf32, #tpu.memory_space<vmem>> -> memref<125x128xf32, #tpu.memory_space<vmem>>
    %dma_wait3A_51 = arith.constant 0 : i32
    %dma_wait3A_52 = tpu.memref_slice %arg6[%dma_wait3A, %dma_wait3A_51] : memref<40x125xi32, #tpu.memory_space<vmem>> -> memref<1x125xi32, #tpu.memory_space<vmem>>
    %dma_wait3A_53 = tpu.memref_squeeze %dma_wait3A_52 : memref<1x125xi32, #tpu.memory_space<vmem>> -> memref<125xi32, #tpu.memory_space<vmem>>
    %dma_wait3A_54 = arith.constant 0 : i32
    %dma_wait3A_55 = arith.constant 0 : i32
    %dma_wait3A_56 = tpu.memref_slice %arg4[%dma_wait3A_54, %dma_wait3A_55] : memref<10000x128xf32, #tpu.memory_space<hbm>> -> memref<10000x128xf32, #tpu.memory_space<hbm>>
    tpu.wait_indirect_dma semaphore(%arg10 : memref<!tpu.dma_semaphore, #tpu.memory_space<semaphore_mem>>) src(%dma_wait3A_56 : memref<10000x128xf32, #tpu.memory_space<hbm>>) dst(%dma_wait3A_50 : memref<125x128xf32, #tpu.memory_space<vmem>>)
    %dma_start3A_57 = arith.constant 0 : i32
    %dma_start3A_58 = arith.constant 0 : i32
    %dma_start3A_59 = arith.constant 0 : i32
    %dma_start3A_60 = arith.constant 0 : i32
    %dma_start3A_61 = tpu.memref_slice %arg8[%dma_start3A_57, %dma_start3A_59, %dma_start3A_60] : memref<2x125x128xf32, #tpu.memory_space<vmem>> -> memref<1x125x128xf32, #tpu.memory_space<vmem>>
    %dma_start3A_62 = tpu.memref_squeeze %dma_start3A_61 : memref<1x125x128xf32, #tpu.memory_space<vmem>> -> memref<125x128xf32, #tpu.memory_space<vmem>>
    %dma_start3A_63 = arith.constant 0 : i32
    %dma_start3A_64 = tpu.memref_slice %arg7[%dma_start3A_58, %dma_start3A_63] : memref<40x125xi32, #tpu.memory_space<vmem>> -> memref<1x125xi32, #tpu.memory_space<vmem>>
    %dma_start3A_65 = tpu.memref_squeeze %dma_start3A_64 : memref<1x125xi32, #tpu.memory_space<vmem>> -> memref<125xi32, #tpu.memory_space<vmem>>
    %dma_start3A_66 = arith.constant 0 : i32
    %dma_start3A_67 = arith.constant 0 : i32
    %dma_start3A_68 = tpu.memref_slice %arg9[%dma_start3A_66, %dma_start3A_67] : memref<10000x128xf32, #tpu.memory_space<vmem_shared>> -> memref<10000x128xf32, #tpu.memory_space<vmem_shared>>
    tpu.enqueue_indirect_dma source(%dma_start3A_62 : memref<125x128xf32, #tpu.memory_space<vmem>>) target(%dma_start3A_68 : memref<10000x128xf32, #tpu.memory_space<vmem_shared>>) offsets(%dma_start3A_65 : memref<125xi32, #tpu.memory_space<vmem>>) semaphore(%arg12 : memref<!tpu.dma_semaphore, #tpu.memory_space<semaphore_mem>>) {add = true}
    %dma_start3A_69 = arith.constant 1 : i32
    %dma_start3A_70 = arith.constant 1 : i32
    %dma_start3A_71 = arith.constant 0 : i32
    %dma_start3A_72 = arith.constant 0 : i32
    %dma_start3A_73 = tpu.memref_slice %arg8[%dma_start3A_70, %dma_start3A_71, %dma_start3A_72] : memref<2x125x128xf32, #tpu.memory_space<vmem>> -> memref<1x125x128xf32, #tpu.memory_space<vmem>>
    %dma_start3A_74 = tpu.memref_squeeze %dma_start3A_73 : memref<1x125x128xf32, #tpu.memory_space<vmem>> -> memref<125x128xf32, #tpu.memory_space<vmem>>
    %dma_start3A_75 = arith.constant 0 : i32
    %dma_start3A_76 = tpu.memref_slice %arg6[%dma_start3A_69, %dma_start3A_75] : memref<40x125xi32, #tpu.memory_space<vmem>> -> memref<1x125xi32, #tpu.memory_space<vmem>>
    %dma_start3A_77 = tpu.memref_squeeze %dma_start3A_76 : memref<1x125xi32, #tpu.memory_space<vmem>> -> memref<125xi32, #tpu.memory_space<vmem>>
    %dma_start3A_78 = arith.constant 0 : i32
    %dma_start3A_79 = arith.constant 0 : i32
    %dma_start3A_80 = tpu.memref_slice %arg4[%dma_start3A_78, %dma_start3A_79] : memref<10000x128xf32, #tpu.memory_space<hbm>> -> memref<10000x128xf32, #tpu.memory_space<hbm>>
    tpu.enqueue_indirect_dma source(%dma_start3A_80 : memref<10000x128xf32, #tpu.memory_space<hbm>>) target(%dma_start3A_74 : memref<125x128xf32, #tpu.memory_space<vmem>>) offsets(%dma_start3A_77 : memref<125xi32, #tpu.memory_space<vmem>>) semaphore(%arg11 : memref<!tpu.dma_semaphore, #tpu.memory_space<semaphore_mem>>)
    %scan3A_81 = arith.constant 0 : i32
    %scan3A_82 = arith.constant 19 : i32
    %scan3A_83 = arith.addi %scan3A_81, %scan3A_82 : i32
    %scan3A_84 = arith.constant 1 : i32
    scf.for %scan3A_245 = %scan3A_81 to %scan3A_83 step %scan3A_84  : i32 {
      %mul3A_246 = arith.constant 2 : i32
      %mul3A_247 = arith.muli %scan3A_245, %mul3A_246 : i32
      %add3A_248 = arith.constant 1 : i32
      %add3A_249 = arith.addi %add3A_248, %mul3A_247 : i32
      %dma_wait3A_250 = arith.constant 1 : i32
      %dma_wait3A_251 = arith.constant 0 : i32
      %dma_wait3A_252 = arith.constant 0 : i32
      %dma_wait3A_253 = tpu.memref_slice %arg8[%dma_wait3A_250, %dma_wait3A_251, %dma_wait3A_252] : memref<2x125x128xf32, #tpu.memory_space<vmem>> -> memref<1x125x128xf32, #tpu.memory_space<vmem>>
      %dma_wait3A_254 = tpu.memref_squeeze %dma_wait3A_253 : memref<1x125x128xf32, #tpu.memory_space<vmem>> -> memref<125x128xf32, #tpu.memory_space<vmem>>
      %dma_wait3A_255 = arith.constant 0 : i32
      %dma_wait3A_256 = tpu.memref_slice %arg6[%add3A_249, %dma_wait3A_255] : memref<40x125xi32, #tpu.memory_space<vmem>> -> memref<1x125xi32, #tpu.memory_space<vmem>>
      %dma_wait3A_257 = tpu.memref_squeeze %dma_wait3A_256 : memref<1x125xi32, #tpu.memory_space<vmem>> -> memref<125xi32, #tpu.memory_space<vmem>>
      %dma_wait3A_258 = arith.constant 0 : i32
      %dma_wait3A_259 = arith.constant 0 : i32
      %dma_wait3A_260 = tpu.memref_slice %arg4[%dma_wait3A_258, %dma_wait3A_259] : memref<10000x128xf32, #tpu.memory_space<hbm>> -> memref<10000x128xf32, #tpu.memory_space<hbm>>
      tpu.wait_indirect_dma semaphore(%arg11 : memref<!tpu.dma_semaphore, #tpu.memory_space<semaphore_mem>>) src(%dma_wait3A_260 : memref<10000x128xf32, #tpu.memory_space<hbm>>) dst(%dma_wait3A_254 : memref<125x128xf32, #tpu.memory_space<vmem>>)
      %dma_start3A_261 = arith.constant 1 : i32
      %dma_start3A_262 = arith.constant 0 : i32
      %dma_start3A_263 = arith.constant 0 : i32
      %dma_start3A_264 = tpu.memref_slice %arg8[%dma_start3A_261, %dma_start3A_262, %dma_start3A_263] : memref<2x125x128xf32, #tpu.memory_space<vmem>> -> memref<1x125x128xf32, #tpu.memory_space<vmem>>
      %dma_start3A_265 = tpu.memref_squeeze %dma_start3A_264 : memref<1x125x128xf32, #tpu.memory_space<vmem>> -> memref<125x128xf32, #tpu.memory_space<vmem>>
      %dma_start3A_266 = arith.constant 0 : i32
      %dma_start3A_267 = tpu.memref_slice %arg7[%add3A_249, %dma_start3A_266] : memref<40x125xi32, #tpu.memory_space<vmem>> -> memref<1x125xi32, #tpu.memory_space<vmem>>
      %dma_start3A_268 = tpu.memref_squeeze %dma_start3A_267 : memref<1x125xi32, #tpu.memory_space<vmem>> -> memref<125xi32, #tpu.memory_space<vmem>>
      %dma_start3A_269 = arith.constant 0 : i32
      %dma_start3A_270 = arith.constant 0 : i32
      %dma_start3A_271 = tpu.memref_slice %arg9[%dma_start3A_269, %dma_start3A_270] : memref<10000x128xf32, #tpu.memory_space<vmem_shared>> -> memref<10000x128xf32, #tpu.memory_space<vmem_shared>>
      tpu.enqueue_indirect_dma source(%dma_start3A_265 : memref<125x128xf32, #tpu.memory_space<vmem>>) target(%dma_start3A_271 : memref<10000x128xf32, #tpu.memory_space<vmem_shared>>) offsets(%dma_start3A_268 : memref<125xi32, #tpu.memory_space<vmem>>) semaphore(%arg13 : memref<!tpu.dma_semaphore, #tpu.memory_space<semaphore_mem>>) {add = true}
      %sub3A = arith.constant 1 : i32
      %sub3A_272 = arith.subi %add3A_249, %sub3A : i32
      %dma_wait3A_273 = arith.constant 0 : i32
      %dma_wait3A_274 = arith.constant 0 : i32
      %dma_wait3A_275 = arith.constant 0 : i32
      %dma_wait3A_276 = tpu.memref_slice %arg8[%dma_wait3A_273, %dma_wait3A_274, %dma_wait3A_275] : memref<2x125x128xf32, #tpu.memory_space<vmem>> -> memref<1x125x128xf32, #tpu.memory_space<vmem>>
      %dma_wait3A_277 = tpu.memref_squeeze %dma_wait3A_276 : memref<1x125x128xf32, #tpu.memory_space<vmem>> -> memref<125x128xf32, #tpu.memory_space<vmem>>
      %dma_wait3A_278 = arith.constant 0 : i32
      %dma_wait3A_279 = tpu.memref_slice %arg7[%sub3A_272, %dma_wait3A_278] : memref<40x125xi32, #tpu.memory_space<vmem>> -> memref<1x125xi32, #tpu.memory_space<vmem>>
      %dma_wait3A_280 = tpu.memref_squeeze %dma_wait3A_279 : memref<1x125xi32, #tpu.memory_space<vmem>> -> memref<125xi32, #tpu.memory_space<vmem>>
      %dma_wait3A_281 = arith.constant 0 : i32
      %dma_wait3A_282 = arith.constant 0 : i32
      %dma_wait3A_283 = tpu.memref_slice %arg9[%dma_wait3A_281, %dma_wait3A_282] : memref<10000x128xf32, #tpu.memory_space<vmem_shared>> -> memref<10000x128xf32, #tpu.memory_space<vmem_shared>>
      tpu.wait_indirect_dma semaphore(%arg12 : memref<!tpu.dma_semaphore, #tpu.memory_space<semaphore_mem>>) src(%dma_wait3A_277 : memref<125x128xf32, #tpu.memory_space<vmem>>) dst(%dma_wait3A_283 : memref<10000x128xf32, #tpu.memory_space<vmem_shared>>)
      %add3A_284 = arith.constant 1 : i32
      %add3A_285 = arith.addi %add3A_249, %add3A_284 : i32
      %dma_start3A_286 = arith.constant 0 : i32
      %dma_start3A_287 = arith.constant 0 : i32
      %dma_start3A_288 = arith.constant 0 : i32
      %dma_start3A_289 = tpu.memref_slice %arg8[%dma_start3A_286, %dma_start3A_287, %dma_start3A_288] : memref<2x125x128xf32, #tpu.memory_space<vmem>> -> memref<1x125x128xf32, #tpu.memory_space<vmem>>
      %dma_start3A_290 = tpu.memref_squeeze %dma_start3A_289 : memref<1x125x128xf32, #tpu.memory_space<vmem>> -> memref<125x128xf32, #tpu.memory_space<vmem>>
      %dma_start3A_291 = arith.constant 0 : i32
      %dma_start3A_292 = tpu.memref_slice %arg6[%add3A_285, %dma_start3A_291] : memref<40x125xi32, #tpu.memory_space<vmem>> -> memref<1x125xi32, #tpu.memory_space<vmem>>
      %dma_start3A_293 = tpu.memref_squeeze %dma_start3A_292 : memref<1x125xi32, #tpu.memory_space<vmem>> -> memref<125xi32, #tpu.memory_space<vmem>>
      %dma_start3A_294 = arith.constant 0 : i32
      %dma_start3A_295 = arith.constant 0 : i32
      %dma_start3A_296 = tpu.memref_slice %arg4[%dma_start3A_294, %dma_start3A_295] : memref<10000x128xf32, #tpu.memory_space<hbm>> -> memref<10000x128xf32, #tpu.memory_space<hbm>>
      tpu.enqueue_indirect_dma source(%dma_start3A_296 : memref<10000x128xf32, #tpu.memory_space<hbm>>) target(%dma_start3A_290 : memref<125x128xf32, #tpu.memory_space<vmem>>) offsets(%dma_start3A_293 : memref<125xi32, #tpu.memory_space<vmem>>) semaphore(%arg10 : memref<!tpu.dma_semaphore, #tpu.memory_space<semaphore_mem>>)
      %add3A_297 = arith.constant 1 : i32
      %add3A_298 = arith.addi %add3A_249, %add3A_297 : i32
      %dma_wait3A_299 = arith.constant 0 : i32
      %dma_wait3A_300 = arith.constant 0 : i32
      %dma_wait3A_301 = arith.constant 0 : i32
      %dma_wait3A_302 = tpu.memref_slice %arg8[%dma_wait3A_299, %dma_wait3A_300, %dma_wait3A_301] : memref<2x125x128xf32, #tpu.memory_space<vmem>> -> memref<1x125x128xf32, #tpu.memory_space<vmem>>
      %dma_wait3A_303 = tpu.memref_squeeze %dma_wait3A_302 : memref<1x125x128xf32, #tpu.memory_space<vmem>> -> memref<125x128xf32, #tpu.memory_space<vmem>>
      %dma_wait3A_304 = arith.constant 0 : i32
      %dma_wait3A_305 = tpu.memref_slice %arg6[%add3A_298, %dma_wait3A_304] : memref<40x125xi32, #tpu.memory_space<vmem>> -> memref<1x125xi32, #tpu.memory_space<vmem>>
      %dma_wait3A_306 = tpu.memref_squeeze %dma_wait3A_305 : memref<1x125xi32, #tpu.memory_space<vmem>> -> memref<125xi32, #tpu.memory_space<vmem>>
      %dma_wait3A_307 = arith.constant 0 : i32
      %dma_wait3A_308 = arith.constant 0 : i32
      %dma_wait3A_309 = tpu.memref_slice %arg4[%dma_wait3A_307, %dma_wait3A_308] : memref<10000x128xf32, #tpu.memory_space<hbm>> -> memref<10000x128xf32, #tpu.memory_space<hbm>>
      tpu.wait_indirect_dma semaphore(%arg10 : memref<!tpu.dma_semaphore, #tpu.memory_space<semaphore_mem>>) src(%dma_wait3A_309 : memref<10000x128xf32, #tpu.memory_space<hbm>>) dst(%dma_wait3A_303 : memref<125x128xf32, #tpu.memory_space<vmem>>)
      %add3A_310 = arith.constant 1 : i32
      %add3A_311 = arith.addi %add3A_249, %add3A_310 : i32
      %dma_start3A_312 = arith.constant 0 : i32
      %dma_start3A_313 = arith.constant 0 : i32
      %dma_start3A_314 = arith.constant 0 : i32
      %dma_start3A_315 = tpu.memref_slice %arg8[%dma_start3A_312, %dma_start3A_313, %dma_start3A_314] : memref<2x125x128xf32, #tpu.memory_space<vmem>> -> memref<1x125x128xf32, #tpu.memory_space<vmem>>
      %dma_start3A_316 = tpu.memref_squeeze %dma_start3A_315 : memref<1x125x128xf32, #tpu.memory_space<vmem>> -> memref<125x128xf32, #tpu.memory_space<vmem>>
      %dma_start3A_317 = arith.constant 0 : i32
      %dma_start3A_318 = tpu.memref_slice %arg7[%add3A_311, %dma_start3A_317] : memref<40x125xi32, #tpu.memory_space<vmem>> -> memref<1x125xi32, #tpu.memory_space<vmem>>
      %dma_start3A_319 = tpu.memref_squeeze %dma_start3A_318 : memref<1x125xi32, #tpu.memory_space<vmem>> -> memref<125xi32, #tpu.memory_space<vmem>>
      %dma_start3A_320 = arith.constant 0 : i32
      %dma_start3A_321 = arith.constant 0 : i32
      %dma_start3A_322 = tpu.memref_slice %arg9[%dma_start3A_320, %dma_start3A_321] : memref<10000x128xf32, #tpu.memory_space<vmem_shared>> -> memref<10000x128xf32, #tpu.memory_space<vmem_shared>>
      tpu.enqueue_indirect_dma source(%dma_start3A_316 : memref<125x128xf32, #tpu.memory_space<vmem>>) target(%dma_start3A_322 : memref<10000x128xf32, #tpu.memory_space<vmem_shared>>) offsets(%dma_start3A_319 : memref<125xi32, #tpu.memory_space<vmem>>) semaphore(%arg12 : memref<!tpu.dma_semaphore, #tpu.memory_space<semaphore_mem>>) {add = true}
      %dma_wait3A_323 = arith.constant 1 : i32
      %dma_wait3A_324 = arith.constant 0 : i32
      %dma_wait3A_325 = arith.constant 0 : i32
      %dma_wait3A_326 = tpu.memref_slice %arg8[%dma_wait3A_323, %dma_wait3A_324, %dma_wait3A_325] : memref<2x125x128xf32, #tpu.memory_space<vmem>> -> memref<1x125x128xf32, #tpu.memory_space<vmem>>
      %dma_wait3A_327 = tpu.memref_squeeze %dma_wait3A_326 : memref<1x125x128xf32, #tpu.memory_space<vmem>> -> memref<125x128xf32, #tpu.memory_space<vmem>>
      %dma_wait3A_328 = arith.constant 0 : i32
      %dma_wait3A_329 = tpu.memref_slice %arg7[%add3A_249, %dma_wait3A_328] : memref<40x125xi32, #tpu.memory_space<vmem>> -> memref<1x125xi32, #tpu.memory_space<vmem>>
      %dma_wait3A_330 = tpu.memref_squeeze %dma_wait3A_329 : memref<1x125xi32, #tpu.memory_space<vmem>> -> memref<125xi32, #tpu.memory_space<vmem>>
      %dma_wait3A_331 = arith.constant 0 : i32
      %dma_wait3A_332 = arith.constant 0 : i32
      %dma_wait3A_333 = tpu.memref_slice %arg9[%dma_wait3A_331, %dma_wait3A_332] : memref<10000x128xf32, #tpu.memory_space<vmem_shared>> -> memref<10000x128xf32, #tpu.memory_space<vmem_shared>>
      tpu.wait_indirect_dma semaphore(%arg13 : memref<!tpu.dma_semaphore, #tpu.memory_space<semaphore_mem>>) src(%dma_wait3A_327 : memref<125x128xf32, #tpu.memory_space<vmem>>) dst(%dma_wait3A_333 : memref<10000x128xf32, #tpu.memory_space<vmem_shared>>)
      %add3A_334 = arith.constant 2 : i32
      %add3A_335 = arith.addi %add3A_249, %add3A_334 : i32
      %dma_start3A_336 = arith.constant 1 : i32
      %dma_start3A_337 = arith.constant 0 : i32
      %dma_start3A_338 = arith.constant 0 : i32
      %dma_start3A_339 = tpu.memref_slice %arg8[%dma_start3A_336, %dma_start3A_337, %dma_start3A_338] : memref<2x125x128xf32, #tpu.memory_space<vmem>> -> memref<1x125x128xf32, #tpu.memory_space<vmem>>
      %dma_start3A_340 = tpu.memref_squeeze %dma_start3A_339 : memref<1x125x128xf32, #tpu.memory_space<vmem>> -> memref<125x128xf32, #tpu.memory_space<vmem>>
      %dma_start3A_341 = arith.constant 0 : i32
      %dma_start3A_342 = tpu.memref_slice %arg6[%add3A_335, %dma_start3A_341] : memref<40x125xi32, #tpu.memory_space<vmem>> -> memref<1x125xi32, #tpu.memory_space<vmem>>
      %dma_start3A_343 = tpu.memref_squeeze %dma_start3A_342 : memref<1x125xi32, #tpu.memory_space<vmem>> -> memref<125xi32, #tpu.memory_space<vmem>>
      %dma_start3A_344 = arith.constant 0 : i32
      %dma_start3A_345 = arith.constant 0 : i32
      %dma_start3A_346 = tpu.memref_slice %arg4[%dma_start3A_344, %dma_start3A_345] : memref<10000x128xf32, #tpu.memory_space<hbm>> -> memref<10000x128xf32, #tpu.memory_space<hbm>>
      tpu.enqueue_indirect_dma source(%dma_start3A_346 : memref<10000x128xf32, #tpu.memory_space<hbm>>) target(%dma_start3A_340 : memref<125x128xf32, #tpu.memory_space<vmem>>) offsets(%dma_start3A_343 : memref<125xi32, #tpu.memory_space<vmem>>) semaphore(%arg11 : memref<!tpu.dma_semaphore, #tpu.memory_space<semaphore_mem>>)
    }
    %scan3A_85 = arith.constant 19 : i32
    %dma_wait3A_86 = arith.constant 39 : i32
    %dma_wait3A_87 = arith.constant 1 : i32
    %dma_wait3A_88 = arith.constant 0 : i32
    %dma_wait3A_89 = arith.constant 0 : i32
    %dma_wait3A_90 = tpu.memref_slice %arg8[%dma_wait3A_87, %dma_wait3A_88, %dma_wait3A_89] : memref<2x125x128xf32, #tpu.memory_space<vmem>> -> memref<1x125x128xf32, #tpu.memory_space<vmem>>
    %dma_wait3A_91 = tpu.memref_squeeze %dma_wait3A_90 : memref<1x125x128xf32, #tpu.memory_space<vmem>> -> memref<125x128xf32, #tpu.memory_space<vmem>>
    %dma_wait3A_92 = arith.constant 0 : i32
    %dma_wait3A_93 = tpu.memref_slice %arg6[%dma_wait3A_86, %dma_wait3A_92] : memref<40x125xi32, #tpu.memory_space<vmem>> -> memref<1x125xi32, #tpu.memory_space<vmem>>
    %dma_wait3A_94 = tpu.memref_squeeze %dma_wait3A_93 : memref<1x125xi32, #tpu.memory_space<vmem>> -> memref<125xi32, #tpu.memory_space<vmem>>
    %dma_wait3A_95 = arith.constant 0 : i32
    %dma_wait3A_96 = arith.constant 0 : i32
    %dma_wait3A_97 = tpu.memref_slice %arg4[%dma_wait3A_95, %dma_wait3A_96] : memref<10000x128xf32, #tpu.memory_space<hbm>> -> memref<10000x128xf32, #tpu.memory_space<hbm>>
    tpu.wait_indirect_dma semaphore(%arg11 : memref<!tpu.dma_semaphore, #tpu.memory_space<semaphore_mem>>) src(%dma_wait3A_97 : memref<10000x128xf32, #tpu.memory_space<hbm>>) dst(%dma_wait3A_91 : memref<125x128xf32, #tpu.memory_space<vmem>>)
    %dma_start3A_98 = arith.constant 1 : i32
    %dma_start3A_99 = arith.constant 39 : i32
    %dma_start3A_100 = arith.constant 0 : i32
    %dma_start3A_101 = arith.constant 0 : i32
    %dma_start3A_102 = tpu.memref_slice %arg8[%dma_start3A_98, %dma_start3A_100, %dma_start3A_101] : memref<2x125x128xf32, #tpu.memory_space<vmem>> -> memref<1x125x128xf32, #tpu.memory_space<vmem>>
    %dma_start3A_103 = tpu.memref_squeeze %dma_start3A_102 : memref<1x125x128xf32, #tpu.memory_space<vmem>> -> memref<125x128xf32, #tpu.memory_space<vmem>>
    %dma_start3A_104 = arith.constant 0 : i32
    %dma_start3A_105 = tpu.memref_slice %arg7[%dma_start3A_99, %dma_start3A_104] : memref<40x125xi32, #tpu.memory_space<vmem>> -> memref<1x125xi32, #tpu.memory_space<vmem>>
    %dma_start3A_106 = tpu.memref_squeeze %dma_start3A_105 : memref<1x125xi32, #tpu.memory_space<vmem>> -> memref<125xi32, #tpu.memory_space<vmem>>
    %dma_start3A_107 = arith.constant 0 : i32
    %dma_start3A_108 = arith.constant 0 : i32
    %dma_start3A_109 = tpu.memref_slice %arg9[%dma_start3A_107, %dma_start3A_108] : memref<10000x128xf32, #tpu.memory_space<vmem_shared>> -> memref<10000x128xf32, #tpu.memory_space<vmem_shared>>
    tpu.enqueue_indirect_dma source(%dma_start3A_103 : memref<125x128xf32, #tpu.memory_space<vmem>>) target(%dma_start3A_109 : memref<10000x128xf32, #tpu.memory_space<vmem_shared>>) offsets(%dma_start3A_106 : memref<125xi32, #tpu.memory_space<vmem>>) semaphore(%arg13 : memref<!tpu.dma_semaphore, #tpu.memory_space<semaphore_mem>>) {add = true}
    %dma_wait3A_110 = arith.constant 0 : i32
    %dma_wait3A_111 = arith.constant 38 : i32
    %dma_wait3A_112 = arith.constant 0 : i32
    %dma_wait3A_113 = arith.constant 0 : i32
    %dma_wait3A_114 = tpu.memref_slice %arg8[%dma_wait3A_110, %dma_wait3A_112, %dma_wait3A_113] : memref<2x125x128xf32, #tpu.memory_space<vmem>> -> memref<1x125x128xf32, #tpu.memory_space<vmem>>
    %dma_wait3A_115 = tpu.memref_squeeze %dma_wait3A_114 : memref<1x125x128xf32, #tpu.memory_space<vmem>> -> memref<125x128xf32, #tpu.memory_space<vmem>>
    %dma_wait3A_116 = arith.constant 0 : i32
    %dma_wait3A_117 = tpu.memref_slice %arg7[%dma_wait3A_111, %dma_wait3A_116] : memref<40x125xi32, #tpu.memory_space<vmem>> -> memref<1x125xi32, #tpu.memory_space<vmem>>
    %dma_wait3A_118 = tpu.memref_squeeze %dma_wait3A_117 : memref<1x125xi32, #tpu.memory_space<vmem>> -> memref<125xi32, #tpu.memory_space<vmem>>
    %dma_wait3A_119 = arith.constant 0 : i32
    %dma_wait3A_120 = arith.constant 0 : i32
    %dma_wait3A_121 = tpu.memref_slice %arg9[%dma_wait3A_119, %dma_wait3A_120] : memref<10000x128xf32, #tpu.memory_space<vmem_shared>> -> memref<10000x128xf32, #tpu.memory_space<vmem_shared>>
    tpu.wait_indirect_dma semaphore(%arg12 : memref<!tpu.dma_semaphore, #tpu.memory_space<semaphore_mem>>) src(%dma_wait3A_115 : memref<125x128xf32, #tpu.memory_space<vmem>>) dst(%dma_wait3A_121 : memref<10000x128xf32, #tpu.memory_space<vmem_shared>>)
    %dma_wait3A_122 = arith.constant 1 : i32
    %dma_wait3A_123 = arith.constant 39 : i32
    %dma_wait3A_124 = arith.constant 0 : i32
    %dma_wait3A_125 = arith.constant 0 : i32
    %dma_wait3A_126 = tpu.memref_slice %arg8[%dma_wait3A_122, %dma_wait3A_124, %dma_wait3A_125] : memref<2x125x128xf32, #tpu.memory_space<vmem>> -> memref<1x125x128xf32, #tpu.memory_space<vmem>>
    %dma_wait3A_127 = tpu.memref_squeeze %dma_wait3A_126 : memref<1x125x128xf32, #tpu.memory_space<vmem>> -> memref<125x128xf32, #tpu.memory_space<vmem>>
    %dma_wait3A_128 = arith.constant 0 : i32
    %dma_wait3A_129 = tpu.memref_slice %arg7[%dma_wait3A_123, %dma_wait3A_128] : memref<40x125xi32, #tpu.memory_space<vmem>> -> memref<1x125xi32, #tpu.memory_space<vmem>>
    %dma_wait3A_130 = tpu.memref_squeeze %dma_wait3A_129 : memref<1x125xi32, #tpu.memory_space<vmem>> -> memref<125xi32, #tpu.memory_space<vmem>>
    %dma_wait3A_131 = arith.constant 0 : i32
    %dma_wait3A_132 = arith.constant 0 : i32
    %dma_wait3A_133 = tpu.memref_slice %arg9[%dma_wait3A_131, %dma_wait3A_132] : memref<10000x128xf32, #tpu.memory_space<vmem_shared>> -> memref<10000x128xf32, #tpu.memory_space<vmem_shared>>
    tpu.wait_indirect_dma semaphore(%arg13 : memref<!tpu.dma_semaphore, #tpu.memory_space<semaphore_mem>>) src(%dma_wait3A_127 : memref<125x128xf32, #tpu.memory_space<vmem>>) dst(%dma_wait3A_133 : memref<10000x128xf32, #tpu.memory_space<vmem_shared>>)
    %mul3A_134 = arith.constant 16 : i32
    %mul3A_135 = arith.muli %arg0, %mul3A_134 : i32
    %add3A_136 = arith.addi %mul3A_135, %arg1 : i32
    %mul3A_137 = arith.constant 80 : i32
    %mul3A_138 = arith.muli %add3A_136, %mul3A_137 : i32
    %add3A_139 = arith.constant 40 : i32
    %add3A_140 = arith.addi %mul3A_138, %add3A_139 : i32
    "tpu.region"() ({
      %run_scoped3A_245 = tpu.sem_alloc : memref<!tpu.dma_semaphore, #tpu.memory_space<semaphore_mem>>
      %dma_start3A_246 = arith.constant 0 : i32
      %dma_start3A_247 = tpu.memref_slice %arg2[%add3A_140, %dma_start3A_246] : memref<2560x125xi32, #tpu.memory_space<hbm>> -> memref<40x125xi32, #tpu.memory_space<hbm>>
      %dma_start3A_248 = arith.constant 0 : i32
      %dma_start3A_249 = tpu.memref_slice %arg2[%add3A_140, %dma_start3A_248] : memref<2560x125xi32, #tpu.memory_space<hbm>> -> memref<40x125xi32, #tpu.memory_space<hbm>>
      tpu.enqueue_dma source(%dma_start3A_249 : memref<40x125xi32, #tpu.memory_space<hbm>>) target(%arg6 : memref<40x125xi32, #tpu.memory_space<vmem>>) target_semaphore(%run_scoped3A_245 : memref<!tpu.dma_semaphore, #tpu.memory_space<semaphore_mem>>)
      %dma_wait3A_250 = arith.constant 0 : i32
      %dma_wait3A_251 = tpu.memref_slice %arg2[%add3A_140, %dma_wait3A_250] : memref<2560x125xi32, #tpu.memory_space<hbm>> -> memref<40x125xi32, #tpu.memory_space<hbm>>
      %dma_wait3A_252 = arith.constant 0 : i32
      %dma_wait3A_253 = tpu.memref_slice %arg2[%add3A_140, %dma_wait3A_252] : memref<2560x125xi32, #tpu.memory_space<hbm>> -> memref<40x125xi32, #tpu.memory_space<hbm>>
      tpu.wait_dma2 semaphore(%run_scoped3A_245 : memref<!tpu.dma_semaphore, #tpu.memory_space<semaphore_mem>>) src(%dma_wait3A_253 : memref<40x125xi32, #tpu.memory_space<hbm>>) dst(%arg6 : memref<40x125xi32, #tpu.memory_space<vmem>>)
      tpu.yield
    }) : () -> ()
    "tpu.region"() ({
      %run_scoped3A_245 = tpu.sem_alloc : memref<!tpu.dma_semaphore, #tpu.memory_space<semaphore_mem>>
      %dma_start3A_246 = arith.constant 0 : i32
      %dma_start3A_247 = tpu.memref_slice %arg3[%add3A_140, %dma_start3A_246] : memref<2560x125xi32, #tpu.memory_space<hbm>> -> memref<40x125xi32, #tpu.memory_space<hbm>>
      %dma_start3A_248 = arith.constant 0 : i32
      %dma_start3A_249 = tpu.memref_slice %arg3[%add3A_140, %dma_start3A_248] : memref<2560x125xi32, #tpu.memory_space<hbm>> -> memref<40x125xi32, #tpu.memory_space<hbm>>
      tpu.enqueue_dma source(%dma_start3A_249 : memref<40x125xi32, #tpu.memory_space<hbm>>) target(%arg7 : memref<40x125xi32, #tpu.memory_space<vmem>>) target_semaphore(%run_scoped3A_245 : memref<!tpu.dma_semaphore, #tpu.memory_space<semaphore_mem>>)
      %dma_wait3A_250 = arith.constant 0 : i32
      %dma_wait3A_251 = tpu.memref_slice %arg3[%add3A_140, %dma_wait3A_250] : memref<2560x125xi32, #tpu.memory_space<hbm>> -> memref<40x125xi32, #tpu.memory_space<hbm>>
      %dma_wait3A_252 = arith.constant 0 : i32
      %dma_wait3A_253 = tpu.memref_slice %arg3[%add3A_140, %dma_wait3A_252] : memref<2560x125xi32, #tpu.memory_space<hbm>> -> memref<40x125xi32, #tpu.memory_space<hbm>>
      tpu.wait_dma2 semaphore(%run_scoped3A_245 : memref<!tpu.dma_semaphore, #tpu.memory_space<semaphore_mem>>) src(%dma_wait3A_253 : memref<40x125xi32, #tpu.memory_space<hbm>>) dst(%arg7 : memref<40x125xi32, #tpu.memory_space<vmem>>)
      tpu.yield
    }) : () -> ()
    %dma_start3A_141 = arith.constant 0 : i32
    %dma_start3A_142 = arith.constant 0 : i32
    %dma_start3A_143 = arith.constant 0 : i32
    %dma_start3A_144 = arith.constant 0 : i32
    %dma_start3A_145 = tpu.memref_slice %arg8[%dma_start3A_142, %dma_start3A_143, %dma_start3A_144] : memref<2x125x128xf32, #tpu.memory_space<vmem>> -> memref<1x125x128xf32, #tpu.memory_space<vmem>>
    %dma_start3A_146 = tpu.memref_squeeze %dma_start3A_145 : memref<1x125x128xf32, #tpu.memory_space<vmem>> -> memref<125x128xf32, #tpu.memory_space<vmem>>
    %dma_start3A_147 = arith.constant 0 : i32
    %dma_start3A_148 = tpu.memref_slice %arg6[%dma_start3A_141, %dma_start3A_147] : memref<40x125xi32, #tpu.memory_space<vmem>> -> memref<1x125xi32, #tpu.memory_space<vmem>>
    %dma_start3A_149 = tpu.memref_squeeze %dma_start3A_148 : memref<1x125xi32, #tpu.memory_space<vmem>> -> memref<125xi32, #tpu.memory_space<vmem>>
    %dma_start3A_150 = arith.constant 0 : i32
    %dma_start3A_151 = arith.constant 0 : i32
    %dma_start3A_152 = tpu.memref_slice %arg4[%dma_start3A_150, %dma_start3A_151] : memref<10000x128xf32, #tpu.memory_space<hbm>> -> memref<10000x128xf32, #tpu.memory_space<hbm>>
    tpu.enqueue_indirect_dma source(%dma_start3A_152 : memref<10000x128xf32, #tpu.memory_space<hbm>>) target(%dma_start3A_146 : memref<125x128xf32, #tpu.memory_space<vmem>>) offsets(%dma_start3A_149 : memref<125xi32, #tpu.memory_space<vmem>>) semaphore(%arg10 : memref<!tpu.dma_semaphore, #tpu.memory_space<semaphore_mem>>)
    %dma_wait3A_153 = arith.constant 0 : i32
    %dma_wait3A_154 = arith.constant 0 : i32
    %dma_wait3A_155 = arith.constant 0 : i32
    %dma_wait3A_156 = arith.constant 0 : i32
    %dma_wait3A_157 = tpu.memref_slice %arg8[%dma_wait3A_154, %dma_wait3A_155, %dma_wait3A_156] : memref<2x125x128xf32, #tpu.memory_space<vmem>> -> memref<1x125x128xf32, #tpu.memory_space<vmem>>
    %dma_wait3A_158 = tpu.memref_squeeze %dma_wait3A_157 : memref<1x125x128xf32, #tpu.memory_space<vmem>> -> memref<125x128xf32, #tpu.memory_space<vmem>>
    %dma_wait3A_159 = arith.constant 0 : i32
    %dma_wait3A_160 = tpu.memref_slice %arg6[%dma_wait3A_153, %dma_wait3A_159] : memref<40x125xi32, #tpu.memory_space<vmem>> -> memref<1x125xi32, #tpu.memory_space<vmem>>
    %dma_wait3A_161 = tpu.memref_squeeze %dma_wait3A_160 : memref<1x125xi32, #tpu.memory_space<vmem>> -> memref<125xi32, #tpu.memory_space<vmem>>
    %dma_wait3A_162 = arith.constant 0 : i32
    %dma_wait3A_163 = arith.constant 0 : i32
    %dma_wait3A_164 = tpu.memref_slice %arg4[%dma_wait3A_162, %dma_wait3A_163] : memref<10000x128xf32, #tpu.memory_space<hbm>> -> memref<10000x128xf32, #tpu.memory_space<hbm>>
    tpu.wait_indirect_dma semaphore(%arg10 : memref<!tpu.dma_semaphore, #tpu.memory_space<semaphore_mem>>) src(%dma_wait3A_164 : memref<10000x128xf32, #tpu.memory_space<hbm>>) dst(%dma_wait3A_158 : memref<125x128xf32, #tpu.memory_space<vmem>>)
    %dma_start3A_165 = arith.constant 0 : i32
    %dma_start3A_166 = arith.constant 0 : i32
    %dma_start3A_167 = arith.constant 0 : i32
    %dma_start3A_168 = arith.constant 0 : i32
    %dma_start3A_169 = tpu.memref_slice %arg8[%dma_start3A_165, %dma_start3A_167, %dma_start3A_168] : memref<2x125x128xf32, #tpu.memory_space<vmem>> -> memref<1x125x128xf32, #tpu.memory_space<vmem>>
    %dma_start3A_170 = tpu.memref_squeeze %dma_start3A_169 : memref<1x125x128xf32, #tpu.memory_space<vmem>> -> memref<125x128xf32, #tpu.memory_space<vmem>>
    %dma_start3A_171 = arith.constant 0 : i32
    %dma_start3A_172 = tpu.memref_slice %arg7[%dma_start3A_166, %dma_start3A_171] : memref<40x125xi32, #tpu.memory_space<vmem>> -> memref<1x125xi32, #tpu.memory_space<vmem>>
    %dma_start3A_173 = tpu.memref_squeeze %dma_start3A_172 : memref<1x125xi32, #tpu.memory_space<vmem>> -> memref<125xi32, #tpu.memory_space<vmem>>
    %dma_start3A_174 = arith.constant 0 : i32
    %dma_start3A_175 = arith.constant 0 : i32
    %dma_start3A_176 = tpu.memref_slice %arg9[%dma_start3A_174, %dma_start3A_175] : memref<10000x128xf32, #tpu.memory_space<vmem_shared>> -> memref<10000x128xf32, #tpu.memory_space<vmem_shared>>
    tpu.enqueue_indirect_dma source(%dma_start3A_170 : memref<125x128xf32, #tpu.memory_space<vmem>>) target(%dma_start3A_176 : memref<10000x128xf32, #tpu.memory_space<vmem_shared>>) offsets(%dma_start3A_173 : memref<125xi32, #tpu.memory_space<vmem>>) semaphore(%arg12 : memref<!tpu.dma_semaphore, #tpu.memory_space<semaphore_mem>>) {add = true}
    %dma_start3A_177 = arith.constant 1 : i32
    %dma_start3A_178 = arith.constant 1 : i32
    %dma_start3A_179 = arith.constant 0 : i32
    %dma_start3A_180 = arith.constant 0 : i32
    %dma_start3A_181 = tpu.memref_slice %arg8[%dma_start3A_178, %dma_start3A_179, %dma_start3A_180] : memref<2x125x128xf32, #tpu.memory_space<vmem>> -> memref<1x125x128xf32, #tpu.memory_space<vmem>>
    %dma_start3A_182 = tpu.memref_squeeze %dma_start3A_181 : memref<1x125x128xf32, #tpu.memory_space<vmem>> -> memref<125x128xf32, #tpu.memory_space<vmem>>
    %dma_start3A_183 = arith.constant 0 : i32
    %dma_start3A_184 = tpu.memref_slice %arg6[%dma_start3A_177, %dma_start3A_183] : memref<40x125xi32, #tpu.memory_space<vmem>> -> memref<1x125xi32, #tpu.memory_space<vmem>>
    %dma_start3A_185 = tpu.memref_squeeze %dma_start3A_184 : memref<1x125xi32, #tpu.memory_space<vmem>> -> memref<125xi32, #tpu.memory_space<vmem>>
    %dma_start3A_186 = arith.constant 0 : i32
    %dma_start3A_187 = arith.constant 0 : i32
    %dma_start3A_188 = tpu.memref_slice %arg4[%dma_start3A_186, %dma_start3A_187] : memref<10000x128xf32, #tpu.memory_space<hbm>> -> memref<10000x128xf32, #tpu.memory_space<hbm>>
    tpu.enqueue_indirect_dma source(%dma_start3A_188 : memref<10000x128xf32, #tpu.memory_space<hbm>>) target(%dma_start3A_182 : memref<125x128xf32, #tpu.memory_space<vmem>>) offsets(%dma_start3A_185 : memref<125xi32, #tpu.memory_space<vmem>>) semaphore(%arg11 : memref<!tpu.dma_semaphore, #tpu.memory_space<semaphore_mem>>)
    %scan3A_189 = arith.constant 0 : i32
    %scan3A_190 = arith.constant 19 : i32
    %scan3A_191 = arith.addi %scan3A_189, %scan3A_190 : i32
    %scan3A_192 = arith.constant 1 : i32
    scf.for %scan3A_245 = %scan3A_189 to %scan3A_191 step %scan3A_192  : i32 {
      %mul3A_246 = arith.constant 2 : i32
      %mul3A_247 = arith.muli %scan3A_245, %mul3A_246 : i32
      %add3A_248 = arith.constant 1 : i32
      %add3A_249 = arith.addi %add3A_248, %mul3A_247 : i32
      %dma_wait3A_250 = arith.constant 1 : i32
      %dma_wait3A_251 = arith.constant 0 : i32
      %dma_wait3A_252 = arith.constant 0 : i32
      %dma_wait3A_253 = tpu.memref_slice %arg8[%dma_wait3A_250, %dma_wait3A_251, %dma_wait3A_252] : memref<2x125x128xf32, #tpu.memory_space<vmem>> -> memref<1x125x128xf32, #tpu.memory_space<vmem>>
      %dma_wait3A_254 = tpu.memref_squeeze %dma_wait3A_253 : memref<1x125x128xf32, #tpu.memory_space<vmem>> -> memref<125x128xf32, #tpu.memory_space<vmem>>
      %dma_wait3A_255 = arith.constant 0 : i32
      %dma_wait3A_256 = tpu.memref_slice %arg6[%add3A_249, %dma_wait3A_255] : memref<40x125xi32, #tpu.memory_space<vmem>> -> memref<1x125xi32, #tpu.memory_space<vmem>>
      %dma_wait3A_257 = tpu.memref_squeeze %dma_wait3A_256 : memref<1x125xi32, #tpu.memory_space<vmem>> -> memref<125xi32, #tpu.memory_space<vmem>>
      %dma_wait3A_258 = arith.constant 0 : i32
      %dma_wait3A_259 = arith.constant 0 : i32
      %dma_wait3A_260 = tpu.memref_slice %arg4[%dma_wait3A_258, %dma_wait3A_259] : memref<10000x128xf32, #tpu.memory_space<hbm>> -> memref<10000x128xf32, #tpu.memory_space<hbm>>
      tpu.wait_indirect_dma semaphore(%arg11 : memref<!tpu.dma_semaphore, #tpu.memory_space<semaphore_mem>>) src(%dma_wait3A_260 : memref<10000x128xf32, #tpu.memory_space<hbm>>) dst(%dma_wait3A_254 : memref<125x128xf32, #tpu.memory_space<vmem>>)
      %dma_start3A_261 = arith.constant 1 : i32
      %dma_start3A_262 = arith.constant 0 : i32
      %dma_start3A_263 = arith.constant 0 : i32
      %dma_start3A_264 = tpu.memref_slice %arg8[%dma_start3A_261, %dma_start3A_262, %dma_start3A_263] : memref<2x125x128xf32, #tpu.memory_space<vmem>> -> memref<1x125x128xf32, #tpu.memory_space<vmem>>
      %dma_start3A_265 = tpu.memref_squeeze %dma_start3A_264 : memref<1x125x128xf32, #tpu.memory_space<vmem>> -> memref<125x128xf32, #tpu.memory_space<vmem>>
      %dma_start3A_266 = arith.constant 0 : i32
      %dma_start3A_267 = tpu.memref_slice %arg7[%add3A_249, %dma_start3A_266] : memref<40x125xi32, #tpu.memory_space<vmem>> -> memref<1x125xi32, #tpu.memory_space<vmem>>
      %dma_start3A_268 = tpu.memref_squeeze %dma_start3A_267 : memref<1x125xi32, #tpu.memory_space<vmem>> -> memref<125xi32, #tpu.memory_space<vmem>>
      %dma_start3A_269 = arith.constant 0 : i32
      %dma_start3A_270 = arith.constant 0 : i32
      %dma_start3A_271 = tpu.memref_slice %arg9[%dma_start3A_269, %dma_start3A_270] : memref<10000x128xf32, #tpu.memory_space<vmem_shared>> -> memref<10000x128xf32, #tpu.memory_space<vmem_shared>>
      tpu.enqueue_indirect_dma source(%dma_start3A_265 : memref<125x128xf32, #tpu.memory_space<vmem>>) target(%dma_start3A_271 : memref<10000x128xf32, #tpu.memory_space<vmem_shared>>) offsets(%dma_start3A_268 : memref<125xi32, #tpu.memory_space<vmem>>) semaphore(%arg13 : memref<!tpu.dma_semaphore, #tpu.memory_space<semaphore_mem>>) {add = true}
      %sub3A = arith.constant 1 : i32
      %sub3A_272 = arith.subi %add3A_249, %sub3A : i32
      %dma_wait3A_273 = arith.constant 0 : i32
      %dma_wait3A_274 = arith.constant 0 : i32
      %dma_wait3A_275 = arith.constant 0 : i32
      %dma_wait3A_276 = tpu.memref_slice %arg8[%dma_wait3A_273, %dma_wait3A_274, %dma_wait3A_275] : memref<2x125x128xf32, #tpu.memory_space<vmem>> -> memref<1x125x128xf32, #tpu.memory_space<vmem>>
      %dma_wait3A_277 = tpu.memref_squeeze %dma_wait3A_276 : memref<1x125x128xf32, #tpu.memory_space<vmem>> -> memref<125x128xf32, #tpu.memory_space<vmem>>
      %dma_wait3A_278 = arith.constant 0 : i32
      %dma_wait3A_279 = tpu.memref_slice %arg7[%sub3A_272, %dma_wait3A_278] : memref<40x125xi32, #tpu.memory_space<vmem>> -> memref<1x125xi32, #tpu.memory_space<vmem>>
      %dma_wait3A_280 = tpu.memref_squeeze %dma_wait3A_279 : memref<1x125xi32, #tpu.memory_space<vmem>> -> memref<125xi32, #tpu.memory_space<vmem>>
      %dma_wait3A_281 = arith.constant 0 : i32
      %dma_wait3A_282 = arith.constant 0 : i32
      %dma_wait3A_283 = tpu.memref_slice %arg9[%dma_wait3A_281, %dma_wait3A_282] : memref<10000x128xf32, #tpu.memory_space<vmem_shared>> -> memref<10000x128xf32, #tpu.memory_space<vmem_shared>>
      tpu.wait_indirect_dma semaphore(%arg12 : memref<!tpu.dma_semaphore, #tpu.memory_space<semaphore_mem>>) src(%dma_wait3A_277 : memref<125x128xf32, #tpu.memory_space<vmem>>) dst(%dma_wait3A_283 : memref<10000x128xf32, #tpu.memory_space<vmem_shared>>)
      %add3A_284 = arith.constant 1 : i32
      %add3A_285 = arith.addi %add3A_249, %add3A_284 : i32
      %dma_start3A_286 = arith.constant 0 : i32
      %dma_start3A_287 = arith.constant 0 : i32
      %dma_start3A_288 = arith.constant 0 : i32
      %dma_start3A_289 = tpu.memref_slice %arg8[%dma_start3A_286, %dma_start3A_287, %dma_start3A_288] : memref<2x125x128xf32, #tpu.memory_space<vmem>> -> memref<1x125x128xf32, #tpu.memory_space<vmem>>
      %dma_start3A_290 = tpu.memref_squeeze %dma_start3A_289 : memref<1x125x128xf32, #tpu.memory_space<vmem>> -> memref<125x128xf32, #tpu.memory_space<vmem>>
      %dma_start3A_291 = arith.constant 0 : i32
      %dma_start3A_292 = tpu.memref_slice %arg6[%add3A_285, %dma_start3A_291] : memref<40x125xi32, #tpu.memory_space<vmem>> -> memref<1x125xi32, #tpu.memory_space<vmem>>
      %dma_start3A_293 = tpu.memref_squeeze %dma_start3A_292 : memref<1x125xi32, #tpu.memory_space<vmem>> -> memref<125xi32, #tpu.memory_space<vmem>>
      %dma_start3A_294 = arith.constant 0 : i32
      %dma_start3A_295 = arith.constant 0 : i32
      %dma_start3A_296 = tpu.memref_slice %arg4[%dma_start3A_294, %dma_start3A_295] : memref<10000x128xf32, #tpu.memory_space<hbm>> -> memref<10000x128xf32, #tpu.memory_space<hbm>>
      tpu.enqueue_indirect_dma source(%dma_start3A_296 : memref<10000x128xf32, #tpu.memory_space<hbm>>) target(%dma_start3A_290 : memref<125x128xf32, #tpu.memory_space<vmem>>) offsets(%dma_start3A_293 : memref<125xi32, #tpu.memory_space<vmem>>) semaphore(%arg10 : memref<!tpu.dma_semaphore, #tpu.memory_space<semaphore_mem>>)
      %add3A_297 = arith.constant 1 : i32
      %add3A_298 = arith.addi %add3A_249, %add3A_297 : i32
      %dma_wait3A_299 = arith.constant 0 : i32
      %dma_wait3A_300 = arith.constant 0 : i32
      %dma_wait3A_301 = arith.constant 0 : i32
      %dma_wait3A_302 = tpu.memref_slice %arg8[%dma_wait3A_299, %dma_wait3A_300, %dma_wait3A_301] : memref<2x125x128xf32, #tpu.memory_space<vmem>> -> memref<1x125x128xf32, #tpu.memory_space<vmem>>
      %dma_wait3A_303 = tpu.memref_squeeze %dma_wait3A_302 : memref<1x125x128xf32, #tpu.memory_space<vmem>> -> memref<125x128xf32, #tpu.memory_space<vmem>>
      %dma_wait3A_304 = arith.constant 0 : i32
      %dma_wait3A_305 = tpu.memref_slice %arg6[%add3A_298, %dma_wait3A_304] : memref<40x125xi32, #tpu.memory_space<vmem>> -> memref<1x125xi32, #tpu.memory_space<vmem>>
      %dma_wait3A_306 = tpu.memref_squeeze %dma_wait3A_305 : memref<1x125xi32, #tpu.memory_space<vmem>> -> memref<125xi32, #tpu.memory_space<vmem>>
      %dma_wait3A_307 = arith.constant 0 : i32
      %dma_wait3A_308 = arith.constant 0 : i32
      %dma_wait3A_309 = tpu.memref_slice %arg4[%dma_wait3A_307, %dma_wait3A_308] : memref<10000x128xf32, #tpu.memory_space<hbm>> -> memref<10000x128xf32, #tpu.memory_space<hbm>>
      tpu.wait_indirect_dma semaphore(%arg10 : memref<!tpu.dma_semaphore, #tpu.memory_space<semaphore_mem>>) src(%dma_wait3A_309 : memref<10000x128xf32, #tpu.memory_space<hbm>>) dst(%dma_wait3A_303 : memref<125x128xf32, #tpu.memory_space<vmem>>)
      %add3A_310 = arith.constant 1 : i32
      %add3A_311 = arith.addi %add3A_249, %add3A_310 : i32
      %dma_start3A_312 = arith.constant 0 : i32
      %dma_start3A_313 = arith.constant 0 : i32
      %dma_start3A_314 = arith.constant 0 : i32
      %dma_start3A_315 = tpu.memref_slice %arg8[%dma_start3A_312, %dma_start3A_313, %dma_start3A_314] : memref<2x125x128xf32, #tpu.memory_space<vmem>> -> memref<1x125x128xf32, #tpu.memory_space<vmem>>
      %dma_start3A_316 = tpu.memref_squeeze %dma_start3A_315 : memref<1x125x128xf32, #tpu.memory_space<vmem>> -> memref<125x128xf32, #tpu.memory_space<vmem>>
      %dma_start3A_317 = arith.constant 0 : i32
      %dma_start3A_318 = tpu.memref_slice %arg7[%add3A_311, %dma_start3A_317] : memref<40x125xi32, #tpu.memory_space<vmem>> -> memref<1x125xi32, #tpu.memory_space<vmem>>
      %dma_start3A_319 = tpu.memref_squeeze %dma_start3A_318 : memref<1x125xi32, #tpu.memory_space<vmem>> -> memref<125xi32, #tpu.memory_space<vmem>>
      %dma_start3A_320 = arith.constant 0 : i32
      %dma_start3A_321 = arith.constant 0 : i32
      %dma_start3A_322 = tpu.memref_slice %arg9[%dma_start3A_320, %dma_start3A_321] : memref<10000x128xf32, #tpu.memory_space<vmem_shared>> -> memref<10000x128xf32, #tpu.memory_space<vmem_shared>>
      tpu.enqueue_indirect_dma source(%dma_start3A_316 : memref<125x128xf32, #tpu.memory_space<vmem>>) target(%dma_start3A_322 : memref<10000x128xf32, #tpu.memory_space<vmem_shared>>) offsets(%dma_start3A_319 : memref<125xi32, #tpu.memory_space<vmem>>) semaphore(%arg12 : memref<!tpu.dma_semaphore, #tpu.memory_space<semaphore_mem>>) {add = true}
      %dma_wait3A_323 = arith.constant 1 : i32
      %dma_wait3A_324 = arith.constant 0 : i32
      %dma_wait3A_325 = arith.constant 0 : i32
      %dma_wait3A_326 = tpu.memref_slice %arg8[%dma_wait3A_323, %dma_wait3A_324, %dma_wait3A_325] : memref<2x125x128xf32, #tpu.memory_space<vmem>> -> memref<1x125x128xf32, #tpu.memory_space<vmem>>
      %dma_wait3A_327 = tpu.memref_squeeze %dma_wait3A_326 : memref<1x125x128xf32, #tpu.memory_space<vmem>> -> memref<125x128xf32, #tpu.memory_space<vmem>>
      %dma_wait3A_328 = arith.constant 0 : i32
      %dma_wait3A_329 = tpu.memref_slice %arg7[%add3A_249, %dma_wait3A_328] : memref<40x125xi32, #tpu.memory_space<vmem>> -> memref<1x125xi32, #tpu.memory_space<vmem>>
      %dma_wait3A_330 = tpu.memref_squeeze %dma_wait3A_329 : memref<1x125xi32, #tpu.memory_space<vmem>> -> memref<125xi32, #tpu.memory_space<vmem>>
      %dma_wait3A_331 = arith.constant 0 : i32
      %dma_wait3A_332 = arith.constant 0 : i32
      %dma_wait3A_333 = tpu.memref_slice %arg9[%dma_wait3A_331, %dma_wait3A_332] : memref<10000x128xf32, #tpu.memory_space<vmem_shared>> -> memref<10000x128xf32, #tpu.memory_space<vmem_shared>>
      tpu.wait_indirect_dma semaphore(%arg13 : memref<!tpu.dma_semaphore, #tpu.memory_space<semaphore_mem>>) src(%dma_wait3A_327 : memref<125x128xf32, #tpu.memory_space<vmem>>) dst(%dma_wait3A_333 : memref<10000x128xf32, #tpu.memory_space<vmem_shared>>)
      %add3A_334 = arith.constant 2 : i32
      %add3A_335 = arith.addi %add3A_249, %add3A_334 : i32
      %dma_start3A_336 = arith.constant 1 : i32
      %dma_start3A_337 = arith.constant 0 : i32
      %dma_start3A_338 = arith.constant 0 : i32
      %dma_start3A_339 = tpu.memref_slice %arg8[%dma_start3A_336, %dma_start3A_337, %dma_start3A_338] : memref<2x125x128xf32, #tpu.memory_space<vmem>> -> memref<1x125x128xf32, #tpu.memory_space<vmem>>
      %dma_start3A_340 = tpu.memref_squeeze %dma_start3A_339 : memref<1x125x128xf32, #tpu.memory_space<vmem>> -> memref<125x128xf32, #tpu.memory_space<vmem>>
      %dma_start3A_341 = arith.constant 0 : i32
      %dma_start3A_342 = tpu.memref_slice %arg6[%add3A_335, %dma_start3A_341] : memref<40x125xi32, #tpu.memory_space<vmem>> -> memref<1x125xi32, #tpu.memory_space<vmem>>
      %dma_start3A_343 = tpu.memref_squeeze %dma_start3A_342 : memref<1x125xi32, #tpu.memory_space<vmem>> -> memref<125xi32, #tpu.memory_space<vmem>>
      %dma_start3A_344 = arith.constant 0 : i32
      %dma_start3A_345 = arith.constant 0 : i32
      %dma_start3A_346 = tpu.memref_slice %arg4[%dma_start3A_344, %dma_start3A_345] : memref<10000x128xf32, #tpu.memory_space<hbm>> -> memref<10000x128xf32, #tpu.memory_space<hbm>>
      tpu.enqueue_indirect_dma source(%dma_start3A_346 : memref<10000x128xf32, #tpu.memory_space<hbm>>) target(%dma_start3A_340 : memref<125x128xf32, #tpu.memory_space<vmem>>) offsets(%dma_start3A_343 : memref<125xi32, #tpu.memory_space<vmem>>) semaphore(%arg11 : memref<!tpu.dma_semaphore, #tpu.memory_space<semaphore_mem>>)
    }
    %scan3A_193 = arith.constant 19 : i32
    %dma_wait3A_194 = arith.constant 39 : i32
    %dma_wait3A_195 = arith.constant 1 : i32
    %dma_wait3A_196 = arith.constant 0 : i32
    %dma_wait3A_197 = arith.constant 0 : i32
    %dma_wait3A_198 = tpu.memref_slice %arg8[%dma_wait3A_195, %dma_wait3A_196, %dma_wait3A_197] : memref<2x125x128xf32, #tpu.memory_space<vmem>> -> memref<1x125x128xf32, #tpu.memory_space<vmem>>
    %dma_wait3A_199 = tpu.memref_squeeze %dma_wait3A_198 : memref<1x125x128xf32, #tpu.memory_space<vmem>> -> memref<125x128xf32, #tpu.memory_space<vmem>>
    %dma_wait3A_200 = arith.constant 0 : i32
    %dma_wait3A_201 = tpu.memref_slice %arg6[%dma_wait3A_194, %dma_wait3A_200] : memref<40x125xi32, #tpu.memory_space<vmem>> -> memref<1x125xi32, #tpu.memory_space<vmem>>
    %dma_wait3A_202 = tpu.memref_squeeze %dma_wait3A_201 : memref<1x125xi32, #tpu.memory_space<vmem>> -> memref<125xi32, #tpu.memory_space<vmem>>
    %dma_wait3A_203 = arith.constant 0 : i32
    %dma_wait3A_204 = arith.constant 0 : i32
    %dma_wait3A_205 = tpu.memref_slice %arg4[%dma_wait3A_203, %dma_wait3A_204] : memref<10000x128xf32, #tpu.memory_space<hbm>> -> memref<10000x128xf32, #tpu.memory_space<hbm>>
    tpu.wait_indirect_dma semaphore(%arg11 : memref<!tpu.dma_semaphore, #tpu.memory_space<semaphore_mem>>) src(%dma_wait3A_205 : memref<10000x128xf32, #tpu.memory_space<hbm>>) dst(%dma_wait3A_199 : memref<125x128xf32, #tpu.memory_space<vmem>>)
    %dma_start3A_206 = arith.constant 1 : i32
    %dma_start3A_207 = arith.constant 39 : i32
    %dma_start3A_208 = arith.constant 0 : i32
    %dma_start3A_209 = arith.constant 0 : i32
    %dma_start3A_210 = tpu.memref_slice %arg8[%dma_start3A_206, %dma_start3A_208, %dma_start3A_209] : memref<2x125x128xf32, #tpu.memory_space<vmem>> -> memref<1x125x128xf32, #tpu.memory_space<vmem>>
    %dma_start3A_211 = tpu.memref_squeeze %dma_start3A_210 : memref<1x125x128xf32, #tpu.memory_space<vmem>> -> memref<125x128xf32, #tpu.memory_space<vmem>>
    %dma_start3A_212 = arith.constant 0 : i32
    %dma_start3A_213 = tpu.memref_slice %arg7[%dma_start3A_207, %dma_start3A_212] : memref<40x125xi32, #tpu.memory_space<vmem>> -> memref<1x125xi32, #tpu.memory_space<vmem>>
    %dma_start3A_214 = tpu.memref_squeeze %dma_start3A_213 : memref<1x125xi32, #tpu.memory_space<vmem>> -> memref<125xi32, #tpu.memory_space<vmem>>
    %dma_start3A_215 = arith.constant 0 : i32
    %dma_start3A_216 = arith.constant 0 : i32
    %dma_start3A_217 = tpu.memref_slice %arg9[%dma_start3A_215, %dma_start3A_216] : memref<10000x128xf32, #tpu.memory_space<vmem_shared>> -> memref<10000x128xf32, #tpu.memory_space<vmem_shared>>
    tpu.enqueue_indirect_dma source(%dma_start3A_211 : memref<125x128xf32, #tpu.memory_space<vmem>>) target(%dma_start3A_217 : memref<10000x128xf32, #tpu.memory_space<vmem_shared>>) offsets(%dma_start3A_214 : memref<125xi32, #tpu.memory_space<vmem>>) semaphore(%arg13 : memref<!tpu.dma_semaphore, #tpu.memory_space<semaphore_mem>>) {add = true}
    %dma_wait3A_218 = arith.constant 0 : i32
    %dma_wait3A_219 = arith.constant 38 : i32
    %dma_wait3A_220 = arith.constant 0 : i32
    %dma_wait3A_221 = arith.constant 0 : i32
    %dma_wait3A_222 = tpu.memref_slice %arg8[%dma_wait3A_218, %dma_wait3A_220, %dma_wait3A_221] : memref<2x125x128xf32, #tpu.memory_space<vmem>> -> memref<1x125x128xf32, #tpu.memory_space<vmem>>
    %dma_wait3A_223 = tpu.memref_squeeze %dma_wait3A_222 : memref<1x125x128xf32, #tpu.memory_space<vmem>> -> memref<125x128xf32, #tpu.memory_space<vmem>>
    %dma_wait3A_224 = arith.constant 0 : i32
    %dma_wait3A_225 = tpu.memref_slice %arg7[%dma_wait3A_219, %dma_wait3A_224] : memref<40x125xi32, #tpu.memory_space<vmem>> -> memref<1x125xi32, #tpu.memory_space<vmem>>
    %dma_wait3A_226 = tpu.memref_squeeze %dma_wait3A_225 : memref<1x125xi32, #tpu.memory_space<vmem>> -> memref<125xi32, #tpu.memory_space<vmem>>
    %dma_wait3A_227 = arith.constant 0 : i32
    %dma_wait3A_228 = arith.constant 0 : i32
    %dma_wait3A_229 = tpu.memref_slice %arg9[%dma_wait3A_227, %dma_wait3A_228] : memref<10000x128xf32, #tpu.memory_space<vmem_shared>> -> memref<10000x128xf32, #tpu.memory_space<vmem_shared>>
    tpu.wait_indirect_dma semaphore(%arg12 : memref<!tpu.dma_semaphore, #tpu.memory_space<semaphore_mem>>) src(%dma_wait3A_223 : memref<125x128xf32, #tpu.memory_space<vmem>>) dst(%dma_wait3A_229 : memref<10000x128xf32, #tpu.memory_space<vmem_shared>>)
    %dma_wait3A_230 = arith.constant 1 : i32
    %dma_wait3A_231 = arith.constant 39 : i32
    %dma_wait3A_232 = arith.constant 0 : i32
    %dma_wait3A_233 = arith.constant 0 : i32
    %dma_wait3A_234 = tpu.memref_slice %arg8[%dma_wait3A_230, %dma_wait3A_232, %dma_wait3A_233] : memref<2x125x128xf32, #tpu.memory_space<vmem>> -> memref<1x125x128xf32, #tpu.memory_space<vmem>>
    %dma_wait3A_235 = tpu.memref_squeeze %dma_wait3A_234 : memref<1x125x128xf32, #tpu.memory_space<vmem>> -> memref<125x128xf32, #tpu.memory_space<vmem>>
    %dma_wait3A_236 = arith.constant 0 : i32
    %dma_wait3A_237 = tpu.memref_slice %arg7[%dma_wait3A_231, %dma_wait3A_236] : memref<40x125xi32, #tpu.memory_space<vmem>> -> memref<1x125xi32, #tpu.memory_space<vmem>>
    %dma_wait3A_238 = tpu.memref_squeeze %dma_wait3A_237 : memref<1x125xi32, #tpu.memory_space<vmem>> -> memref<125xi32, #tpu.memory_space<vmem>>
    %dma_wait3A_239 = arith.constant 0 : i32
    %dma_wait3A_240 = arith.constant 0 : i32
    %dma_wait3A_241 = tpu.memref_slice %arg9[%dma_wait3A_239, %dma_wait3A_240] : memref<10000x128xf32, #tpu.memory_space<vmem_shared>> -> memref<10000x128xf32, #tpu.memory_space<vmem_shared>>
    tpu.wait_indirect_dma semaphore(%arg13 : memref<!tpu.dma_semaphore, #tpu.memory_space<semaphore_mem>>) src(%dma_wait3A_235 : memref<125x128xf32, #tpu.memory_space<vmem>>) dst(%dma_wait3A_241 : memref<10000x128xf32, #tpu.memory_space<vmem_shared>>)
    %barrier3A_242 = arith.constant 0 : index
    tpu.barrier barrier_id(%barrier3A_242)
    %mul3A_243 = arith.constant 625 : i32
    %mul3A_244 = arith.muli %arg1, %mul3A_243 : i32
    "tpu.region"() ({
      %run_scoped3A_245 = tpu.sem_alloc : memref<!tpu.dma_semaphore, #tpu.memory_space<semaphore_mem>>
      %dma_start3A_246 = arith.constant 0 : i32
      %dma_start3A_247 = arith.constant 0 : i32
      %dma_start3A_248 = tpu.memref_slice %arg5[%arg0, %arg1, %dma_start3A_246, %dma_start3A_247] : memref<2x16x625x128xf32, #tpu.memory_space<hbm>> -> memref<1x1x625x128xf32, #tpu.memory_space<hbm>>
      %dma_start3A_249 = tpu.memref_squeeze %dma_start3A_248 : memref<1x1x625x128xf32, #tpu.memory_space<hbm>> -> memref<625x128xf32, #tpu.memory_space<hbm>>
      %dma_start3A_250 = arith.constant 0 : i32
      %dma_start3A_251 = tpu.memref_slice %arg9[%mul3A_244, %dma_start3A_250] : memref<10000x128xf32, #tpu.memory_space<vmem_shared>> -> memref<625x128xf32, #tpu.memory_space<vmem_shared>>
      tpu.enqueue_dma source(%dma_start3A_251 : memref<625x128xf32, #tpu.memory_space<vmem_shared>>) target(%dma_start3A_249 : memref<625x128xf32, #tpu.memory_space<hbm>>) target_semaphore(%run_scoped3A_245 : memref<!tpu.dma_semaphore, #tpu.memory_space<semaphore_mem>>)
      %dma_wait3A_252 = arith.constant 0 : i32
      %dma_wait3A_253 = arith.constant 0 : i32
      %dma_wait3A_254 = tpu.memref_slice %arg5[%arg0, %arg1, %dma_wait3A_252, %dma_wait3A_253] : memref<2x16x625x128xf32, #tpu.memory_space<hbm>> -> memref<1x1x625x128xf32, #tpu.memory_space<hbm>>
      %dma_wait3A_255 = tpu.memref_squeeze %dma_wait3A_254 : memref<1x1x625x128xf32, #tpu.memory_space<hbm>> -> memref<625x128xf32, #tpu.memory_space<hbm>>
      %dma_wait3A_256 = arith.constant 0 : i32
      %dma_wait3A_257 = tpu.memref_slice %arg9[%mul3A_244, %dma_wait3A_256] : memref<10000x128xf32, #tpu.memory_space<vmem_shared>> -> memref<625x128xf32, #tpu.memory_space<vmem_shared>>
      tpu.wait_dma2 semaphore(%run_scoped3A_245 : memref<!tpu.dma_semaphore, #tpu.memory_space<semaphore_mem>>) src(%dma_wait3A_257 : memref<625x128xf32, #tpu.memory_space<vmem_shared>>) dst(%dma_wait3A_255 : memref<625x128xf32, #tpu.memory_space<hbm>>)
      tpu.yield
    }) : () -> ()
    return
  }
}

module attributes {stable_mosaic.version = 14 : i64} {
  func.func @_xs_body(%arg0: i32, %arg1: memref<1000x128xf32, #tpu.memory_space<vmem>>, %arg2: memref<128x128xf32, #tpu.memory_space<vmem>>, %arg3: memref<2x1000x16xf32, #tpu.memory_space<vmem>>, %arg4: memref<1000x128xf32, #tpu.memory_space<vmem>>) attributes {dimension_semantics = [#tpu.dimension_semantics<arbitrary>], iteration_bounds = array<i64: 10>, scalar_prefetch = 0 : i64, scratch_operands = 0 : i64, tpu.core_type = #tpu.core_type<tc>, window_params = [{transform_indices = @transform_0, window_bounds = array<i64: 1000, 128>}, {pipeline_mode = #tpu.pipeline_mode<synchronous>, transform_indices = @transform_1, window_bounds = array<i64: 128, 128>}, {transform_indices = @transform_2, window_bounds = array<i64: 2, 1000, 16>}, {transform_indices = @transform_3, window_bounds = array<i64: 1000, 128>}]} {
    %get3A = arith.constant 0 : index
    %get3A_0 = arith.constant 0 : index
    %get3A_1 = arith.constant 0 : index
    %get3A_2 = vector.load %arg3[%get3A, %get3A_0, %get3A_1] : memref<2x1000x16xf32, #tpu.memory_space<vmem>>, vector<1x1000x1xf32>
    %get3A_3 = vector.shape_cast %get3A_2 : vector<1x1000x1xf32> to vector<1000xf32>
    %get3A_4 = arith.constant 1 : index
    %get3A_5 = arith.constant 0 : index
    %get3A_6 = arith.constant 0 : index
    %get3A_7 = vector.load %arg3[%get3A_4, %get3A_5, %get3A_6] : memref<2x1000x16xf32, #tpu.memory_space<vmem>>, vector<1x1000x1xf32>
    %get3A_8 = vector.shape_cast %get3A_7 : vector<1x1000x1xf32> to vector<1000xf32>
    %add3A = arith.addf %get3A_3, %get3A_8 : vector<1000xf32>
    %add3A_9 = arith.constant 1.000000e+00 : f32
    %add3A_10 = vector.broadcast %add3A_9 : f32 to vector<1000xf32>
    %add3A_11 = arith.addf %add3A, %add3A_10 : vector<1000xf32>
    %rsqrt3A = math.rsqrt %add3A_11 : vector<1000xf32>
    %get3A_12 = arith.constant 0 : index
    %get3A_13 = arith.constant 0 : index
    %get3A_14 = vector.load %arg1[%get3A_12, %get3A_13] : memref<1000x128xf32, #tpu.memory_space<vmem>>, vector<1000x128xf32>
    %get3A_15 = arith.constant 0 : index
    %get3A_16 = arith.constant 0 : index
    %get3A_17 = vector.load %arg2[%get3A_15, %get3A_16] : memref<128x128xf32, #tpu.memory_space<vmem>>, vector<128x128xf32>
    %dot_general3A = arith.constant dense<0.000000e+00> : vector<1000x128xf32>
    %dot_general3A_18 = tpu.matmul %get3A_14, %get3A_17, %dot_general3A {dimension_numbers = #tpu.dot_dimension_numbers<[1], [0], [0], [1], [0, 0, 1, 1], [], []>, transpose_lhs_hint = false} : vector<1000x128xf32>, vector<128x128xf32>, vector<1000x128xf32> -> vector<1000x128xf32>
    %broadcast_in_dim3A = vector.shape_cast %rsqrt3A : vector<1000xf32> to vector<1000x1xf32>
    %mul3A = vector.broadcast %broadcast_in_dim3A : vector<1000x1xf32> to vector<1000x128xf32>
    %mul3A_19 = arith.mulf %dot_general3A_18, %mul3A : vector<1000x128xf32>
    %swap3A = arith.constant 0 : index
    %swap3A_20 = arith.constant 0 : index
    %swap3A_21 = vector.load %arg4[%swap3A, %swap3A_20] : memref<1000x128xf32, #tpu.memory_space<vmem>>, vector<1000x128xf32>
    tpu.vector_store %arg4[%swap3A, %swap3A_20], %mul3A_19 {strides = array<i32>} : memref<1000x128xf32, #tpu.memory_space<vmem>>, vector<1000x128xf32>,
    return
  }
  func.func @transform_0(%arg0: i32) -> (i32, i32) {
    %c0_i32 = arith.constant 0 : i32
    %c0_i32_0 = arith.constant 0 : i32
    return %arg0, %c0_i32 : i32, i32
  }
  func.func @transform_1(%arg0: i32) -> (i32, i32) {
    %c0_i32 = arith.constant 0 : i32
    %c0_i32_0 = arith.constant 0 : i32
    %c0_i32_1 = arith.constant 0 : i32
    return %c0_i32, %c0_i32_0 : i32, i32
  }
  func.func @transform_2(%arg0: i32) -> (i32, i32, i32) {
    %c0_i32 = arith.constant 0 : i32
    %c0_i32_0 = arith.constant 0 : i32
    %c0_i32_1 = arith.constant 0 : i32
    return %c0_i32, %arg0, %c0_i32_0 : i32, i32, i32
  }
  func.func @transform_3(%arg0: i32) -> (i32, i32) {
    %c0_i32 = arith.constant 0 : i32
    %c0_i32_0 = arith.constant 0 : i32
    return %arg0, %c0_i32 : i32, i32
  }
}

module attributes {stable_mosaic.version = 14 : i64} {
  func.func @_hs_body(%arg0: i32, %arg1: memref<2x1000x128xf32, #tpu.memory_space<vmem>>, %arg2: memref<1000x128xf32, #tpu.memory_space<vmem>>, %arg3: memref<2x1000x16xf32, #tpu.memory_space<vmem>>, %arg4: memref<1x128xf32, #tpu.memory_space<vmem>>, %arg5: memref<1000x128xf32, #tpu.memory_space<vmem>>) attributes {dimension_semantics = [#tpu.dimension_semantics<arbitrary>], iteration_bounds = array<i64: 10>, scalar_prefetch = 0 : i64, scratch_operands = 0 : i64, tpu.core_type = #tpu.core_type<tc>, window_params = [{transform_indices = @transform_0, window_bounds = array<i64: 2, 1000, 128>}, {transform_indices = @transform_1, window_bounds = array<i64: 1000, 128>}, {transform_indices = @transform_2, window_bounds = array<i64: 2, 1000, 16>}, {pipeline_mode = #tpu.pipeline_mode<synchronous>, transform_indices = @transform_3, window_bounds = array<i64: 1, 128>}, {transform_indices = @transform_4, window_bounds = array<i64: 1000, 128>}]} {
    %get3A = arith.constant 0 : index
    %get3A_0 = arith.constant 0 : index
    %get3A_1 = arith.constant 0 : index
    %get3A_2 = vector.load %arg3[%get3A, %get3A_0, %get3A_1] : memref<2x1000x16xf32, #tpu.memory_space<vmem>>, vector<1x1000x1xf32>
    %get3A_3 = vector.shape_cast %get3A_2 : vector<1x1000x1xf32> to vector<1000xf32>
    %get3A_4 = arith.constant 1 : index
    %get3A_5 = arith.constant 0 : index
    %get3A_6 = arith.constant 0 : index
    %get3A_7 = vector.load %arg3[%get3A_4, %get3A_5, %get3A_6] : memref<2x1000x16xf32, #tpu.memory_space<vmem>>, vector<1x1000x1xf32>
    %get3A_8 = vector.shape_cast %get3A_7 : vector<1x1000x1xf32> to vector<1000xf32>
    %add3A = arith.addf %get3A_3, %get3A_8 : vector<1000xf32>
    %add3A_9 = arith.constant 1.000000e+00 : f32
    %add3A_10 = vector.broadcast %add3A_9 : f32 to vector<1000xf32>
    %add3A_11 = arith.addf %add3A, %add3A_10 : vector<1000xf32>
    %rsqrt3A = math.rsqrt %add3A_11 : vector<1000xf32>
    %broadcast_in_dim3A = vector.shape_cast %rsqrt3A : vector<1000xf32> to vector<1000x1xf32>
    %get3A_12 = arith.constant 0 : index
    %get3A_13 = arith.constant 0 : index
    %get3A_14 = arith.constant 0 : index
    %get3A_15 = vector.load %arg1[%get3A_12, %get3A_13, %get3A_14] : memref<2x1000x128xf32, #tpu.memory_space<vmem>>, vector<1x1000x128xf32>
    %get3A_16 = vector.shape_cast %get3A_15 : vector<1x1000x128xf32> to vector<1000x128xf32>
    %get3A_17 = arith.constant 1 : index
    %get3A_18 = arith.constant 0 : index
    %get3A_19 = arith.constant 0 : index
    %get3A_20 = vector.load %arg1[%get3A_17, %get3A_18, %get3A_19] : memref<2x1000x128xf32, #tpu.memory_space<vmem>>, vector<1x1000x128xf32>
    %get3A_21 = vector.shape_cast %get3A_20 : vector<1x1000x128xf32> to vector<1000x128xf32>
    %add3A_22 = arith.addf %get3A_16, %get3A_21 : vector<1000x128xf32>
    %get3A_23 = arith.constant 0 : index
    %get3A_24 = arith.constant 0 : index
    %get3A_25 = vector.load %arg2[%get3A_23, %get3A_24] : memref<1000x128xf32, #tpu.memory_space<vmem>>, vector<1000x128xf32>
    %add3A_26 = arith.addf %add3A_22, %get3A_25 : vector<1000x128xf32>
    %mul3A = vector.broadcast %broadcast_in_dim3A : vector<1000x1xf32> to vector<1000x128xf32>
    %mul3A_27 = arith.mulf %mul3A, %add3A_26 : vector<1000x128xf32>
    %get3A_28 = arith.constant 0 : index
    %get3A_29 = arith.constant 0 : index
    %get3A_30 = vector.load %arg4[%get3A_28, %get3A_29] : memref<1x128xf32, #tpu.memory_space<vmem>>, vector<1x128xf32>
    %add3A_31 = vector.broadcast %get3A_30 : vector<1x128xf32> to vector<1000x128xf32>
    %add3A_32 = arith.addf %mul3A_27, %add3A_31 : vector<1000x128xf32>
    %max3A = arith.constant 0.000000e+00 : f32
    %max3A_33 = vector.broadcast %max3A : f32 to vector<1000x128xf32>
    %max3A_34 = arith.maximumf %add3A_32, %max3A_33 : vector<1000x128xf32>
    %broadcast_in_dim3A_35 = vector.shape_cast %rsqrt3A : vector<1000xf32> to vector<1000x1xf32>
    %mul3A_36 = vector.broadcast %broadcast_in_dim3A_35 : vector<1000x1xf32> to vector<1000x128xf32>
    %mul3A_37 = arith.mulf %max3A_34, %mul3A_36 : vector<1000x128xf32>
    %swap3A = arith.constant 0 : index
    %swap3A_38 = arith.constant 0 : index
    %swap3A_39 = vector.load %arg5[%swap3A, %swap3A_38] : memref<1000x128xf32, #tpu.memory_space<vmem>>, vector<1000x128xf32>
    tpu.vector_store %arg5[%swap3A, %swap3A_38], %mul3A_37 {strides = array<i32>} : memref<1000x128xf32, #tpu.memory_space<vmem>>, vector<1000x128xf32>,
    return
  }
  func.func @transform_0(%arg0: i32) -> (i32, i32, i32) {
    %c0_i32 = arith.constant 0 : i32
    %c0_i32_0 = arith.constant 0 : i32
    %c0_i32_1 = arith.constant 0 : i32
    return %c0_i32, %arg0, %c0_i32_0 : i32, i32, i32
  }
  func.func @transform_1(%arg0: i32) -> (i32, i32) {
    %c0_i32 = arith.constant 0 : i32
    %c0_i32_0 = arith.constant 0 : i32
    return %arg0, %c0_i32 : i32, i32
  }
  func.func @transform_2(%arg0: i32) -> (i32, i32, i32) {
    %c0_i32 = arith.constant 0 : i32
    %c0_i32_0 = arith.constant 0 : i32
    %c0_i32_1 = arith.constant 0 : i32
    return %c0_i32, %arg0, %c0_i32_0 : i32, i32, i32
  }
  func.func @transform_3(%arg0: i32) -> (i32, i32) {
    %c0_i32 = arith.constant 0 : i32
    %c0_i32_0 = arith.constant 0 : i32
    %c0_i32_1 = arith.constant 0 : i32
    return %c0_i32, %c0_i32_0 : i32, i32
  }
  func.func @transform_4(%arg0: i32) -> (i32, i32) {
    %c0_i32 = arith.constant 0 : i32
    %c0_i32_0 = arith.constant 0 : i32
    return %arg0, %c0_i32 : i32, i32
  }
}

module attributes {stable_mosaic.version = 14 : i64} {
  func.func @_ml_body(%arg0: i32, %arg1: memref<2x1000x128xf32, #tpu.memory_space<vmem>>, %arg2: memref<1000x128xf32, #tpu.memory_space<vmem>>, %arg3: memref<2x1000x16xf32, #tpu.memory_space<vmem>>, %arg4: memref<128x128xf32, #tpu.memory_space<vmem>>, %arg5: memref<1x128xf32, #tpu.memory_space<vmem>>, %arg6: memref<1000x64xf32, #tpu.memory_space<vmem>>, %arg7: memref<1000x64xf32, #tpu.memory_space<vmem>>, %arg8: memref<1000x128xf32, #tpu.memory_space<vmem>>) attributes {dimension_semantics = [#tpu.dimension_semantics<arbitrary>], iteration_bounds = array<i64: 10>, scalar_prefetch = 0 : i64, scratch_operands = 0 : i64, tpu.core_type = #tpu.core_type<tc>, window_params = [{transform_indices = @transform_0, window_bounds = array<i64: 2, 1000, 128>}, {transform_indices = @transform_1, window_bounds = array<i64: 1000, 128>}, {transform_indices = @transform_2, window_bounds = array<i64: 2, 1000, 16>}, {pipeline_mode = #tpu.pipeline_mode<synchronous>, transform_indices = @transform_3, window_bounds = array<i64: 128, 128>}, {pipeline_mode = #tpu.pipeline_mode<synchronous>, transform_indices = @transform_4, window_bounds = array<i64: 1, 128>}, {transform_indices = @transform_5, window_bounds = array<i64: 1000, 64>}, {transform_indices = @transform_6, window_bounds = array<i64: 1000, 64>}, {transform_indices = @transform_7, window_bounds = array<i64: 1000, 128>}]} {
    %get3A = arith.constant 0 : index
    %get3A_0 = arith.constant 0 : index
    %get3A_1 = arith.constant 0 : index
    %get3A_2 = vector.load %arg3[%get3A, %get3A_0, %get3A_1] : memref<2x1000x16xf32, #tpu.memory_space<vmem>>, vector<1x1000x1xf32>
    %get3A_3 = vector.shape_cast %get3A_2 : vector<1x1000x1xf32> to vector<1000xf32>
    %get3A_4 = arith.constant 1 : index
    %get3A_5 = arith.constant 0 : index
    %get3A_6 = arith.constant 0 : index
    %get3A_7 = vector.load %arg3[%get3A_4, %get3A_5, %get3A_6] : memref<2x1000x16xf32, #tpu.memory_space<vmem>>, vector<1x1000x1xf32>
    %get3A_8 = vector.shape_cast %get3A_7 : vector<1x1000x1xf32> to vector<1000xf32>
    %add3A = arith.addf %get3A_3, %get3A_8 : vector<1000xf32>
    %add3A_9 = arith.constant 1.000000e+00 : f32
    %add3A_10 = vector.broadcast %add3A_9 : f32 to vector<1000xf32>
    %add3A_11 = arith.addf %add3A, %add3A_10 : vector<1000xf32>
    %rsqrt3A = math.rsqrt %add3A_11 : vector<1000xf32>
    %broadcast_in_dim3A = vector.shape_cast %rsqrt3A : vector<1000xf32> to vector<1000x1xf32>
    %get3A_12 = arith.constant 0 : index
    %get3A_13 = arith.constant 0 : index
    %get3A_14 = arith.constant 0 : index
    %get3A_15 = vector.load %arg1[%get3A_12, %get3A_13, %get3A_14] : memref<2x1000x128xf32, #tpu.memory_space<vmem>>, vector<1x1000x128xf32>
    %get3A_16 = vector.shape_cast %get3A_15 : vector<1x1000x128xf32> to vector<1000x128xf32>
    %get3A_17 = arith.constant 1 : index
    %get3A_18 = arith.constant 0 : index
    %get3A_19 = arith.constant 0 : index
    %get3A_20 = vector.load %arg1[%get3A_17, %get3A_18, %get3A_19] : memref<2x1000x128xf32, #tpu.memory_space<vmem>>, vector<1x1000x128xf32>
    %get3A_21 = vector.shape_cast %get3A_20 : vector<1x1000x128xf32> to vector<1000x128xf32>
    %add3A_22 = arith.addf %get3A_16, %get3A_21 : vector<1000x128xf32>
    %get3A_23 = arith.constant 0 : index
    %get3A_24 = arith.constant 0 : index
    %get3A_25 = vector.load %arg2[%get3A_23, %get3A_24] : memref<1000x128xf32, #tpu.memory_space<vmem>>, vector<1000x128xf32>
    %add3A_26 = arith.addf %add3A_22, %get3A_25 : vector<1000x128xf32>
    %mul3A = vector.broadcast %broadcast_in_dim3A : vector<1000x1xf32> to vector<1000x128xf32>
    %mul3A_27 = arith.mulf %mul3A, %add3A_26 : vector<1000x128xf32>
    %get3A_28 = arith.constant 0 : index
    %get3A_29 = arith.constant 0 : index
    %get3A_30 = vector.load %arg4[%get3A_28, %get3A_29] : memref<128x128xf32, #tpu.memory_space<vmem>>, vector<128x128xf32>
    %dot_general3A = arith.constant dense<0.000000e+00> : vector<1000x128xf32>
    %dot_general3A_31 = tpu.matmul %mul3A_27, %get3A_30, %dot_general3A {dimension_numbers = #tpu.dot_dimension_numbers<[1], [0], [0], [1], [0, 0, 1, 1], [], []>, transpose_lhs_hint = false} : vector<1000x128xf32>, vector<128x128xf32>, vector<1000x128xf32> -> vector<1000x128xf32>
    %get3A_32 = arith.constant 0 : index
    %get3A_33 = arith.constant 0 : index
    %get3A_34 = vector.load %arg5[%get3A_32, %get3A_33] : memref<1x128xf32, #tpu.memory_space<vmem>>, vector<1x128xf32>
    %add3A_35 = vector.broadcast %get3A_34 : vector<1x128xf32> to vector<1000x128xf32>
    %add3A_36 = arith.addf %dot_general3A_31, %add3A_35 : vector<1000x128xf32>
    %slice3A = vector.extract_strided_slice %add3A_36 {offsets = [0, 0], sizes = [1000, 64], strides = [1, 1]} : vector<1000x128xf32> to vector<1000x64xf32>
    %swap3A = arith.constant 0 : index
    %swap3A_37 = arith.constant 0 : index
    %swap3A_38 = vector.load %arg6[%swap3A, %swap3A_37] : memref<1000x64xf32, #tpu.memory_space<vmem>>, vector<1000x64xf32>
    tpu.vector_store %arg6[%swap3A, %swap3A_37], %slice3A {strides = array<i32>} : memref<1000x64xf32, #tpu.memory_space<vmem>>, vector<1000x64xf32>,
    %slice3A_39 = vector.extract_strided_slice %add3A_36 {offsets = [0, 64], sizes = [1000, 64], strides = [1, 1]} : vector<1000x128xf32> to vector<1000x64xf32>
    %swap3A_40 = arith.constant 0 : index
    %swap3A_41 = arith.constant 0 : index
    %swap3A_42 = vector.load %arg7[%swap3A_40, %swap3A_41] : memref<1000x64xf32, #tpu.memory_space<vmem>>, vector<1000x64xf32>
    tpu.vector_store %arg7[%swap3A_40, %swap3A_41], %slice3A_39 {strides = array<i32>} : memref<1000x64xf32, #tpu.memory_space<vmem>>, vector<1000x64xf32>,
    %iota3A = tpu.iota {dimensions = array<i32: 1>} : vector<1000x128xi32>
    %lt3A = arith.constant 64 : i32
    %lt3A_43 = vector.broadcast %lt3A : i32 to vector<1000x128xi32>
    %lt3A_44 = arith.cmpi slt, %iota3A, %lt3A_43 : vector<1000x128xi32>
    %jit3A = arith.constant 0.000000e+00 : f32
    %broadcast_in_dim3A_45 = vector.broadcast %jit3A : f32 to vector<1000x128xf32>
    %select_n3A = arith.select %lt3A_44, %add3A_36, %broadcast_in_dim3A_45 : vector<1000x128xi1>, vector<1000x128xf32>
    %swap3A_46 = arith.constant 0 : index
    %swap3A_47 = arith.constant 0 : index
    %swap3A_48 = vector.load %arg8[%swap3A_46, %swap3A_47] : memref<1000x128xf32, #tpu.memory_space<vmem>>, vector<1000x128xf32>
    tpu.vector_store %arg8[%swap3A_46, %swap3A_47], %select_n3A {strides = array<i32>} : memref<1000x128xf32, #tpu.memory_space<vmem>>, vector<1000x128xf32>,
    return
  }
  func.func @transform_0(%arg0: i32) -> (i32, i32, i32) {
    %c0_i32 = arith.constant 0 : i32
    %c0_i32_0 = arith.constant 0 : i32
    %c0_i32_1 = arith.constant 0 : i32
    return %c0_i32, %arg0, %c0_i32_0 : i32, i32, i32
  }
  func.func @transform_1(%arg0: i32) -> (i32, i32) {
    %c0_i32 = arith.constant 0 : i32
    %c0_i32_0 = arith.constant 0 : i32
    return %arg0, %c0_i32 : i32, i32
  }
  func.func @transform_2(%arg0: i32) -> (i32, i32, i32) {
    %c0_i32 = arith.constant 0 : i32
    %c0_i32_0 = arith.constant 0 : i32
    %c0_i32_1 = arith.constant 0 : i32
    return %c0_i32, %arg0, %c0_i32_0 : i32, i32, i32
  }
  func.func @transform_3(%arg0: i32) -> (i32, i32) {
    %c0_i32 = arith.constant 0 : i32
    %c0_i32_0 = arith.constant 0 : i32
    %c0_i32_1 = arith.constant 0 : i32
    return %c0_i32, %c0_i32_0 : i32, i32
  }
  func.func @transform_4(%arg0: i32) -> (i32, i32) {
    %c0_i32 = arith.constant 0 : i32
    %c0_i32_0 = arith.constant 0 : i32
    %c0_i32_1 = arith.constant 0 : i32
    return %c0_i32, %c0_i32_0 : i32, i32
  }
  func.func @transform_5(%arg0: i32) -> (i32, i32) {
    %c0_i32 = arith.constant 0 : i32
    %c0_i32_0 = arith.constant 0 : i32
    return %arg0, %c0_i32 : i32, i32
  }
  func.func @transform_6(%arg0: i32) -> (i32, i32) {
    %c0_i32 = arith.constant 0 : i32
    %c0_i32_0 = arith.constant 0 : i32
    return %arg0, %c0_i32 : i32, i32
  }
  func.func @transform_7(%arg0: i32) -> (i32, i32) {
    %c0_i32 = arith.constant 0 : i32
    %c0_i32_0 = arith.constant 0 : i32
    return %arg0, %c0_i32 : i32, i32
  }
}

module attributes {stable_mosaic.version = 14 : i64} {
  func.func @_adj_body(%arg0: i32, %arg1: memref<400x128xf32, #tpu.memory_space<vmem>>, %arg2: memref<10000x128xf32, #tpu.memory_space<vmem>>, %arg3: memref<400x10000xf32, #tpu.memory_space<vmem>>) attributes {dimension_semantics = [#tpu.dimension_semantics<arbitrary>], iteration_bounds = array<i64: 25>, scalar_prefetch = 0 : i64, scratch_operands = 0 : i64, tpu.core_type = #tpu.core_type<tc>, window_params = [{transform_indices = @transform_0, window_bounds = array<i64: 400, 128>}, {pipeline_mode = #tpu.pipeline_mode<synchronous>, transform_indices = @transform_1, window_bounds = array<i64: 10000, 128>}, {transform_indices = @transform_2, window_bounds = array<i64: 400, 10000>}]} {
    %get3A = arith.constant 0 : index
    %get3A_0 = arith.constant 0 : index
    %get3A_1 = vector.load %arg1[%get3A, %get3A_0] : memref<400x128xf32, #tpu.memory_space<vmem>>, vector<400x128xf32>
    %get3A_2 = arith.constant 0 : index
    %get3A_3 = arith.constant 0 : index
    %get3A_4 = vector.load %arg2[%get3A_2, %get3A_3] : memref<10000x128xf32, #tpu.memory_space<vmem>>, vector<10000x128xf32>
    %dot_general3A = arith.constant dense<0.000000e+00> : vector<400x10000xf32>
    %dot_general3A_5 = tpu.matmul %get3A_1, %get3A_4, %dot_general3A {dimension_numbers = #tpu.dot_dimension_numbers<[1], [1], [0], [0], [0, 0, 1, 0], [], []>, transpose_lhs_hint = false} : vector<400x128xf32>, vector<10000x128xf32>, vector<400x10000xf32> -> vector<400x10000xf32>
    %swap3A = arith.constant 0 : index
    %swap3A_6 = arith.constant 0 : index
    %swap3A_7 = vector.load %arg3[%swap3A, %swap3A_6] : memref<400x10000xf32, #tpu.memory_space<vmem>>, vector<400x10000xf32>
    tpu.vector_store %arg3[%swap3A, %swap3A_6], %dot_general3A_5 {strides = array<i32>} : memref<400x10000xf32, #tpu.memory_space<vmem>>, vector<400x10000xf32>,
    return
  }
  func.func @transform_0(%arg0: i32) -> (i32, i32) {
    %c0_i32 = arith.constant 0 : i32
    %c0_i32_0 = arith.constant 0 : i32
    return %arg0, %c0_i32 : i32, i32
  }
  func.func @transform_1(%arg0: i32) -> (i32, i32) {
    %c0_i32 = arith.constant 0 : i32
    %c0_i32_0 = arith.constant 0 : i32
    %c0_i32_1 = arith.constant 0 : i32
    return %c0_i32, %c0_i32_0 : i32, i32
  }
  func.func @transform_2(%arg0: i32) -> (i32, i32) {
    %c0_i32 = arith.constant 0 : i32
    %c0_i32_0 = arith.constant 0 : i32
    return %arg0, %c0_i32 : i32, i32
  }
}

</mosaic_0001>

<sc_bundles>
// kernel: kernel.12.cloned.1.call-start
scs
__scs_entry_jumppad:
0x0: {  	(pc) =	sbr.rel $0x88, $3  }
0x1: {  	(tag) =	ssettag $0x0;
	lr =	simm.s32 $0x1  }
0x2: {  	[smem:$0x3F99] =	sst lr;
	_ =	strace $0xD0000000  }
0x3: {  	_ = 	snop  }
0x4: {  	_ = 	snop  }
0x5: {  	_ = 	snop  }
0x6: {  	_ = 	snop  }
0x7: {  	_ = 	snop  }
__scs_overlays_trampoline_lowered:
0x8: {  	[smem:$0x3FA8] =	sst s0  }
0x9: {  	[smem:$0x3FA9] =	sst s1  }
0xa: {  	[smem:$0x3FAA] =	sst s2  }
0xb: {  	[smem:$0x3FAB] =	sst s3  }
0xc: {  	[smem:$0x3FAC] =	sst s4  }
0xd: {  	[smem:$0x3FAD] =	sst s5  }
0xe: {  	[smem:$0x3FAE] =	sst s6  }
0xf: {  	[smem:$0x3FAF] =	sst s7  }
0x10: {  	[smem:$0x3FB0] =	sst s8  }
0x11: {  	[smem:$0x3FB1] =	sst s9;
	s0 =	simm.s32 @!p0 $0x0  }
0x12: {  	s1 =	sld [smem:$0x3F97];
	s0 =	simm.s32 @p0 $0x1  }
0x13: {  	[smem:$0x3FB2] =	sst s0;
	s0 =	simm.s32 @!p1 $0x0  }
0x14: {  	s2 =	sld [smem:$0x3F96];
	s0 =	simm.s32 @p1 $0x1  }
0x15: {  	[smem:$0x3FB3] =	sst s0;
	s0 =	simm.s32 @!p2 $0x0  }
0x16: {  	s3 =	sld [smem:$0x3FDB];
	s0 =	simm.s32 @p2 $0x1  }
0x17: {  	s4 =	simm.s32 $0x1BF5;
	[smem:$0x3FB5] =	sst s0  }
0x18: {  	s0 =	sld [smem:$0x3F98];
	_ =	swait.ge [sflag:s4], $0x0  }
0x19: {  	s7 =	sld [smem:$0x3F99]  }
0x1a: {  	s8 =	sadd.s32 $0xFFFFE003, lr  }
0x1b: {  	s9 =	sadd.s32 $0xFFFFFEF7, lr;
	s5 =	simm.s32 $0xFFFFFFFF;
	p2 =	slt.u32 s8, $0xFFFFF086  }
0x1c: {  	p1 =	slt.u32 s9, $0xF7A;
	s5 =	simm.s32 @!p2 $0x0  }
0x1d: {  	s5 =	simm.s32 @p1 $0x1;
	p0 =	seq.s32 s7, s2  }
0x1e: {  	s7 =	smul.u32 @!p0 $0xF7A, s2;
	p2 =	seq.s32 @!p0 s5, $0x0  }
0x1f: {  	s9 =	smul.u32 $0xF7A, s1;
	s8 =	simm.s32 @!p0 $0x1BF5;
	p2 =	por !p2, p0  }
0x20: {  	[sflag:s8] =	ssyncset.s32 @!p0 $0xFFFFF086;
	s6 =	sadd.s32 @!p0 s3, s7;
	s7 =	simm.s32 @!p0 $0x108  }
0x21: {  	s3 =	sadd.s32 s3, s9;
	s6 =	sadd.s32 @!p0 $0x88, s6;
	s7 =	simm.s32 @p2 $0x1082  }
0x22: {  	[simem:s7], [sflag:s8] =	dma.local @!p0 [hbm:s6], $0xF7A  }
0x23: {  	s9 =	sor.u32 $0xD0000000, s2;
	s6 =	simm.s32 $0x108;
	_ =	swait.ge @!p0 [sflag:s8], $0x0  }
0x24: {  	s3 =	sadd.s32 $0x88, s3;
	s6 =	simm.s32 @!p1 $0x1082;
	[sflag:s4] =	ssyncset.s32 $0xFFFFF086  }
0x25: {  	[simem:s6], [sflag:s4] =	dma.local [hbm:s3], $0xF7A  }
0x26: {  	[smem:$0x3F99] =	sst s1;
	(tag) =	ssettag s2;
	_ =	strace s9  }
0x27: {  	s1 =	sld [smem:$0x3FA9]  }
0x28: {  	s2 =	sld [smem:$0x3FAA]  }
0x29: {  	s4 =	sld [smem:$0x3FAC]  }
0x2a: {  	p0 =	seq.s32 s5, $0x0;
	s5 =	sld [smem:$0x3FAD]  }
0x2b: {  	s6 =	sld [smem:$0x3FAE]  }
0x2c: {  	s7 =	sld [smem:$0x3FAF]  }
0x2d: {  	s3 =	simm.s32 $0x108;
	s8 =	sld [smem:$0x3FB0]  }
0x2e: {  	s3 =	simm.s32 @!p0 $0x1082;
	s9 =	sld [smem:$0x3FB1]  }
0x2f: {  	lr =	sadd.s32 s0, s3;
	s0 =	sld [smem:$0x3FA8]  }
0x30: {  	s3 =	sld [smem:$0x3FAB]  }
0x31: {  	[smem:$0x3FB4] =	sst s10  }
0x32: {  	s10 =	sld [smem:$0x3FB2];
	_ =	sdelay $0x3  }
0x33: {  	p0 =	seq.s32 s10, $0x1;
	s10 =	sld [smem:$0x3FB4];
	_ =	sdelay $0x3  }
0x34: {  	[smem:$0x3FB4] =	sst s10  }
0x35: {  	s10 =	sld [smem:$0x3FB3];
	_ =	sdelay $0x3  }
0x36: {  	p1 =	seq.s32 s10, $0x1;
	s10 =	sld [smem:$0x3FB4];
	_ =	sdelay $0x3  }
0x37: {  	[smem:$0x3FB4] =	sst s10  }
0x38: {  	s10 =	sld [smem:$0x3FB5]  }
0x39: {  	_ = 	snop;
	(pc) =	sbr.ind lr, $3  }
0x3a: {  	_ = 	snop  }
0x3b: {  	_ = 	snop  }
0x3c: {  	p2 =	seq.s32 s10, $0x1;
	s10 =	sld [smem:$0x3FB4]  }
0x3d: {  	_ =	shalt  }
0x3e: {  	_ =	shalt  }
0x3f: {  	_ =	shalt  }
0x40: {  	_ =	shalt  }
0x41: {  	_ =	shalt  }
0x42: {  	_ =	shalt  }
0x43: {  	_ =	shalt  }
0x44: {  	_ =	shalt  }
0x45: {  	_ =	shalt  }
0x46: {  	_ =	shalt  }
0x47: {  	_ =	shalt  }
0x48: {  	_ =	shalt  }
0x49: {  	_ =	shalt  }
0x4a: {  	_ =	shalt  }
0x4b: {  	_ =	shalt  }
0x4c: {  	_ =	shalt  }
0x4d: {  	_ =	shalt  }
0x4e: {  	_ =	shalt  }
0x4f: {  	_ =	shalt  }
0x50: {  	_ =	shalt  }
0x51: {  	_ =	shalt  }
0x52: {  	_ =	shalt  }
0x53: {  	_ =	shalt  }
0x54: {  	_ =	shalt  }
0x55: {  	_ =	shalt  }
0x56: {  	_ =	shalt  }
0x57: {  	_ =	shalt  }
0x58: {  	_ =	shalt  }
0x59: {  	_ =	shalt  }
0x5a: {  	_ =	shalt  }
0x5b: {  	_ =	shalt  }
0x5c: {  	_ =	shalt  }
0x5d: {  	_ =	shalt  }
0x5e: {  	_ =	shalt  }
0x5f: {  	_ =	shalt  }
0x60: {  	_ =	shalt  }
0x61: {  	_ =	shalt  }
0x62: {  	_ =	shalt  }
0x63: {  	_ =	shalt  }
0x64: {  	_ =	shalt  }
0x65: {  	_ =	shalt  }
0x66: {  	_ =	shalt  }
0x67: {  	_ =	shalt  }
0x68: {  	_ =	shalt  }
0x69: {  	_ =	shalt  }
0x6a: {  	_ =	shalt  }
0x6b: {  	_ =	shalt  }
0x6c: {  	_ =	shalt  }
0x6d: {  	_ =	shalt  }
0x6e: {  	_ =	shalt  }
0x6f: {  	_ =	shalt  }
0x70: {  	_ =	shalt  }
0x71: {  	_ =	shalt  }
0x72: {  	_ =	shalt  }
0x73: {  	_ =	shalt  }
0x74: {  	_ =	shalt  }
0x75: {  	_ =	shalt  }
0x76: {  	_ =	shalt  }
0x77: {  	_ =	shalt  }
0x78: {  	_ =	shalt  }
0x79: {  	_ =	shalt  }
0x7a: {  	_ =	shalt  }
0x7b: {  	_ =	shalt  }
0x7c: {  	_ =	shalt  }
0x7d: {  	_ =	shalt  }
0x7e: {  	_ =	shalt  }
0x7f: {  	_ =	shalt  }
0x80: {  	_ =	shalt  }
0x81: {  	_ =	shalt  }
0x82: {  	_ =	shalt  }
0x83: {  	_ =	shalt  }
0x84: {  	_ =	shalt  }
0x85: {  	_ =	shalt  }
0x86: {  	_ =	shalt  }
0x87: {  	_ =	shalt  }
.Lfunc_end0:
.L_simem_size_0:
called_computation.1_lowered:
.L_overlay_start_0:
0x88: {  	s2 =	sld [smem:$0x3FD9]  }
0x89: {  	s3 =	sld [smem:$0x3FFE];
	_ =	sdelay $0x1  }
0x8a: {  	s1 =	srdreg.scid  }
0x8b: {  	s0 =	sand.u32 $0x1, s1  }
0x8c: {  	s14 =	sshll.u32 s0, $0xA;
	s2 =	sadd.s32 s3, s2  }
0x8d: {  	s2 =	sadd.s32 s2, s14  }
0x8e: {  	[smem:$0x3FC0] =	sst s2  }
0x8f: {  	_ = 	snop  }
0x90: {  	s2 =	sld [smem:$0x3FD0];
	_ =	sdelay $0x2  }
0x91: {  	s15 =	simm.s32 $0xA;
	s4 =	simm.s32 $0x10  }
0x92: {  	[smem:s4], [sflag:s15] =	dma.local [hbm:s2], $0x1  }
0x93: {  	_ =	swait.eq [sflag:s15], $0x1  }
0x94: {  	s16 =	sld [smem:$0x10];
	[sflag:s15] =	ssyncset.done $0x0  }
0x95: {  	s17 =	sld [smem:$0x11];
	[sflag:s15] =	ssyncadd.s32 $0xFFFFFFFF  }
0x96: {  	s18 =	sld [smem:$0x12];
	(tm) =	ssettm $0x1  }
0x97: {  	s5 =	sld [smem:$0x3FFB];
	_ =	sdelay $0x3  }
0x98: {  	_ =	strace s5  }
0x99: {  	s5 =	sld [smem:$0x3FFC];
	_ =	sdelay $0x3  }
0x9a: {  	_ =	strace s5  }
0x9b: {  	s5 =	sld [smem:$0x3FFD];
	_ =	sdelay $0x3  }
0x9c: {  	_ =	strace s5  }
0x9d: {  	_ =	strace $0x8FFFFFFF  }
0x9e: {  	s19 =	sld [smem:$0x3FDB];
	_ =	sdelay $0x1  }
0x9f: {  	s6 =	simm.s32 $_scs_section_size  }
0xa0: {  	s7 =	simm.s32 $_size__tile_overlayer_lowered;
	s8 =	simm.s32 $_tile_overlayer_lowered  }
0xa1: {  	s22 =	simm.s32 $0x1BFF;
	s21 =	sshll.u32 s8, $0x1;
	s5 =	sadd.s32 s6, s19  }
0xa2: {  	s9 =	simm.s32 $0x0;
	s20 =	sshll.u32 s7, $0x1;
	s7 =	sadd.s32 s21, s5  }
0xa3: {  	[timem:s9], [sflag:s22] =	dma.local [hbm:s7], s20  }
0xa4: {  	_ =	swait.ge [sflag:s22], s20  }
0xa5: {  	s6 =	ssub.s32 $0x0, s20;
	[sflag:s22] =	ssyncset.done $0x0  }
0xa6: {  	[sflag:s22] =	ssyncadd.s32 s6;
	_ =	sdelay $0x1  }
0xa7: {  	s23 =	simm.s32 $0x1B8B  }
0xa8: {  	_ =	swait.ge [sflag:s23], $0x1  }
0xa9: {  	[sflag:s23] =	ssyncset.done $0x0  }
0xaa: {  	s25 =	simm.s32 $0x1B8E;
	s24 =	sld [smem:$0x3FFE];
	[sflag:s23] =	ssyncadd.s32 $0xFFFFFFFF  }
0xab: {  	s26 =	simm.s32 $execute0_lowered;
	[smem:$0x3FD2] =	sst s25  }
0xac: {  	s7 =	sshll.u32 s26, $0x1;
	_ =	strace $0x80000049;
	[dreg:$0x1] =	wrdreg $0xFFFFFFFF  }
0xad: {  	s28 =	simm.s32 $_size_execute0_lowered;
	s5 =	sadd.s32 s5, s7;
	[dreg:$0x0] =	wrdreg $0x0  }
0xae: {  	s7 =	sshll.u32 s28, $0x1;
	[dreg:$0x2] =	wrdreg s5  }
0xaf: {  	[dreg:$0x3] =	wrdreg s7  }
0xb0: {  	[dreg:$0x4] =	wrdreg $0xC0  }
0xb1: {  	_ =	task [dreg:s9], $0x5FFFF  }
0xb2: {  	[dreg:$0x1] =	wrdreg $0xFFFFFFFF  }
0xb3: {  	[dreg:$0x0] =	wrdreg $0x60  }
0xb4: {  	[dreg:$0x2] =	wrdreg s18  }
0xb5: {  	[dreg:$0x3] =	wrdreg s17  }
0xb6: {  	[dreg:$0x4] =	wrdreg s24  }
0xb7: {  	[dreg:$0x5] =	wrdreg s16  }
0xb8: {  	[dreg:$0x6] =	wrdreg $0xA8000  }
0xb9: {  	[dreg:$0x7] =	wrdreg $0x9  }
0xba: {  	_ =	task.clear_ibuf [dreg:s9], $0x8FFFF;
	_ =	strace $0x90000049  }
0xbb: {  	s29 =	simm.s32 $0x9;
	_ =	strace $0x8000004B  }
0xbc: {  	_ =	swait.ge [sflag:s29], $0x1  }
0xbd: {  	[sflag:s29] =	ssyncadd.s32 $0xFFFFFFFF  }
0xbe: {  	_ =	strace $0x9000004B  }
0xbf: {  	_ =	sfence  }
0xc0: {  	s30 =	sld [smem:$0x0];
	_ =	sdelay $0x2  }
0xc1: {  	s31 =	sshll.u32 s1, $0xD;
	s1 =	sshrl.u32 s1, $0x2  }
0xc2: {  	s3 =	sand.u32 $0x4000, s31;
	s1 =	sadd.s32 s1, s30  }
0xc3: {  	s0 =	sor.u32 s3, s0;
	s1 =	sshll.u32 s1, $0x11  }
0xc4: {  	s0 =	sor.u32 s1, s0  }
0xc5: {  	s0 =	sadd.s32 $0x8F2B, s0  }
0xc6: {  	[sflag:s0] =	ssyncadd.remote.s32 $0x1  }
0xc7: {  	_ =	sfence.sel $0xFFFF  }
0xc8: {  	[dreg:$0x0] =	wrdreg $0xFFFFFFFF;
	(pc) =	sbr.abs _section_cstart, $3  }
0xc9: {  	[dreg:$0x1] =	wrdreg $0xFFFFFFFF  }
0xca: {  	_ =	task.clear_ibuf [dreg:s9], $0x2FFFF;
	_ =	strace $0x9FFFFFFF  }
0xcb: {  	(tm) =	ssettm $0x7FFFFFFF  }
tec
execute0_lowered:
.L_overlay_start_1:
0x0: {  	(tag) =	ssettag $0x1  }
0x1: {  	s12 =	rddreg [dreg:$0x0]  }
0x2: {  	s13 =	rddreg [dreg:$0x1]  }
0x3: {  	s4 =	rddreg [dreg:$0x2]  }
0x4: {  	s14 =	rddreg [dreg:$0x3]  }
0x5: {  	s1 =	rddreg [dreg:$0x4];
	s2 =	srdreg.scid  }
0x6: {  	s0 =	rddreg [dreg:$0x5];
	s3 =	simm.s32 $0x0;
	s19 =	simm.s32 $0x7D  }
0x7: {  	s20 =	simm.s32 $0x1;
	s21 =	simm.s32 $0x80;
	s22 =	simm.s32 $0x6800  }
0x8: {  	s23 =	simm.s32 $0x2;
	s24 =	simm.s32 $0x3;
	s25 =	simm.s32 $0x4  }
0x9: {  	s26 =	simm.s32 $0x2780;
	s6 =	sand.u32 $0x1, s2;
	s2 =	stileid.u32  }
0xa: {  	s28 =	simm.s32 $0x0;
	[smem:$0x7FF] =	sst s3;
	s7 =	smul.u32 $0x4E200, s2  }
0xb: {  	s4 =	sadd.s32 $0x50800, s4;
	s5 =	sshll.u32 s6, $0x4;
	s16 =	smul.u32 $0x13C000, s6  }
0xc: {  	s8 =	ssub.s32 $0x2, s6;
	s17 =	smul.u32 $0x13C00, s2;
	s5 =	sor.u32 s2, s5  }
0xd: {  	_ =	strace $0x8000004A;
	s9 =	sshrl.u32 s8, $0x1;
	s11 =	smul.u32 $0x500, s5  }
0xe: {  	s7 =	sshrl.u32 s7, $0x2;
	s10 =	smul.u32 $0x2800, s5;
	s15 =	ssub.s32 s8, s9  }
0xf: {  	s16 =	sadd.s32 s17, s16;
	s17 =	simm.s32 $0x5;
	s5 =	sadd.s32 s7, s1  }
0x10: {  	s16 =	sshrl.u32 s16, $0x3;
	s15 =	smax.u32 s15, $0x1;
	s6 =	sadd.s32 $0x3E80, s5  }
0x11: {  	s7 =	sadd.s32 $0x7D00, s5;
	s8 =	sadd.s32 $0xBB80, s5;
	s9 =	sadd.s32 $0xFA00, s5  }
0x12: {  	s18 =	sshrl.u32 s10, $0x3;
	s10 =	sadd.s32 s12, s11;
	s11 =	sadd.s32 s13, s11  }
0x13: {  	s14 =	sadd.s32 s14, s16;
	s16 =	simm.s32 $0x2800;
	s18 =	sadd.s32 $0x280, s18  }
0x14: {  	v0 =	vimm.f32 $0.0e+00;
	s12 =	sadd.s32 s12, s18;
	s13 =	sadd.s32 s13, s18;
	s18 =	simm.s32 $0x1400  }
.LBB2_1:
0x15: {  	s29 =	simm.s32 $0x0;
	s30 =	simm.s32 $0x200  }
.LBB2_2:
0x16: {  	p0 =	sne.s32 s30, $0xF800;
	[tilespmem:s29+$0x2870] =	vst v0  }
0x17: {  	[tilespmem:s29+$0x2800] =	vst v0  }
0x18: {  	[tilespmem:s29+$0x2810] =	vst v0  }
.Ltmp0:
0x19: {  	[tilespmem:s29+$0x2820] =	vst v0;
	(pc) =	sbr.rel @p0 .LBB2_2-.Ltmp0, $4  }
0x1a: {  	[tilespmem:s29+$0x2830] =	vst v0  }
0x1b: {  	[tilespmem:s29+$0x2840] =	vst v0  }
0x1c: {  	[tilespmem:s29+$0x2850] =	vst v0  }
0x1d: {  	[tilespmem:s29+$0x2860] =	vst v0;
	s29 =	sshra.s32 s30, $0x2;
	s30 =	sadd.s32 $0x200, s30  }
0x1e: {  	[tilespmem:s29+$0x2870] =	vst v0  }
0x1f: {  	[tilespmem:s29+$0x2800] =	vst v0  }
0x20: {  	[tilespmem:s29+$0x2810] =	vst v0  }
0x21: {  	[tilespmem:s29+$0x2820] =	vst v0  }
0x22: {  	[tilespmem:s29+$0x2830] =	vst v0  }
0x23: {  	[tilespmem:s29+$0x2840] =	vst v0  }
0x24: {  	[tilespmem:s29+$0x2850] =	vst v0  }
0x25: {  	[tilespmem:s29+$0x2860] =	vst v0  }
0x26: {  	[spmem:s5] =	stream.linear.scatter [tilespmem:s16], [sflag:$0x5], $0x3E80, $0x38;
	[tilespmem:$0x1E080] =	vst v63  }
0x27: {  	_ =	swait.ge [sflag:s17], $0x3E80  }
0x28: {  	[sflag:s17] =	ssyncset.done $0x0  }
0x29: {  	[sflag:s17] =	ssyncadd.s32 $0xFFFFC180  }
0x2a: {  	[spmem:s6] =	stream.linear.scatter [tilespmem:s16], [sflag:$0x5], $0x3E80, $0x38;
	[tilespmem:$0x1E080] =	vst v63  }
0x2b: {  	_ =	swait.ge [sflag:s17], $0x3E80  }
0x2c: {  	[sflag:s17] =	ssyncset.done $0x0  }
0x2d: {  	[sflag:s17] =	ssyncadd.s32 $0xFFFFC180  }
0x2e: {  	[spmem:s7] =	stream.linear.scatter [tilespmem:s16], [sflag:$0x5], $0x3E80, $0x38;
	[tilespmem:$0x1E080] =	vst v63  }
0x2f: {  	_ =	swait.ge [sflag:s17], $0x3E80  }
0x30: {  	[sflag:s17] =	ssyncset.done $0x0  }
0x31: {  	[sflag:s17] =	ssyncadd.s32 $0xFFFFC180  }
0x32: {  	[spmem:s8] =	stream.linear.scatter [tilespmem:s16], [sflag:$0x5], $0x3E80, $0x38;
	[tilespmem:$0x1E080] =	vst v63  }
0x33: {  	_ =	swait.ge [sflag:s17], $0x3E80  }
0x34: {  	[sflag:s17] =	ssyncset.done $0x0  }
0x35: {  	[sflag:s17] =	ssyncadd.s32 $0xFFFFC180  }
0x36: {  	[spmem:s9] =	stream.linear.scatter [tilespmem:s16], [sflag:$0x5], $0x3E80, $0x38;
	[tilespmem:$0x1E080] =	vst v63  }
0x37: {  	_ =	swait.ge [sflag:s17], $0x3E80  }
0x38: {  	[sflag:s17] =	ssyncset.done $0x0  }
0x39: {  	[sflag:s17] =	ssyncadd.s32 $0xFFFFC180  }
0x3a: {  	[bflag:$0x0] =	sbarrier.arrive $0xFFFF  }
0x3b: {  	[tilespmem:s3], [sflag:$0x5] =	stream.linear.gather [hbm4b:s10+s3], $0x1400, $0x38;
	[tilespmem:$0x1E080] =	vst v63  }
0x3c: {  	_ =	swait.ge [sflag:s17], $0x1400  }
0x3d: {  	[sflag:s17] =	ssyncset.done $0x0  }
0x3e: {  	[sflag:s17] =	ssyncadd.s32 $0xFFFFEC00  }
0x3f: {  	[tilespmem:s18], [sflag:$0x5] =	stream.linear.gather [hbm4b:s11+s3], $0x1400, $0x38;
	[tilespmem:$0x1E080] =	vst v63  }
0x40: {  	_ =	swait.ge [sflag:s17], $0x1400  }
0x41: {  	[sflag:s17] =	ssyncset.done $0x0  }
0x42: {  	[sflag:s17] =	ssyncadd.s32 $0xFFFFEC00  }
0x43: {  	[tilespmem:s16], [sflag:$0x1] =	stream.indirect.gather [hbm4b:s4+s19], $0x80, s3, s19, $0xb8;
	[tilespmem:$0x1E080] =	vst v63  }
0x44: {  	_ =	swait.ge [sflag:s20], $0x3E80  }
0x45: {  	[sflag:s20] =	ssyncset.done $0x0  }
0x46: {  	[sflag:s20] =	ssyncadd.s32 $0xFFFFC180  }
0x47: {  	[spmem:s1] =	stream.indirect.scatter.add.f32 [tilespmem:s16], [sflag:$0x3], $0x80, s18, s19, $0xb8;
	[tilespmem:$0x1E080] =	vst v63  }
0x48: {  	_ = 	snop  }
0x49: {  	[tilespmem:s22], [sflag:$0x2] =	stream.indirect.gather [hbm4b:s4+s19], $0x80, s21, s19, $0xb8;
	[tilespmem:$0x1E080] =	vst v63  }
0x4a: {  	_ =	swait.ge [sflag:s23], $0x3E80  }
0x4b: {  	[sflag:s23] =	ssyncset.done $0x0  }
0x4c: {  	s29 =	simm.s32 $0x1480;
	[sflag:s23] =	ssyncadd.s32 $0xFFFFC180  }
0x4d: {  	[spmem:s1] =	stream.indirect.scatter.add.f32 [tilespmem:s22], [sflag:$0x4], $0x80, s29, s19, $0xb8;
	[tilespmem:$0x1E080] =	vst v63  }
0x4e: {  	_ =	swait.ge [sflag:s24], $0x3E80  }
0x4f: {  	[sflag:s24] =	ssyncset.done $0x0  }
0x50: {  	s29 =	simm.s32 $0x100;
	[sflag:s24] =	ssyncadd.s32 $0xFFFFC180  }
0x51: {  	[tilespmem:s16], [sflag:$0x1] =	stream.indirect.gather [hbm4b:s4+s19], $0x80, s29, s19, $0xb8;
	[tilespmem:$0x1E080] =	vst v63  }
0x52: {  	_ =	swait.ge [sflag:s20], $0x3E80  }
0x53: {  	[sflag:s20] =	ssyncset.done $0x0  }
0x54: {  	s29 =	simm.s32 $0x1500;
	[sflag:s20] =	ssyncadd.s32 $0xFFFFC180  }
0x55: {  	[spmem:s1] =	stream.indirect.scatter.add.f32 [tilespmem:s16], [sflag:$0x3], $0x80, s29, s19, $0xb8;
	[tilespmem:$0x1E080] =	vst v63  }
0x56: {  	_ =	swait.ge [sflag:s25], $0x3E80  }
0x57: {  	[sflag:s25] =	ssyncset.done $0x0  }
0x58: {  	s30 =	simm.s32 $0x180;
	s29 =	simm.s32 $0xFFFFB800;
	[sflag:s25] =	ssyncadd.s32 $0xFFFFC180  }
.LBB2_4:
0x59: {  	[tilespmem:s22], [sflag:$0x2] =	stream.indirect.gather [hbm4b:s4+s19], $0x80, s30, s19, $0xb8;
	[tilespmem:$0x1E080] =	vst v63  }
0x5a: {  	s30 =	smov.u32 s29  }
0x5b: {  	p0 =	sne.s32 s29, $0xFFFFFC00;
	s29 =	sadd.s32 $0x400, s29;
	_ =	swait.ge [sflag:s23], $0x3E80  }
0x5c: {  	s30 =	sshra.s32 s30, $0x2;
	[sflag:s23] =	ssyncset.done $0x0  }
0x5d: {  	s31 =	sadd.s32 $0x2780, s30;
	[sflag:s23] =	ssyncadd.s32 $0xFFFFC180  }
0x5e: {  	[spmem:s1] =	stream.indirect.scatter.add.f32 [tilespmem:s22], [sflag:$0x4], $0x80, s31, s19, $0xb8;
	[tilespmem:$0x1E080] =	vst v63  }
0x5f: {  	_ =	swait.ge [sflag:s24], $0x3E80  }
0x60: {  	[sflag:s24] =	ssyncset.done $0x0  }
0x61: {  	s31 =	sadd.s32 $0x1400, s30;
	[sflag:s24] =	ssyncadd.s32 $0xFFFFC180  }
0x62: {  	[tilespmem:s16], [sflag:$0x1] =	stream.indirect.gather [hbm4b:s4+s19], $0x80, s31, s19, $0xb8;
	[tilespmem:$0x1E080] =	vst v63  }
0x63: {  	_ =	swait.ge [sflag:s20], $0x3E80  }
0x64: {  	[sflag:s20] =	ssyncset.done $0x0  }
.Ltmp1:
0x65: {  	s31 =	sadd.s32 $0x2800, s30;
	[sflag:s20] =	ssyncadd.s32 $0xFFFFC180;
	(pc) =	sbr.rel @p0 .LBB2_4-.Ltmp1, $4  }
0x66: {  	[spmem:s1] =	stream.indirect.scatter.add.f32 [tilespmem:s16], [sflag:$0x3], $0x80, s31, s19, $0xb8;
	[tilespmem:$0x1E080] =	vst v63  }
0x67: {  	_ =	swait.ge [sflag:s25], $0x3E80  }
0x68: {  	[sflag:s25] =	ssyncset.done $0x0  }
0x69: {  	s30 =	sadd.s32 $0x1480, s30;
	[sflag:s25] =	ssyncadd.s32 $0xFFFFC180  }
0x6a: {  	[tilespmem:s22], [sflag:$0x2] =	stream.indirect.gather [hbm4b:s4+s19], $0x80, s30, s19, $0xb8;
	[tilespmem:$0x1E080] =	vst v63  }
0x6b: {  	_ =	swait.ge [sflag:s23], $0x3E80  }
0x6c: {  	[sflag:s23] =	ssyncset.done $0x0  }
0x6d: {  	[sflag:s23] =	ssyncadd.s32 $0xFFFFC180  }
0x6e: {  	[spmem:s1] =	stream.indirect.scatter.add.f32 [tilespmem:s22], [sflag:$0x4], $0x80, s26, s19, $0xb8;
	[tilespmem:$0x1E080] =	vst v63  }
0x6f: {  	_ =	swait.ge [sflag:s24], $0x3E80  }
0x70: {  	[sflag:s24] =	ssyncset.done $0x0  }
0x71: {  	[sflag:s24] =	ssyncadd.s32 $0xFFFFC180  }
0x72: {  	_ =	swait.ge [sflag:s25], $0x3E80  }
0x73: {  	[sflag:s25] =	ssyncset.done $0x0  }
0x74: {  	[sflag:s25] =	ssyncadd.s32 $0xFFFFC180  }
0x75: {  	[tilespmem:s3], [sflag:$0x5] =	stream.linear.gather [hbm4b:s12+s3], $0x1400, $0x38;
	[tilespmem:$0x1E080] =	vst v63  }
0x76: {  	_ =	swait.ge [sflag:s17], $0x1400  }
0x77: {  	[sflag:s17] =	ssyncset.done $0x0  }
0x78: {  	[sflag:s17] =	ssyncadd.s32 $0xFFFFEC00  }
0x79: {  	[tilespmem:s18], [sflag:$0x5] =	stream.linear.gather [hbm4b:s13+s3], $0x1400, $0x38;
	[tilespmem:$0x1E080] =	vst v63  }
0x7a: {  	_ =	swait.ge [sflag:s17], $0x1400  }
0x7b: {  	[sflag:s17] =	ssyncset.done $0x0  }
0x7c: {  	[sflag:s17] =	ssyncadd.s32 $0xFFFFEC00  }
0x7d: {  	[tilespmem:s16], [sflag:$0x1] =	stream.indirect.gather [hbm4b:s4+s19], $0x80, s3, s19, $0xb8;
	[tilespmem:$0x1E080] =	vst v63  }
0x7e: {  	_ =	swait.ge [sflag:s20], $0x3E80  }
0x7f: {  	[sflag:s20] =	ssyncset.done $0x0  }
0x80: {  	[sflag:s20] =	ssyncadd.s32 $0xFFFFC180  }
0x81: {  	[spmem:s1] =	stream.indirect.scatter.add.f32 [tilespmem:s16], [sflag:$0x3], $0x80, s18, s19, $0xb8;
	[tilespmem:$0x1E080] =	vst v63  }
0x82: {  	_ = 	snop  }
0x83: {  	[tilespmem:s22], [sflag:$0x2] =	stream.indirect.gather [hbm4b:s4+s19], $0x80, s21, s19, $0xb8;
	[tilespmem:$0x1E080] =	vst v63  }
0x84: {  	_ =	swait.ge [sflag:s23], $0x3E80  }
0x85: {  	[sflag:s23] =	ssyncset.done $0x0  }
0x86: {  	s29 =	simm.s32 $0x1480;
	[sflag:s23] =	ssyncadd.s32 $0xFFFFC180  }
0x87: {  	[spmem:s1] =	stream.indirect.scatter.add.f32 [tilespmem:s22], [sflag:$0x4], $0x80, s29, s19, $0xb8;
	[tilespmem:$0x1E080] =	vst v63  }
0x88: {  	_ =	swait.ge [sflag:s24], $0x3E80  }
0x89: {  	[sflag:s24] =	ssyncset.done $0x0  }
0x8a: {  	s29 =	simm.s32 $0x100;
	[sflag:s24] =	ssyncadd.s32 $0xFFFFC180  }
0x8b: {  	[tilespmem:s16], [sflag:$0x1] =	stream.indirect.gather [hbm4b:s4+s19], $0x80, s29, s19, $0xb8;
	[tilespmem:$0x1E080] =	vst v63  }
0x8c: {  	_ =	swait.ge [sflag:s20], $0x3E80  }
0x8d: {  	[sflag:s20] =	ssyncset.done $0x0  }
0x8e: {  	s29 =	simm.s32 $0x1500;
	[sflag:s20] =	ssyncadd.s32 $0xFFFFC180  }
0x8f: {  	[spmem:s1] =	stream.indirect.scatter.add.f32 [tilespmem:s16], [sflag:$0x3], $0x80, s29, s19, $0xb8;
	[tilespmem:$0x1E080] =	vst v63  }
0x90: {  	_ =	swait.ge [sflag:s25], $0x3E80  }
0x91: {  	[sflag:s25] =	ssyncset.done $0x0  }
0x92: {  	s30 =	simm.s32 $0x180;
	s29 =	simm.s32 $0xFFFFB800;
	[sflag:s25] =	ssyncadd.s32 $0xFFFFC180  }
.LBB2_6:
0x93: {  	[tilespmem:s22], [sflag:$0x2] =	stream.indirect.gather [hbm4b:s4+s19], $0x80, s30, s19, $0xb8;
	[tilespmem:$0x1E080] =	vst v63  }
0x94: {  	s30 =	smov.u32 s29  }
0x95: {  	p0 =	sne.s32 s29, $0xFFFFFC00;
	s29 =	sadd.s32 $0x400, s29;
	_ =	swait.ge [sflag:s23], $0x3E80  }
0x96: {  	s30 =	sshra.s32 s30, $0x2;
	[sflag:s23] =	ssyncset.done $0x0  }
0x97: {  	s31 =	sadd.s32 $0x2780, s30;
	[sflag:s23] =	ssyncadd.s32 $0xFFFFC180  }
0x98: {  	[spmem:s1] =	stream.indirect.scatter.add.f32 [tilespmem:s22], [sflag:$0x4], $0x80, s31, s19, $0xb8;
	[tilespmem:$0x1E080] =	vst v63  }
0x99: {  	_ =	swait.ge [sflag:s24], $0x3E80  }
0x9a: {  	[sflag:s24] =	ssyncset.done $0x0  }
0x9b: {  	s31 =	sadd.s32 $0x1400, s30;
	[sflag:s24] =	ssyncadd.s32 $0xFFFFC180  }
0x9c: {  	[tilespmem:s16], [sflag:$0x1] =	stream.indirect.gather [hbm4b:s4+s19], $0x80, s31, s19, $0xb8;
	[tilespmem:$0x1E080] =	vst v63  }
0x9d: {  	_ =	swait.ge [sflag:s20], $0x3E80  }
0x9e: {  	[sflag:s20] =	ssyncset.done $0x0  }
.Ltmp2:
0x9f: {  	s31 =	sadd.s32 $0x2800, s30;
	[sflag:s20] =	ssyncadd.s32 $0xFFFFC180;
	(pc) =	sbr.rel @p0 .LBB2_6-.Ltmp2, $4  }
0xa0: {  	[spmem:s1] =	stream.indirect.scatter.add.f32 [tilespmem:s16], [sflag:$0x3], $0x80, s31, s19, $0xb8;
	[tilespmem:$0x1E080] =	vst v63  }
0xa1: {  	_ =	swait.ge [sflag:s25], $0x3E80  }
0xa2: {  	[sflag:s25] =	ssyncset.done $0x0  }
0xa3: {  	s30 =	sadd.s32 $0x1480, s30;
	[sflag:s25] =	ssyncadd.s32 $0xFFFFC180  }
0xa4: {  	[tilespmem:s22], [sflag:$0x2] =	stream.indirect.gather [hbm4b:s4+s19], $0x80, s30, s19, $0xb8;
	[tilespmem:$0x1E080] =	vst v63  }
0xa5: {  	_ =	swait.ge [sflag:s23], $0x3E80  }
0xa6: {  	[sflag:s23] =	ssyncset.done $0x0  }
0xa7: {  	[sflag:s23] =	ssyncadd.s32 $0xFFFFC180  }
0xa8: {  	[spmem:s1] =	stream.indirect.scatter.add.f32 [tilespmem:s22], [sflag:$0x4], $0x80, s26, s19, $0xb8;
	[tilespmem:$0x1E080] =	vst v63  }
0xa9: {  	_ =	swait.ge [sflag:s24], $0x3E80  }
0xaa: {  	[sflag:s24] =	ssyncset.done $0x0  }
0xab: {  	[sflag:s24] =	ssyncadd.s32 $0xFFFFC180  }
0xac: {  	_ =	swait.ge [sflag:s25], $0x3E80  }
0xad: {  	s29 =	sshll.u32 s2, $0x6;
	s28 =	sadd.s32 $0x1, s28;
	[sflag:s25] =	ssyncset.done $0x0  }
0xae: {  	s31 =	sshrl.u32 s5, $0x3;
	p0 =	sne.s32 s28, s15;
	[sflag:s25] =	ssyncadd.s32 $0xFFFFC180  }
.Ltmp3:
0xaf: {  	s29 =	sor.u32 $0x1C05, s29;
	[bflag:$0x0] =	sbarrier.arrive $0xFFFF;
	(pc) =	sbr.rel @p0 .LBB2_1-.Ltmp3, $4  }
0xb0: {  	[hbm:s14], [sflag:s29] =	dma.local [spmem:s31], $0x2710  }
0xb1: {  	_ =	swait.ge [sflag:s17], $0x2710  }
0xb2: {  	[sflag:s17] =	ssyncset.done $0x0  }
0xb3: {  	[sflag:s17] =	ssyncadd.s32 $0xFFFFD8F0  }
0xb4: {  	_ =	sfence.sel $0x180000  }
0xb5: {  	[bflag:$0x0] =	sbarrier.arrive $0xFFFF  }
0xb6: {  	p0 =	sne.s32 s2, $0x0;
	_ =	strace $0x9000004A  }
0xb7: {  	s0 =	sadd.s32 @!p0 $0x100000, s0;
	[bflag:$0x2] =	sbarrier.arrive $0xFFFF  }
0xb8: {  	[sflag:s0] =	ssyncadd.tile.s32 @!p0 $0x1;
	_ =	shalt  }
.Lfunc_end2:
_tile_overlayer_lowered:
.L_overlay_start_2:
0xb9: {  	(tag) =	ssettag $0x2  }
0xba: {  	s0 =	rddreg [dreg:$0x0];
	s2 =	stileid.u32  }
0xbb: {  	s1 =	rddreg [dreg:$0x1];
	p0 =	sne.s32 s2, $0x0  }
0xbc: {  	s3 =	rddreg [dreg:$0x2];
	[bflag:$0x3] =	sbarrier.arrive $0xFFFF;
	s2 =	simm.s32 @!p0 $0x1C05  }
0xbd: {  	[timem:s3], [sflag:s2] =	dma.local @!p0 [hbm:s0], s1  }
0xbe: {  	s0 =	simm.s32 @!p0 $0x5  }
0xbf: {  	_ =	swait.ge @!p0 [sflag:s0], s1  }
0xc0: {  	s1 =	ssub.s32 @!p0 $0x0, s1;
	[sflag:s0] =	ssyncset.done @!p0 $0x0  }
0xc1: {  	[sflag:s0] =	ssyncadd.s32 @!p0 s1  }
0xc2: {  	[bflag:$0x3] =	sbarrier.arrive $0xFFFF  }
0xc3: {  	_ =	shalt  }

// kernel: kernel.15.cloned.1.call-start
scs
__scs_entry_jumppad:
0x0: {  	(pc) =	sbr.rel $0x88, $3  }
0x1: {  	(tag) =	ssettag $0x0;
	lr =	simm.s32 $0x1  }
0x2: {  	[smem:$0x3F99] =	sst lr;
	_ =	strace $0xD0000000  }
0x3: {  	_ = 	snop  }
0x4: {  	_ = 	snop  }
0x5: {  	_ = 	snop  }
0x6: {  	_ = 	snop  }
0x7: {  	_ = 	snop  }
__scs_overlays_trampoline_lowered:
0x8: {  	[smem:$0x3FA8] =	sst s0  }
0x9: {  	[smem:$0x3FA9] =	sst s1  }
0xa: {  	[smem:$0x3FAA] =	sst s2  }
0xb: {  	[smem:$0x3FAB] =	sst s3  }
0xc: {  	[smem:$0x3FAC] =	sst s4  }
0xd: {  	[smem:$0x3FAD] =	sst s5  }
0xe: {  	[smem:$0x3FAE] =	sst s6  }
0xf: {  	[smem:$0x3FAF] =	sst s7  }
0x10: {  	[smem:$0x3FB0] =	sst s8  }
0x11: {  	[smem:$0x3FB1] =	sst s9;
	s0 =	simm.s32 @!p0 $0x0  }
0x12: {  	s1 =	sld [smem:$0x3F97];
	s0 =	simm.s32 @p0 $0x1  }
0x13: {  	[smem:$0x3FB2] =	sst s0;
	s0 =	simm.s32 @!p1 $0x0  }
0x14: {  	s2 =	sld [smem:$0x3F96];
	s0 =	simm.s32 @p1 $0x1  }
0x15: {  	[smem:$0x3FB3] =	sst s0;
	s0 =	simm.s32 @!p2 $0x0  }
0x16: {  	s3 =	sld [smem:$0x3FDB];
	s0 =	simm.s32 @p2 $0x1  }
0x17: {  	s4 =	simm.s32 $0x1BF5;
	[smem:$0x3FB5] =	sst s0  }
0x18: {  	s0 =	sld [smem:$0x3F98];
	_ =	swait.ge [sflag:s4], $0x0  }
0x19: {  	s7 =	sld [smem:$0x3F99]  }
0x1a: {  	s8 =	sadd.s32 $0xFFFFE003, lr  }
0x1b: {  	s9 =	sadd.s32 $0xFFFFFEF7, lr;
	s5 =	simm.s32 $0xFFFFFFFF;
	p2 =	slt.u32 s8, $0xFFFFF086  }
0x1c: {  	p1 =	slt.u32 s9, $0xF7A;
	s5 =	simm.s32 @!p2 $0x0  }
0x1d: {  	s5 =	simm.s32 @p1 $0x1;
	p0 =	seq.s32 s7, s2  }
0x1e: {  	s7 =	smul.u32 @!p0 $0xF7A, s2;
	p2 =	seq.s32 @!p0 s5, $0x0  }
0x1f: {  	s9 =	smul.u32 $0xF7A, s1;
	s8 =	simm.s32 @!p0 $0x1BF5;
	p2 =	por !p2, p0  }
0x20: {  	[sflag:s8] =	ssyncset.s32 @!p0 $0xFFFFF086;
	s6 =	sadd.s32 @!p0 s3, s7;
	s7 =	simm.s32 @!p0 $0x108  }
0x21: {  	s3 =	sadd.s32 s3, s9;
	s6 =	sadd.s32 @!p0 $0x88, s6;
	s7 =	simm.s32 @p2 $0x1082  }
0x22: {  	[simem:s7], [sflag:s8] =	dma.local @!p0 [hbm:s6], $0xF7A  }
0x23: {  	s9 =	sor.u32 $0xD0000000, s2;
	s6 =	simm.s32 $0x108;
	_ =	swait.ge @!p0 [sflag:s8], $0x0  }
0x24: {  	s3 =	sadd.s32 $0x88, s3;
	s6 =	simm.s32 @!p1 $0x1082;
	[sflag:s4] =	ssyncset.s32 $0xFFFFF086  }
0x25: {  	[simem:s6], [sflag:s4] =	dma.local [hbm:s3], $0xF7A  }
0x26: {  	[smem:$0x3F99] =	sst s1;
	(tag) =	ssettag s2;
	_ =	strace s9  }
0x27: {  	s1 =	sld [smem:$0x3FA9]  }
0x28: {  	s2 =	sld [smem:$0x3FAA]  }
0x29: {  	s4 =	sld [smem:$0x3FAC]  }
0x2a: {  	p0 =	seq.s32 s5, $0x0;
	s5 =	sld [smem:$0x3FAD]  }
0x2b: {  	s6 =	sld [smem:$0x3FAE]  }
0x2c: {  	s7 =	sld [smem:$0x3FAF]  }
0x2d: {  	s3 =	simm.s32 $0x108;
	s8 =	sld [smem:$0x3FB0]  }
0x2e: {  	s3 =	simm.s32 @!p0 $0x1082;
	s9 =	sld [smem:$0x3FB1]  }
0x2f: {  	lr =	sadd.s32 s0, s3;
	s0 =	sld [smem:$0x3FA8]  }
0x30: {  	s3 =	sld [smem:$0x3FAB]  }
0x31: {  	[smem:$0x3FB4] =	sst s10  }
0x32: {  	s10 =	sld [smem:$0x3FB2];
	_ =	sdelay $0x3  }
0x33: {  	p0 =	seq.s32 s10, $0x1;
	s10 =	sld [smem:$0x3FB4];
	_ =	sdelay $0x3  }
0x34: {  	[smem:$0x3FB4] =	sst s10  }
0x35: {  	s10 =	sld [smem:$0x3FB3];
	_ =	sdelay $0x3  }
0x36: {  	p1 =	seq.s32 s10, $0x1;
	s10 =	sld [smem:$0x3FB4];
	_ =	sdelay $0x3  }
0x37: {  	[smem:$0x3FB4] =	sst s10  }
0x38: {  	s10 =	sld [smem:$0x3FB5]  }
0x39: {  	_ = 	snop;
	(pc) =	sbr.ind lr, $3  }
0x3a: {  	_ = 	snop  }
0x3b: {  	_ = 	snop  }
0x3c: {  	p2 =	seq.s32 s10, $0x1;
	s10 =	sld [smem:$0x3FB4]  }
0x3d: {  	_ =	shalt  }
0x3e: {  	_ =	shalt  }
0x3f: {  	_ =	shalt  }
0x40: {  	_ =	shalt  }
0x41: {  	_ =	shalt  }
0x42: {  	_ =	shalt  }
0x43: {  	_ =	shalt  }
0x44: {  	_ =	shalt  }
0x45: {  	_ =	shalt  }
0x46: {  	_ =	shalt  }
0x47: {  	_ =	shalt  }
0x48: {  	_ =	shalt  }
0x49: {  	_ =	shalt  }
0x4a: {  	_ =	shalt  }
0x4b: {  	_ =	shalt  }
0x4c: {  	_ =	shalt  }
0x4d: {  	_ =	shalt  }
0x4e: {  	_ =	shalt  }
0x4f: {  	_ =	shalt  }
0x50: {  	_ =	shalt  }
0x51: {  	_ =	shalt  }
0x52: {  	_ =	shalt  }
0x53: {  	_ =	shalt  }
0x54: {  	_ =	shalt  }
0x55: {  	_ =	shalt  }
0x56: {  	_ =	shalt  }
0x57: {  	_ =	shalt  }
0x58: {  	_ =	shalt  }
0x59: {  	_ =	shalt  }
0x5a: {  	_ =	shalt  }
0x5b: {  	_ =	shalt  }
0x5c: {  	_ =	shalt  }
0x5d: {  	_ =	shalt  }
0x5e: {  	_ =	shalt  }
0x5f: {  	_ =	shalt  }
0x60: {  	_ =	shalt  }
0x61: {  	_ =	shalt  }
0x62: {  	_ =	shalt  }
0x63: {  	_ =	shalt  }
0x64: {  	_ =	shalt  }
0x65: {  	_ =	shalt  }
0x66: {  	_ =	shalt  }
0x67: {  	_ =	shalt  }
0x68: {  	_ =	shalt  }
0x69: {  	_ =	shalt  }
0x6a: {  	_ =	shalt  }
0x6b: {  	_ =	shalt  }
0x6c: {  	_ =	shalt  }
0x6d: {  	_ =	shalt  }
0x6e: {  	_ =	shalt  }
0x6f: {  	_ =	shalt  }
0x70: {  	_ =	shalt  }
0x71: {  	_ =	shalt  }
0x72: {  	_ =	shalt  }
0x73: {  	_ =	shalt  }
0x74: {  	_ =	shalt  }
0x75: {  	_ =	shalt  }
0x76: {  	_ =	shalt  }
0x77: {  	_ =	shalt  }
0x78: {  	_ =	shalt  }
0x79: {  	_ =	shalt  }
0x7a: {  	_ =	shalt  }
0x7b: {  	_ =	shalt  }
0x7c: {  	_ =	shalt  }
0x7d: {  	_ =	shalt  }
0x7e: {  	_ =	shalt  }
0x7f: {  	_ =	shalt  }
0x80: {  	_ =	shalt  }
0x81: {  	_ =	shalt  }
0x82: {  	_ =	shalt  }
0x83: {  	_ =	shalt  }
0x84: {  	_ =	shalt  }
0x85: {  	_ =	shalt  }
0x86: {  	_ =	shalt  }
0x87: {  	_ =	shalt  }
.Lfunc_end0:
.L_simem_size_0:
called_computation.2_lowered:
.L_overlay_start_0:
0x88: {  	s2 =	sld [smem:$0x3FD9]  }
0x89: {  	s3 =	sld [smem:$0x3FFE];
	_ =	sdelay $0x1  }
0x8a: {  	s1 =	srdreg.scid  }
0x8b: {  	s0 =	sand.u32 $0x1, s1  }
0x8c: {  	s14 =	sshll.u32 s0, $0xA;
	s2 =	sadd.s32 s3, s2  }
0x8d: {  	s2 =	sadd.s32 s2, s14  }
0x8e: {  	[smem:$0x3FC0] =	sst s2  }
0x8f: {  	_ = 	snop  }
0x90: {  	s2 =	sld [smem:$0x3FD0];
	_ =	sdelay $0x2  }
0x91: {  	s15 =	simm.s32 $0xA;
	s4 =	simm.s32 $0x10  }
0x92: {  	[smem:s4], [sflag:s15] =	dma.local [hbm:s2], $0x1  }
0x93: {  	_ =	swait.eq [sflag:s15], $0x1  }
0x94: {  	s16 =	sld [smem:$0x10];
	[sflag:s15] =	ssyncset.done $0x0  }
0x95: {  	s17 =	sld [smem:$0x11];
	[sflag:s15] =	ssyncadd.s32 $0xFFFFFFFF  }
0x96: {  	s18 =	sld [smem:$0x12];
	(tm) =	ssettm $0x1  }
0x97: {  	s5 =	sld [smem:$0x3FFB];
	_ =	sdelay $0x3  }
0x98: {  	_ =	strace s5  }
0x99: {  	s5 =	sld [smem:$0x3FFC];
	_ =	sdelay $0x3  }
0x9a: {  	_ =	strace s5  }
0x9b: {  	s5 =	sld [smem:$0x3FFD];
	_ =	sdelay $0x3  }
0x9c: {  	_ =	strace s5  }
0x9d: {  	_ =	strace $0x8FFFFFFF  }
0x9e: {  	s19 =	sld [smem:$0x3FDB];
	_ =	sdelay $0x1  }
0x9f: {  	s6 =	simm.s32 $_scs_section_size  }
0xa0: {  	s7 =	simm.s32 $_size__tile_overlayer_lowered;
	s8 =	simm.s32 $_tile_overlayer_lowered  }
0xa1: {  	s22 =	simm.s32 $0x1BFF;
	s21 =	sshll.u32 s8, $0x1;
	s5 =	sadd.s32 s6, s19  }
0xa2: {  	s9 =	simm.s32 $0x0;
	s20 =	sshll.u32 s7, $0x1;
	s7 =	sadd.s32 s21, s5  }
0xa3: {  	[timem:s9], [sflag:s22] =	dma.local [hbm:s7], s20  }
0xa4: {  	_ =	swait.ge [sflag:s22], s20  }
0xa5: {  	s6 =	ssub.s32 $0x0, s20;
	[sflag:s22] =	ssyncset.done $0x0  }
0xa6: {  	[sflag:s22] =	ssyncadd.s32 s6;
	_ =	sdelay $0x1  }
0xa7: {  	s23 =	simm.s32 $0x1B8B  }
0xa8: {  	_ =	swait.ge [sflag:s23], $0x1  }
0xa9: {  	[sflag:s23] =	ssyncset.done $0x0  }
0xaa: {  	s25 =	simm.s32 $0x1B8E;
	s24 =	sld [smem:$0x3FFE];
	[sflag:s23] =	ssyncadd.s32 $0xFFFFFFFF  }
0xab: {  	s26 =	simm.s32 $execute0_lowered;
	[smem:$0x3FD2] =	sst s25  }
0xac: {  	s7 =	sshll.u32 s26, $0x1;
	_ =	strace $0x8000004C;
	[dreg:$0x1] =	wrdreg $0xFFFFFFFF  }
0xad: {  	s28 =	simm.s32 $_size_execute0_lowered;
	s5 =	sadd.s32 s5, s7;
	[dreg:$0x0] =	wrdreg $0x0  }
0xae: {  	s7 =	sshll.u32 s28, $0x1;
	[dreg:$0x2] =	wrdreg s5  }
0xaf: {  	[dreg:$0x3] =	wrdreg s7  }
0xb0: {  	[dreg:$0x4] =	wrdreg $0xC0  }
0xb1: {  	_ =	task [dreg:s9], $0x5FFFF  }
0xb2: {  	[dreg:$0x1] =	wrdreg $0xFFFFFFFF  }
0xb3: {  	[dreg:$0x0] =	wrdreg $0x60  }
0xb4: {  	[dreg:$0x2] =	wrdreg s18  }
0xb5: {  	[dreg:$0x3] =	wrdreg s17  }
0xb6: {  	[dreg:$0x4] =	wrdreg s24  }
0xb7: {  	[dreg:$0x5] =	wrdreg s16  }
0xb8: {  	[dreg:$0x6] =	wrdreg $0xA8000  }
0xb9: {  	[dreg:$0x7] =	wrdreg $0x9  }
0xba: {  	_ =	task.clear_ibuf [dreg:s9], $0x8FFFF;
	_ =	strace $0x9000004C  }
0xbb: {  	s29 =	simm.s32 $0x9;
	_ =	strace $0x8000004E  }
0xbc: {  	_ =	swait.ge [sflag:s29], $0x1  }
0xbd: {  	[sflag:s29] =	ssyncadd.s32 $0xFFFFFFFF  }
0xbe: {  	_ =	strace $0x9000004E  }
0xbf: {  	_ =	sfence  }
0xc0: {  	s30 =	sld [smem:$0x0];
	_ =	sdelay $0x2  }
0xc1: {  	s31 =	sshll.u32 s1, $0xD;
	s1 =	sshrl.u32 s1, $0x2  }
0xc2: {  	s3 =	sand.u32 $0x4000, s31;
	s1 =	sadd.s32 s1, s30  }
0xc3: {  	s0 =	sor.u32 s3, s0;
	s1 =	sshll.u32 s1, $0x11  }
0xc4: {  	s0 =	sor.u32 s1, s0  }
0xc5: {  	s0 =	sadd.s32 $0x8F2B, s0  }
0xc6: {  	[sflag:s0] =	ssyncadd.remote.s32 $0x1  }
0xc7: {  	_ =	sfence.sel $0xFFFF  }
0xc8: {  	[dreg:$0x0] =	wrdreg $0xFFFFFFFF;
	(pc) =	sbr.abs _section_cstart, $3  }
0xc9: {  	[dreg:$0x1] =	wrdreg $0xFFFFFFFF  }
0xca: {  	_ =	task.clear_ibuf [dreg:s9], $0x2FFFF;
	_ =	strace $0x9FFFFFFF  }
0xcb: {  	(tm) =	ssettm $0x7FFFFFFF  }
tec
execute0_lowered:
.L_overlay_start_1:
0x0: {  	(tag) =	ssettag $0x1  }
0x1: {  	s12 =	rddreg [dreg:$0x0]  }
0x2: {  	s13 =	rddreg [dreg:$0x1]  }
0x3: {  	s4 =	rddreg [dreg:$0x2]  }
0x4: {  	s14 =	rddreg [dreg:$0x3]  }
0x5: {  	s1 =	rddreg [dreg:$0x4];
	s2 =	srdreg.scid  }
0x6: {  	s0 =	rddreg [dreg:$0x5];
	s3 =	simm.s32 $0x0;
	s19 =	simm.s32 $0x7D  }
0x7: {  	s20 =	simm.s32 $0x1;
	s21 =	simm.s32 $0x80;
	s22 =	simm.s32 $0x6800  }
0x8: {  	s23 =	simm.s32 $0x2;
	s24 =	simm.s32 $0x3;
	s25 =	simm.s32 $0x4  }
0x9: {  	s26 =	simm.s32 $0x2780;
	s6 =	sand.u32 $0x1, s2;
	s2 =	stileid.u32  }
0xa: {  	s28 =	simm.s32 $0x0;
	[smem:$0x7FF] =	sst s3;
	s7 =	smul.u32 $0x4E200, s2  }
0xb: {  	s4 =	sadd.s32 $0x50800, s4;
	s5 =	sshll.u32 s6, $0x4;
	s16 =	smul.u32 $0x13C000, s6  }
0xc: {  	s8 =	ssub.s32 $0x2, s6;
	s17 =	smul.u32 $0x13C00, s2;
	s5 =	sor.u32 s2, s5  }
0xd: {  	_ =	strace $0x8000004D;
	s9 =	sshrl.u32 s8, $0x1;
	s11 =	smul.u32 $0x500, s5  }
0xe: {  	s7 =	sshrl.u32 s7, $0x2;
	s10 =	smul.u32 $0x2800, s5;
	s15 =	ssub.s32 s8, s9  }
0xf: {  	s16 =	sadd.s32 s17, s16;
	s17 =	simm.s32 $0x5;
	s5 =	sadd.s32 s7, s1  }
0x10: {  	s16 =	sshrl.u32 s16, $0x3;
	s15 =	smax.u32 s15, $0x1;
	s6 =	sadd.s32 $0x3E80, s5  }
0x11: {  	s7 =	sadd.s32 $0x7D00, s5;
	s8 =	sadd.s32 $0xBB80, s5;
	s9 =	sadd.s32 $0xFA00, s5  }
0x12: {  	s18 =	sshrl.u32 s10, $0x3;
	s10 =	sadd.s32 s12, s11;
	s11 =	sadd.s32 s13, s11  }
0x13: {  	s14 =	sadd.s32 s14, s16;
	s16 =	simm.s32 $0x2800;
	s18 =	sadd.s32 $0x280, s18  }
0x14: {  	v0 =	vimm.f32 $0.0e+00;
	s12 =	sadd.s32 s12, s18;
	s13 =	sadd.s32 s13, s18;
	s18 =	simm.s32 $0x1400  }
.LBB2_1:
0x15: {  	s29 =	simm.s32 $0x0;
	s30 =	simm.s32 $0x200  }
.LBB2_2:
0x16: {  	p0 =	sne.s32 s30, $0xF800;
	[tilespmem:s29+$0x2870] =	vst v0  }
0x17: {  	[tilespmem:s29+$0x2800] =	vst v0  }
0x18: {  	[tilespmem:s29+$0x2810] =	vst v0  }
.Ltmp0:
0x19: {  	[tilespmem:s29+$0x2820] =	vst v0;
	(pc) =	sbr.rel @p0 .LBB2_2-.Ltmp0, $4  }
0x1a: {  	[tilespmem:s29+$0x2830] =	vst v0  }
0x1b: {  	[tilespmem:s29+$0x2840] =	vst v0  }
0x1c: {  	[tilespmem:s29+$0x2850] =	vst v0  }
0x1d: {  	[tilespmem:s29+$0x2860] =	vst v0;
	s29 =	sshra.s32 s30, $0x2;
	s30 =	sadd.s32 $0x200, s30  }
0x1e: {  	[tilespmem:s29+$0x2870] =	vst v0  }
0x1f: {  	[tilespmem:s29+$0x2800] =	vst v0  }
0x20: {  	[tilespmem:s29+$0x2810] =	vst v0  }
0x21: {  	[tilespmem:s29+$0x2820] =	vst v0  }
0x22: {  	[tilespmem:s29+$0x2830] =	vst v0  }
0x23: {  	[tilespmem:s29+$0x2840] =	vst v0  }
0x24: {  	[tilespmem:s29+$0x2850] =	vst v0  }
0x25: {  	[tilespmem:s29+$0x2860] =	vst v0  }
0x26: {  	[spmem:s5] =	stream.linear.scatter [tilespmem:s16], [sflag:$0x5], $0x3E80, $0x38;
	[tilespmem:$0x1E080] =	vst v63  }
0x27: {  	_ =	swait.ge [sflag:s17], $0x3E80  }
0x28: {  	[sflag:s17] =	ssyncset.done $0x0  }
0x29: {  	[sflag:s17] =	ssyncadd.s32 $0xFFFFC180  }
0x2a: {  	[spmem:s6] =	stream.linear.scatter [tilespmem:s16], [sflag:$0x5], $0x3E80, $0x38;
	[tilespmem:$0x1E080] =	vst v63  }
0x2b: {  	_ =	swait.ge [sflag:s17], $0x3E80  }
0x2c: {  	[sflag:s17] =	ssyncset.done $0x0  }
0x2d: {  	[sflag:s17] =	ssyncadd.s32 $0xFFFFC180  }
0x2e: {  	[spmem:s7] =	stream.linear.scatter [tilespmem:s16], [sflag:$0x5], $0x3E80, $0x38;
	[tilespmem:$0x1E080] =	vst v63  }
0x2f: {  	_ =	swait.ge [sflag:s17], $0x3E80  }
0x30: {  	[sflag:s17] =	ssyncset.done $0x0  }
0x31: {  	[sflag:s17] =	ssyncadd.s32 $0xFFFFC180  }
0x32: {  	[spmem:s8] =	stream.linear.scatter [tilespmem:s16], [sflag:$0x5], $0x3E80, $0x38;
	[tilespmem:$0x1E080] =	vst v63  }
0x33: {  	_ =	swait.ge [sflag:s17], $0x3E80  }
0x34: {  	[sflag:s17] =	ssyncset.done $0x0  }
0x35: {  	[sflag:s17] =	ssyncadd.s32 $0xFFFFC180  }
0x36: {  	[spmem:s9] =	stream.linear.scatter [tilespmem:s16], [sflag:$0x5], $0x3E80, $0x38;
	[tilespmem:$0x1E080] =	vst v63  }
0x37: {  	_ =	swait.ge [sflag:s17], $0x3E80  }
0x38: {  	[sflag:s17] =	ssyncset.done $0x0  }
0x39: {  	[sflag:s17] =	ssyncadd.s32 $0xFFFFC180  }
0x3a: {  	[bflag:$0x0] =	sbarrier.arrive $0xFFFF  }
0x3b: {  	[tilespmem:s3], [sflag:$0x5] =	stream.linear.gather [hbm4b:s10+s3], $0x1400, $0x38;
	[tilespmem:$0x1E080] =	vst v63  }
0x3c: {  	_ =	swait.ge [sflag:s17], $0x1400  }
0x3d: {  	[sflag:s17] =	ssyncset.done $0x0  }
0x3e: {  	[sflag:s17] =	ssyncadd.s32 $0xFFFFEC00  }
0x3f: {  	[tilespmem:s18], [sflag:$0x5] =	stream.linear.gather [hbm4b:s11+s3], $0x1400, $0x38;
	[tilespmem:$0x1E080] =	vst v63  }
0x40: {  	_ =	swait.ge [sflag:s17], $0x1400  }
0x41: {  	[sflag:s17] =	ssyncset.done $0x0  }
0x42: {  	[sflag:s17] =	ssyncadd.s32 $0xFFFFEC00  }
0x43: {  	[tilespmem:s16], [sflag:$0x1] =	stream.indirect.gather [hbm4b:s4+s19], $0x80, s3, s19, $0xb8;
	[tilespmem:$0x1E080] =	vst v63  }
0x44: {  	_ =	swait.ge [sflag:s20], $0x3E80  }
0x45: {  	[sflag:s20] =	ssyncset.done $0x0  }
0x46: {  	[sflag:s20] =	ssyncadd.s32 $0xFFFFC180  }
0x47: {  	[spmem:s1] =	stream.indirect.scatter.add.f32 [tilespmem:s16], [sflag:$0x3], $0x80, s18, s19, $0xb8;
	[tilespmem:$0x1E080] =	vst v63  }
0x48: {  	_ = 	snop  }
0x49: {  	[tilespmem:s22], [sflag:$0x2] =	stream.indirect.gather [hbm4b:s4+s19], $0x80, s21, s19, $0xb8;
	[tilespmem:$0x1E080] =	vst v63  }
0x4a: {  	_ =	swait.ge [sflag:s23], $0x3E80  }
0x4b: {  	[sflag:s23] =	ssyncset.done $0x0  }
0x4c: {  	s29 =	simm.s32 $0x1480;
	[sflag:s23] =	ssyncadd.s32 $0xFFFFC180  }
0x4d: {  	[spmem:s1] =	stream.indirect.scatter.add.f32 [tilespmem:s22], [sflag:$0x4], $0x80, s29, s19, $0xb8;
	[tilespmem:$0x1E080] =	vst v63  }
0x4e: {  	_ =	swait.ge [sflag:s24], $0x3E80  }
0x4f: {  	[sflag:s24] =	ssyncset.done $0x0  }
0x50: {  	s29 =	simm.s32 $0x100;
	[sflag:s24] =	ssyncadd.s32 $0xFFFFC180  }
0x51: {  	[tilespmem:s16], [sflag:$0x1] =	stream.indirect.gather [hbm4b:s4+s19], $0x80, s29, s19, $0xb8;
	[tilespmem:$0x1E080] =	vst v63  }
0x52: {  	_ =	swait.ge [sflag:s20], $0x3E80  }
0x53: {  	[sflag:s20] =	ssyncset.done $0x0  }
0x54: {  	s29 =	simm.s32 $0x1500;
	[sflag:s20] =	ssyncadd.s32 $0xFFFFC180  }
0x55: {  	[spmem:s1] =	stream.indirect.scatter.add.f32 [tilespmem:s16], [sflag:$0x3], $0x80, s29, s19, $0xb8;
	[tilespmem:$0x1E080] =	vst v63  }
0x56: {  	_ =	swait.ge [sflag:s25], $0x3E80  }
0x57: {  	[sflag:s25] =	ssyncset.done $0x0  }
0x58: {  	s30 =	simm.s32 $0x180;
	s29 =	simm.s32 $0xFFFFB800;
	[sflag:s25] =	ssyncadd.s32 $0xFFFFC180  }
.LBB2_4:
0x59: {  	[tilespmem:s22], [sflag:$0x2] =	stream.indirect.gather [hbm4b:s4+s19], $0x80, s30, s19, $0xb8;
	[tilespmem:$0x1E080] =	vst v63  }
0x5a: {  	s30 =	smov.u32 s29  }
0x5b: {  	p0 =	sne.s32 s29, $0xFFFFFC00;
	s29 =	sadd.s32 $0x400, s29;
	_ =	swait.ge [sflag:s23], $0x3E80  }
0x5c: {  	s30 =	sshra.s32 s30, $0x2;
	[sflag:s23] =	ssyncset.done $0x0  }
0x5d: {  	s31 =	sadd.s32 $0x2780, s30;
	[sflag:s23] =	ssyncadd.s32 $0xFFFFC180  }
0x5e: {  	[spmem:s1] =	stream.indirect.scatter.add.f32 [tilespmem:s22], [sflag:$0x4], $0x80, s31, s19, $0xb8;
	[tilespmem:$0x1E080] =	vst v63  }
0x5f: {  	_ =	swait.ge [sflag:s24], $0x3E80  }
0x60: {  	[sflag:s24] =	ssyncset.done $0x0  }
0x61: {  	s31 =	sadd.s32 $0x1400, s30;
	[sflag:s24] =	ssyncadd.s32 $0xFFFFC180  }
0x62: {  	[tilespmem:s16], [sflag:$0x1] =	stream.indirect.gather [hbm4b:s4+s19], $0x80, s31, s19, $0xb8;
	[tilespmem:$0x1E080] =	vst v63  }
0x63: {  	_ =	swait.ge [sflag:s20], $0x3E80  }
0x64: {  	[sflag:s20] =	ssyncset.done $0x0  }
.Ltmp1:
0x65: {  	s31 =	sadd.s32 $0x2800, s30;
	[sflag:s20] =	ssyncadd.s32 $0xFFFFC180;
	(pc) =	sbr.rel @p0 .LBB2_4-.Ltmp1, $4  }
0x66: {  	[spmem:s1] =	stream.indirect.scatter.add.f32 [tilespmem:s16], [sflag:$0x3], $0x80, s31, s19, $0xb8;
	[tilespmem:$0x1E080] =	vst v63  }
0x67: {  	_ =	swait.ge [sflag:s25], $0x3E80  }
0x68: {  	[sflag:s25] =	ssyncset.done $0x0  }
0x69: {  	s30 =	sadd.s32 $0x1480, s30;
	[sflag:s25] =	ssyncadd.s32 $0xFFFFC180  }
0x6a: {  	[tilespmem:s22], [sflag:$0x2] =	stream.indirect.gather [hbm4b:s4+s19], $0x80, s30, s19, $0xb8;
	[tilespmem:$0x1E080] =	vst v63  }
0x6b: {  	_ =	swait.ge [sflag:s23], $0x3E80  }
0x6c: {  	[sflag:s23] =	ssyncset.done $0x0  }
0x6d: {  	[sflag:s23] =	ssyncadd.s32 $0xFFFFC180  }
0x6e: {  	[spmem:s1] =	stream.indirect.scatter.add.f32 [tilespmem:s22], [sflag:$0x4], $0x80, s26, s19, $0xb8;
	[tilespmem:$0x1E080] =	vst v63  }
0x6f: {  	_ =	swait.ge [sflag:s24], $0x3E80  }
0x70: {  	[sflag:s24] =	ssyncset.done $0x0  }
0x71: {  	[sflag:s24] =	ssyncadd.s32 $0xFFFFC180  }
0x72: {  	_ =	swait.ge [sflag:s25], $0x3E80  }
0x73: {  	[sflag:s25] =	ssyncset.done $0x0  }
0x74: {  	[sflag:s25] =	ssyncadd.s32 $0xFFFFC180  }
0x75: {  	[tilespmem:s3], [sflag:$0x5] =	stream.linear.gather [hbm4b:s12+s3], $0x1400, $0x38;
	[tilespmem:$0x1E080] =	vst v63  }
0x76: {  	_ =	swait.ge [sflag:s17], $0x1400  }
0x77: {  	[sflag:s17] =	ssyncset.done $0x0  }
0x78: {  	[sflag:s17] =	ssyncadd.s32 $0xFFFFEC00  }
0x79: {  	[tilespmem:s18], [sflag:$0x5] =	stream.linear.gather [hbm4b:s13+s3], $0x1400, $0x38;
	[tilespmem:$0x1E080] =	vst v63  }
0x7a: {  	_ =	swait.ge [sflag:s17], $0x1400  }
0x7b: {  	[sflag:s17] =	ssyncset.done $0x0  }
0x7c: {  	[sflag:s17] =	ssyncadd.s32 $0xFFFFEC00  }
0x7d: {  	[tilespmem:s16], [sflag:$0x1] =	stream.indirect.gather [hbm4b:s4+s19], $0x80, s3, s19, $0xb8;
	[tilespmem:$0x1E080] =	vst v63  }
0x7e: {  	_ =	swait.ge [sflag:s20], $0x3E80  }
0x7f: {  	[sflag:s20] =	ssyncset.done $0x0  }
0x80: {  	[sflag:s20] =	ssyncadd.s32 $0xFFFFC180  }
0x81: {  	[spmem:s1] =	stream.indirect.scatter.add.f32 [tilespmem:s16], [sflag:$0x3], $0x80, s18, s19, $0xb8;
	[tilespmem:$0x1E080] =	vst v63  }
0x82: {  	_ = 	snop  }
0x83: {  	[tilespmem:s22], [sflag:$0x2] =	stream.indirect.gather [hbm4b:s4+s19], $0x80, s21, s19, $0xb8;
	[tilespmem:$0x1E080] =	vst v63  }
0x84: {  	_ =	swait.ge [sflag:s23], $0x3E80  }
0x85: {  	[sflag:s23] =	ssyncset.done $0x0  }
0x86: {  	s29 =	simm.s32 $0x1480;
	[sflag:s23] =	ssyncadd.s32 $0xFFFFC180  }
0x87: {  	[spmem:s1] =	stream.indirect.scatter.add.f32 [tilespmem:s22], [sflag:$0x4], $0x80, s29, s19, $0xb8;
	[tilespmem:$0x1E080] =	vst v63  }
0x88: {  	_ =	swait.ge [sflag:s24], $0x3E80  }
0x89: {  	[sflag:s24] =	ssyncset.done $0x0  }
0x8a: {  	s29 =	simm.s32 $0x100;
	[sflag:s24] =	ssyncadd.s32 $0xFFFFC180  }
0x8b: {  	[tilespmem:s16], [sflag:$0x1] =	stream.indirect.gather [hbm4b:s4+s19], $0x80, s29, s19, $0xb8;
	[tilespmem:$0x1E080] =	vst v63  }
0x8c: {  	_ =	swait.ge [sflag:s20], $0x3E80  }
0x8d: {  	[sflag:s20] =	ssyncset.done $0x0  }
0x8e: {  	s29 =	simm.s32 $0x1500;
	[sflag:s20] =	ssyncadd.s32 $0xFFFFC180  }
0x8f: {  	[spmem:s1] =	stream.indirect.scatter.add.f32 [tilespmem:s16], [sflag:$0x3], $0x80, s29, s19, $0xb8;
	[tilespmem:$0x1E080] =	vst v63  }
0x90: {  	_ =	swait.ge [sflag:s25], $0x3E80  }
0x91: {  	[sflag:s25] =	ssyncset.done $0x0  }
0x92: {  	s30 =	simm.s32 $0x180;
	s29 =	simm.s32 $0xFFFFB800;
	[sflag:s25] =	ssyncadd.s32 $0xFFFFC180  }
.LBB2_6:
0x93: {  	[tilespmem:s22], [sflag:$0x2] =	stream.indirect.gather [hbm4b:s4+s19], $0x80, s30, s19, $0xb8;
	[tilespmem:$0x1E080] =	vst v63  }
0x94: {  	s30 =	smov.u32 s29  }
0x95: {  	p0 =	sne.s32 s29, $0xFFFFFC00;
	s29 =	sadd.s32 $0x400, s29;
	_ =	swait.ge [sflag:s23], $0x3E80  }
0x96: {  	s30 =	sshra.s32 s30, $0x2;
	[sflag:s23] =	ssyncset.done $0x0  }
0x97: {  	s31 =	sadd.s32 $0x2780, s30;
	[sflag:s23] =	ssyncadd.s32 $0xFFFFC180  }
0x98: {  	[spmem:s1] =	stream.indirect.scatter.add.f32 [tilespmem:s22], [sflag:$0x4], $0x80, s31, s19, $0xb8;
	[tilespmem:$0x1E080] =	vst v63  }
0x99: {  	_ =	swait.ge [sflag:s24], $0x3E80  }
0x9a: {  	[sflag:s24] =	ssyncset.done $0x0  }
0x9b: {  	s31 =	sadd.s32 $0x1400, s30;
	[sflag:s24] =	ssyncadd.s32 $0xFFFFC180  }
0x9c: {  	[tilespmem:s16], [sflag:$0x1] =	stream.indirect.gather [hbm4b:s4+s19], $0x80, s31, s19, $0xb8;
	[tilespmem:$0x1E080] =	vst v63  }
0x9d: {  	_ =	swait.ge [sflag:s20], $0x3E80  }
0x9e: {  	[sflag:s20] =	ssyncset.done $0x0  }
.Ltmp2:
0x9f: {  	s31 =	sadd.s32 $0x2800, s30;
	[sflag:s20] =	ssyncadd.s32 $0xFFFFC180;
	(pc) =	sbr.rel @p0 .LBB2_6-.Ltmp2, $4  }
0xa0: {  	[spmem:s1] =	stream.indirect.scatter.add.f32 [tilespmem:s16], [sflag:$0x3], $0x80, s31, s19, $0xb8;
	[tilespmem:$0x1E080] =	vst v63  }
0xa1: {  	_ =	swait.ge [sflag:s25], $0x3E80  }
0xa2: {  	[sflag:s25] =	ssyncset.done $0x0  }
0xa3: {  	s30 =	sadd.s32 $0x1480, s30;
	[sflag:s25] =	ssyncadd.s32 $0xFFFFC180  }
0xa4: {  	[tilespmem:s22], [sflag:$0x2] =	stream.indirect.gather [hbm4b:s4+s19], $0x80, s30, s19, $0xb8;
	[tilespmem:$0x1E080] =	vst v63  }
0xa5: {  	_ =	swait.ge [sflag:s23], $0x3E80  }
0xa6: {  	[sflag:s23] =	ssyncset.done $0x0  }
0xa7: {  	[sflag:s23] =	ssyncadd.s32 $0xFFFFC180  }
0xa8: {  	[spmem:s1] =	stream.indirect.scatter.add.f32 [tilespmem:s22], [sflag:$0x4], $0x80, s26, s19, $0xb8;
	[tilespmem:$0x1E080] =	vst v63  }
0xa9: {  	_ =	swait.ge [sflag:s24], $0x3E80  }
0xaa: {  	[sflag:s24] =	ssyncset.done $0x0  }
0xab: {  	[sflag:s24] =	ssyncadd.s32 $0xFFFFC180  }
0xac: {  	_ =	swait.ge [sflag:s25], $0x3E80  }
0xad: {  	s29 =	sshll.u32 s2, $0x6;
	s28 =	sadd.s32 $0x1, s28;
	[sflag:s25] =	ssyncset.done $0x0  }
0xae: {  	s31 =	sshrl.u32 s5, $0x3;
	p0 =	sne.s32 s28, s15;
	[sflag:s25] =	ssyncadd.s32 $0xFFFFC180  }
.Ltmp3:
0xaf: {  	s29 =	sor.u32 $0x1C05, s29;
	[bflag:$0x0] =	sbarrier.arrive $0xFFFF;
	(pc) =	sbr.rel @p0 .LBB2_1-.Ltmp3, $4  }
0xb0: {  	[hbm:s14], [sflag:s29] =	dma.local [spmem:s31], $0x2710  }
0xb1: {  	_ =	swait.ge [sflag:s17], $0x2710  }
0xb2: {  	[sflag:s17] =	ssyncset.done $0x0  }
0xb3: {  	[sflag:s17] =	ssyncadd.s32 $0xFFFFD8F0  }
0xb4: {  	_ =	sfence.sel $0x180000  }
0xb5: {  	[bflag:$0x0] =	sbarrier.arrive $0xFFFF  }
0xb6: {  	p0 =	sne.s32 s2, $0x0;
	_ =	strace $0x9000004D  }
0xb7: {  	s0 =	sadd.s32 @!p0 $0x100000, s0;
	[bflag:$0x2] =	sbarrier.arrive $0xFFFF  }
0xb8: {  	[sflag:s0] =	ssyncadd.tile.s32 @!p0 $0x1;
	_ =	shalt  }
.Lfunc_end2:
_tile_overlayer_lowered:
.L_overlay_start_2:
0xb9: {  	(tag) =	ssettag $0x2  }
0xba: {  	s0 =	rddreg [dreg:$0x0];
	s2 =	stileid.u32  }
0xbb: {  	s1 =	rddreg [dreg:$0x1];
	p0 =	sne.s32 s2, $0x0  }
0xbc: {  	s3 =	rddreg [dreg:$0x2];
	[bflag:$0x3] =	sbarrier.arrive $0xFFFF;
	s2 =	simm.s32 @!p0 $0x1C05  }
0xbd: {  	[timem:s3], [sflag:s2] =	dma.local @!p0 [hbm:s0], s1  }
0xbe: {  	s0 =	simm.s32 @!p0 $0x5  }
0xbf: {  	_ =	swait.ge @!p0 [sflag:s0], s1  }
0xc0: {  	s1 =	ssub.s32 @!p0 $0x0, s1;
	[sflag:s0] =	ssyncset.done @!p0 $0x0  }
0xc1: {  	[sflag:s0] =	ssyncadd.s32 @!p0 s1  }
0xc2: {  	[bflag:$0x3] =	sbarrier.arrive $0xFFFF  }
0xc3: {  	_ =	shalt  }

// kernel: kernel.9.cloned.1.call-start
scs
__scs_entry_jumppad:
0x0: {  	(pc) =	sbr.rel $0x88, $3  }
0x1: {  	(tag) =	ssettag $0x0;
	lr =	simm.s32 $0x1  }
0x2: {  	[smem:$0x3F99] =	sst lr;
	_ =	strace $0xD0000000  }
0x3: {  	_ = 	snop  }
0x4: {  	_ = 	snop  }
0x5: {  	_ = 	snop  }
0x6: {  	_ = 	snop  }
0x7: {  	_ = 	snop  }
__scs_overlays_trampoline_lowered:
0x8: {  	[smem:$0x3FA8] =	sst s0  }
0x9: {  	[smem:$0x3FA9] =	sst s1  }
0xa: {  	[smem:$0x3FAA] =	sst s2  }
0xb: {  	[smem:$0x3FAB] =	sst s3  }
0xc: {  	[smem:$0x3FAC] =	sst s4  }
0xd: {  	[smem:$0x3FAD] =	sst s5  }
0xe: {  	[smem:$0x3FAE] =	sst s6  }
0xf: {  	[smem:$0x3FAF] =	sst s7  }
0x10: {  	[smem:$0x3FB0] =	sst s8  }
0x11: {  	[smem:$0x3FB1] =	sst s9;
	s0 =	simm.s32 @!p0 $0x0  }
0x12: {  	s1 =	sld [smem:$0x3F97];
	s0 =	simm.s32 @p0 $0x1  }
0x13: {  	[smem:$0x3FB2] =	sst s0;
	s0 =	simm.s32 @!p1 $0x0  }
0x14: {  	s2 =	sld [smem:$0x3F96];
	s0 =	simm.s32 @p1 $0x1  }
0x15: {  	[smem:$0x3FB3] =	sst s0;
	s0 =	simm.s32 @!p2 $0x0  }
0x16: {  	s3 =	sld [smem:$0x3FDB];
	s0 =	simm.s32 @p2 $0x1  }
0x17: {  	s4 =	simm.s32 $0x1BF5;
	[smem:$0x3FB5] =	sst s0  }
0x18: {  	s0 =	sld [smem:$0x3F98];
	_ =	swait.ge [sflag:s4], $0x0  }
0x19: {  	s7 =	sld [smem:$0x3F99]  }
0x1a: {  	s8 =	sadd.s32 $0xFFFFE003, lr  }
0x1b: {  	s9 =	sadd.s32 $0xFFFFFEF7, lr;
	s5 =	simm.s32 $0xFFFFFFFF;
	p2 =	slt.u32 s8, $0xFFFFF086  }
0x1c: {  	p1 =	slt.u32 s9, $0xF7A;
	s5 =	simm.s32 @!p2 $0x0  }
0x1d: {  	s5 =	simm.s32 @p1 $0x1;
	p0 =	seq.s32 s7, s2  }
0x1e: {  	s7 =	smul.u32 @!p0 $0xF7A, s2;
	p2 =	seq.s32 @!p0 s5, $0x0  }
0x1f: {  	s9 =	smul.u32 $0xF7A, s1;
	s8 =	simm.s32 @!p0 $0x1BF5;
	p2 =	por !p2, p0  }
0x20: {  	[sflag:s8] =	ssyncset.s32 @!p0 $0xFFFFF086;
	s6 =	sadd.s32 @!p0 s3, s7;
	s7 =	simm.s32 @!p0 $0x108  }
0x21: {  	s3 =	sadd.s32 s3, s9;
	s6 =	sadd.s32 @!p0 $0x88, s6;
	s7 =	simm.s32 @p2 $0x1082  }
0x22: {  	[simem:s7], [sflag:s8] =	dma.local @!p0 [hbm:s6], $0xF7A  }
0x23: {  	s9 =	sor.u32 $0xD0000000, s2;
	s6 =	simm.s32 $0x108;
	_ =	swait.ge @!p0 [sflag:s8], $0x0  }
0x24: {  	s3 =	sadd.s32 $0x88, s3;
	s6 =	simm.s32 @!p1 $0x1082;
	[sflag:s4] =	ssyncset.s32 $0xFFFFF086  }
0x25: {  	[simem:s6], [sflag:s4] =	dma.local [hbm:s3], $0xF7A  }
0x26: {  	[smem:$0x3F99] =	sst s1;
	(tag) =	ssettag s2;
	_ =	strace s9  }
0x27: {  	s1 =	sld [smem:$0x3FA9]  }
0x28: {  	s2 =	sld [smem:$0x3FAA]  }
0x29: {  	s4 =	sld [smem:$0x3FAC]  }
0x2a: {  	p0 =	seq.s32 s5, $0x0;
	s5 =	sld [smem:$0x3FAD]  }
0x2b: {  	s6 =	sld [smem:$0x3FAE]  }
0x2c: {  	s7 =	sld [smem:$0x3FAF]  }
0x2d: {  	s3 =	simm.s32 $0x108;
	s8 =	sld [smem:$0x3FB0]  }
0x2e: {  	s3 =	simm.s32 @!p0 $0x1082;
	s9 =	sld [smem:$0x3FB1]  }
0x2f: {  	lr =	sadd.s32 s0, s3;
	s0 =	sld [smem:$0x3FA8]  }
0x30: {  	s3 =	sld [smem:$0x3FAB]  }
0x31: {  	[smem:$0x3FB4] =	sst s10  }
0x32: {  	s10 =	sld [smem:$0x3FB2];
	_ =	sdelay $0x3  }
0x33: {  	p0 =	seq.s32 s10, $0x1;
	s10 =	sld [smem:$0x3FB4];
	_ =	sdelay $0x3  }
0x34: {  	[smem:$0x3FB4] =	sst s10  }
0x35: {  	s10 =	sld [smem:$0x3FB3];
	_ =	sdelay $0x3  }
0x36: {  	p1 =	seq.s32 s10, $0x1;
	s10 =	sld [smem:$0x3FB4];
	_ =	sdelay $0x3  }
0x37: {  	[smem:$0x3FB4] =	sst s10  }
0x38: {  	s10 =	sld [smem:$0x3FB5]  }
0x39: {  	_ = 	snop;
	(pc) =	sbr.ind lr, $3  }
0x3a: {  	_ = 	snop  }
0x3b: {  	_ = 	snop  }
0x3c: {  	p2 =	seq.s32 s10, $0x1;
	s10 =	sld [smem:$0x3FB4]  }
0x3d: {  	_ =	shalt  }
0x3e: {  	_ =	shalt  }
0x3f: {  	_ =	shalt  }
0x40: {  	_ =	shalt  }
0x41: {  	_ =	shalt  }
0x42: {  	_ =	shalt  }
0x43: {  	_ =	shalt  }
0x44: {  	_ =	shalt  }
0x45: {  	_ =	shalt  }
0x46: {  	_ =	shalt  }
0x47: {  	_ =	shalt  }
0x48: {  	_ =	shalt  }
0x49: {  	_ =	shalt  }
0x4a: {  	_ =	shalt  }
0x4b: {  	_ =	shalt  }
0x4c: {  	_ =	shalt  }
0x4d: {  	_ =	shalt  }
0x4e: {  	_ =	shalt  }
0x4f: {  	_ =	shalt  }
0x50: {  	_ =	shalt  }
0x51: {  	_ =	shalt  }
0x52: {  	_ =	shalt  }
0x53: {  	_ =	shalt  }
0x54: {  	_ =	shalt  }
0x55: {  	_ =	shalt  }
0x56: {  	_ =	shalt  }
0x57: {  	_ =	shalt  }
0x58: {  	_ =	shalt  }
0x59: {  	_ =	shalt  }
0x5a: {  	_ =	shalt  }
0x5b: {  	_ =	shalt  }
0x5c: {  	_ =	shalt  }
0x5d: {  	_ =	shalt  }
0x5e: {  	_ =	shalt  }
0x5f: {  	_ =	shalt  }
0x60: {  	_ =	shalt  }
0x61: {  	_ =	shalt  }
0x62: {  	_ =	shalt  }
0x63: {  	_ =	shalt  }
0x64: {  	_ =	shalt  }
0x65: {  	_ =	shalt  }
0x66: {  	_ =	shalt  }
0x67: {  	_ =	shalt  }
0x68: {  	_ =	shalt  }
0x69: {  	_ =	shalt  }
0x6a: {  	_ =	shalt  }
0x6b: {  	_ =	shalt  }
0x6c: {  	_ =	shalt  }
0x6d: {  	_ =	shalt  }
0x6e: {  	_ =	shalt  }
0x6f: {  	_ =	shalt  }
0x70: {  	_ =	shalt  }
0x71: {  	_ =	shalt  }
0x72: {  	_ =	shalt  }
0x73: {  	_ =	shalt  }
0x74: {  	_ =	shalt  }
0x75: {  	_ =	shalt  }
0x76: {  	_ =	shalt  }
0x77: {  	_ =	shalt  }
0x78: {  	_ =	shalt  }
0x79: {  	_ =	shalt  }
0x7a: {  	_ =	shalt  }
0x7b: {  	_ =	shalt  }
0x7c: {  	_ =	shalt  }
0x7d: {  	_ =	shalt  }
0x7e: {  	_ =	shalt  }
0x7f: {  	_ =	shalt  }
0x80: {  	_ =	shalt  }
0x81: {  	_ =	shalt  }
0x82: {  	_ =	shalt  }
0x83: {  	_ =	shalt  }
0x84: {  	_ =	shalt  }
0x85: {  	_ =	shalt  }
0x86: {  	_ =	shalt  }
0x87: {  	_ =	shalt  }
.Lfunc_end0:
.L_simem_size_0:
called_computation_lowered:
.L_overlay_start_0:
0x88: {  	s2 =	sld [smem:$0x3FD9]  }
0x89: {  	s3 =	sld [smem:$0x3FFE];
	_ =	sdelay $0x1  }
0x8a: {  	s1 =	srdreg.scid  }
0x8b: {  	s0 =	sand.u32 $0x1, s1  }
0x8c: {  	s14 =	sshll.u32 s0, $0xA;
	s2 =	sadd.s32 s3, s2  }
0x8d: {  	s2 =	sadd.s32 s2, s14  }
0x8e: {  	[smem:$0x3FC0] =	sst s2  }
0x8f: {  	_ = 	snop  }
0x90: {  	s2 =	sld [smem:$0x3FD0];
	_ =	sdelay $0x2  }
0x91: {  	s15 =	simm.s32 $0xA;
	s4 =	simm.s32 $0x10  }
0x92: {  	[smem:s4], [sflag:s15] =	dma.local [hbm:s2], $0x1  }
0x93: {  	_ =	swait.eq [sflag:s15], $0x1  }
0x94: {  	[sflag:s15] =	ssyncset.done $0x0  }
0x95: {  	[sflag:s15] =	ssyncadd.s32 $0xFFFFFFFF  }
0x96: {  	s16 =	sld [smem:$0x10];
	(tm) =	ssettm $0x1  }
0x97: {  	s17 =	sld [smem:$0x3FFB];
	_ =	sdelay $0x3  }
0x98: {  	_ =	strace s17  }
0x99: {  	s3 =	sld [smem:$0x3FFC];
	_ =	sdelay $0x3  }
0x9a: {  	_ =	strace s3  }
0x9b: {  	s3 =	sld [smem:$0x3FFD];
	_ =	sdelay $0x3  }
0x9c: {  	_ =	strace s3  }
0x9d: {  	_ =	strace $0x8FFFFFFF  }
0x9e: {  	s18 =	sld [smem:$0x3FDB];
	_ =	sdelay $0x1  }
0x9f: {  	s19 =	simm.s32 $_scs_section_size  }
0xa0: {  	s5 =	simm.s32 $_size__tile_overlayer_lowered;
	s6 =	simm.s32 $_tile_overlayer_lowered  }
0xa1: {  	s22 =	simm.s32 $0x1BFF;
	s21 =	sshll.u32 s6, $0x1;
	s3 =	sadd.s32 s19, s18  }
0xa2: {  	s7 =	simm.s32 $0x0;
	s20 =	sshll.u32 s5, $0x1;
	s5 =	sadd.s32 s21, s3  }
0xa3: {  	[timem:s7], [sflag:s22] =	dma.local [hbm:s5], s20  }
0xa4: {  	_ =	swait.ge [sflag:s22], s20  }
0xa5: {  	s4 =	ssub.s32 $0x0, s20;
	[sflag:s22] =	ssyncset.done $0x0  }
0xa6: {  	[sflag:s22] =	ssyncadd.s32 s4;
	_ =	sdelay $0x1  }
0xa7: {  	s23 =	simm.s32 $0x1B8B  }
0xa8: {  	_ =	swait.ge [sflag:s23], $0x1  }
0xa9: {  	[sflag:s23] =	ssyncset.done $0x0  }
0xaa: {  	s25 =	simm.s32 $0x1B8E;
	s24 =	sld [smem:$0x3FFE];
	[sflag:s23] =	ssyncadd.s32 $0xFFFFFFFF  }
0xab: {  	s26 =	simm.s32 $execute0_lowered;
	[smem:$0x3FD2] =	sst s25  }
0xac: {  	s5 =	sshll.u32 s26, $0x1;
	_ =	strace $0x80000046;
	[dreg:$0x1] =	wrdreg $0xFFFFFFFF  }
0xad: {  	s28 =	simm.s32 $_size_execute0_lowered;
	s3 =	sadd.s32 s3, s5;
	[dreg:$0x0] =	wrdreg $0x0  }
0xae: {  	s5 =	sshll.u32 s28, $0x1;
	[dreg:$0x2] =	wrdreg s3  }
0xaf: {  	[dreg:$0x3] =	wrdreg s5  }
0xb0: {  	[dreg:$0x4] =	wrdreg $0xC0  }
0xb1: {  	_ =	task [dreg:s7], $0x5FFFF  }
0xb2: {  	[dreg:$0x1] =	wrdreg $0xFFFFFFFF  }
0xb3: {  	[dreg:$0x0] =	wrdreg $0x60  }
0xb4: {  	[dreg:$0x2] =	wrdreg s16  }
0xb5: {  	[dreg:$0x3] =	wrdreg s24  }
0xb6: {  	[dreg:$0x4] =	wrdreg $0x2FD00  }
0xb7: {  	[dreg:$0x5] =	wrdreg $0x9  }
0xb8: {  	_ =	task.clear_ibuf [dreg:s7], $0x6FFFF;
	_ =	strace $0x90000046  }
0xb9: {  	s29 =	simm.s32 $0x9;
	_ =	strace $0x80000048  }
0xba: {  	_ =	swait.ge [sflag:s29], $0x1  }
0xbb: {  	[sflag:s29] =	ssyncadd.s32 $0xFFFFFFFF  }
0xbc: {  	_ =	strace $0x90000048  }
0xbd: {  	_ =	sfence  }
0xbe: {  	s30 =	sld [smem:$0x0];
	_ =	sdelay $0x2  }
0xbf: {  	s31 =	sshll.u32 s1, $0xD;
	s1 =	sshrl.u32 s1, $0x2  }
0xc0: {  	s3 =	sand.u32 $0x4000, s31;
	s1 =	sadd.s32 s1, s30  }
0xc1: {  	s0 =	sor.u32 s3, s0;
	s1 =	sshll.u32 s1, $0x11  }
0xc2: {  	s0 =	sor.u32 s1, s0  }
0xc3: {  	s0 =	sadd.s32 $0x8F2B, s0  }
0xc4: {  	[sflag:s0] =	ssyncadd.remote.s32 $0x1  }
0xc5: {  	_ =	sfence.sel $0xFFFF  }
0xc6: {  	[dreg:$0x0] =	wrdreg $0xFFFFFFFF;
	(pc) =	sbr.abs _section_cstart, $3  }
0xc7: {  	[dreg:$0x1] =	wrdreg $0xFFFFFFFF  }
0xc8: {  	_ =	task.clear_ibuf [dreg:s7], $0x2FFFF;
	_ =	strace $0x9FFFFFFF  }
0xc9: {  	(tm) =	ssettm $0x7FFFFFFF  }
tec
execute0_lowered:
.L_overlay_start_1:
0x0: {  	(tag) =	ssettag $0x1  }
0x1: {  	s0 =	rddreg [dreg:$0x0];
	s10 =	stileid.u32  }
0x2: {  	s3 =	srdreg.scid;
	s6 =	smul.u32 $0x2710, s10  }
0x3: {  	s1 =	rddreg [dreg:$0x1];
	s5 =	sand.u32 $0x1, s3;
	s7 =	smul.u32 $0x9C40, s10  }
0x4: {  	s2 =	rddreg [dreg:$0x2];
	s3 =	simm.s32 $0x0;
	s4 =	smul.u32 $0x27100, s5  }
0x5: {  	[smem:$0x7FF] =	sst s3;
	s20 =	ssub.s32 $0x2, s5;
	s5 =	sshll.u32 s5, $0x4  }
0x6: {  	_ =	strace $0x80000047;
	s7 =	sshrl.u32 s7, $0x2;
	s9 =	sshrl.u32 s20, $0x1  }
0x7: {  	s5 =	sor.u32 s10, s5;
	s4 =	sadd.s32 s6, s4;
	s6 =	ssub.s32 s20, s9  }
0x8: {  	s5 =	smul.u32 $0x500, s5;
	s8 =	sshrl.u32 s4, $0x3;
	s4 =	sadd.s32 s7, s2  }
0x9: {  	s1 =	sadd.s32 s8, s1;
	s7 =	sadd.s32 $0x190, s4;
	s21 =	sadd.s32 $0x320, s4  }
0xa: {  	s22 =	sadd.s32 $0x4B0, s4;
	s23 =	sadd.s32 $0x640, s4;
	s24 =	sadd.s32 $0x7D0, s4  }
0xb: {  	s25 =	sadd.s32 $0x960, s4;
	s26 =	sadd.s32 $0xAF0, s4;
	s12 =	sadd.s32 $0xC80, s4  }
0xc: {  	s13 =	sadd.s32 $0xE10, s4;
	s14 =	sadd.s32 $0xFA0, s4;
	[dreg:$0x4] =	wrdreg s7  }
0xd: {  	s15 =	sadd.s32 $0x1130, s4;
	s16 =	sadd.s32 $0x12C0, s4;
	[dreg:$0x5] =	wrdreg s21  }
0xe: {  	s17 =	sadd.s32 $0x1450, s4;
	s18 =	sadd.s32 $0x15E0, s4;
	[dreg:$0x6] =	wrdreg s22  }
0xf: {  	s19 =	sadd.s32 $0x1770, s4;
	s20 =	sadd.s32 $0x1900, s4;
	[dreg:$0x7] =	wrdreg s23  }
0x10: {  	s28 =	sadd.s32 $0x1F40, s4;
	s29 =	sadd.s32 $0x20D0, s4;
	[dreg:$0x8] =	wrdreg s24  }
0x11: {  	s30 =	sadd.s32 $0x2260, s4;
	s31 =	sadd.s32 $0x23F0, s4;
	[dreg:$0x9] =	wrdreg s25  }
0x12: {  	[dreg:$0xa] =	wrdreg s26;
	s21 =	sadd.s32 $0x1A90, s4;
	s22 =	sadd.s32 s0, s5  }
0x13: {  	s23 =	sadd.s32 $0x1C20, s4;
	s24 =	sadd.s32 $0x2600, s1;
	s25 =	smax.u32 s6, $0x1  }
0x14: {  	s26 =	sadd.s32 $0x1DB0, s4;
	s0 =	sadd.s32 $0x2580, s4;
	s1 =	simm.s32 $0x2800  }
0x15: {  	v0 =	vimm.f32 $0.0e+00;
	v1 =	vimm.f32 $1.000000000e+00;
	s5 =	simm.s32 $0x1;
	s6 =	simm.s32 $0x2;
	s7 =	simm.s32 $0x7D  }
.LBB2_1:
0x16: {  	s8 =	simm.s32 $0x40;
	s9 =	simm.s32 $0x0  }
.LBB2_2:
0x17: {  	p0 =	sne.s32 s8, $0x1F00;
	[tilespmem:s9+$0x2800] =	vst v0;
	s9 =	smov.u32 s8;
	s8 =	sadd.s32 $0x40, s8  }
.Ltmp0:
0x18: {  	(pc) =	sbr.rel @p0 .LBB2_2-.Ltmp0, $2  }
0x19: {  	_ =	sdelay $0x2  }
0x1a: {  	s9 =	sshra.s32 s9, $0x2  }
0x1b: {  	[tilespmem:s9+$0x2800] =	vst v0  }
0x1c: {  	[spmem:s4] =	stream.linear.scatter [tilespmem:s1], [sflag:$0x1], $0x190, $0x38;
	[tilespmem:$0x56E0] =	vst v63  }
0x1d: {  	s8 =	rddreg [dreg:$0x4]  }
0x1e: {  	[spmem:s8] =	stream.linear.scatter [tilespmem:s1], [sflag:$0x1], $0x190, $0x38;
	[tilespmem:$0x56E0] =	vst v63  }
0x1f: {  	s9 =	rddreg [dreg:$0x5]  }
0x20: {  	[spmem:s9] =	stream.linear.scatter [tilespmem:s1], [sflag:$0x1], $0x190, $0x38;
	[tilespmem:$0x56E0] =	vst v63  }
0x21: {  	s10 =	rddreg [dreg:$0x6]  }
0x22: {  	[spmem:s10] =	stream.linear.scatter [tilespmem:s1], [sflag:$0x1], $0x190, $0x38;
	[tilespmem:$0x56E0] =	vst v63  }
0x23: {  	s11 =	rddreg [dreg:$0x7]  }
0x24: {  	[spmem:s11] =	stream.linear.scatter [tilespmem:s1], [sflag:$0x1], $0x190, $0x38;
	[tilespmem:$0x56E0] =	vst v63  }
0x25: {  	s9 =	rddreg [dreg:$0x8]  }
0x26: {  	[spmem:s9] =	stream.linear.scatter [tilespmem:s1], [sflag:$0x1], $0x190, $0x38;
	[tilespmem:$0x56E0] =	vst v63  }
0x27: {  	s10 =	rddreg [dreg:$0x9]  }
0x28: {  	[spmem:s10] =	stream.linear.scatter [tilespmem:s1], [sflag:$0x1], $0x190, $0x38;
	[tilespmem:$0x56E0] =	vst v63  }
0x29: {  	s11 =	rddreg [dreg:$0xa]  }
0x2a: {  	[spmem:s11] =	stream.linear.scatter [tilespmem:s1], [sflag:$0x1], $0x190, $0x38;
	[tilespmem:$0x56E0] =	vst v63  }
0x2b: {  	_ = 	snop  }
0x2c: {  	[spmem:s12] =	stream.linear.scatter [tilespmem:s1], [sflag:$0x1], $0x190, $0x38;
	[tilespmem:$0x56E0] =	vst v63  }
0x2d: {  	_ = 	snop  }
0x2e: {  	[spmem:s13] =	stream.linear.scatter [tilespmem:s1], [sflag:$0x1], $0x190, $0x38;
	[tilespmem:$0x56E0] =	vst v63  }
0x2f: {  	_ = 	snop  }
0x30: {  	[spmem:s14] =	stream.linear.scatter [tilespmem:s1], [sflag:$0x1], $0x190, $0x38;
	[tilespmem:$0x56E0] =	vst v63  }
0x31: {  	_ = 	snop  }
0x32: {  	[spmem:s15] =	stream.linear.scatter [tilespmem:s1], [sflag:$0x1], $0x190, $0x38;
	[tilespmem:$0x56E0] =	vst v63  }
0x33: {  	_ = 	snop  }
0x34: {  	[spmem:s16] =	stream.linear.scatter [tilespmem:s1], [sflag:$0x1], $0x190, $0x38;
	[tilespmem:$0x56E0] =	vst v63  }
0x35: {  	_ = 	snop  }
0x36: {  	[spmem:s17] =	stream.linear.scatter [tilespmem:s1], [sflag:$0x1], $0x190, $0x38;
	[tilespmem:$0x56E0] =	vst v63  }
0x37: {  	_ = 	snop  }
0x38: {  	[spmem:s18] =	stream.linear.scatter [tilespmem:s1], [sflag:$0x1], $0x190, $0x38;
	[tilespmem:$0x56E0] =	vst v63  }
0x39: {  	_ = 	snop  }
0x3a: {  	[spmem:s19] =	stream.linear.scatter [tilespmem:s1], [sflag:$0x1], $0x190, $0x38;
	[tilespmem:$0x56E0] =	vst v63  }
0x3b: {  	_ = 	snop  }
0x3c: {  	[spmem:s20] =	stream.linear.scatter [tilespmem:s1], [sflag:$0x1], $0x190, $0x38;
	[tilespmem:$0x56E0] =	vst v63  }
0x3d: {  	_ = 	snop  }
0x3e: {  	[spmem:s21] =	stream.linear.scatter [tilespmem:s1], [sflag:$0x1], $0x190, $0x38;
	[tilespmem:$0x56E0] =	vst v63  }
0x3f: {  	_ = 	snop  }
0x40: {  	[spmem:s23] =	stream.linear.scatter [tilespmem:s1], [sflag:$0x1], $0x190, $0x38;
	[tilespmem:$0x56E0] =	vst v63  }
0x41: {  	_ = 	snop  }
0x42: {  	[spmem:s26] =	stream.linear.scatter [tilespmem:s1], [sflag:$0x1], $0x190, $0x38;
	[tilespmem:$0x56E0] =	vst v63  }
0x43: {  	_ = 	snop  }
0x44: {  	[spmem:s28] =	stream.linear.scatter [tilespmem:s1], [sflag:$0x1], $0x190, $0x38;
	[tilespmem:$0x56E0] =	vst v63  }
0x45: {  	_ = 	snop  }
0x46: {  	[spmem:s29] =	stream.linear.scatter [tilespmem:s1], [sflag:$0x1], $0x190, $0x38;
	[tilespmem:$0x56E0] =	vst v63  }
0x47: {  	_ = 	snop  }
0x48: {  	[spmem:s30] =	stream.linear.scatter [tilespmem:s1], [sflag:$0x1], $0x190, $0x38;
	[tilespmem:$0x56E0] =	vst v63  }
0x49: {  	_ = 	snop  }
0x4a: {  	[spmem:s31] =	stream.linear.scatter [tilespmem:s1], [sflag:$0x1], $0x190, $0x38;
	[tilespmem:$0x56E0] =	vst v63  }
0x4b: {  	_ = 	snop  }
0x4c: {  	[spmem:s0] =	stream.linear.scatter [tilespmem:s1], [sflag:$0x1], $0x190, $0x38;
	[tilespmem:$0x56E0] =	vst v63  }
0x4d: {  	_ =	swait.ge [sflag:s5], $0x190  }
0x4e: {  	[sflag:s5] =	ssyncset.done $0x0  }
0x4f: {  	[sflag:s5] =	ssyncadd.s32 $0xFFFFFE70  }
0x50: {  	_ =	swait.ge [sflag:s5], $0x190  }
0x51: {  	[sflag:s5] =	ssyncset.done $0x0  }
0x52: {  	[sflag:s5] =	ssyncadd.s32 $0xFFFFFE70  }
0x53: {  	_ =	swait.ge [sflag:s5], $0x190  }
0x54: {  	[sflag:s5] =	ssyncset.done $0x0  }
0x55: {  	[sflag:s5] =	ssyncadd.s32 $0xFFFFFE70  }
0x56: {  	_ =	swait.ge [sflag:s5], $0x190  }
0x57: {  	[sflag:s5] =	ssyncset.done $0x0  }
0x58: {  	[sflag:s5] =	ssyncadd.s32 $0xFFFFFE70  }
0x59: {  	_ =	swait.ge [sflag:s5], $0x190  }
0x5a: {  	[sflag:s5] =	ssyncset.done $0x0  }
0x5b: {  	[sflag:s5] =	ssyncadd.s32 $0xFFFFFE70  }
0x5c: {  	_ =	swait.ge [sflag:s5], $0x190  }
0x5d: {  	[sflag:s5] =	ssyncset.done $0x0  }
0x5e: {  	[sflag:s5] =	ssyncadd.s32 $0xFFFFFE70  }
0x5f: {  	_ =	swait.ge [sflag:s5], $0x190  }
0x60: {  	[sflag:s5] =	ssyncset.done $0x0  }
0x61: {  	[sflag:s5] =	ssyncadd.s32 $0xFFFFFE70  }
0x62: {  	_ =	swait.ge [sflag:s5], $0x190  }
0x63: {  	[sflag:s5] =	ssyncset.done $0x0  }
0x64: {  	[sflag:s5] =	ssyncadd.s32 $0xFFFFFE70  }
0x65: {  	_ =	swait.ge [sflag:s5], $0x190  }
0x66: {  	[sflag:s5] =	ssyncset.done $0x0  }
0x67: {  	[sflag:s5] =	ssyncadd.s32 $0xFFFFFE70  }
0x68: {  	_ =	swait.ge [sflag:s5], $0x190  }
0x69: {  	[sflag:s5] =	ssyncset.done $0x0  }
0x6a: {  	[sflag:s5] =	ssyncadd.s32 $0xFFFFFE70  }
0x6b: {  	_ =	swait.ge [sflag:s5], $0x190  }
0x6c: {  	[sflag:s5] =	ssyncset.done $0x0  }
0x6d: {  	[sflag:s5] =	ssyncadd.s32 $0xFFFFFE70  }
0x6e: {  	_ =	swait.ge [sflag:s5], $0x190  }
0x6f: {  	[sflag:s5] =	ssyncset.done $0x0  }
0x70: {  	[sflag:s5] =	ssyncadd.s32 $0xFFFFFE70  }
0x71: {  	_ =	swait.ge [sflag:s5], $0x190  }
0x72: {  	[sflag:s5] =	ssyncset.done $0x0  }
0x73: {  	[sflag:s5] =	ssyncadd.s32 $0xFFFFFE70  }
0x74: {  	_ =	swait.ge [sflag:s5], $0x190  }
0x75: {  	[sflag:s5] =	ssyncset.done $0x0  }
0x76: {  	[sflag:s5] =	ssyncadd.s32 $0xFFFFFE70  }
0x77: {  	_ =	swait.ge [sflag:s5], $0x190  }
0x78: {  	[sflag:s5] =	ssyncset.done $0x0  }
0x79: {  	[sflag:s5] =	ssyncadd.s32 $0xFFFFFE70  }
0x7a: {  	_ =	swait.ge [sflag:s5], $0x190  }
0x7b: {  	[sflag:s5] =	ssyncset.done $0x0  }
0x7c: {  	[sflag:s5] =	ssyncadd.s32 $0xFFFFFE70  }
0x7d: {  	_ =	swait.ge [sflag:s5], $0x190  }
0x7e: {  	[sflag:s5] =	ssyncset.done $0x0  }
0x7f: {  	[sflag:s5] =	ssyncadd.s32 $0xFFFFFE70  }
0x80: {  	_ =	swait.ge [sflag:s5], $0x190  }
0x81: {  	[sflag:s5] =	ssyncset.done $0x0  }
0x82: {  	[sflag:s5] =	ssyncadd.s32 $0xFFFFFE70  }
0x83: {  	_ =	swait.ge [sflag:s5], $0x190  }
0x84: {  	[sflag:s5] =	ssyncset.done $0x0  }
0x85: {  	[sflag:s5] =	ssyncadd.s32 $0xFFFFFE70  }
0x86: {  	_ =	swait.ge [sflag:s5], $0x190  }
0x87: {  	[sflag:s5] =	ssyncset.done $0x0  }
0x88: {  	[sflag:s5] =	ssyncadd.s32 $0xFFFFFE70  }
0x89: {  	_ =	swait.ge [sflag:s5], $0x190  }
0x8a: {  	[sflag:s5] =	ssyncset.done $0x0  }
0x8b: {  	[sflag:s5] =	ssyncadd.s32 $0xFFFFFE70  }
0x8c: {  	_ =	swait.ge [sflag:s5], $0x190  }
0x8d: {  	[sflag:s5] =	ssyncset.done $0x0  }
0x8e: {  	[sflag:s5] =	ssyncadd.s32 $0xFFFFFE70  }
0x8f: {  	_ =	swait.ge [sflag:s5], $0x190  }
0x90: {  	[sflag:s5] =	ssyncset.done $0x0  }
0x91: {  	[sflag:s5] =	ssyncadd.s32 $0xFFFFFE70  }
0x92: {  	_ =	swait.ge [sflag:s5], $0x190  }
0x93: {  	[sflag:s5] =	ssyncset.done $0x0  }
0x94: {  	[sflag:s5] =	ssyncadd.s32 $0xFFFFFE70  }
0x95: {  	_ =	swait.ge [sflag:s5], $0x190  }
0x96: {  	[sflag:s5] =	ssyncset.done $0x0  }
0x97: {  	s8 =	simm.s32 $0x40;
	s9 =	simm.s32 $0x0;
	[sflag:s5] =	ssyncadd.s32 $0xFFFFFE70  }
.LBB2_4:
0x98: {  	p0 =	sne.s32 s8, $0x1F00;
	[tilespmem:s9+$0x2800] =	vst v1;
	s9 =	smov.u32 s8;
	s8 =	sadd.s32 $0x40, s8  }
.Ltmp1:
0x99: {  	(pc) =	sbr.rel @p0 .LBB2_4-.Ltmp1, $2  }
0x9a: {  	_ =	sdelay $0x2  }
0x9b: {  	s9 =	sshra.s32 s9, $0x2  }
0x9c: {  	[tilespmem:s9+$0x2800] =	vst v1;
	s8 =	simm.s32 $0x0  }
0x9d: {  	[tilespmem:s8], [sflag:$0x2] =	stream.linear.gather [hbm4b:s22+s8], $0x2800, $0x38;
	[tilespmem:$0x56E0] =	vst v63  }
0x9e: {  	_ =	swait.ge [sflag:s6], $0x2800  }
0x9f: {  	[sflag:s6] =	ssyncset.done $0x0  }
0xa0: {  	[sflag:s6] =	ssyncadd.s32 $0xFFFFD800  }
0xa1: {  	s10 =	simm.s32 $0x0;
	[bflag:$0x0] =	sbarrier.arrive $0xFFFF  }
0xa2: {  	[spmem:s2] =	stream.indirect.scatter.add.f32 [tilespmem:s1], [sflag:$0x1], $0x10, s10, s7, $0xb8;
	[tilespmem:$0x56E0] =	vst v63  }
0xa3: {  	s11 =	simm.s32 $0x80  }
0xa4: {  	[spmem:s2] =	stream.indirect.scatter.add.f32 [tilespmem:s1], [sflag:$0x1], $0x10, s11, s7, $0xb8;
	[tilespmem:$0x56E0] =	vst v63  }
0xa5: {  	s9 =	simm.s32 $0x100  }
0xa6: {  	[spmem:s2] =	stream.indirect.scatter.add.f32 [tilespmem:s1], [sflag:$0x1], $0x10, s9, s7, $0xb8;
	[tilespmem:$0x56E0] =	vst v63  }
0xa7: {  	s10 =	simm.s32 $0x180  }
0xa8: {  	[spmem:s2] =	stream.indirect.scatter.add.f32 [tilespmem:s1], [sflag:$0x1], $0x10, s10, s7, $0xb8;
	[tilespmem:$0x56E0] =	vst v63  }
0xa9: {  	s11 =	simm.s32 $0x200  }
0xaa: {  	[spmem:s2] =	stream.indirect.scatter.add.f32 [tilespmem:s1], [sflag:$0x1], $0x10, s11, s7, $0xb8;
	[tilespmem:$0x56E0] =	vst v63  }
0xab: {  	s9 =	simm.s32 $0x280  }
0xac: {  	[spmem:s2] =	stream.indirect.scatter.add.f32 [tilespmem:s1], [sflag:$0x1], $0x10, s9, s7, $0xb8;
	[tilespmem:$0x56E0] =	vst v63  }
0xad: {  	s10 =	simm.s32 $0x300  }
0xae: {  	[spmem:s2] =	stream.indirect.scatter.add.f32 [tilespmem:s1], [sflag:$0x1], $0x10, s10, s7, $0xb8;
	[tilespmem:$0x56E0] =	vst v63  }
0xaf: {  	s11 =	simm.s32 $0x380  }
0xb0: {  	[spmem:s2] =	stream.indirect.scatter.add.f32 [tilespmem:s1], [sflag:$0x1], $0x10, s11, s7, $0xb8;
	[tilespmem:$0x56E0] =	vst v63  }
0xb1: {  	_ =	swait.ge [sflag:s5], $0x7D0  }
0xb2: {  	[sflag:s5] =	ssyncset.done $0x0  }
0xb3: {  	[sflag:s5] =	ssyncadd.s32 $0xFFFFF830  }
0xb4: {  	_ =	swait.ge [sflag:s5], $0x7D0  }
0xb5: {  	[sflag:s5] =	ssyncset.done $0x0  }
0xb6: {  	[sflag:s5] =	ssyncadd.s32 $0xFFFFF830  }
0xb7: {  	_ =	swait.ge [sflag:s5], $0x7D0  }
0xb8: {  	[sflag:s5] =	ssyncset.done $0x0  }
0xb9: {  	[sflag:s5] =	ssyncadd.s32 $0xFFFFF830  }
0xba: {  	_ =	swait.ge [sflag:s5], $0x7D0  }
0xbb: {  	[sflag:s5] =	ssyncset.done $0x0  }
0xbc: {  	[sflag:s5] =	ssyncadd.s32 $0xFFFFF830  }
0xbd: {  	_ =	swait.ge [sflag:s5], $0x7D0  }
0xbe: {  	[sflag:s5] =	ssyncset.done $0x0  }
0xbf: {  	[sflag:s5] =	ssyncadd.s32 $0xFFFFF830  }
0xc0: {  	_ =	swait.ge [sflag:s5], $0x7D0  }
0xc1: {  	[sflag:s5] =	ssyncset.done $0x0  }
0xc2: {  	[sflag:s5] =	ssyncadd.s32 $0xFFFFF830  }
0xc3: {  	_ =	swait.ge [sflag:s5], $0x7D0  }
0xc4: {  	[sflag:s5] =	ssyncset.done $0x0  }
0xc5: {  	[sflag:s5] =	ssyncadd.s32 $0xFFFFF830  }
0xc6: {  	_ =	swait.ge [sflag:s5], $0x7D0  }
0xc7: {  	s8 =	simm.s32 $0x1000;
	s9 =	simm.s32 $0x2000;
	[sflag:s5] =	ssyncset.done $0x0  }
.LBB2_6:
0xc8: {  	s11 =	sshra.s32 s8, $0x2  }
0xc9: {  	[sflag:s5] =	ssyncadd.s32 $0xFFFFF830;
	s8 =	smov.u32 s9;
	s10 =	sadd.s32 $0x1000, s9  }
0xca: {  	[spmem:s2] =	stream.indirect.scatter.add.f32 [tilespmem:s1], [sflag:$0x1], $0x10, s11, s7, $0xb8;
	[tilespmem:$0x56E0] =	vst v63  }
0xcb: {  	p0 =	sne.s32 s9, $0x9000;
	s9 =	sadd.s32 $0x80, s11  }
0xcc: {  	[spmem:s2] =	stream.indirect.scatter.add.f32 [tilespmem:s1], [sflag:$0x1], $0x10, s9, s7, $0xb8;
	[tilespmem:$0x56E0] =	vst v63  }
0xcd: {  	s9 =	sadd.s32 $0x100, s11  }
0xce: {  	[spmem:s2] =	stream.indirect.scatter.add.f32 [tilespmem:s1], [sflag:$0x1], $0x10, s9, s7, $0xb8;
	[tilespmem:$0x56E0] =	vst v63  }
0xcf: {  	s9 =	sadd.s32 $0x180, s11  }
0xd0: {  	[spmem:s2] =	stream.indirect.scatter.add.f32 [tilespmem:s1], [sflag:$0x1], $0x10, s9, s7, $0xb8;
	[tilespmem:$0x56E0] =	vst v63  }
0xd1: {  	s9 =	sadd.s32 $0x200, s11  }
0xd2: {  	[spmem:s2] =	stream.indirect.scatter.add.f32 [tilespmem:s1], [sflag:$0x1], $0x10, s9, s7, $0xb8;
	[tilespmem:$0x56E0] =	vst v63  }
0xd3: {  	s9 =	sadd.s32 $0x280, s11  }
0xd4: {  	[spmem:s2] =	stream.indirect.scatter.add.f32 [tilespmem:s1], [sflag:$0x1], $0x10, s9, s7, $0xb8;
	[tilespmem:$0x56E0] =	vst v63  }
0xd5: {  	s9 =	sadd.s32 $0x300, s11  }
0xd6: {  	[spmem:s2] =	stream.indirect.scatter.add.f32 [tilespmem:s1], [sflag:$0x1], $0x10, s9, s7, $0xb8;
	[tilespmem:$0x56E0] =	vst v63  }
0xd7: {  	s9 =	sadd.s32 $0x380, s11  }
0xd8: {  	[spmem:s2] =	stream.indirect.scatter.add.f32 [tilespmem:s1], [sflag:$0x1], $0x10, s9, s7, $0xb8;
	[tilespmem:$0x56E0] =	vst v63  }
0xd9: {  	_ =	swait.ge [sflag:s5], $0x7D0  }
0xda: {  	[sflag:s5] =	ssyncset.done $0x0  }
0xdb: {  	[sflag:s5] =	ssyncadd.s32 $0xFFFFF830  }
0xdc: {  	_ =	swait.ge [sflag:s5], $0x7D0  }
0xdd: {  	[sflag:s5] =	ssyncset.done $0x0  }
0xde: {  	[sflag:s5] =	ssyncadd.s32 $0xFFFFF830  }
0xdf: {  	_ =	swait.ge [sflag:s5], $0x7D0  }
0xe0: {  	[sflag:s5] =	ssyncset.done $0x0  }
0xe1: {  	[sflag:s5] =	ssyncadd.s32 $0xFFFFF830  }
0xe2: {  	_ =	swait.ge [sflag:s5], $0x7D0  }
0xe3: {  	[sflag:s5] =	ssyncset.done $0x0  }
0xe4: {  	[sflag:s5] =	ssyncadd.s32 $0xFFFFF830  }
0xe5: {  	_ =	swait.ge [sflag:s5], $0x7D0  }
0xe6: {  	[sflag:s5] =	ssyncset.done $0x0  }
0xe7: {  	[sflag:s5] =	ssyncadd.s32 $0xFFFFF830  }
0xe8: {  	_ =	swait.ge [sflag:s5], $0x7D0  }
0xe9: {  	[sflag:s5] =	ssyncset.done $0x0  }
0xea: {  	[sflag:s5] =	ssyncadd.s32 $0xFFFFF830  }
.Ltmp2:
0xeb: {  	_ =	swait.ge [sflag:s5], $0x7D0;
	(pc) =	sbr.rel @p0 .LBB2_6-.Ltmp2, $4  }
0xec: {  	[sflag:s5] =	ssyncset.done $0x0  }
0xed: {  	[sflag:s5] =	ssyncadd.s32 $0xFFFFF830  }
0xee: {  	_ =	swait.ge [sflag:s5], $0x7D0  }
0xef: {  	s9 =	smov.u32 s10;
	[sflag:s5] =	ssyncset.done $0x0  }
0xf0: {  	s8 =	sshra.s32 s8, $0x2;
	[sflag:s5] =	ssyncadd.s32 $0xFFFFF830  }
0xf1: {  	[spmem:s2] =	stream.indirect.scatter.add.f32 [tilespmem:s1], [sflag:$0x1], $0x10, s8, s7, $0xb8;
	[tilespmem:$0x56E0] =	vst v63  }
0xf2: {  	s9 =	sadd.s32 $0x80, s8  }
0xf3: {  	[spmem:s2] =	stream.indirect.scatter.add.f32 [tilespmem:s1], [sflag:$0x1], $0x10, s9, s7, $0xb8;
	[tilespmem:$0x56E0] =	vst v63  }
0xf4: {  	s11 =	sadd.s32 $0x100, s8  }
0xf5: {  	[spmem:s2] =	stream.indirect.scatter.add.f32 [tilespmem:s1], [sflag:$0x1], $0x10, s11, s7, $0xb8;
	[tilespmem:$0x56E0] =	vst v63  }
0xf6: {  	s10 =	sadd.s32 $0x180, s8  }
0xf7: {  	[spmem:s2] =	stream.indirect.scatter.add.f32 [tilespmem:s1], [sflag:$0x1], $0x10, s10, s7, $0xb8;
	[tilespmem:$0x56E0] =	vst v63  }
0xf8: {  	s11 =	sadd.s32 $0x200, s8  }
0xf9: {  	[spmem:s2] =	stream.indirect.scatter.add.f32 [tilespmem:s1], [sflag:$0x1], $0x10, s11, s7, $0xb8;
	[tilespmem:$0x56E0] =	vst v63  }
0xfa: {  	s10 =	sadd.s32 $0x280, s8  }
0xfb: {  	[spmem:s2] =	stream.indirect.scatter.add.f32 [tilespmem:s1], [sflag:$0x1], $0x10, s10, s7, $0xb8;
	[tilespmem:$0x56E0] =	vst v63  }
0xfc: {  	s11 =	sadd.s32 $0x300, s8  }
0xfd: {  	[spmem:s2] =	stream.indirect.scatter.add.f32 [tilespmem:s1], [sflag:$0x1], $0x10, s11, s7, $0xb8;
	[tilespmem:$0x56E0] =	vst v63  }
0xfe: {  	s8 =	sadd.s32 $0x380, s8  }
0xff: {  	[spmem:s2] =	stream.indirect.scatter.add.f32 [tilespmem:s1], [sflag:$0x1], $0x10, s8, s7, $0xb8;
	[tilespmem:$0x56E0] =	vst v63  }
0x100: {  	_ =	swait.ge [sflag:s5], $0x7D0  }
0x101: {  	[sflag:s5] =	ssyncset.done $0x0  }
0x102: {  	[sflag:s5] =	ssyncadd.s32 $0xFFFFF830  }
0x103: {  	_ =	swait.ge [sflag:s5], $0x7D0  }
0x104: {  	[sflag:s5] =	ssyncset.done $0x0  }
0x105: {  	[sflag:s5] =	ssyncadd.s32 $0xFFFFF830  }
0x106: {  	_ =	swait.ge [sflag:s5], $0x7D0  }
0x107: {  	[sflag:s5] =	ssyncset.done $0x0  }
0x108: {  	[sflag:s5] =	ssyncadd.s32 $0xFFFFF830  }
0x109: {  	_ =	swait.ge [sflag:s5], $0x7D0  }
0x10a: {  	[sflag:s5] =	ssyncset.done $0x0  }
0x10b: {  	[sflag:s5] =	ssyncadd.s32 $0xFFFFF830  }
0x10c: {  	_ =	swait.ge [sflag:s5], $0x7D0  }
0x10d: {  	[sflag:s5] =	ssyncset.done $0x0  }
0x10e: {  	[sflag:s5] =	ssyncadd.s32 $0xFFFFF830  }
0x10f: {  	_ =	swait.ge [sflag:s5], $0x7D0  }
0x110: {  	[sflag:s5] =	ssyncset.done $0x0  }
0x111: {  	[sflag:s5] =	ssyncadd.s32 $0xFFFFF830  }
0x112: {  	_ =	swait.ge [sflag:s5], $0x7D0  }
0x113: {  	[sflag:s5] =	ssyncset.done $0x0  }
0x114: {  	[sflag:s5] =	ssyncadd.s32 $0xFFFFF830  }
0x115: {  	s3 =	sadd.s32 $0x1, s3;
	_ =	swait.ge [sflag:s5], $0x7D0  }
0x116: {  	p0 =	sne.s32 s3, s25;
	s10 =	stileid.u32;
	[sflag:s5] =	ssyncset.done $0x0  }
0x117: {  	s11 =	sshrl.u32 s4, $0x3;
	s8 =	sshll.u32 s10, $0x6;
	[sflag:s5] =	ssyncadd.s32 $0xFFFFF830  }
.Ltmp3:
0x118: {  	s8 =	sor.u32 $0x1C02, s8;
	[bflag:$0x0] =	sbarrier.arrive $0xFFFF;
	(pc) =	sbr.rel @p0 .LBB2_1-.Ltmp3, $4  }
0x119: {  	[hbm:s24], [sflag:s8] =	dma.local [spmem:s11], $0x4E2  }
0x11a: {  	_ =	swait.ge [sflag:s6], $0x4E2  }
0x11b: {  	[sflag:s6] =	ssyncset.done $0x0  }
0x11c: {  	[sflag:s6] =	ssyncadd.s32 $0xFFFFFB1E  }
0x11d: {  	_ =	sfence.sel $0x180000  }
0x11e: {  	[bflag:$0x0] =	sbarrier.arrive $0xFFFF  }
0x11f: {  	_ =	strace $0x90000047  }
0x120: {  	s0 =	stileid.u32;
	[bflag:$0x2] =	sbarrier.arrive $0xFFFF  }
0x121: {  	p0 =	sne.s32 s0, $0x0;
	s0 =	rddreg [dreg:$0x3]  }
0x122: {  	s0 =	sadd.s32 @!p0 $0x100000, s0  }
0x123: {  	[sflag:s0] =	ssyncadd.tile.s32 @!p0 $0x1;
	_ =	shalt  }
.Lfunc_end2:
_tile_overlayer_lowered:
.L_overlay_start_2:
0x124: {  	(tag) =	ssettag $0x2  }
0x125: {  	s0 =	rddreg [dreg:$0x0];
	s2 =	stileid.u32  }
0x126: {  	s1 =	rddreg [dreg:$0x1];
	p0 =	sne.s32 s2, $0x0  }
0x127: {  	s3 =	rddreg [dreg:$0x2];
	[bflag:$0x3] =	sbarrier.arrive $0xFFFF;
	s2 =	simm.s32 @!p0 $0x1C02  }
0x128: {  	[timem:s3], [sflag:s2] =	dma.local @!p0 [hbm:s0], s1  }
0x129: {  	s0 =	simm.s32 @!p0 $0x2  }
0x12a: {  	_ =	swait.ge @!p0 [sflag:s0], s1  }
0x12b: {  	s1 =	ssub.s32 @!p0 $0x0, s1;
	[sflag:s0] =	ssyncset.done @!p0 $0x0  }
0x12c: {  	[sflag:s0] =	ssyncadd.s32 @!p0 s1  }
0x12d: {  	[bflag:$0x3] =	sbarrier.arrive $0xFFFF  }
0x12e: {  	_ =	shalt  }

</sc_bundles>
